<compile_context>
chip_gen: v7x
topology: tpu7x:2x2x1
jax: 0.10.2.dev20260603
libtpu: 0.0.44.dev20260713+nightly
codegen_flags: <defaults>
</compile_context>

<pallas_src>
import functools

import jax
import jax.numpy as jnp
from jax import lax
from jax.experimental import pallas as pl
from jax.experimental.pallas import tpu as pltpu
from jax.experimental.pallas import tpu_sc as plsc

NC = 2
NS = 16
NW = NC * NS
CH = 128


def _sc_scatter_call(d, tchunks, n_pad):
    c0 = (tchunks // NW) // 8 * 8
    rem = tchunks - NW * c0
    nb = rem // 8
    tail = rem - 8 * nb

    rpz = n_pad // NS
    zfull = rpz // CH
    zrem = rpz % CH

    mesh = plsc.VectorSubcoreMesh(
        core_axis_name="c", subcore_axis_name="s", num_cores=NC,
        num_subcores=NS)

    SG = 4

    @functools.partial(
        pl.kernel,
        mesh=mesh,
        out_type=jax.ShapeDtypeStruct((NC, n_pad, d), jnp.float32),
        scratch_types=[
            pltpu.VMEM((SG, CH), jnp.int32),
            pltpu.VMEM((SG, CH), jnp.int32),
            pltpu.VMEM((SG, CH), jnp.int32),
            pltpu.VMEM((SG, CH), jnp.int32),
            pltpu.VMEM((CH, d), jnp.float32),
            pltpu.VMEM((CH, d), jnp.float32),
            pltpu.VMEM_SHARED((n_pad, d), jnp.float32),
            pltpu.SemaphoreType.DMA,
            pltpu.SemaphoreType.DMA,
            pltpu.SemaphoreType.DMA,
            pltpu.SemaphoreType.DMA,
        ],
    )
    def scatter_kernel(rows_hbm, a_hbm, out_hbm,
                       sA, dA, sB, dB, rbuf0, rbuf1, acc_sh,
                       gsem0, gsem1, isemA, isemB):
        c = lax.axis_index("c")
        s = lax.axis_index("s")
        w = s * NC + c

        zero16 = jnp.zeros((16,), jnp.float32)

        def zrow(i, carry):
            for j in range(d // 16):
                rbuf0[i, pl.ds(j * 16, 16)] = zero16
            return carry

        lax.fori_loop(0, CH, zrow, 0)
        for k in range(zfull):
            pltpu.sync_copy(rbuf0, acc_sh.at[pl.ds(s * rpz + k * CH, CH)])
        if zrem:
            pltpu.sync_copy(
                rbuf0.at[pl.ds(0, zrem)],
                acc_sh.at[pl.ds(s * rpz + zfull * CH, zrem)])
        plsc.subcore_barrier()

        big = w < nb
        base = jnp.where(big, w * (c0 + 8), nb * 8 + w * c0)
        nch = jnp.where(big, c0 + 8, c0)
        rbufs = (rbuf0, rbuf1)
        gsems = (gsem0, gsem1)

        def stage(seg_off, sv, dv, isem):
            pltpu.async_copy(a_hbm.at[0, pl.ds(seg_off, SG)], sv, isem)
            pltpu.async_copy(a_hbm.at[1, pl.ds(seg_off, SG)], dv, isem)

        def wait_stage(sv, dv, isem):
            pltpu.make_async_copy(a_hbm.at[0, pl.ds(0, SG)], sv, isem).wait()
            pltpu.make_async_copy(a_hbm.at[1, pl.ds(0, SG)], dv, isem).wait()

        def gath(sv, k, p):
            pltpu.async_copy(rows_hbm.at[sv.at[k]], rbufs[p], gsems[p])

        def wait_gath(p):
            pltpu.make_async_copy(
                rows_hbm.at[sA.at[0]], rbufs[p], gsems[p]).wait()

        def run_seg(sv, dv, nsv, nsv_wait, stage_done):
            for k in range(SG):
                p = k % 2
                if k == SG - 1:
                    nsv_wait()
                    gath(nsv, 0, 1 - p)
                else:
                    gath(sv, k + 1, 1 - p)
                wait_gath(p)
                pltpu.sync_copy(rbufs[p], acc_sh.at[dv.at[k]], add=True)
            stage_done()

        pltpu.sync_copy(a_hbm.at[0, pl.ds(base, SG)], sA)
        pltpu.sync_copy(a_hbm.at[1, pl.ds(base, SG)], dA)
        stage(base + SG, sB, dB, isemB)
        gath(sA, 0, 0)

        def body(i, carry):
            off = base + 2 * i * SG
            off2 = jnp.minimum(off + 2 * SG, tchunks - SG)
            off3 = jnp.minimum(off + 3 * SG, tchunks - SG)
            run_seg(sA, dA, sB,
                    lambda: wait_stage(sB, dB, isemB),
                    lambda: stage(off2, sA, dA, isemA))
            run_seg(sB, dB, sA,
                    lambda: wait_stage(sA, dA, isemA),
                    lambda: stage(off3, sB, dB, isemB))
            return carry

        lax.fori_loop(0, nch // (2 * SG), body, 0)

        wait_gath(0)
        wait_stage(sB, dB, isemB)

        if tail:
            tw = w - nb

            @pl.when((w >= nb) & (w < nb + tail))
            def _():
                toff = tchunks - tail + tw
                pltpu.sync_copy(a_hbm.at[0, pl.ds(toff, 1)],
                                sA.at[pl.ds(0, 1)])
                pltpu.sync_copy(a_hbm.at[1, pl.ds(toff, 1)],
                                dA.at[pl.ds(0, 1)])
                pltpu.async_copy(rows_hbm.at[sA.at[0]], rbuf0,
                                 gsem0).wait()
                pltpu.sync_copy(rbuf0, acc_sh.at[dA.at[0]], add=True)

        plsc.subcore_barrier()

        pltpu.sync_copy(acc_sh.at[pl.ds(s * rpz, rpz)],
                        out_hbm.at[c, pl.ds(s * rpz, rpz)])

    return scatter_kernel


def _combine_matmul_relu_call(p, w, out_rows, rows_blk):
    _, _, d = p.shape

    def body(p_ref, w_ref, o_ref):
        agg = p_ref[0] + p_ref[1]
        o_ref[...] = jnp.maximum(
            jnp.dot(agg, w_ref[...], preferred_element_type=jnp.float32), 0.0)

    return pl.pallas_call(
        body,
        grid=(out_rows // rows_blk,),
        in_specs=[
            pl.BlockSpec((NC, rows_blk, d), lambda i: (0, i, 0)),
            pl.BlockSpec((d, d), lambda i: (0, 0)),
        ],
        out_specs=pl.BlockSpec((rows_blk, d), lambda i: (i, 0)),
        out_shape=jax.ShapeDtypeStruct((out_rows, d), jnp.float32),
    )(p, w)


def kernel(A, X, W1, W2):
    x = X[0]
    n, d = x.shape
    e = A.shape[1]

    tchunks = e // CH
    a_chunks = A[:, :tchunks * CH].reshape(2, tchunks, CH)
    n_pad = -(-(n + 1) // 128) * 128

    scatter = _sc_scatter_call(d, tchunks, n_pad)

    p1 = scatter(x, a_chunks)
    h1 = _combine_matmul_relu_call(p1, W1, n, 5000)
    p2 = scatter(h1, a_chunks)
    out = _combine_matmul_relu_call(p2, W2, n, 5000)
    return out[None, :, :]

# --- scband reference (transcript-rebuilt; emitter-appended) ---
"""Pipeline reference for scband-noisy-gnn-43138651521222 (READ-ONLY COPY).

The authoritative reference and input builder live on the scoring server;
editing this copy changes nothing except your own understanding.
"""

import jax, jax.numpy as jnp
import numpy as np

N = 10000
E = 320000
D = 128

def setup_inputs(seed: int = 0) -> dict:
    key = jax.random.key(seed)
    k1, k2, k3, k4 = jax.random.split(key, 4)
    X = jax.random.normal(k1, (1, N, D), dtype=jnp.float32)
    # A is the sparse adjacency, represented in COO as edge_index [2, E] with implicit weight 1.0
    A = jax.random.randint(k2, (2, E), 0, N, dtype=jnp.int32)
    # GraphConvolution ('GCN2') weights for each of the 2 layers: [in_feats, out_feats]
    W1 = jax.random.normal(k3, (D, D), dtype=jnp.float32) * 0.05
    W2 = jax.random.normal(k4, (D, D), dtype=jnp.float32) * 0.05
    return {"A": A, "X": X, "W1": W1, "W2": W2}

def reference(A, X, W1, W2):
    # NoisyGNN.forward with noise_dim=0, dropout=0, gnn_type='GCN2', activation=relu
    # Each GraphConvolution layer: act(spmm(A, input @ W)); outer loop applies relu again.
    x = X[0]  # [N, D]; batch dim of 1 in the 3D input
    src = A[0]
    dst = A[1]
    # Layer 1
    support1 = x @ W1                                   # dense matmul
    agg1 = jnp.zeros_like(support1).at[dst].add(support1[src])  # spmm(A, support) as gather + scatter-add
    hidden1 = jax.nn.relu(agg1)                          # act inside GraphConvolution
    # (outer: output = relu(hidden1), but next-layer input is `hidden`, not `output`)
    # Layer 2
    support2 = hidden1 @ W2
    agg2 = jnp.zeros_like(support2).at[dst].add(support2[src])
    hidden2 = jax.nn.relu(agg2)
    output = jax.nn.relu(hidden2)                        # outer activation in NoisyGNN.forward
    return output[None, :, :]

if __name__ == "__main__":
    import jax
    _d = setup_inputs()
    print(jax.jit(kernel)(*tuple(_d.values())))

</pallas_src>

<mosaic_0001>
#map = affine_map<(d0, d1) -> (0, 0)>
#map1 = affine_map<(d0, d1) -> (0, 0, 0)>
module attributes {stable_mosaic.version = 14 : i64} {
  func.func @scatter_kernel(%arg0: i32, %arg1: i32, %arg2: memref<10000x128xf32, #tpu.memory_space<hbm>>, %arg3: memref<2x2500x128xi32, #tpu.memory_space<hbm>>, %arg4: memref<2x10112x128xf32, #tpu.memory_space<hbm>>, %arg5: memref<4x128xi32, #tpu.memory_space<vmem>>, %arg6: memref<4x128xi32, #tpu.memory_space<vmem>>, %arg7: memref<4x128xi32, #tpu.memory_space<vmem>>, %arg8: memref<4x128xi32, #tpu.memory_space<vmem>>, %arg9: memref<128x128xf32, #tpu.memory_space<vmem>>, %arg10: memref<128x128xf32, #tpu.memory_space<vmem>>, %arg11: memref<10112x128xf32, #tpu.memory_space<vmem_shared>>, %arg12: memref<!tpu.dma_semaphore, #tpu.memory_space<semaphore_mem>>, %arg13: memref<!tpu.dma_semaphore, #tpu.memory_space<semaphore_mem>>, %arg14: memref<!tpu.dma_semaphore, #tpu.memory_space<semaphore_mem>>, %arg15: memref<!tpu.dma_semaphore, #tpu.memory_space<semaphore_mem>>) attributes {dimension_semantics = [#tpu.dimension_semantics<core_parallel>, #tpu.dimension_semantics<subcore_parallel>], iteration_bounds = array<i64: 2, 16>, scalar_prefetch = 0 : i64, scratch_operands = 11 : i64, tpu.core_type = #tpu.core_type<sc_vector_subcore>, window_params = [{transform_indices = #map}, {transform_indices = #map1}, {transform_indices = #map1}]} {
    %mul3A = arith.constant 2 : i32
    %mul3A_0 = arith.muli %arg1, %mul3A : i32
    %add3A = arith.addi %mul3A_0, %arg0 : i32
    %broadcast_in_dim3A = arith.constant 0.000000e+00 : f32
    %broadcast_in_dim3A_1 = vector.broadcast %broadcast_in_dim3A : f32 to vector<16xf32>
    %scan3A = arith.constant 0 : i32
    %scan3A_2 = arith.constant 0 : i32
    %scan3A_3 = arith.constant 128 : i32
    %scan3A_4 = arith.addi %scan3A_2, %scan3A_3 : i32
    %scan3A_5 = arith.constant 1 : i32
    scf.for %scan3A_122 = %scan3A_2 to %scan3A_4 step %scan3A_5  : i32 {
      %swap3A = arith.index_cast %scan3A_122 : i32 to index
      %swap3A_123 = arith.constant 0 : index
      %swap3A_124 = tpu.vector_load %arg9[%swap3A, %swap3A_123] {strides = array<i32>} : memref<128x128xf32, #tpu.memory_space<vmem>>, vector<1x16xf32>,
      %swap3A_125 = vector.shape_cast %swap3A_124 : vector<1x16xf32> to vector<16xf32>
      %swap3A_126 = vector.shape_cast %broadcast_in_dim3A_1 : vector<16xf32> to vector<1x16xf32>
      tpu.vector_store %arg9[%swap3A, %swap3A_123], %swap3A_126 {strides = array<i32>} : memref<128x128xf32, #tpu.memory_space<vmem>>, vector<1x16xf32>,
      %swap3A_127 = arith.index_cast %scan3A_122 : i32 to index
      %swap3A_128 = arith.constant 16 : index
      %swap3A_129 = tpu.vector_load %arg9[%swap3A_127, %swap3A_128] {strides = array<i32>} : memref<128x128xf32, #tpu.memory_space<vmem>>, vector<1x16xf32>,
      %swap3A_130 = vector.shape_cast %swap3A_129 : vector<1x16xf32> to vector<16xf32>
      %swap3A_131 = vector.shape_cast %broadcast_in_dim3A_1 : vector<16xf32> to vector<1x16xf32>
      tpu.vector_store %arg9[%swap3A_127, %swap3A_128], %swap3A_131 {strides = array<i32>} : memref<128x128xf32, #tpu.memory_space<vmem>>, vector<1x16xf32>,
      %swap3A_132 = arith.index_cast %scan3A_122 : i32 to index
      %swap3A_133 = arith.constant 32 : index
      %swap3A_134 = tpu.vector_load %arg9[%swap3A_132, %swap3A_133] {strides = array<i32>} : memref<128x128xf32, #tpu.memory_space<vmem>>, vector<1x16xf32>,
      %swap3A_135 = vector.shape_cast %swap3A_134 : vector<1x16xf32> to vector<16xf32>
      %swap3A_136 = vector.shape_cast %broadcast_in_dim3A_1 : vector<16xf32> to vector<1x16xf32>
      tpu.vector_store %arg9[%swap3A_132, %swap3A_133], %swap3A_136 {strides = array<i32>} : memref<128x128xf32, #tpu.memory_space<vmem>>, vector<1x16xf32>,
      %swap3A_137 = arith.index_cast %scan3A_122 : i32 to index
      %swap3A_138 = arith.constant 48 : index
      %swap3A_139 = tpu.vector_load %arg9[%swap3A_137, %swap3A_138] {strides = array<i32>} : memref<128x128xf32, #tpu.memory_space<vmem>>, vector<1x16xf32>,
      %swap3A_140 = vector.shape_cast %swap3A_139 : vector<1x16xf32> to vector<16xf32>
      %swap3A_141 = vector.shape_cast %broadcast_in_dim3A_1 : vector<16xf32> to vector<1x16xf32>
      tpu.vector_store %arg9[%swap3A_137, %swap3A_138], %swap3A_141 {strides = array<i32>} : memref<128x128xf32, #tpu.memory_space<vmem>>, vector<1x16xf32>,
      %swap3A_142 = arith.index_cast %scan3A_122 : i32 to index
      %swap3A_143 = arith.constant 64 : index
      %swap3A_144 = tpu.vector_load %arg9[%swap3A_142, %swap3A_143] {strides = array<i32>} : memref<128x128xf32, #tpu.memory_space<vmem>>, vector<1x16xf32>,
      %swap3A_145 = vector.shape_cast %swap3A_144 : vector<1x16xf32> to vector<16xf32>
      %swap3A_146 = vector.shape_cast %broadcast_in_dim3A_1 : vector<16xf32> to vector<1x16xf32>
      tpu.vector_store %arg9[%swap3A_142, %swap3A_143], %swap3A_146 {strides = array<i32>} : memref<128x128xf32, #tpu.memory_space<vmem>>, vector<1x16xf32>,
      %swap3A_147 = arith.index_cast %scan3A_122 : i32 to index
      %swap3A_148 = arith.constant 80 : index
      %swap3A_149 = tpu.vector_load %arg9[%swap3A_147, %swap3A_148] {strides = array<i32>} : memref<128x128xf32, #tpu.memory_space<vmem>>, vector<1x16xf32>,
      %swap3A_150 = vector.shape_cast %swap3A_149 : vector<1x16xf32> to vector<16xf32>
      %swap3A_151 = vector.shape_cast %broadcast_in_dim3A_1 : vector<16xf32> to vector<1x16xf32>
      tpu.vector_store %arg9[%swap3A_147, %swap3A_148], %swap3A_151 {strides = array<i32>} : memref<128x128xf32, #tpu.memory_space<vmem>>, vector<1x16xf32>,
      %swap3A_152 = arith.index_cast %scan3A_122 : i32 to index
      %swap3A_153 = arith.constant 96 : index
      %swap3A_154 = tpu.vector_load %arg9[%swap3A_152, %swap3A_153] {strides = array<i32>} : memref<128x128xf32, #tpu.memory_space<vmem>>, vector<1x16xf32>,
      %swap3A_155 = vector.shape_cast %swap3A_154 : vector<1x16xf32> to vector<16xf32>
      %swap3A_156 = vector.shape_cast %broadcast_in_dim3A_1 : vector<16xf32> to vector<1x16xf32>
      tpu.vector_store %arg9[%swap3A_152, %swap3A_153], %swap3A_156 {strides = array<i32>} : memref<128x128xf32, #tpu.memory_space<vmem>>, vector<1x16xf32>,
      %swap3A_157 = arith.index_cast %scan3A_122 : i32 to index
      %swap3A_158 = arith.constant 112 : index
      %swap3A_159 = tpu.vector_load %arg9[%swap3A_157, %swap3A_158] {strides = array<i32>} : memref<128x128xf32, #tpu.memory_space<vmem>>, vector<1x16xf32>,
      %swap3A_160 = vector.shape_cast %swap3A_159 : vector<1x16xf32> to vector<16xf32>
      %swap3A_161 = vector.shape_cast %broadcast_in_dim3A_1 : vector<16xf32> to vector<1x16xf32>
      tpu.vector_store %arg9[%swap3A_157, %swap3A_158], %swap3A_161 {strides = array<i32>} : memref<128x128xf32, #tpu.memory_space<vmem>>, vector<1x16xf32>,
    }
    %scan3A_6 = arith.constant 128 : i32
    %mul3A_7 = arith.constant 632 : i32
    %mul3A_8 = arith.muli %arg1, %mul3A_7 : i32
    %add3A_9 = arith.constant 0 : i32
    %add3A_10 = arith.addi %mul3A_8, %add3A_9 : i32
    "tpu.region"() ({
      %run_scoped3A_122 = tpu.sem_alloc : memref<!tpu.dma_semaphore, #tpu.memory_space<semaphore_mem>>
      %dma_start3A_123 = arith.constant 0 : i32
      %dma_start3A_124 = tpu.memref_slice %arg11[%add3A_10, %dma_start3A_123] : memref<10112x128xf32, #tpu.memory_space<vmem_shared>> -> memref<128x128xf32, #tpu.memory_space<vmem_shared>>
      %dma_start3A_125 = arith.constant 0 : i32
      %dma_start3A_126 = tpu.memref_slice %arg11[%add3A_10, %dma_start3A_125] : memref<10112x128xf32, #tpu.memory_space<vmem_shared>> -> memref<128x128xf32, #tpu.memory_space<vmem_shared>>
      tpu.enqueue_dma source(%arg9 : memref<128x128xf32, #tpu.memory_space<vmem>>) target(%dma_start3A_126 : memref<128x128xf32, #tpu.memory_space<vmem_shared>>) target_semaphore(%run_scoped3A_122 : memref<!tpu.dma_semaphore, #tpu.memory_space<semaphore_mem>>)
      %dma_wait3A_127 = arith.constant 0 : i32
      %dma_wait3A_128 = tpu.memref_slice %arg11[%add3A_10, %dma_wait3A_127] : memref<10112x128xf32, #tpu.memory_space<vmem_shared>> -> memref<128x128xf32, #tpu.memory_space<vmem_shared>>
      %dma_wait3A_129 = arith.constant 0 : i32
      %dma_wait3A_130 = tpu.memref_slice %arg11[%add3A_10, %dma_wait3A_129] : memref<10112x128xf32, #tpu.memory_space<vmem_shared>> -> memref<128x128xf32, #tpu.memory_space<vmem_shared>>
      tpu.wait_dma2 semaphore(%run_scoped3A_122 : memref<!tpu.dma_semaphore, #tpu.memory_space<semaphore_mem>>) src(%arg9 : memref<128x128xf32, #tpu.memory_space<vmem>>) dst(%dma_wait3A_130 : memref<128x128xf32, #tpu.memory_space<vmem_shared>>)
      tpu.yield
    }) : () -> ()
    %mul3A_11 = arith.constant 632 : i32
    %mul3A_12 = arith.muli %arg1, %mul3A_11 : i32
    %add3A_13 = arith.constant 128 : i32
    %add3A_14 = arith.addi %mul3A_12, %add3A_13 : i32
    "tpu.region"() ({
      %run_scoped3A_122 = tpu.sem_alloc : memref<!tpu.dma_semaphore, #tpu.memory_space<semaphore_mem>>
      %dma_start3A_123 = arith.constant 0 : i32
      %dma_start3A_124 = tpu.memref_slice %arg11[%add3A_14, %dma_start3A_123] : memref<10112x128xf32, #tpu.memory_space<vmem_shared>> -> memref<128x128xf32, #tpu.memory_space<vmem_shared>>
      %dma_start3A_125 = arith.constant 0 : i32
      %dma_start3A_126 = tpu.memref_slice %arg11[%add3A_14, %dma_start3A_125] : memref<10112x128xf32, #tpu.memory_space<vmem_shared>> -> memref<128x128xf32, #tpu.memory_space<vmem_shared>>
      tpu.enqueue_dma source(%arg9 : memref<128x128xf32, #tpu.memory_space<vmem>>) target(%dma_start3A_126 : memref<128x128xf32, #tpu.memory_space<vmem_shared>>) target_semaphore(%run_scoped3A_122 : memref<!tpu.dma_semaphore, #tpu.memory_space<semaphore_mem>>)
      %dma_wait3A_127 = arith.constant 0 : i32
      %dma_wait3A_128 = tpu.memref_slice %arg11[%add3A_14, %dma_wait3A_127] : memref<10112x128xf32, #tpu.memory_space<vmem_shared>> -> memref<128x128xf32, #tpu.memory_space<vmem_shared>>
      %dma_wait3A_129 = arith.constant 0 : i32
      %dma_wait3A_130 = tpu.memref_slice %arg11[%add3A_14, %dma_wait3A_129] : memref<10112x128xf32, #tpu.memory_space<vmem_shared>> -> memref<128x128xf32, #tpu.memory_space<vmem_shared>>
      tpu.wait_dma2 semaphore(%run_scoped3A_122 : memref<!tpu.dma_semaphore, #tpu.memory_space<semaphore_mem>>) src(%arg9 : memref<128x128xf32, #tpu.memory_space<vmem>>) dst(%dma_wait3A_130 : memref<128x128xf32, #tpu.memory_space<vmem_shared>>)
      tpu.yield
    }) : () -> ()
    %mul3A_15 = arith.constant 632 : i32
    %mul3A_16 = arith.muli %arg1, %mul3A_15 : i32
    %add3A_17 = arith.constant 256 : i32
    %add3A_18 = arith.addi %mul3A_16, %add3A_17 : i32
    "tpu.region"() ({
      %run_scoped3A_122 = tpu.sem_alloc : memref<!tpu.dma_semaphore, #tpu.memory_space<semaphore_mem>>
      %dma_start3A_123 = arith.constant 0 : i32
      %dma_start3A_124 = tpu.memref_slice %arg11[%add3A_18, %dma_start3A_123] : memref<10112x128xf32, #tpu.memory_space<vmem_shared>> -> memref<128x128xf32, #tpu.memory_space<vmem_shared>>
      %dma_start3A_125 = arith.constant 0 : i32
      %dma_start3A_126 = tpu.memref_slice %arg11[%add3A_18, %dma_start3A_125] : memref<10112x128xf32, #tpu.memory_space<vmem_shared>> -> memref<128x128xf32, #tpu.memory_space<vmem_shared>>
      tpu.enqueue_dma source(%arg9 : memref<128x128xf32, #tpu.memory_space<vmem>>) target(%dma_start3A_126 : memref<128x128xf32, #tpu.memory_space<vmem_shared>>) target_semaphore(%run_scoped3A_122 : memref<!tpu.dma_semaphore, #tpu.memory_space<semaphore_mem>>)
      %dma_wait3A_127 = arith.constant 0 : i32
      %dma_wait3A_128 = tpu.memref_slice %arg11[%add3A_18, %dma_wait3A_127] : memref<10112x128xf32, #tpu.memory_space<vmem_shared>> -> memref<128x128xf32, #tpu.memory_space<vmem_shared>>
      %dma_wait3A_129 = arith.constant 0 : i32
      %dma_wait3A_130 = tpu.memref_slice %arg11[%add3A_18, %dma_wait3A_129] : memref<10112x128xf32, #tpu.memory_space<vmem_shared>> -> memref<128x128xf32, #tpu.memory_space<vmem_shared>>
      tpu.wait_dma2 semaphore(%run_scoped3A_122 : memref<!tpu.dma_semaphore, #tpu.memory_space<semaphore_mem>>) src(%arg9 : memref<128x128xf32, #tpu.memory_space<vmem>>) dst(%dma_wait3A_130 : memref<128x128xf32, #tpu.memory_space<vmem_shared>>)
      tpu.yield
    }) : () -> ()
    %mul3A_19 = arith.constant 632 : i32
    %mul3A_20 = arith.muli %arg1, %mul3A_19 : i32
    %add3A_21 = arith.constant 384 : i32
    %add3A_22 = arith.addi %mul3A_20, %add3A_21 : i32
    "tpu.region"() ({
      %run_scoped3A_122 = tpu.sem_alloc : memref<!tpu.dma_semaphore, #tpu.memory_space<semaphore_mem>>
      %dma_start3A_123 = arith.constant 0 : i32
      %dma_start3A_124 = tpu.memref_slice %arg11[%add3A_22, %dma_start3A_123] : memref<10112x128xf32, #tpu.memory_space<vmem_shared>> -> memref<128x128xf32, #tpu.memory_space<vmem_shared>>
      %dma_start3A_125 = arith.constant 0 : i32
      %dma_start3A_126 = tpu.memref_slice %arg11[%add3A_22, %dma_start3A_125] : memref<10112x128xf32, #tpu.memory_space<vmem_shared>> -> memref<128x128xf32, #tpu.memory_space<vmem_shared>>
      tpu.enqueue_dma source(%arg9 : memref<128x128xf32, #tpu.memory_space<vmem>>) target(%dma_start3A_126 : memref<128x128xf32, #tpu.memory_space<vmem_shared>>) target_semaphore(%run_scoped3A_122 : memref<!tpu.dma_semaphore, #tpu.memory_space<semaphore_mem>>)
      %dma_wait3A_127 = arith.constant 0 : i32
      %dma_wait3A_128 = tpu.memref_slice %arg11[%add3A_22, %dma_wait3A_127] : memref<10112x128xf32, #tpu.memory_space<vmem_shared>> -> memref<128x128xf32, #tpu.memory_space<vmem_shared>>
      %dma_wait3A_129 = arith.constant 0 : i32
      %dma_wait3A_130 = tpu.memref_slice %arg11[%add3A_22, %dma_wait3A_129] : memref<10112x128xf32, #tpu.memory_space<vmem_shared>> -> memref<128x128xf32, #tpu.memory_space<vmem_shared>>
      tpu.wait_dma2 semaphore(%run_scoped3A_122 : memref<!tpu.dma_semaphore, #tpu.memory_space<semaphore_mem>>) src(%arg9 : memref<128x128xf32, #tpu.memory_space<vmem>>) dst(%dma_wait3A_130 : memref<128x128xf32, #tpu.memory_space<vmem_shared>>)
      tpu.yield
    }) : () -> ()
    %mul3A_23 = arith.constant 632 : i32
    %mul3A_24 = arith.muli %arg1, %mul3A_23 : i32
    %add3A_25 = arith.constant 512 : i32
    %add3A_26 = arith.addi %mul3A_24, %add3A_25 : i32
    "tpu.region"() ({
      %run_scoped3A_122 = tpu.sem_alloc : memref<!tpu.dma_semaphore, #tpu.memory_space<semaphore_mem>>
      %dma_start3A_123 = arith.constant 0 : i32
      %dma_start3A_124 = arith.constant 0 : i32
      %dma_start3A_125 = tpu.memref_slice %arg9[%dma_start3A_123, %dma_start3A_124] : memref<128x128xf32, #tpu.memory_space<vmem>> -> memref<120x128xf32, #tpu.memory_space<vmem>>
      %dma_start3A_126 = arith.constant 0 : i32
      %dma_start3A_127 = tpu.memref_slice %arg11[%add3A_26, %dma_start3A_126] : memref<10112x128xf32, #tpu.memory_space<vmem_shared>> -> memref<120x128xf32, #tpu.memory_space<vmem_shared>>
      %dma_start3A_128 = arith.constant 0 : i32
      %dma_start3A_129 = tpu.memref_slice %arg11[%add3A_26, %dma_start3A_128] : memref<10112x128xf32, #tpu.memory_space<vmem_shared>> -> memref<120x128xf32, #tpu.memory_space<vmem_shared>>
      %dma_start3A_130 = arith.constant 0 : i32
      %dma_start3A_131 = arith.constant 0 : i32
      %dma_start3A_132 = tpu.memref_slice %arg9[%dma_start3A_130, %dma_start3A_131] : memref<128x128xf32, #tpu.memory_space<vmem>> -> memref<120x128xf32, #tpu.memory_space<vmem>>
      tpu.enqueue_dma source(%dma_start3A_132 : memref<120x128xf32, #tpu.memory_space<vmem>>) target(%dma_start3A_129 : memref<120x128xf32, #tpu.memory_space<vmem_shared>>) target_semaphore(%run_scoped3A_122 : memref<!tpu.dma_semaphore, #tpu.memory_space<semaphore_mem>>)
      %dma_wait3A_133 = arith.constant 0 : i32
      %dma_wait3A_134 = arith.constant 0 : i32
      %dma_wait3A_135 = tpu.memref_slice %arg9[%dma_wait3A_133, %dma_wait3A_134] : memref<128x128xf32, #tpu.memory_space<vmem>> -> memref<120x128xf32, #tpu.memory_space<vmem>>
      %dma_wait3A_136 = arith.constant 0 : i32
      %dma_wait3A_137 = tpu.memref_slice %arg11[%add3A_26, %dma_wait3A_136] : memref<10112x128xf32, #tpu.memory_space<vmem_shared>> -> memref<120x128xf32, #tpu.memory_space<vmem_shared>>
      %dma_wait3A_138 = arith.constant 0 : i32
      %dma_wait3A_139 = tpu.memref_slice %arg11[%add3A_26, %dma_wait3A_138] : memref<10112x128xf32, #tpu.memory_space<vmem_shared>> -> memref<120x128xf32, #tpu.memory_space<vmem_shared>>
      %dma_wait3A_140 = arith.constant 0 : i32
      %dma_wait3A_141 = arith.constant 0 : i32
      %dma_wait3A_142 = tpu.memref_slice %arg9[%dma_wait3A_140, %dma_wait3A_141] : memref<128x128xf32, #tpu.memory_space<vmem>> -> memref<120x128xf32, #tpu.memory_space<vmem>>
      tpu.wait_dma2 semaphore(%run_scoped3A_122 : memref<!tpu.dma_semaphore, #tpu.memory_space<semaphore_mem>>) src(%dma_wait3A_142 : memref<120x128xf32, #tpu.memory_space<vmem>>) dst(%dma_wait3A_139 : memref<120x128xf32, #tpu.memory_space<vmem_shared>>)
      tpu.yield
    }) : () -> ()
    %barrier3A = arith.constant 0 : index
    tpu.barrier barrier_id(%barrier3A)
    %lt3A = arith.constant 24 : i32
    %lt3A_27 = arith.cmpi slt, %add3A, %lt3A : i32
    %mul3A_28 = arith.constant 80 : i32
    %mul3A_29 = arith.muli %add3A, %mul3A_28 : i32
    %mul3A_30 = arith.constant 72 : i32
    %mul3A_31 = arith.muli %add3A, %mul3A_30 : i32
    %add3A_32 = arith.constant 192 : i32
    %add3A_33 = arith.addi %add3A_32, %mul3A_31 : i32
    %select_n3A = arith.select %lt3A_27, %mul3A_29, %add3A_33 : i32
    %jit3A = arith.constant 80 : i32
    %jit3A_34 = arith.constant 72 : i32
    %select_n3A_35 = arith.select %lt3A_27, %jit3A, %jit3A_34 : i32
    %run_scoped3A = arith.constant 0 : i32
    "tpu.region"() ({
      %run_scoped3A_122 = tpu.sem_alloc : memref<!tpu.dma_semaphore, #tpu.memory_space<semaphore_mem>>
      %dma_start3A_123 = arith.constant 0 : i32
      %dma_start3A_124 = tpu.memref_slice %arg3[%run_scoped3A, %select_n3A, %dma_start3A_123] : memref<2x2500x128xi32, #tpu.memory_space<hbm>> -> memref<1x4x128xi32, #tpu.memory_space<hbm>>
      %dma_start3A_125 = tpu.memref_squeeze %dma_start3A_124 : memref<1x4x128xi32, #tpu.memory_space<hbm>> -> memref<4x128xi32, #tpu.memory_space<hbm>>
      %dma_start3A_126 = arith.constant 0 : i32
      %dma_start3A_127 = tpu.memref_slice %arg3[%run_scoped3A, %select_n3A, %dma_start3A_126] : memref<2x2500x128xi32, #tpu.memory_space<hbm>> -> memref<1x4x128xi32, #tpu.memory_space<hbm>>
      %dma_start3A_128 = tpu.memref_squeeze %dma_start3A_127 : memref<1x4x128xi32, #tpu.memory_space<hbm>> -> memref<4x128xi32, #tpu.memory_space<hbm>>
      tpu.enqueue_dma source(%dma_start3A_128 : memref<4x128xi32, #tpu.memory_space<hbm>>) target(%arg5 : memref<4x128xi32, #tpu.memory_space<vmem>>) target_semaphore(%run_scoped3A_122 : memref<!tpu.dma_semaphore, #tpu.memory_space<semaphore_mem>>)
      %dma_wait3A_129 = arith.constant 0 : i32
      %dma_wait3A_130 = tpu.memref_slice %arg3[%run_scoped3A, %select_n3A, %dma_wait3A_129] : memref<2x2500x128xi32, #tpu.memory_space<hbm>> -> memref<1x4x128xi32, #tpu.memory_space<hbm>>
      %dma_wait3A_131 = tpu.memref_squeeze %dma_wait3A_130 : memref<1x4x128xi32, #tpu.memory_space<hbm>> -> memref<4x128xi32, #tpu.memory_space<hbm>>
      %dma_wait3A_132 = arith.constant 0 : i32
      %dma_wait3A_133 = tpu.memref_slice %arg3[%run_scoped3A, %select_n3A, %dma_wait3A_132] : memref<2x2500x128xi32, #tpu.memory_space<hbm>> -> memref<1x4x128xi32, #tpu.memory_space<hbm>>
      %dma_wait3A_134 = tpu.memref_squeeze %dma_wait3A_133 : memref<1x4x128xi32, #tpu.memory_space<hbm>> -> memref<4x128xi32, #tpu.memory_space<hbm>>
      tpu.wait_dma2 semaphore(%run_scoped3A_122 : memref<!tpu.dma_semaphore, #tpu.memory_space<semaphore_mem>>) src(%dma_wait3A_134 : memref<4x128xi32, #tpu.memory_space<hbm>>) dst(%arg5 : memref<4x128xi32, #tpu.memory_space<vmem>>)
      tpu.yield
    }) : () -> ()
    %run_scoped3A_36 = arith.constant 1 : i32
    "tpu.region"() ({
      %run_scoped3A_122 = tpu.sem_alloc : memref<!tpu.dma_semaphore, #tpu.memory_space<semaphore_mem>>
      %dma_start3A_123 = arith.constant 0 : i32
      %dma_start3A_124 = tpu.memref_slice %arg3[%run_scoped3A_36, %select_n3A, %dma_start3A_123] : memref<2x2500x128xi32, #tpu.memory_space<hbm>> -> memref<1x4x128xi32, #tpu.memory_space<hbm>>
      %dma_start3A_125 = tpu.memref_squeeze %dma_start3A_124 : memref<1x4x128xi32, #tpu.memory_space<hbm>> -> memref<4x128xi32, #tpu.memory_space<hbm>>
      %dma_start3A_126 = arith.constant 0 : i32
      %dma_start3A_127 = tpu.memref_slice %arg3[%run_scoped3A_36, %select_n3A, %dma_start3A_126] : memref<2x2500x128xi32, #tpu.memory_space<hbm>> -> memref<1x4x128xi32, #tpu.memory_space<hbm>>
      %dma_start3A_128 = tpu.memref_squeeze %dma_start3A_127 : memref<1x4x128xi32, #tpu.memory_space<hbm>> -> memref<4x128xi32, #tpu.memory_space<hbm>>
      tpu.enqueue_dma source(%dma_start3A_128 : memref<4x128xi32, #tpu.memory_space<hbm>>) target(%arg6 : memref<4x128xi32, #tpu.memory_space<vmem>>) target_semaphore(%run_scoped3A_122 : memref<!tpu.dma_semaphore, #tpu.memory_space<semaphore_mem>>)
      %dma_wait3A_129 = arith.constant 0 : i32
      %dma_wait3A_130 = tpu.memref_slice %arg3[%run_scoped3A_36, %select_n3A, %dma_wait3A_129] : memref<2x2500x128xi32, #tpu.memory_space<hbm>> -> memref<1x4x128xi32, #tpu.memory_space<hbm>>
      %dma_wait3A_131 = tpu.memref_squeeze %dma_wait3A_130 : memref<1x4x128xi32, #tpu.memory_space<hbm>> -> memref<4x128xi32, #tpu.memory_space<hbm>>
      %dma_wait3A_132 = arith.constant 0 : i32
      %dma_wait3A_133 = tpu.memref_slice %arg3[%run_scoped3A_36, %select_n3A, %dma_wait3A_132] : memref<2x2500x128xi32, #tpu.memory_space<hbm>> -> memref<1x4x128xi32, #tpu.memory_space<hbm>>
      %dma_wait3A_134 = tpu.memref_squeeze %dma_wait3A_133 : memref<1x4x128xi32, #tpu.memory_space<hbm>> -> memref<4x128xi32, #tpu.memory_space<hbm>>
      tpu.wait_dma2 semaphore(%run_scoped3A_122 : memref<!tpu.dma_semaphore, #tpu.memory_space<semaphore_mem>>) src(%dma_wait3A_134 : memref<4x128xi32, #tpu.memory_space<hbm>>) dst(%arg6 : memref<4x128xi32, #tpu.memory_space<vmem>>)
      tpu.yield
    }) : () -> ()
    %add3A_37 = arith.constant 4 : i32
    %add3A_38 = arith.addi %select_n3A, %add3A_37 : i32
    %dma_start3A = arith.constant 0 : i32
    %dma_start3A_39 = arith.constant 0 : i32
    %dma_start3A_40 = tpu.memref_slice %arg3[%dma_start3A, %add3A_38, %dma_start3A_39] : memref<2x2500x128xi32, #tpu.memory_space<hbm>> -> memref<1x4x128xi32, #tpu.memory_space<hbm>>
    %dma_start3A_41 = tpu.memref_squeeze %dma_start3A_40 : memref<1x4x128xi32, #tpu.memory_space<hbm>> -> memref<4x128xi32, #tpu.memory_space<hbm>>
    %dma_start3A_42 = arith.constant 0 : i32
    %dma_start3A_43 = tpu.memref_slice %arg3[%dma_start3A, %add3A_38, %dma_start3A_42] : memref<2x2500x128xi32, #tpu.memory_space<hbm>> -> memref<1x4x128xi32, #tpu.memory_space<hbm>>
    %dma_start3A_44 = tpu.memref_squeeze %dma_start3A_43 : memref<1x4x128xi32, #tpu.memory_space<hbm>> -> memref<4x128xi32, #tpu.memory_space<hbm>>
    tpu.enqueue_dma source(%dma_start3A_44 : memref<4x128xi32, #tpu.memory_space<hbm>>) target(%arg7 : memref<4x128xi32, #tpu.memory_space<vmem>>) target_semaphore(%arg15 : memref<!tpu.dma_semaphore, #tpu.memory_space<semaphore_mem>>)
    %dma_start3A_45 = arith.constant 1 : i32
    %dma_start3A_46 = arith.constant 0 : i32
    %dma_start3A_47 = tpu.memref_slice %arg3[%dma_start3A_45, %add3A_38, %dma_start3A_46] : memref<2x2500x128xi32, #tpu.memory_space<hbm>> -> memref<1x4x128xi32, #tpu.memory_space<hbm>>
    %dma_start3A_48 = tpu.memref_squeeze %dma_start3A_47 : memref<1x4x128xi32, #tpu.memory_space<hbm>> -> memref<4x128xi32, #tpu.memory_space<hbm>>
    %dma_start3A_49 = arith.constant 0 : i32
    %dma_start3A_50 = tpu.memref_slice %arg3[%dma_start3A_45, %add3A_38, %dma_start3A_49] : memref<2x2500x128xi32, #tpu.memory_space<hbm>> -> memref<1x4x128xi32, #tpu.memory_space<hbm>>
    %dma_start3A_51 = tpu.memref_squeeze %dma_start3A_50 : memref<1x4x128xi32, #tpu.memory_space<hbm>> -> memref<4x128xi32, #tpu.memory_space<hbm>>
    tpu.enqueue_dma source(%dma_start3A_51 : memref<4x128xi32, #tpu.memory_space<hbm>>) target(%arg8 : memref<4x128xi32, #tpu.memory_space<vmem>>) target_semaphore(%arg15 : memref<!tpu.dma_semaphore, #tpu.memory_space<semaphore_mem>>)
    %dma_start3A_52 = arith.constant 0 : i32
    %dma_start3A_53 = arith.constant 0 : i32
    %dma_start3A_54 = tpu.memref_slice %arg5[%dma_start3A_52, %dma_start3A_53] : memref<4x128xi32, #tpu.memory_space<vmem>> -> memref<1x128xi32, #tpu.memory_space<vmem>>
    %dma_start3A_55 = tpu.memref_squeeze %dma_start3A_54 : memref<1x128xi32, #tpu.memory_space<vmem>> -> memref<128xi32, #tpu.memory_space<vmem>>
    %dma_start3A_56 = arith.constant 0 : i32
    %dma_start3A_57 = arith.constant 0 : i32
    %dma_start3A_58 = tpu.memref_slice %arg2[%dma_start3A_56, %dma_start3A_57] : memref<10000x128xf32, #tpu.memory_space<hbm>> -> memref<10000x128xf32, #tpu.memory_space<hbm>>
    tpu.enqueue_indirect_dma source(%dma_start3A_58 : memref<10000x128xf32, #tpu.memory_space<hbm>>) target(%arg9 : memref<128x128xf32, #tpu.memory_space<vmem>>) offsets(%dma_start3A_55 : memref<128xi32, #tpu.memory_space<vmem>>) semaphore(%arg12 : memref<!tpu.dma_semaphore, #tpu.memory_space<semaphore_mem>>)
    %jit3A_59 = arith.constant 8 : i32
    %div3A = arith.divsi %select_n3A_35, %jit3A_59 : i32
    %sign3A = arith.constant 0 : i32
    %sign3A_60 = arith.cmpi sgt, %select_n3A_35, %sign3A : i32
    %sign3A_61 = arith.extui %sign3A_60 : i1 to i32
    %sign3A_62 = arith.constant 0 : i32
    %sign3A_63 = arith.cmpi slt, %select_n3A_35, %sign3A_62 : i32
    %sign3A_64 = arith.extui %sign3A_63 : i1 to i32
    %sign3A_65 = arith.subi %sign3A_61, %sign3A_64 : i32
    %sign3A_66 = arith.constant 0 : i32
    %sign3A_67 = arith.cmpi sgt, %jit3A_59, %sign3A_66 : i32
    %sign3A_68 = arith.extui %sign3A_67 : i1 to i32
    %sign3A_69 = arith.constant 0 : i32
    %sign3A_70 = arith.cmpi slt, %jit3A_59, %sign3A_69 : i32
    %sign3A_71 = arith.extui %sign3A_70 : i1 to i32
    %sign3A_72 = arith.subi %sign3A_68, %sign3A_71 : i32
    %ne3A = arith.cmpi ne, %sign3A_65, %sign3A_72 : i32
    %rem3A = arith.remsi %select_n3A_35, %jit3A_59 : i32
    %ne3A_73 = arith.constant 0 : i32
    %ne3A_74 = arith.cmpi ne, %rem3A, %ne3A_73 : i32
    %and3A = arith.andi %ne3A, %ne3A_74 : i1
    %sub3A = arith.constant 1 : i32
    %sub3A_75 = arith.subi %div3A, %sub3A : i32
    %select_n3A_76 = arith.select %and3A, %sub3A_75, %div3A : i32
    %while3A = arith.constant 0 : i32
    %while3A_77 = arith.constant 0 : i32
    %while3A_78 = arith.subi %select_n3A_76, %while3A_77 : i32
    %while3A_79 = arith.addi %while3A_77, %while3A_78 : i32
    %while3A_80 = arith.constant 1 : i32
    %while3A_81 = arith.divsi %while3A_78, %while3A_80 : i32
    %while3A_82 = arith.muli %while3A_81, %while3A_80 : i32
    %while3A_83 = arith.addi %while3A_77, %while3A_82 : i32
    %while3A_84 = arith.constant 1 : i32
    scf.for %while3A_122 = %while3A_77 to %while3A_83 step %while3A_84  : i32 {
      %mul3A_123 = arith.constant 2 : i32
      %mul3A_124 = arith.muli %mul3A_123, %while3A_122 : i32
      %mul3A_125 = arith.constant 4 : i32
      %mul3A_126 = arith.muli %mul3A_124, %mul3A_125 : i32
      %add3A_127 = arith.addi %select_n3A, %mul3A_126 : i32
      %add3A_128 = arith.constant 8 : i32
      %add3A_129 = arith.addi %add3A_127, %add3A_128 : i32
      %min3A = arith.constant 2496 : i32
      %min3A_130 = arith.minsi %add3A_129, %min3A : i32
      %add3A_131 = arith.constant 12 : i32
      %add3A_132 = arith.addi %add3A_127, %add3A_131 : i32
      %min3A_133 = arith.constant 2496 : i32
      %min3A_134 = arith.minsi %add3A_132, %min3A_133 : i32
      %dma_start3A_135 = arith.constant 1 : i32
      %dma_start3A_136 = arith.constant 0 : i32
      %dma_start3A_137 = tpu.memref_slice %arg5[%dma_start3A_135, %dma_start3A_136] : memref<4x128xi32, #tpu.memory_space<vmem>> -> memref<1x128xi32, #tpu.memory_space<vmem>>
      %dma_start3A_138 = tpu.memref_squeeze %dma_start3A_137 : memref<1x128xi32, #tpu.memory_space<vmem>> -> memref<128xi32, #tpu.memory_space<vmem>>
      %dma_start3A_139 = arith.constant 0 : i32
      %dma_start3A_140 = arith.constant 0 : i32
      %dma_start3A_141 = tpu.memref_slice %arg2[%dma_start3A_139, %dma_start3A_140] : memref<10000x128xf32, #tpu.memory_space<hbm>> -> memref<10000x128xf32, #tpu.memory_space<hbm>>
      tpu.enqueue_indirect_dma source(%dma_start3A_141 : memref<10000x128xf32, #tpu.memory_space<hbm>>) target(%arg10 : memref<128x128xf32, #tpu.memory_space<vmem>>) offsets(%dma_start3A_138 : memref<128xi32, #tpu.memory_space<vmem>>) semaphore(%arg13 : memref<!tpu.dma_semaphore, #tpu.memory_space<semaphore_mem>>)
      %dma_wait3A_142 = arith.constant 0 : i32
      %dma_wait3A_143 = arith.constant 0 : i32
      %dma_wait3A_144 = tpu.memref_slice %arg5[%dma_wait3A_142, %dma_wait3A_143] : memref<4x128xi32, #tpu.memory_space<vmem>> -> memref<1x128xi32, #tpu.memory_space<vmem>>
      %dma_wait3A_145 = tpu.memref_squeeze %dma_wait3A_144 : memref<1x128xi32, #tpu.memory_space<vmem>> -> memref<128xi32, #tpu.memory_space<vmem>>
      %dma_wait3A_146 = arith.constant 0 : i32
      %dma_wait3A_147 = arith.constant 0 : i32
      %dma_wait3A_148 = tpu.memref_slice %arg2[%dma_wait3A_146, %dma_wait3A_147] : memref<10000x128xf32, #tpu.memory_space<hbm>> -> memref<10000x128xf32, #tpu.memory_space<hbm>>
      tpu.wait_indirect_dma semaphore(%arg12 : memref<!tpu.dma_semaphore, #tpu.memory_space<semaphore_mem>>) src(%dma_wait3A_148 : memref<10000x128xf32, #tpu.memory_space<hbm>>) dst(%arg9 : memref<128x128xf32, #tpu.memory_space<vmem>>)
      %run_scoped3A_149 = arith.constant 0 : i32
      "tpu.region"() ({
        %run_scoped3A_319 = tpu.sem_alloc : memref<!tpu.dma_semaphore, #tpu.memory_space<semaphore_mem>>
        %dma_start3A_320 = arith.constant 0 : i32
        %dma_start3A_321 = tpu.memref_slice %arg6[%run_scoped3A_149, %dma_start3A_320] : memref<4x128xi32, #tpu.memory_space<vmem>> -> memref<1x128xi32, #tpu.memory_space<vmem>>
        %dma_start3A_322 = tpu.memref_squeeze %dma_start3A_321 : memref<1x128xi32, #tpu.memory_space<vmem>> -> memref<128xi32, #tpu.memory_space<vmem>>
        %dma_start3A_323 = arith.constant 0 : i32
        %dma_start3A_324 = arith.constant 0 : i32
        %dma_start3A_325 = tpu.memref_slice %arg11[%dma_start3A_323, %dma_start3A_324] : memref<10112x128xf32, #tpu.memory_space<vmem_shared>> -> memref<10112x128xf32, #tpu.memory_space<vmem_shared>>
        tpu.enqueue_indirect_dma source(%arg9 : memref<128x128xf32, #tpu.memory_space<vmem>>) target(%dma_start3A_325 : memref<10112x128xf32, #tpu.memory_space<vmem_shared>>) offsets(%dma_start3A_322 : memref<128xi32, #tpu.memory_space<vmem>>) semaphore(%run_scoped3A_319 : memref<!tpu.dma_semaphore, #tpu.memory_space<semaphore_mem>>) {add = true}
        %dma_wait3A_326 = arith.constant 0 : i32
        %dma_wait3A_327 = tpu.memref_slice %arg6[%run_scoped3A_149, %dma_wait3A_326] : memref<4x128xi32, #tpu.memory_space<vmem>> -> memref<1x128xi32, #tpu.memory_space<vmem>>
        %dma_wait3A_328 = tpu.memref_squeeze %dma_wait3A_327 : memref<1x128xi32, #tpu.memory_space<vmem>> -> memref<128xi32, #tpu.memory_space<vmem>>
        %dma_wait3A_329 = arith.constant 0 : i32
        %dma_wait3A_330 = arith.constant 0 : i32
        %dma_wait3A_331 = tpu.memref_slice %arg11[%dma_wait3A_329, %dma_wait3A_330] : memref<10112x128xf32, #tpu.memory_space<vmem_shared>> -> memref<10112x128xf32, #tpu.memory_space<vmem_shared>>
        tpu.wait_indirect_dma semaphore(%run_scoped3A_319 : memref<!tpu.dma_semaphore, #tpu.memory_space<semaphore_mem>>) src(%arg9 : memref<128x128xf32, #tpu.memory_space<vmem>>) dst(%dma_wait3A_331 : memref<10112x128xf32, #tpu.memory_space<vmem_shared>>)
        tpu.yield
      }) : () -> ()
      %dma_start3A_150 = arith.constant 2 : i32
      %dma_start3A_151 = arith.constant 0 : i32
      %dma_start3A_152 = tpu.memref_slice %arg5[%dma_start3A_150, %dma_start3A_151] : memref<4x128xi32, #tpu.memory_space<vmem>> -> memref<1x128xi32, #tpu.memory_space<vmem>>
      %dma_start3A_153 = tpu.memref_squeeze %dma_start3A_152 : memref<1x128xi32, #tpu.memory_space<vmem>> -> memref<128xi32, #tpu.memory_space<vmem>>
      %dma_start3A_154 = arith.constant 0 : i32
      %dma_start3A_155 = arith.constant 0 : i32
      %dma_start3A_156 = tpu.memref_slice %arg2[%dma_start3A_154, %dma_start3A_155] : memref<10000x128xf32, #tpu.memory_space<hbm>> -> memref<10000x128xf32, #tpu.memory_space<hbm>>
      tpu.enqueue_indirect_dma source(%dma_start3A_156 : memref<10000x128xf32, #tpu.memory_space<hbm>>) target(%arg9 : memref<128x128xf32, #tpu.memory_space<vmem>>) offsets(%dma_start3A_153 : memref<128xi32, #tpu.memory_space<vmem>>) semaphore(%arg12 : memref<!tpu.dma_semaphore, #tpu.memory_space<semaphore_mem>>)
      %dma_wait3A_157 = arith.constant 0 : i32
      %dma_wait3A_158 = arith.constant 0 : i32
      %dma_wait3A_159 = tpu.memref_slice %arg5[%dma_wait3A_157, %dma_wait3A_158] : memref<4x128xi32, #tpu.memory_space<vmem>> -> memref<1x128xi32, #tpu.memory_space<vmem>>
      %dma_wait3A_160 = tpu.memref_squeeze %dma_wait3A_159 : memref<1x128xi32, #tpu.memory_space<vmem>> -> memref<128xi32, #tpu.memory_space<vmem>>
      %dma_wait3A_161 = arith.constant 0 : i32
      %dma_wait3A_162 = arith.constant 0 : i32
      %dma_wait3A_163 = tpu.memref_slice %arg2[%dma_wait3A_161, %dma_wait3A_162] : memref<10000x128xf32, #tpu.memory_space<hbm>> -> memref<10000x128xf32, #tpu.memory_space<hbm>>
      tpu.wait_indirect_dma semaphore(%arg13 : memref<!tpu.dma_semaphore, #tpu.memory_space<semaphore_mem>>) src(%dma_wait3A_163 : memref<10000x128xf32, #tpu.memory_space<hbm>>) dst(%arg10 : memref<128x128xf32, #tpu.memory_space<vmem>>)
      %run_scoped3A_164 = arith.constant 1 : i32
      "tpu.region"() ({
        %run_scoped3A_319 = tpu.sem_alloc : memref<!tpu.dma_semaphore, #tpu.memory_space<semaphore_mem>>
        %dma_start3A_320 = arith.constant 0 : i32
        %dma_start3A_321 = tpu.memref_slice %arg6[%run_scoped3A_164, %dma_start3A_320] : memref<4x128xi32, #tpu.memory_space<vmem>> -> memref<1x128xi32, #tpu.memory_space<vmem>>
        %dma_start3A_322 = tpu.memref_squeeze %dma_start3A_321 : memref<1x128xi32, #tpu.memory_space<vmem>> -> memref<128xi32, #tpu.memory_space<vmem>>
        %dma_start3A_323 = arith.constant 0 : i32
        %dma_start3A_324 = arith.constant 0 : i32
        %dma_start3A_325 = tpu.memref_slice %arg11[%dma_start3A_323, %dma_start3A_324] : memref<10112x128xf32, #tpu.memory_space<vmem_shared>> -> memref<10112x128xf32, #tpu.memory_space<vmem_shared>>
        tpu.enqueue_indirect_dma source(%arg10 : memref<128x128xf32, #tpu.memory_space<vmem>>) target(%dma_start3A_325 : memref<10112x128xf32, #tpu.memory_space<vmem_shared>>) offsets(%dma_start3A_322 : memref<128xi32, #tpu.memory_space<vmem>>) semaphore(%run_scoped3A_319 : memref<!tpu.dma_semaphore, #tpu.memory_space<semaphore_mem>>) {add = true}
        %dma_wait3A_326 = arith.constant 0 : i32
        %dma_wait3A_327 = tpu.memref_slice %arg6[%run_scoped3A_164, %dma_wait3A_326] : memref<4x128xi32, #tpu.memory_space<vmem>> -> memref<1x128xi32, #tpu.memory_space<vmem>>
        %dma_wait3A_328 = tpu.memref_squeeze %dma_wait3A_327 : memref<1x128xi32, #tpu.memory_space<vmem>> -> memref<128xi32, #tpu.memory_space<vmem>>
        %dma_wait3A_329 = arith.constant 0 : i32
        %dma_wait3A_330 = arith.constant 0 : i32
        %dma_wait3A_331 = tpu.memref_slice %arg11[%dma_wait3A_329, %dma_wait3A_330] : memref<10112x128xf32, #tpu.memory_space<vmem_shared>> -> memref<10112x128xf32, #tpu.memory_space<vmem_shared>>
        tpu.wait_indirect_dma semaphore(%run_scoped3A_319 : memref<!tpu.dma_semaphore, #tpu.memory_space<semaphore_mem>>) src(%arg10 : memref<128x128xf32, #tpu.memory_space<vmem>>) dst(%dma_wait3A_331 : memref<10112x128xf32, #tpu.memory_space<vmem_shared>>)
        tpu.yield
      }) : () -> ()
      %dma_start3A_165 = arith.constant 3 : i32
      %dma_start3A_166 = arith.constant 0 : i32
      %dma_start3A_167 = tpu.memref_slice %arg5[%dma_start3A_165, %dma_start3A_166] : memref<4x128xi32, #tpu.memory_space<vmem>> -> memref<1x128xi32, #tpu.memory_space<vmem>>
      %dma_start3A_168 = tpu.memref_squeeze %dma_start3A_167 : memref<1x128xi32, #tpu.memory_space<vmem>> -> memref<128xi32, #tpu.memory_space<vmem>>
      %dma_start3A_169 = arith.constant 0 : i32
      %dma_start3A_170 = arith.constant 0 : i32
      %dma_start3A_171 = tpu.memref_slice %arg2[%dma_start3A_169, %dma_start3A_170] : memref<10000x128xf32, #tpu.memory_space<hbm>> -> memref<10000x128xf32, #tpu.memory_space<hbm>>
      tpu.enqueue_indirect_dma source(%dma_start3A_171 : memref<10000x128xf32, #tpu.memory_space<hbm>>) target(%arg10 : memref<128x128xf32, #tpu.memory_space<vmem>>) offsets(%dma_start3A_168 : memref<128xi32, #tpu.memory_space<vmem>>) semaphore(%arg13 : memref<!tpu.dma_semaphore, #tpu.memory_space<semaphore_mem>>)
      %dma_wait3A_172 = arith.constant 0 : i32
      %dma_wait3A_173 = arith.constant 0 : i32
      %dma_wait3A_174 = tpu.memref_slice %arg5[%dma_wait3A_172, %dma_wait3A_173] : memref<4x128xi32, #tpu.memory_space<vmem>> -> memref<1x128xi32, #tpu.memory_space<vmem>>
      %dma_wait3A_175 = tpu.memref_squeeze %dma_wait3A_174 : memref<1x128xi32, #tpu.memory_space<vmem>> -> memref<128xi32, #tpu.memory_space<vmem>>
      %dma_wait3A_176 = arith.constant 0 : i32
      %dma_wait3A_177 = arith.constant 0 : i32
      %dma_wait3A_178 = tpu.memref_slice %arg2[%dma_wait3A_176, %dma_wait3A_177] : memref<10000x128xf32, #tpu.memory_space<hbm>> -> memref<10000x128xf32, #tpu.memory_space<hbm>>
      tpu.wait_indirect_dma semaphore(%arg12 : memref<!tpu.dma_semaphore, #tpu.memory_space<semaphore_mem>>) src(%dma_wait3A_178 : memref<10000x128xf32, #tpu.memory_space<hbm>>) dst(%arg9 : memref<128x128xf32, #tpu.memory_space<vmem>>)
      %run_scoped3A_179 = arith.constant 2 : i32
      "tpu.region"() ({
        %run_scoped3A_319 = tpu.sem_alloc : memref<!tpu.dma_semaphore, #tpu.memory_space<semaphore_mem>>
        %dma_start3A_320 = arith.constant 0 : i32
        %dma_start3A_321 = tpu.memref_slice %arg6[%run_scoped3A_179, %dma_start3A_320] : memref<4x128xi32, #tpu.memory_space<vmem>> -> memref<1x128xi32, #tpu.memory_space<vmem>>
        %dma_start3A_322 = tpu.memref_squeeze %dma_start3A_321 : memref<1x128xi32, #tpu.memory_space<vmem>> -> memref<128xi32, #tpu.memory_space<vmem>>
        %dma_start3A_323 = arith.constant 0 : i32
        %dma_start3A_324 = arith.constant 0 : i32
        %dma_start3A_325 = tpu.memref_slice %arg11[%dma_start3A_323, %dma_start3A_324] : memref<10112x128xf32, #tpu.memory_space<vmem_shared>> -> memref<10112x128xf32, #tpu.memory_space<vmem_shared>>
        tpu.enqueue_indirect_dma source(%arg9 : memref<128x128xf32, #tpu.memory_space<vmem>>) target(%dma_start3A_325 : memref<10112x128xf32, #tpu.memory_space<vmem_shared>>) offsets(%dma_start3A_322 : memref<128xi32, #tpu.memory_space<vmem>>) semaphore(%run_scoped3A_319 : memref<!tpu.dma_semaphore, #tpu.memory_space<semaphore_mem>>) {add = true}
        %dma_wait3A_326 = arith.constant 0 : i32
        %dma_wait3A_327 = tpu.memref_slice %arg6[%run_scoped3A_179, %dma_wait3A_326] : memref<4x128xi32, #tpu.memory_space<vmem>> -> memref<1x128xi32, #tpu.memory_space<vmem>>
        %dma_wait3A_328 = tpu.memref_squeeze %dma_wait3A_327 : memref<1x128xi32, #tpu.memory_space<vmem>> -> memref<128xi32, #tpu.memory_space<vmem>>
        %dma_wait3A_329 = arith.constant 0 : i32
        %dma_wait3A_330 = arith.constant 0 : i32
        %dma_wait3A_331 = tpu.memref_slice %arg11[%dma_wait3A_329, %dma_wait3A_330] : memref<10112x128xf32, #tpu.memory_space<vmem_shared>> -> memref<10112x128xf32, #tpu.memory_space<vmem_shared>>
        tpu.wait_indirect_dma semaphore(%run_scoped3A_319 : memref<!tpu.dma_semaphore, #tpu.memory_space<semaphore_mem>>) src(%arg9 : memref<128x128xf32, #tpu.memory_space<vmem>>) dst(%dma_wait3A_331 : memref<10112x128xf32, #tpu.memory_space<vmem_shared>>)
        tpu.yield
      }) : () -> ()
      %dma_wait3A_180 = arith.constant 0 : i32
      %dma_wait3A_181 = arith.constant 0 : i32
      %dma_wait3A_182 = arith.constant 0 : i32
      %dma_wait3A_183 = tpu.memref_slice %arg3[%dma_wait3A_180, %dma_wait3A_181, %dma_wait3A_182] : memref<2x2500x128xi32, #tpu.memory_space<hbm>> -> memref<1x4x128xi32, #tpu.memory_space<hbm>>
      %dma_wait3A_184 = tpu.memref_squeeze %dma_wait3A_183 : memref<1x4x128xi32, #tpu.memory_space<hbm>> -> memref<4x128xi32, #tpu.memory_space<hbm>>
      %dma_wait3A_185 = arith.constant 0 : i32
      %dma_wait3A_186 = arith.constant 0 : i32
      %dma_wait3A_187 = tpu.memref_slice %arg3[%dma_wait3A_180, %dma_wait3A_185, %dma_wait3A_186] : memref<2x2500x128xi32, #tpu.memory_space<hbm>> -> memref<1x4x128xi32, #tpu.memory_space<hbm>>
      %dma_wait3A_188 = tpu.memref_squeeze %dma_wait3A_187 : memref<1x4x128xi32, #tpu.memory_space<hbm>> -> memref<4x128xi32, #tpu.memory_space<hbm>>
      tpu.wait_dma2 semaphore(%arg15 : memref<!tpu.dma_semaphore, #tpu.memory_space<semaphore_mem>>) src(%dma_wait3A_188 : memref<4x128xi32, #tpu.memory_space<hbm>>) dst(%arg7 : memref<4x128xi32, #tpu.memory_space<vmem>>)
      %dma_wait3A_189 = arith.constant 1 : i32
      %dma_wait3A_190 = arith.constant 0 : i32
      %dma_wait3A_191 = arith.constant 0 : i32
      %dma_wait3A_192 = tpu.memref_slice %arg3[%dma_wait3A_189, %dma_wait3A_190, %dma_wait3A_191] : memref<2x2500x128xi32, #tpu.memory_space<hbm>> -> memref<1x4x128xi32, #tpu.memory_space<hbm>>
      %dma_wait3A_193 = tpu.memref_squeeze %dma_wait3A_192 : memref<1x4x128xi32, #tpu.memory_space<hbm>> -> memref<4x128xi32, #tpu.memory_space<hbm>>
      %dma_wait3A_194 = arith.constant 0 : i32
      %dma_wait3A_195 = arith.constant 0 : i32
      %dma_wait3A_196 = tpu.memref_slice %arg3[%dma_wait3A_189, %dma_wait3A_194, %dma_wait3A_195] : memref<2x2500x128xi32, #tpu.memory_space<hbm>> -> memref<1x4x128xi32, #tpu.memory_space<hbm>>
      %dma_wait3A_197 = tpu.memref_squeeze %dma_wait3A_196 : memref<1x4x128xi32, #tpu.memory_space<hbm>> -> memref<4x128xi32, #tpu.memory_space<hbm>>
      tpu.wait_dma2 semaphore(%arg15 : memref<!tpu.dma_semaphore, #tpu.memory_space<semaphore_mem>>) src(%dma_wait3A_197 : memref<4x128xi32, #tpu.memory_space<hbm>>) dst(%arg8 : memref<4x128xi32, #tpu.memory_space<vmem>>)
      %dma_start3A_198 = arith.constant 0 : i32
      %dma_start3A_199 = arith.constant 0 : i32
      %dma_start3A_200 = tpu.memref_slice %arg7[%dma_start3A_198, %dma_start3A_199] : memref<4x128xi32, #tpu.memory_space<vmem>> -> memref<1x128xi32, #tpu.memory_space<vmem>>
      %dma_start3A_201 = tpu.memref_squeeze %dma_start3A_200 : memref<1x128xi32, #tpu.memory_space<vmem>> -> memref<128xi32, #tpu.memory_space<vmem>>
      %dma_start3A_202 = arith.constant 0 : i32
      %dma_start3A_203 = arith.constant 0 : i32
      %dma_start3A_204 = tpu.memref_slice %arg2[%dma_start3A_202, %dma_start3A_203] : memref<10000x128xf32, #tpu.memory_space<hbm>> -> memref<10000x128xf32, #tpu.memory_space<hbm>>
      tpu.enqueue_indirect_dma source(%dma_start3A_204 : memref<10000x128xf32, #tpu.memory_space<hbm>>) target(%arg9 : memref<128x128xf32, #tpu.memory_space<vmem>>) offsets(%dma_start3A_201 : memref<128xi32, #tpu.memory_space<vmem>>) semaphore(%arg12 : memref<!tpu.dma_semaphore, #tpu.memory_space<semaphore_mem>>)
      %dma_wait3A_205 = arith.constant 0 : i32
      %dma_wait3A_206 = arith.constant 0 : i32
      %dma_wait3A_207 = tpu.memref_slice %arg5[%dma_wait3A_205, %dma_wait3A_206] : memref<4x128xi32, #tpu.memory_space<vmem>> -> memref<1x128xi32, #tpu.memory_space<vmem>>
      %dma_wait3A_208 = tpu.memref_squeeze %dma_wait3A_207 : memref<1x128xi32, #tpu.memory_space<vmem>> -> memref<128xi32, #tpu.memory_space<vmem>>
      %dma_wait3A_209 = arith.constant 0 : i32
      %dma_wait3A_210 = arith.constant 0 : i32
      %dma_wait3A_211 = tpu.memref_slice %arg2[%dma_wait3A_209, %dma_wait3A_210] : memref<10000x128xf32, #tpu.memory_space<hbm>> -> memref<10000x128xf32, #tpu.memory_space<hbm>>
      tpu.wait_indirect_dma semaphore(%arg13 : memref<!tpu.dma_semaphore, #tpu.memory_space<semaphore_mem>>) src(%dma_wait3A_211 : memref<10000x128xf32, #tpu.memory_space<hbm>>) dst(%arg10 : memref<128x128xf32, #tpu.memory_space<vmem>>)
      %run_scoped3A_212 = arith.constant 3 : i32
      "tpu.region"() ({
        %run_scoped3A_319 = tpu.sem_alloc : memref<!tpu.dma_semaphore, #tpu.memory_space<semaphore_mem>>
        %dma_start3A_320 = arith.constant 0 : i32
        %dma_start3A_321 = tpu.memref_slice %arg6[%run_scoped3A_212, %dma_start3A_320] : memref<4x128xi32, #tpu.memory_space<vmem>> -> memref<1x128xi32, #tpu.memory_space<vmem>>
        %dma_start3A_322 = tpu.memref_squeeze %dma_start3A_321 : memref<1x128xi32, #tpu.memory_space<vmem>> -> memref<128xi32, #tpu.memory_space<vmem>>
        %dma_start3A_323 = arith.constant 0 : i32
        %dma_start3A_324 = arith.constant 0 : i32
        %dma_start3A_325 = tpu.memref_slice %arg11[%dma_start3A_323, %dma_start3A_324] : memref<10112x128xf32, #tpu.memory_space<vmem_shared>> -> memref<10112x128xf32, #tpu.memory_space<vmem_shared>>
        tpu.enqueue_indirect_dma source(%arg10 : memref<128x128xf32, #tpu.memory_space<vmem>>) target(%dma_start3A_325 : memref<10112x128xf32, #tpu.memory_space<vmem_shared>>) offsets(%dma_start3A_322 : memref<128xi32, #tpu.memory_space<vmem>>) semaphore(%run_scoped3A_319 : memref<!tpu.dma_semaphore, #tpu.memory_space<semaphore_mem>>) {add = true}
        %dma_wait3A_326 = arith.constant 0 : i32
        %dma_wait3A_327 = tpu.memref_slice %arg6[%run_scoped3A_212, %dma_wait3A_326] : memref<4x128xi32, #tpu.memory_space<vmem>> -> memref<1x128xi32, #tpu.memory_space<vmem>>
        %dma_wait3A_328 = tpu.memref_squeeze %dma_wait3A_327 : memref<1x128xi32, #tpu.memory_space<vmem>> -> memref<128xi32, #tpu.memory_space<vmem>>
        %dma_wait3A_329 = arith.constant 0 : i32
        %dma_wait3A_330 = arith.constant 0 : i32
        %dma_wait3A_331 = tpu.memref_slice %arg11[%dma_wait3A_329, %dma_wait3A_330] : memref<10112x128xf32, #tpu.memory_space<vmem_shared>> -> memref<10112x128xf32, #tpu.memory_space<vmem_shared>>
        tpu.wait_indirect_dma semaphore(%run_scoped3A_319 : memref<!tpu.dma_semaphore, #tpu.memory_space<semaphore_mem>>) src(%arg10 : memref<128x128xf32, #tpu.memory_space<vmem>>) dst(%dma_wait3A_331 : memref<10112x128xf32, #tpu.memory_space<vmem_shared>>)
        tpu.yield
      }) : () -> ()
      %dma_start3A_213 = arith.constant 0 : i32
      %dma_start3A_214 = arith.constant 0 : i32
      %dma_start3A_215 = tpu.memref_slice %arg3[%dma_start3A_213, %min3A_130, %dma_start3A_214] : memref<2x2500x128xi32, #tpu.memory_space<hbm>> -> memref<1x4x128xi32, #tpu.memory_space<hbm>>
      %dma_start3A_216 = tpu.memref_squeeze %dma_start3A_215 : memref<1x4x128xi32, #tpu.memory_space<hbm>> -> memref<4x128xi32, #tpu.memory_space<hbm>>
      %dma_start3A_217 = arith.constant 0 : i32
      %dma_start3A_218 = tpu.memref_slice %arg3[%dma_start3A_213, %min3A_130, %dma_start3A_217] : memref<2x2500x128xi32, #tpu.memory_space<hbm>> -> memref<1x4x128xi32, #tpu.memory_space<hbm>>
      %dma_start3A_219 = tpu.memref_squeeze %dma_start3A_218 : memref<1x4x128xi32, #tpu.memory_space<hbm>> -> memref<4x128xi32, #tpu.memory_space<hbm>>
      tpu.enqueue_dma source(%dma_start3A_219 : memref<4x128xi32, #tpu.memory_space<hbm>>) target(%arg5 : memref<4x128xi32, #tpu.memory_space<vmem>>) target_semaphore(%arg14 : memref<!tpu.dma_semaphore, #tpu.memory_space<semaphore_mem>>)
      %dma_start3A_220 = arith.constant 1 : i32
      %dma_start3A_221 = arith.constant 0 : i32
      %dma_start3A_222 = tpu.memref_slice %arg3[%dma_start3A_220, %min3A_130, %dma_start3A_221] : memref<2x2500x128xi32, #tpu.memory_space<hbm>> -> memref<1x4x128xi32, #tpu.memory_space<hbm>>
      %dma_start3A_223 = tpu.memref_squeeze %dma_start3A_222 : memref<1x4x128xi32, #tpu.memory_space<hbm>> -> memref<4x128xi32, #tpu.memory_space<hbm>>
      %dma_start3A_224 = arith.constant 0 : i32
      %dma_start3A_225 = tpu.memref_slice %arg3[%dma_start3A_220, %min3A_130, %dma_start3A_224] : memref<2x2500x128xi32, #tpu.memory_space<hbm>> -> memref<1x4x128xi32, #tpu.memory_space<hbm>>
      %dma_start3A_226 = tpu.memref_squeeze %dma_start3A_225 : memref<1x4x128xi32, #tpu.memory_space<hbm>> -> memref<4x128xi32, #tpu.memory_space<hbm>>
      tpu.enqueue_dma source(%dma_start3A_226 : memref<4x128xi32, #tpu.memory_space<hbm>>) target(%arg6 : memref<4x128xi32, #tpu.memory_space<vmem>>) target_semaphore(%arg14 : memref<!tpu.dma_semaphore, #tpu.memory_space<semaphore_mem>>)
      %dma_start3A_227 = arith.constant 1 : i32
      %dma_start3A_228 = arith.constant 0 : i32
      %dma_start3A_229 = tpu.memref_slice %arg7[%dma_start3A_227, %dma_start3A_228] : memref<4x128xi32, #tpu.memory_space<vmem>> -> memref<1x128xi32, #tpu.memory_space<vmem>>
      %dma_start3A_230 = tpu.memref_squeeze %dma_start3A_229 : memref<1x128xi32, #tpu.memory_space<vmem>> -> memref<128xi32, #tpu.memory_space<vmem>>
      %dma_start3A_231 = arith.constant 0 : i32
      %dma_start3A_232 = arith.constant 0 : i32
      %dma_start3A_233 = tpu.memref_slice %arg2[%dma_start3A_231, %dma_start3A_232] : memref<10000x128xf32, #tpu.memory_space<hbm>> -> memref<10000x128xf32, #tpu.memory_space<hbm>>
      tpu.enqueue_indirect_dma source(%dma_start3A_233 : memref<10000x128xf32, #tpu.memory_space<hbm>>) target(%arg10 : memref<128x128xf32, #tpu.memory_space<vmem>>) offsets(%dma_start3A_230 : memref<128xi32, #tpu.memory_space<vmem>>) semaphore(%arg13 : memref<!tpu.dma_semaphore, #tpu.memory_space<semaphore_mem>>)
      %dma_wait3A_234 = arith.constant 0 : i32
      %dma_wait3A_235 = arith.constant 0 : i32
      %dma_wait3A_236 = tpu.memref_slice %arg5[%dma_wait3A_234, %dma_wait3A_235] : memref<4x128xi32, #tpu.memory_space<vmem>> -> memref<1x128xi32, #tpu.memory_space<vmem>>
      %dma_wait3A_237 = tpu.memref_squeeze %dma_wait3A_236 : memref<1x128xi32, #tpu.memory_space<vmem>> -> memref<128xi32, #tpu.memory_space<vmem>>
      %dma_wait3A_238 = arith.constant 0 : i32
      %dma_wait3A_239 = arith.constant 0 : i32
      %dma_wait3A_240 = tpu.memref_slice %arg2[%dma_wait3A_238, %dma_wait3A_239] : memref<10000x128xf32, #tpu.memory_space<hbm>> -> memref<10000x128xf32, #tpu.memory_space<hbm>>
      tpu.wait_indirect_dma semaphore(%arg12 : memref<!tpu.dma_semaphore, #tpu.memory_space<semaphore_mem>>) src(%dma_wait3A_240 : memref<10000x128xf32, #tpu.memory_space<hbm>>) dst(%arg9 : memref<128x128xf32, #tpu.memory_space<vmem>>)
      %run_scoped3A_241 = arith.constant 0 : i32
      "tpu.region"() ({
        %run_scoped3A_319 = tpu.sem_alloc : memref<!tpu.dma_semaphore, #tpu.memory_space<semaphore_mem>>
        %dma_start3A_320 = arith.constant 0 : i32
        %dma_start3A_321 = tpu.memref_slice %arg8[%run_scoped3A_241, %dma_start3A_320] : memref<4x128xi32, #tpu.memory_space<vmem>> -> memref<1x128xi32, #tpu.memory_space<vmem>>
        %dma_start3A_322 = tpu.memref_squeeze %dma_start3A_321 : memref<1x128xi32, #tpu.memory_space<vmem>> -> memref<128xi32, #tpu.memory_space<vmem>>
        %dma_start3A_323 = arith.constant 0 : i32
        %dma_start3A_324 = arith.constant 0 : i32
        %dma_start3A_325 = tpu.memref_slice %arg11[%dma_start3A_323, %dma_start3A_324] : memref<10112x128xf32, #tpu.memory_space<vmem_shared>> -> memref<10112x128xf32, #tpu.memory_space<vmem_shared>>
        tpu.enqueue_indirect_dma source(%arg9 : memref<128x128xf32, #tpu.memory_space<vmem>>) target(%dma_start3A_325 : memref<10112x128xf32, #tpu.memory_space<vmem_shared>>) offsets(%dma_start3A_322 : memref<128xi32, #tpu.memory_space<vmem>>) semaphore(%run_scoped3A_319 : memref<!tpu.dma_semaphore, #tpu.memory_space<semaphore_mem>>) {add = true}
        %dma_wait3A_326 = arith.constant 0 : i32
        %dma_wait3A_327 = tpu.memref_slice %arg8[%run_scoped3A_241, %dma_wait3A_326] : memref<4x128xi32, #tpu.memory_space<vmem>> -> memref<1x128xi32, #tpu.memory_space<vmem>>
        %dma_wait3A_328 = tpu.memref_squeeze %dma_wait3A_327 : memref<1x128xi32, #tpu.memory_space<vmem>> -> memref<128xi32, #tpu.memory_space<vmem>>
        %dma_wait3A_329 = arith.constant 0 : i32
        %dma_wait3A_330 = arith.constant 0 : i32
        %dma_wait3A_331 = tpu.memref_slice %arg11[%dma_wait3A_329, %dma_wait3A_330] : memref<10112x128xf32, #tpu.memory_space<vmem_shared>> -> memref<10112x128xf32, #tpu.memory_space<vmem_shared>>
        tpu.wait_indirect_dma semaphore(%run_scoped3A_319 : memref<!tpu.dma_semaphore, #tpu.memory_space<semaphore_mem>>) src(%arg9 : memref<128x128xf32, #tpu.memory_space<vmem>>) dst(%dma_wait3A_331 : memref<10112x128xf32, #tpu.memory_space<vmem_shared>>)
        tpu.yield
      }) : () -> ()
      %dma_start3A_242 = arith.constant 2 : i32
      %dma_start3A_243 = arith.constant 0 : i32
      %dma_start3A_244 = tpu.memref_slice %arg7[%dma_start3A_242, %dma_start3A_243] : memref<4x128xi32, #tpu.memory_space<vmem>> -> memref<1x128xi32, #tpu.memory_space<vmem>>
      %dma_start3A_245 = tpu.memref_squeeze %dma_start3A_244 : memref<1x128xi32, #tpu.memory_space<vmem>> -> memref<128xi32, #tpu.memory_space<vmem>>
      %dma_start3A_246 = arith.constant 0 : i32
      %dma_start3A_247 = arith.constant 0 : i32
      %dma_start3A_248 = tpu.memref_slice %arg2[%dma_start3A_246, %dma_start3A_247] : memref<10000x128xf32, #tpu.memory_space<hbm>> -> memref<10000x128xf32, #tpu.memory_space<hbm>>
      tpu.enqueue_indirect_dma source(%dma_start3A_248 : memref<10000x128xf32, #tpu.memory_space<hbm>>) target(%arg9 : memref<128x128xf32, #tpu.memory_space<vmem>>) offsets(%dma_start3A_245 : memref<128xi32, #tpu.memory_space<vmem>>) semaphore(%arg12 : memref<!tpu.dma_semaphore, #tpu.memory_space<semaphore_mem>>)
      %dma_wait3A_249 = arith.constant 0 : i32
      %dma_wait3A_250 = arith.constant 0 : i32
      %dma_wait3A_251 = tpu.memref_slice %arg5[%dma_wait3A_249, %dma_wait3A_250] : memref<4x128xi32, #tpu.memory_space<vmem>> -> memref<1x128xi32, #tpu.memory_space<vmem>>
      %dma_wait3A_252 = tpu.memref_squeeze %dma_wait3A_251 : memref<1x128xi32, #tpu.memory_space<vmem>> -> memref<128xi32, #tpu.memory_space<vmem>>
      %dma_wait3A_253 = arith.constant 0 : i32
      %dma_wait3A_254 = arith.constant 0 : i32
      %dma_wait3A_255 = tpu.memref_slice %arg2[%dma_wait3A_253, %dma_wait3A_254] : memref<10000x128xf32, #tpu.memory_space<hbm>> -> memref<10000x128xf32, #tpu.memory_space<hbm>>
      tpu.wait_indirect_dma semaphore(%arg13 : memref<!tpu.dma_semaphore, #tpu.memory_space<semaphore_mem>>) src(%dma_wait3A_255 : memref<10000x128xf32, #tpu.memory_space<hbm>>) dst(%arg10 : memref<128x128xf32, #tpu.memory_space<vmem>>)
      %run_scoped3A_256 = arith.constant 1 : i32
      "tpu.region"() ({
        %run_scoped3A_319 = tpu.sem_alloc : memref<!tpu.dma_semaphore, #tpu.memory_space<semaphore_mem>>
        %dma_start3A_320 = arith.constant 0 : i32
        %dma_start3A_321 = tpu.memref_slice %arg8[%run_scoped3A_256, %dma_start3A_320] : memref<4x128xi32, #tpu.memory_space<vmem>> -> memref<1x128xi32, #tpu.memory_space<vmem>>
        %dma_start3A_322 = tpu.memref_squeeze %dma_start3A_321 : memref<1x128xi32, #tpu.memory_space<vmem>> -> memref<128xi32, #tpu.memory_space<vmem>>
        %dma_start3A_323 = arith.constant 0 : i32
        %dma_start3A_324 = arith.constant 0 : i32
        %dma_start3A_325 = tpu.memref_slice %arg11[%dma_start3A_323, %dma_start3A_324] : memref<10112x128xf32, #tpu.memory_space<vmem_shared>> -> memref<10112x128xf32, #tpu.memory_space<vmem_shared>>
        tpu.enqueue_indirect_dma source(%arg10 : memref<128x128xf32, #tpu.memory_space<vmem>>) target(%dma_start3A_325 : memref<10112x128xf32, #tpu.memory_space<vmem_shared>>) offsets(%dma_start3A_322 : memref<128xi32, #tpu.memory_space<vmem>>) semaphore(%run_scoped3A_319 : memref<!tpu.dma_semaphore, #tpu.memory_space<semaphore_mem>>) {add = true}
        %dma_wait3A_326 = arith.constant 0 : i32
        %dma_wait3A_327 = tpu.memref_slice %arg8[%run_scoped3A_256, %dma_wait3A_326] : memref<4x128xi32, #tpu.memory_space<vmem>> -> memref<1x128xi32, #tpu.memory_space<vmem>>
        %dma_wait3A_328 = tpu.memref_squeeze %dma_wait3A_327 : memref<1x128xi32, #tpu.memory_space<vmem>> -> memref<128xi32, #tpu.memory_space<vmem>>
        %dma_wait3A_329 = arith.constant 0 : i32
        %dma_wait3A_330 = arith.constant 0 : i32
        %dma_wait3A_331 = tpu.memref_slice %arg11[%dma_wait3A_329, %dma_wait3A_330] : memref<10112x128xf32, #tpu.memory_space<vmem_shared>> -> memref<10112x128xf32, #tpu.memory_space<vmem_shared>>
        tpu.wait_indirect_dma semaphore(%run_scoped3A_319 : memref<!tpu.dma_semaphore, #tpu.memory_space<semaphore_mem>>) src(%arg10 : memref<128x128xf32, #tpu.memory_space<vmem>>) dst(%dma_wait3A_331 : memref<10112x128xf32, #tpu.memory_space<vmem_shared>>)
        tpu.yield
      }) : () -> ()
      %dma_start3A_257 = arith.constant 3 : i32
      %dma_start3A_258 = arith.constant 0 : i32
      %dma_start3A_259 = tpu.memref_slice %arg7[%dma_start3A_257, %dma_start3A_258] : memref<4x128xi32, #tpu.memory_space<vmem>> -> memref<1x128xi32, #tpu.memory_space<vmem>>
      %dma_start3A_260 = tpu.memref_squeeze %dma_start3A_259 : memref<1x128xi32, #tpu.memory_space<vmem>> -> memref<128xi32, #tpu.memory_space<vmem>>
      %dma_start3A_261 = arith.constant 0 : i32
      %dma_start3A_262 = arith.constant 0 : i32
      %dma_start3A_263 = tpu.memref_slice %arg2[%dma_start3A_261, %dma_start3A_262] : memref<10000x128xf32, #tpu.memory_space<hbm>> -> memref<10000x128xf32, #tpu.memory_space<hbm>>
      tpu.enqueue_indirect_dma source(%dma_start3A_263 : memref<10000x128xf32, #tpu.memory_space<hbm>>) target(%arg10 : memref<128x128xf32, #tpu.memory_space<vmem>>) offsets(%dma_start3A_260 : memref<128xi32, #tpu.memory_space<vmem>>) semaphore(%arg13 : memref<!tpu.dma_semaphore, #tpu.memory_space<semaphore_mem>>)
      %dma_wait3A_264 = arith.constant 0 : i32
      %dma_wait3A_265 = arith.constant 0 : i32
      %dma_wait3A_266 = tpu.memref_slice %arg5[%dma_wait3A_264, %dma_wait3A_265] : memref<4x128xi32, #tpu.memory_space<vmem>> -> memref<1x128xi32, #tpu.memory_space<vmem>>
      %dma_wait3A_267 = tpu.memref_squeeze %dma_wait3A_266 : memref<1x128xi32, #tpu.memory_space<vmem>> -> memref<128xi32, #tpu.memory_space<vmem>>
      %dma_wait3A_268 = arith.constant 0 : i32
      %dma_wait3A_269 = arith.constant 0 : i32
      %dma_wait3A_270 = tpu.memref_slice %arg2[%dma_wait3A_268, %dma_wait3A_269] : memref<10000x128xf32, #tpu.memory_space<hbm>> -> memref<10000x128xf32, #tpu.memory_space<hbm>>
      tpu.wait_indirect_dma semaphore(%arg12 : memref<!tpu.dma_semaphore, #tpu.memory_space<semaphore_mem>>) src(%dma_wait3A_270 : memref<10000x128xf32, #tpu.memory_space<hbm>>) dst(%arg9 : memref<128x128xf32, #tpu.memory_space<vmem>>)
      %run_scoped3A_271 = arith.constant 2 : i32
      "tpu.region"() ({
        %run_scoped3A_319 = tpu.sem_alloc : memref<!tpu.dma_semaphore, #tpu.memory_space<semaphore_mem>>
        %dma_start3A_320 = arith.constant 0 : i32
        %dma_start3A_321 = tpu.memref_slice %arg8[%run_scoped3A_271, %dma_start3A_320] : memref<4x128xi32, #tpu.memory_space<vmem>> -> memref<1x128xi32, #tpu.memory_space<vmem>>
        %dma_start3A_322 = tpu.memref_squeeze %dma_start3A_321 : memref<1x128xi32, #tpu.memory_space<vmem>> -> memref<128xi32, #tpu.memory_space<vmem>>
        %dma_start3A_323 = arith.constant 0 : i32
        %dma_start3A_324 = arith.constant 0 : i32
        %dma_start3A_325 = tpu.memref_slice %arg11[%dma_start3A_323, %dma_start3A_324] : memref<10112x128xf32, #tpu.memory_space<vmem_shared>> -> memref<10112x128xf32, #tpu.memory_space<vmem_shared>>
        tpu.enqueue_indirect_dma source(%arg9 : memref<128x128xf32, #tpu.memory_space<vmem>>) target(%dma_start3A_325 : memref<10112x128xf32, #tpu.memory_space<vmem_shared>>) offsets(%dma_start3A_322 : memref<128xi32, #tpu.memory_space<vmem>>) semaphore(%run_scoped3A_319 : memref<!tpu.dma_semaphore, #tpu.memory_space<semaphore_mem>>) {add = true}
        %dma_wait3A_326 = arith.constant 0 : i32
        %dma_wait3A_327 = tpu.memref_slice %arg8[%run_scoped3A_271, %dma_wait3A_326] : memref<4x128xi32, #tpu.memory_space<vmem>> -> memref<1x128xi32, #tpu.memory_space<vmem>>
        %dma_wait3A_328 = tpu.memref_squeeze %dma_wait3A_327 : memref<1x128xi32, #tpu.memory_space<vmem>> -> memref<128xi32, #tpu.memory_space<vmem>>
        %dma_wait3A_329 = arith.constant 0 : i32
        %dma_wait3A_330 = arith.constant 0 : i32
        %dma_wait3A_331 = tpu.memref_slice %arg11[%dma_wait3A_329, %dma_wait3A_330] : memref<10112x128xf32, #tpu.memory_space<vmem_shared>> -> memref<10112x128xf32, #tpu.memory_space<vmem_shared>>
        tpu.wait_indirect_dma semaphore(%run_scoped3A_319 : memref<!tpu.dma_semaphore, #tpu.memory_space<semaphore_mem>>) src(%arg9 : memref<128x128xf32, #tpu.memory_space<vmem>>) dst(%dma_wait3A_331 : memref<10112x128xf32, #tpu.memory_space<vmem_shared>>)
        tpu.yield
      }) : () -> ()
      %dma_wait3A_272 = arith.constant 0 : i32
      %dma_wait3A_273 = arith.constant 0 : i32
      %dma_wait3A_274 = arith.constant 0 : i32
      %dma_wait3A_275 = tpu.memref_slice %arg3[%dma_wait3A_272, %dma_wait3A_273, %dma_wait3A_274] : memref<2x2500x128xi32, #tpu.memory_space<hbm>> -> memref<1x4x128xi32, #tpu.memory_space<hbm>>
      %dma_wait3A_276 = tpu.memref_squeeze %dma_wait3A_275 : memref<1x4x128xi32, #tpu.memory_space<hbm>> -> memref<4x128xi32, #tpu.memory_space<hbm>>
      %dma_wait3A_277 = arith.constant 0 : i32
      %dma_wait3A_278 = arith.constant 0 : i32
      %dma_wait3A_279 = tpu.memref_slice %arg3[%dma_wait3A_272, %dma_wait3A_277, %dma_wait3A_278] : memref<2x2500x128xi32, #tpu.memory_space<hbm>> -> memref<1x4x128xi32, #tpu.memory_space<hbm>>
      %dma_wait3A_280 = tpu.memref_squeeze %dma_wait3A_279 : memref<1x4x128xi32, #tpu.memory_space<hbm>> -> memref<4x128xi32, #tpu.memory_space<hbm>>
      tpu.wait_dma2 semaphore(%arg14 : memref<!tpu.dma_semaphore, #tpu.memory_space<semaphore_mem>>) src(%dma_wait3A_280 : memref<4x128xi32, #tpu.memory_space<hbm>>) dst(%arg5 : memref<4x128xi32, #tpu.memory_space<vmem>>)
      %dma_wait3A_281 = arith.constant 1 : i32
      %dma_wait3A_282 = arith.constant 0 : i32
      %dma_wait3A_283 = arith.constant 0 : i32
      %dma_wait3A_284 = tpu.memref_slice %arg3[%dma_wait3A_281, %dma_wait3A_282, %dma_wait3A_283] : memref<2x2500x128xi32, #tpu.memory_space<hbm>> -> memref<1x4x128xi32, #tpu.memory_space<hbm>>
      %dma_wait3A_285 = tpu.memref_squeeze %dma_wait3A_284 : memref<1x4x128xi32, #tpu.memory_space<hbm>> -> memref<4x128xi32, #tpu.memory_space<hbm>>
      %dma_wait3A_286 = arith.constant 0 : i32
      %dma_wait3A_287 = arith.constant 0 : i32
      %dma_wait3A_288 = tpu.memref_slice %arg3[%dma_wait3A_281, %dma_wait3A_286, %dma_wait3A_287] : memref<2x2500x128xi32, #tpu.memory_space<hbm>> -> memref<1x4x128xi32, #tpu.memory_space<hbm>>
      %dma_wait3A_289 = tpu.memref_squeeze %dma_wait3A_288 : memref<1x4x128xi32, #tpu.memory_space<hbm>> -> memref<4x128xi32, #tpu.memory_space<hbm>>
      tpu.wait_dma2 semaphore(%arg14 : memref<!tpu.dma_semaphore, #tpu.memory_space<semaphore_mem>>) src(%dma_wait3A_289 : memref<4x128xi32, #tpu.memory_space<hbm>>) dst(%arg6 : memref<4x128xi32, #tpu.memory_space<vmem>>)
      %dma_start3A_290 = arith.constant 0 : i32
      %dma_start3A_291 = arith.constant 0 : i32
      %dma_start3A_292 = tpu.memref_slice %arg5[%dma_start3A_290, %dma_start3A_291] : memref<4x128xi32, #tpu.memory_space<vmem>> -> memref<1x128xi32, #tpu.memory_space<vmem>>
      %dma_start3A_293 = tpu.memref_squeeze %dma_start3A_292 : memref<1x128xi32, #tpu.memory_space<vmem>> -> memref<128xi32, #tpu.memory_space<vmem>>
      %dma_start3A_294 = arith.constant 0 : i32
      %dma_start3A_295 = arith.constant 0 : i32
      %dma_start3A_296 = tpu.memref_slice %arg2[%dma_start3A_294, %dma_start3A_295] : memref<10000x128xf32, #tpu.memory_space<hbm>> -> memref<10000x128xf32, #tpu.memory_space<hbm>>
      tpu.enqueue_indirect_dma source(%dma_start3A_296 : memref<10000x128xf32, #tpu.memory_space<hbm>>) target(%arg9 : memref<128x128xf32, #tpu.memory_space<vmem>>) offsets(%dma_start3A_293 : memref<128xi32, #tpu.memory_space<vmem>>) semaphore(%arg12 : memref<!tpu.dma_semaphore, #tpu.memory_space<semaphore_mem>>)
      %dma_wait3A_297 = arith.constant 0 : i32
      %dma_wait3A_298 = arith.constant 0 : i32
      %dma_wait3A_299 = tpu.memref_slice %arg5[%dma_wait3A_297, %dma_wait3A_298] : memref<4x128xi32, #tpu.memory_space<vmem>> -> memref<1x128xi32, #tpu.memory_space<vmem>>
      %dma_wait3A_300 = tpu.memref_squeeze %dma_wait3A_299 : memref<1x128xi32, #tpu.memory_space<vmem>> -> memref<128xi32, #tpu.memory_space<vmem>>
      %dma_wait3A_301 = arith.constant 0 : i32
      %dma_wait3A_302 = arith.constant 0 : i32
      %dma_wait3A_303 = tpu.memref_slice %arg2[%dma_wait3A_301, %dma_wait3A_302] : memref<10000x128xf32, #tpu.memory_space<hbm>> -> memref<10000x128xf32, #tpu.memory_space<hbm>>
      tpu.wait_indirect_dma semaphore(%arg13 : memref<!tpu.dma_semaphore, #tpu.memory_space<semaphore_mem>>) src(%dma_wait3A_303 : memref<10000x128xf32, #tpu.memory_space<hbm>>) dst(%arg10 : memref<128x128xf32, #tpu.memory_space<vmem>>)
      %run_scoped3A_304 = arith.constant 3 : i32
      "tpu.region"() ({
        %run_scoped3A_319 = tpu.sem_alloc : memref<!tpu.dma_semaphore, #tpu.memory_space<semaphore_mem>>
        %dma_start3A_320 = arith.constant 0 : i32
        %dma_start3A_321 = tpu.memref_slice %arg8[%run_scoped3A_304, %dma_start3A_320] : memref<4x128xi32, #tpu.memory_space<vmem>> -> memref<1x128xi32, #tpu.memory_space<vmem>>
        %dma_start3A_322 = tpu.memref_squeeze %dma_start3A_321 : memref<1x128xi32, #tpu.memory_space<vmem>> -> memref<128xi32, #tpu.memory_space<vmem>>
        %dma_start3A_323 = arith.constant 0 : i32
        %dma_start3A_324 = arith.constant 0 : i32
        %dma_start3A_325 = tpu.memref_slice %arg11[%dma_start3A_323, %dma_start3A_324] : memref<10112x128xf32, #tpu.memory_space<vmem_shared>> -> memref<10112x128xf32, #tpu.memory_space<vmem_shared>>
        tpu.enqueue_indirect_dma source(%arg10 : memref<128x128xf32, #tpu.memory_space<vmem>>) target(%dma_start3A_325 : memref<10112x128xf32, #tpu.memory_space<vmem_shared>>) offsets(%dma_start3A_322 : memref<128xi32, #tpu.memory_space<vmem>>) semaphore(%run_scoped3A_319 : memref<!tpu.dma_semaphore, #tpu.memory_space<semaphore_mem>>) {add = true}
        %dma_wait3A_326 = arith.constant 0 : i32
        %dma_wait3A_327 = tpu.memref_slice %arg8[%run_scoped3A_304, %dma_wait3A_326] : memref<4x128xi32, #tpu.memory_space<vmem>> -> memref<1x128xi32, #tpu.memory_space<vmem>>
        %dma_wait3A_328 = tpu.memref_squeeze %dma_wait3A_327 : memref<1x128xi32, #tpu.memory_space<vmem>> -> memref<128xi32, #tpu.memory_space<vmem>>
        %dma_wait3A_329 = arith.constant 0 : i32
        %dma_wait3A_330 = arith.constant 0 : i32
        %dma_wait3A_331 = tpu.memref_slice %arg11[%dma_wait3A_329, %dma_wait3A_330] : memref<10112x128xf32, #tpu.memory_space<vmem_shared>> -> memref<10112x128xf32, #tpu.memory_space<vmem_shared>>
        tpu.wait_indirect_dma semaphore(%run_scoped3A_319 : memref<!tpu.dma_semaphore, #tpu.memory_space<semaphore_mem>>) src(%arg10 : memref<128x128xf32, #tpu.memory_space<vmem>>) dst(%dma_wait3A_331 : memref<10112x128xf32, #tpu.memory_space<vmem_shared>>)
        tpu.yield
      }) : () -> ()
      %dma_start3A_305 = arith.constant 0 : i32
      %dma_start3A_306 = arith.constant 0 : i32
      %dma_start3A_307 = tpu.memref_slice %arg3[%dma_start3A_305, %min3A_134, %dma_start3A_306] : memref<2x2500x128xi32, #tpu.memory_space<hbm>> -> memref<1x4x128xi32, #tpu.memory_space<hbm>>
      %dma_start3A_308 = tpu.memref_squeeze %dma_start3A_307 : memref<1x4x128xi32, #tpu.memory_space<hbm>> -> memref<4x128xi32, #tpu.memory_space<hbm>>
      %dma_start3A_309 = arith.constant 0 : i32
      %dma_start3A_310 = tpu.memref_slice %arg3[%dma_start3A_305, %min3A_134, %dma_start3A_309] : memref<2x2500x128xi32, #tpu.memory_space<hbm>> -> memref<1x4x128xi32, #tpu.memory_space<hbm>>
      %dma_start3A_311 = tpu.memref_squeeze %dma_start3A_310 : memref<1x4x128xi32, #tpu.memory_space<hbm>> -> memref<4x128xi32, #tpu.memory_space<hbm>>
      tpu.enqueue_dma source(%dma_start3A_311 : memref<4x128xi32, #tpu.memory_space<hbm>>) target(%arg7 : memref<4x128xi32, #tpu.memory_space<vmem>>) target_semaphore(%arg15 : memref<!tpu.dma_semaphore, #tpu.memory_space<semaphore_mem>>)
      %dma_start3A_312 = arith.constant 1 : i32
      %dma_start3A_313 = arith.constant 0 : i32
      %dma_start3A_314 = tpu.memref_slice %arg3[%dma_start3A_312, %min3A_134, %dma_start3A_313] : memref<2x2500x128xi32, #tpu.memory_space<hbm>> -> memref<1x4x128xi32, #tpu.memory_space<hbm>>
      %dma_start3A_315 = tpu.memref_squeeze %dma_start3A_314 : memref<1x4x128xi32, #tpu.memory_space<hbm>> -> memref<4x128xi32, #tpu.memory_space<hbm>>
      %dma_start3A_316 = arith.constant 0 : i32
      %dma_start3A_317 = tpu.memref_slice %arg3[%dma_start3A_312, %min3A_134, %dma_start3A_316] : memref<2x2500x128xi32, #tpu.memory_space<hbm>> -> memref<1x4x128xi32, #tpu.memory_space<hbm>>
      %dma_start3A_318 = tpu.memref_squeeze %dma_start3A_317 : memref<1x4x128xi32, #tpu.memory_space<hbm>> -> memref<4x128xi32, #tpu.memory_space<hbm>>
      tpu.enqueue_dma source(%dma_start3A_318 : memref<4x128xi32, #tpu.memory_space<hbm>>) target(%arg8 : memref<4x128xi32, #tpu.memory_space<vmem>>) target_semaphore(%arg15 : memref<!tpu.dma_semaphore, #tpu.memory_space<semaphore_mem>>)
    }
    %while3A_85 = arith.constant 1 : i32
    scf.for %while3A_122 = %while3A_83 to %while3A_79 step %while3A_85  : i32 {
      %mul3A_123 = arith.constant 2 : i32
      %mul3A_124 = arith.muli %mul3A_123, %while3A_122 : i32
      %mul3A_125 = arith.constant 4 : i32
      %mul3A_126 = arith.muli %mul3A_124, %mul3A_125 : i32
      %add3A_127 = arith.addi %select_n3A, %mul3A_126 : i32
      %add3A_128 = arith.constant 8 : i32
      %add3A_129 = arith.addi %add3A_127, %add3A_128 : i32
      %min3A = arith.constant 2496 : i32
      %min3A_130 = arith.minsi %add3A_129, %min3A : i32
      %add3A_131 = arith.constant 12 : i32
      %add3A_132 = arith.addi %add3A_127, %add3A_131 : i32
      %min3A_133 = arith.constant 2496 : i32
      %min3A_134 = arith.minsi %add3A_132, %min3A_133 : i32
      %dma_start3A_135 = arith.constant 1 : i32
      %dma_start3A_136 = arith.constant 0 : i32
      %dma_start3A_137 = tpu.memref_slice %arg5[%dma_start3A_135, %dma_start3A_136] : memref<4x128xi32, #tpu.memory_space<vmem>> -> memref<1x128xi32, #tpu.memory_space<vmem>>
      %dma_start3A_138 = tpu.memref_squeeze %dma_start3A_137 : memref<1x128xi32, #tpu.memory_space<vmem>> -> memref<128xi32, #tpu.memory_space<vmem>>
      %dma_start3A_139 = arith.constant 0 : i32
      %dma_start3A_140 = arith.constant 0 : i32
      %dma_start3A_141 = tpu.memref_slice %arg2[%dma_start3A_139, %dma_start3A_140] : memref<10000x128xf32, #tpu.memory_space<hbm>> -> memref<10000x128xf32, #tpu.memory_space<hbm>>
      tpu.enqueue_indirect_dma source(%dma_start3A_141 : memref<10000x128xf32, #tpu.memory_space<hbm>>) target(%arg10 : memref<128x128xf32, #tpu.memory_space<vmem>>) offsets(%dma_start3A_138 : memref<128xi32, #tpu.memory_space<vmem>>) semaphore(%arg13 : memref<!tpu.dma_semaphore, #tpu.memory_space<semaphore_mem>>)
      %dma_wait3A_142 = arith.constant 0 : i32
      %dma_wait3A_143 = arith.constant 0 : i32
      %dma_wait3A_144 = tpu.memref_slice %arg5[%dma_wait3A_142, %dma_wait3A_143] : memref<4x128xi32, #tpu.memory_space<vmem>> -> memref<1x128xi32, #tpu.memory_space<vmem>>
      %dma_wait3A_145 = tpu.memref_squeeze %dma_wait3A_144 : memref<1x128xi32, #tpu.memory_space<vmem>> -> memref<128xi32, #tpu.memory_space<vmem>>
      %dma_wait3A_146 = arith.constant 0 : i32
      %dma_wait3A_147 = arith.constant 0 : i32
      %dma_wait3A_148 = tpu.memref_slice %arg2[%dma_wait3A_146, %dma_wait3A_147] : memref<10000x128xf32, #tpu.memory_space<hbm>> -> memref<10000x128xf32, #tpu.memory_space<hbm>>
      tpu.wait_indirect_dma semaphore(%arg12 : memref<!tpu.dma_semaphore, #tpu.memory_space<semaphore_mem>>) src(%dma_wait3A_148 : memref<10000x128xf32, #tpu.memory_space<hbm>>) dst(%arg9 : memref<128x128xf32, #tpu.memory_space<vmem>>)
      %run_scoped3A_149 = arith.constant 0 : i32
      "tpu.region"() ({
        %run_scoped3A_319 = tpu.sem_alloc : memref<!tpu.dma_semaphore, #tpu.memory_space<semaphore_mem>>
        %dma_start3A_320 = arith.constant 0 : i32
        %dma_start3A_321 = tpu.memref_slice %arg6[%run_scoped3A_149, %dma_start3A_320] : memref<4x128xi32, #tpu.memory_space<vmem>> -> memref<1x128xi32, #tpu.memory_space<vmem>>
        %dma_start3A_322 = tpu.memref_squeeze %dma_start3A_321 : memref<1x128xi32, #tpu.memory_space<vmem>> -> memref<128xi32, #tpu.memory_space<vmem>>
        %dma_start3A_323 = arith.constant 0 : i32
        %dma_start3A_324 = arith.constant 0 : i32
        %dma_start3A_325 = tpu.memref_slice %arg11[%dma_start3A_323, %dma_start3A_324] : memref<10112x128xf32, #tpu.memory_space<vmem_shared>> -> memref<10112x128xf32, #tpu.memory_space<vmem_shared>>
        tpu.enqueue_indirect_dma source(%arg9 : memref<128x128xf32, #tpu.memory_space<vmem>>) target(%dma_start3A_325 : memref<10112x128xf32, #tpu.memory_space<vmem_shared>>) offsets(%dma_start3A_322 : memref<128xi32, #tpu.memory_space<vmem>>) semaphore(%run_scoped3A_319 : memref<!tpu.dma_semaphore, #tpu.memory_space<semaphore_mem>>) {add = true}
        %dma_wait3A_326 = arith.constant 0 : i32
        %dma_wait3A_327 = tpu.memref_slice %arg6[%run_scoped3A_149, %dma_wait3A_326] : memref<4x128xi32, #tpu.memory_space<vmem>> -> memref<1x128xi32, #tpu.memory_space<vmem>>
        %dma_wait3A_328 = tpu.memref_squeeze %dma_wait3A_327 : memref<1x128xi32, #tpu.memory_space<vmem>> -> memref<128xi32, #tpu.memory_space<vmem>>
        %dma_wait3A_329 = arith.constant 0 : i32
        %dma_wait3A_330 = arith.constant 0 : i32
        %dma_wait3A_331 = tpu.memref_slice %arg11[%dma_wait3A_329, %dma_wait3A_330] : memref<10112x128xf32, #tpu.memory_space<vmem_shared>> -> memref<10112x128xf32, #tpu.memory_space<vmem_shared>>
        tpu.wait_indirect_dma semaphore(%run_scoped3A_319 : memref<!tpu.dma_semaphore, #tpu.memory_space<semaphore_mem>>) src(%arg9 : memref<128x128xf32, #tpu.memory_space<vmem>>) dst(%dma_wait3A_331 : memref<10112x128xf32, #tpu.memory_space<vmem_shared>>)
        tpu.yield
      }) : () -> ()
      %dma_start3A_150 = arith.constant 2 : i32
      %dma_start3A_151 = arith.constant 0 : i32
      %dma_start3A_152 = tpu.memref_slice %arg5[%dma_start3A_150, %dma_start3A_151] : memref<4x128xi32, #tpu.memory_space<vmem>> -> memref<1x128xi32, #tpu.memory_space<vmem>>
      %dma_start3A_153 = tpu.memref_squeeze %dma_start3A_152 : memref<1x128xi32, #tpu.memory_space<vmem>> -> memref<128xi32, #tpu.memory_space<vmem>>
      %dma_start3A_154 = arith.constant 0 : i32
      %dma_start3A_155 = arith.constant 0 : i32
      %dma_start3A_156 = tpu.memref_slice %arg2[%dma_start3A_154, %dma_start3A_155] : memref<10000x128xf32, #tpu.memory_space<hbm>> -> memref<10000x128xf32, #tpu.memory_space<hbm>>
      tpu.enqueue_indirect_dma source(%dma_start3A_156 : memref<10000x128xf32, #tpu.memory_space<hbm>>) target(%arg9 : memref<128x128xf32, #tpu.memory_space<vmem>>) offsets(%dma_start3A_153 : memref<128xi32, #tpu.memory_space<vmem>>) semaphore(%arg12 : memref<!tpu.dma_semaphore, #tpu.memory_space<semaphore_mem>>)
      %dma_wait3A_157 = arith.constant 0 : i32
      %dma_wait3A_158 = arith.constant 0 : i32
      %dma_wait3A_159 = tpu.memref_slice %arg5[%dma_wait3A_157, %dma_wait3A_158] : memref<4x128xi32, #tpu.memory_space<vmem>> -> memref<1x128xi32, #tpu.memory_space<vmem>>
      %dma_wait3A_160 = tpu.memref_squeeze %dma_wait3A_159 : memref<1x128xi32, #tpu.memory_space<vmem>> -> memref<128xi32, #tpu.memory_space<vmem>>
      %dma_wait3A_161 = arith.constant 0 : i32
      %dma_wait3A_162 = arith.constant 0 : i32
      %dma_wait3A_163 = tpu.memref_slice %arg2[%dma_wait3A_161, %dma_wait3A_162] : memref<10000x128xf32, #tpu.memory_space<hbm>> -> memref<10000x128xf32, #tpu.memory_space<hbm>>
      tpu.wait_indirect_dma semaphore(%arg13 : memref<!tpu.dma_semaphore, #tpu.memory_space<semaphore_mem>>) src(%dma_wait3A_163 : memref<10000x128xf32, #tpu.memory_space<hbm>>) dst(%arg10 : memref<128x128xf32, #tpu.memory_space<vmem>>)
      %run_scoped3A_164 = arith.constant 1 : i32
      "tpu.region"() ({
        %run_scoped3A_319 = tpu.sem_alloc : memref<!tpu.dma_semaphore, #tpu.memory_space<semaphore_mem>>
        %dma_start3A_320 = arith.constant 0 : i32
        %dma_start3A_321 = tpu.memref_slice %arg6[%run_scoped3A_164, %dma_start3A_320] : memref<4x128xi32, #tpu.memory_space<vmem>> -> memref<1x128xi32, #tpu.memory_space<vmem>>
        %dma_start3A_322 = tpu.memref_squeeze %dma_start3A_321 : memref<1x128xi32, #tpu.memory_space<vmem>> -> memref<128xi32, #tpu.memory_space<vmem>>
        %dma_start3A_323 = arith.constant 0 : i32
        %dma_start3A_324 = arith.constant 0 : i32
        %dma_start3A_325 = tpu.memref_slice %arg11[%dma_start3A_323, %dma_start3A_324] : memref<10112x128xf32, #tpu.memory_space<vmem_shared>> -> memref<10112x128xf32, #tpu.memory_space<vmem_shared>>
        tpu.enqueue_indirect_dma source(%arg10 : memref<128x128xf32, #tpu.memory_space<vmem>>) target(%dma_start3A_325 : memref<10112x128xf32, #tpu.memory_space<vmem_shared>>) offsets(%dma_start3A_322 : memref<128xi32, #tpu.memory_space<vmem>>) semaphore(%run_scoped3A_319 : memref<!tpu.dma_semaphore, #tpu.memory_space<semaphore_mem>>) {add = true}
        %dma_wait3A_326 = arith.constant 0 : i32
        %dma_wait3A_327 = tpu.memref_slice %arg6[%run_scoped3A_164, %dma_wait3A_326] : memref<4x128xi32, #tpu.memory_space<vmem>> -> memref<1x128xi32, #tpu.memory_space<vmem>>
        %dma_wait3A_328 = tpu.memref_squeeze %dma_wait3A_327 : memref<1x128xi32, #tpu.memory_space<vmem>> -> memref<128xi32, #tpu.memory_space<vmem>>
        %dma_wait3A_329 = arith.constant 0 : i32
        %dma_wait3A_330 = arith.constant 0 : i32
        %dma_wait3A_331 = tpu.memref_slice %arg11[%dma_wait3A_329, %dma_wait3A_330] : memref<10112x128xf32, #tpu.memory_space<vmem_shared>> -> memref<10112x128xf32, #tpu.memory_space<vmem_shared>>
        tpu.wait_indirect_dma semaphore(%run_scoped3A_319 : memref<!tpu.dma_semaphore, #tpu.memory_space<semaphore_mem>>) src(%arg10 : memref<128x128xf32, #tpu.memory_space<vmem>>) dst(%dma_wait3A_331 : memref<10112x128xf32, #tpu.memory_space<vmem_shared>>)
        tpu.yield
      }) : () -> ()
      %dma_start3A_165 = arith.constant 3 : i32
      %dma_start3A_166 = arith.constant 0 : i32
      %dma_start3A_167 = tpu.memref_slice %arg5[%dma_start3A_165, %dma_start3A_166] : memref<4x128xi32, #tpu.memory_space<vmem>> -> memref<1x128xi32, #tpu.memory_space<vmem>>
      %dma_start3A_168 = tpu.memref_squeeze %dma_start3A_167 : memref<1x128xi32, #tpu.memory_space<vmem>> -> memref<128xi32, #tpu.memory_space<vmem>>
      %dma_start3A_169 = arith.constant 0 : i32
      %dma_start3A_170 = arith.constant 0 : i32
      %dma_start3A_171 = tpu.memref_slice %arg2[%dma_start3A_169, %dma_start3A_170] : memref<10000x128xf32, #tpu.memory_space<hbm>> -> memref<10000x128xf32, #tpu.memory_space<hbm>>
      tpu.enqueue_indirect_dma source(%dma_start3A_171 : memref<10000x128xf32, #tpu.memory_space<hbm>>) target(%arg10 : memref<128x128xf32, #tpu.memory_space<vmem>>) offsets(%dma_start3A_168 : memref<128xi32, #tpu.memory_space<vmem>>) semaphore(%arg13 : memref<!tpu.dma_semaphore, #tpu.memory_space<semaphore_mem>>)
      %dma_wait3A_172 = arith.constant 0 : i32
      %dma_wait3A_173 = arith.constant 0 : i32
      %dma_wait3A_174 = tpu.memref_slice %arg5[%dma_wait3A_172, %dma_wait3A_173] : memref<4x128xi32, #tpu.memory_space<vmem>> -> memref<1x128xi32, #tpu.memory_space<vmem>>
      %dma_wait3A_175 = tpu.memref_squeeze %dma_wait3A_174 : memref<1x128xi32, #tpu.memory_space<vmem>> -> memref<128xi32, #tpu.memory_space<vmem>>
      %dma_wait3A_176 = arith.constant 0 : i32
      %dma_wait3A_177 = arith.constant 0 : i32
      %dma_wait3A_178 = tpu.memref_slice %arg2[%dma_wait3A_176, %dma_wait3A_177] : memref<10000x128xf32, #tpu.memory_space<hbm>> -> memref<10000x128xf32, #tpu.memory_space<hbm>>
      tpu.wait_indirect_dma semaphore(%arg12 : memref<!tpu.dma_semaphore, #tpu.memory_space<semaphore_mem>>) src(%dma_wait3A_178 : memref<10000x128xf32, #tpu.memory_space<hbm>>) dst(%arg9 : memref<128x128xf32, #tpu.memory_space<vmem>>)
      %run_scoped3A_179 = arith.constant 2 : i32
      "tpu.region"() ({
        %run_scoped3A_319 = tpu.sem_alloc : memref<!tpu.dma_semaphore, #tpu.memory_space<semaphore_mem>>
        %dma_start3A_320 = arith.constant 0 : i32
        %dma_start3A_321 = tpu.memref_slice %arg6[%run_scoped3A_179, %dma_start3A_320] : memref<4x128xi32, #tpu.memory_space<vmem>> -> memref<1x128xi32, #tpu.memory_space<vmem>>
        %dma_start3A_322 = tpu.memref_squeeze %dma_start3A_321 : memref<1x128xi32, #tpu.memory_space<vmem>> -> memref<128xi32, #tpu.memory_space<vmem>>
        %dma_start3A_323 = arith.constant 0 : i32
        %dma_start3A_324 = arith.constant 0 : i32
        %dma_start3A_325 = tpu.memref_slice %arg11[%dma_start3A_323, %dma_start3A_324] : memref<10112x128xf32, #tpu.memory_space<vmem_shared>> -> memref<10112x128xf32, #tpu.memory_space<vmem_shared>>
        tpu.enqueue_indirect_dma source(%arg9 : memref<128x128xf32, #tpu.memory_space<vmem>>) target(%dma_start3A_325 : memref<10112x128xf32, #tpu.memory_space<vmem_shared>>) offsets(%dma_start3A_322 : memref<128xi32, #tpu.memory_space<vmem>>) semaphore(%run_scoped3A_319 : memref<!tpu.dma_semaphore, #tpu.memory_space<semaphore_mem>>) {add = true}
        %dma_wait3A_326 = arith.constant 0 : i32
        %dma_wait3A_327 = tpu.memref_slice %arg6[%run_scoped3A_179, %dma_wait3A_326] : memref<4x128xi32, #tpu.memory_space<vmem>> -> memref<1x128xi32, #tpu.memory_space<vmem>>
        %dma_wait3A_328 = tpu.memref_squeeze %dma_wait3A_327 : memref<1x128xi32, #tpu.memory_space<vmem>> -> memref<128xi32, #tpu.memory_space<vmem>>
        %dma_wait3A_329 = arith.constant 0 : i32
        %dma_wait3A_330 = arith.constant 0 : i32
        %dma_wait3A_331 = tpu.memref_slice %arg11[%dma_wait3A_329, %dma_wait3A_330] : memref<10112x128xf32, #tpu.memory_space<vmem_shared>> -> memref<10112x128xf32, #tpu.memory_space<vmem_shared>>
        tpu.wait_indirect_dma semaphore(%run_scoped3A_319 : memref<!tpu.dma_semaphore, #tpu.memory_space<semaphore_mem>>) src(%arg9 : memref<128x128xf32, #tpu.memory_space<vmem>>) dst(%dma_wait3A_331 : memref<10112x128xf32, #tpu.memory_space<vmem_shared>>)
        tpu.yield
      }) : () -> ()
      %dma_wait3A_180 = arith.constant 0 : i32
      %dma_wait3A_181 = arith.constant 0 : i32
      %dma_wait3A_182 = arith.constant 0 : i32
      %dma_wait3A_183 = tpu.memref_slice %arg3[%dma_wait3A_180, %dma_wait3A_181, %dma_wait3A_182] : memref<2x2500x128xi32, #tpu.memory_space<hbm>> -> memref<1x4x128xi32, #tpu.memory_space<hbm>>
      %dma_wait3A_184 = tpu.memref_squeeze %dma_wait3A_183 : memref<1x4x128xi32, #tpu.memory_space<hbm>> -> memref<4x128xi32, #tpu.memory_space<hbm>>
      %dma_wait3A_185 = arith.constant 0 : i32
      %dma_wait3A_186 = arith.constant 0 : i32
      %dma_wait3A_187 = tpu.memref_slice %arg3[%dma_wait3A_180, %dma_wait3A_185, %dma_wait3A_186] : memref<2x2500x128xi32, #tpu.memory_space<hbm>> -> memref<1x4x128xi32, #tpu.memory_space<hbm>>
      %dma_wait3A_188 = tpu.memref_squeeze %dma_wait3A_187 : memref<1x4x128xi32, #tpu.memory_space<hbm>> -> memref<4x128xi32, #tpu.memory_space<hbm>>
      tpu.wait_dma2 semaphore(%arg15 : memref<!tpu.dma_semaphore, #tpu.memory_space<semaphore_mem>>) src(%dma_wait3A_188 : memref<4x128xi32, #tpu.memory_space<hbm>>) dst(%arg7 : memref<4x128xi32, #tpu.memory_space<vmem>>)
      %dma_wait3A_189 = arith.constant 1 : i32
      %dma_wait3A_190 = arith.constant 0 : i32
      %dma_wait3A_191 = arith.constant 0 : i32
      %dma_wait3A_192 = tpu.memref_slice %arg3[%dma_wait3A_189, %dma_wait3A_190, %dma_wait3A_191] : memref<2x2500x128xi32, #tpu.memory_space<hbm>> -> memref<1x4x128xi32, #tpu.memory_space<hbm>>
      %dma_wait3A_193 = tpu.memref_squeeze %dma_wait3A_192 : memref<1x4x128xi32, #tpu.memory_space<hbm>> -> memref<4x128xi32, #tpu.memory_space<hbm>>
      %dma_wait3A_194 = arith.constant 0 : i32
      %dma_wait3A_195 = arith.constant 0 : i32
      %dma_wait3A_196 = tpu.memref_slice %arg3[%dma_wait3A_189, %dma_wait3A_194, %dma_wait3A_195] : memref<2x2500x128xi32, #tpu.memory_space<hbm>> -> memref<1x4x128xi32, #tpu.memory_space<hbm>>
      %dma_wait3A_197 = tpu.memref_squeeze %dma_wait3A_196 : memref<1x4x128xi32, #tpu.memory_space<hbm>> -> memref<4x128xi32, #tpu.memory_space<hbm>>
      tpu.wait_dma2 semaphore(%arg15 : memref<!tpu.dma_semaphore, #tpu.memory_space<semaphore_mem>>) src(%dma_wait3A_197 : memref<4x128xi32, #tpu.memory_space<hbm>>) dst(%arg8 : memref<4x128xi32, #tpu.memory_space<vmem>>)
      %dma_start3A_198 = arith.constant 0 : i32
      %dma_start3A_199 = arith.constant 0 : i32
      %dma_start3A_200 = tpu.memref_slice %arg7[%dma_start3A_198, %dma_start3A_199] : memref<4x128xi32, #tpu.memory_space<vmem>> -> memref<1x128xi32, #tpu.memory_space<vmem>>
      %dma_start3A_201 = tpu.memref_squeeze %dma_start3A_200 : memref<1x128xi32, #tpu.memory_space<vmem>> -> memref<128xi32, #tpu.memory_space<vmem>>
      %dma_start3A_202 = arith.constant 0 : i32
      %dma_start3A_203 = arith.constant 0 : i32
      %dma_start3A_204 = tpu.memref_slice %arg2[%dma_start3A_202, %dma_start3A_203] : memref<10000x128xf32, #tpu.memory_space<hbm>> -> memref<10000x128xf32, #tpu.memory_space<hbm>>
      tpu.enqueue_indirect_dma source(%dma_start3A_204 : memref<10000x128xf32, #tpu.memory_space<hbm>>) target(%arg9 : memref<128x128xf32, #tpu.memory_space<vmem>>) offsets(%dma_start3A_201 : memref<128xi32, #tpu.memory_space<vmem>>) semaphore(%arg12 : memref<!tpu.dma_semaphore, #tpu.memory_space<semaphore_mem>>)
      %dma_wait3A_205 = arith.constant 0 : i32
      %dma_wait3A_206 = arith.constant 0 : i32
      %dma_wait3A_207 = tpu.memref_slice %arg5[%dma_wait3A_205, %dma_wait3A_206] : memref<4x128xi32, #tpu.memory_space<vmem>> -> memref<1x128xi32, #tpu.memory_space<vmem>>
      %dma_wait3A_208 = tpu.memref_squeeze %dma_wait3A_207 : memref<1x128xi32, #tpu.memory_space<vmem>> -> memref<128xi32, #tpu.memory_space<vmem>>
      %dma_wait3A_209 = arith.constant 0 : i32
      %dma_wait3A_210 = arith.constant 0 : i32
      %dma_wait3A_211 = tpu.memref_slice %arg2[%dma_wait3A_209, %dma_wait3A_210] : memref<10000x128xf32, #tpu.memory_space<hbm>> -> memref<10000x128xf32, #tpu.memory_space<hbm>>
      tpu.wait_indirect_dma semaphore(%arg13 : memref<!tpu.dma_semaphore, #tpu.memory_space<semaphore_mem>>) src(%dma_wait3A_211 : memref<10000x128xf32, #tpu.memory_space<hbm>>) dst(%arg10 : memref<128x128xf32, #tpu.memory_space<vmem>>)
      %run_scoped3A_212 = arith.constant 3 : i32
      "tpu.region"() ({
        %run_scoped3A_319 = tpu.sem_alloc : memref<!tpu.dma_semaphore, #tpu.memory_space<semaphore_mem>>
        %dma_start3A_320 = arith.constant 0 : i32
        %dma_start3A_321 = tpu.memref_slice %arg6[%run_scoped3A_212, %dma_start3A_320] : memref<4x128xi32, #tpu.memory_space<vmem>> -> memref<1x128xi32, #tpu.memory_space<vmem>>
        %dma_start3A_322 = tpu.memref_squeeze %dma_start3A_321 : memref<1x128xi32, #tpu.memory_space<vmem>> -> memref<128xi32, #tpu.memory_space<vmem>>
        %dma_start3A_323 = arith.constant 0 : i32
        %dma_start3A_324 = arith.constant 0 : i32
        %dma_start3A_325 = tpu.memref_slice %arg11[%dma_start3A_323, %dma_start3A_324] : memref<10112x128xf32, #tpu.memory_space<vmem_shared>> -> memref<10112x128xf32, #tpu.memory_space<vmem_shared>>
        tpu.enqueue_indirect_dma source(%arg10 : memref<128x128xf32, #tpu.memory_space<vmem>>) target(%dma_start3A_325 : memref<10112x128xf32, #tpu.memory_space<vmem_shared>>) offsets(%dma_start3A_322 : memref<128xi32, #tpu.memory_space<vmem>>) semaphore(%run_scoped3A_319 : memref<!tpu.dma_semaphore, #tpu.memory_space<semaphore_mem>>) {add = true}
        %dma_wait3A_326 = arith.constant 0 : i32
        %dma_wait3A_327 = tpu.memref_slice %arg6[%run_scoped3A_212, %dma_wait3A_326] : memref<4x128xi32, #tpu.memory_space<vmem>> -> memref<1x128xi32, #tpu.memory_space<vmem>>
        %dma_wait3A_328 = tpu.memref_squeeze %dma_wait3A_327 : memref<1x128xi32, #tpu.memory_space<vmem>> -> memref<128xi32, #tpu.memory_space<vmem>>
        %dma_wait3A_329 = arith.constant 0 : i32
        %dma_wait3A_330 = arith.constant 0 : i32
        %dma_wait3A_331 = tpu.memref_slice %arg11[%dma_wait3A_329, %dma_wait3A_330] : memref<10112x128xf32, #tpu.memory_space<vmem_shared>> -> memref<10112x128xf32, #tpu.memory_space<vmem_shared>>
        tpu.wait_indirect_dma semaphore(%run_scoped3A_319 : memref<!tpu.dma_semaphore, #tpu.memory_space<semaphore_mem>>) src(%arg10 : memref<128x128xf32, #tpu.memory_space<vmem>>) dst(%dma_wait3A_331 : memref<10112x128xf32, #tpu.memory_space<vmem_shared>>)
        tpu.yield
      }) : () -> ()
      %dma_start3A_213 = arith.constant 0 : i32
      %dma_start3A_214 = arith.constant 0 : i32
      %dma_start3A_215 = tpu.memref_slice %arg3[%dma_start3A_213, %min3A_130, %dma_start3A_214] : memref<2x2500x128xi32, #tpu.memory_space<hbm>> -> memref<1x4x128xi32, #tpu.memory_space<hbm>>
      %dma_start3A_216 = tpu.memref_squeeze %dma_start3A_215 : memref<1x4x128xi32, #tpu.memory_space<hbm>> -> memref<4x128xi32, #tpu.memory_space<hbm>>
      %dma_start3A_217 = arith.constant 0 : i32
      %dma_start3A_218 = tpu.memref_slice %arg3[%dma_start3A_213, %min3A_130, %dma_start3A_217] : memref<2x2500x128xi32, #tpu.memory_space<hbm>> -> memref<1x4x128xi32, #tpu.memory_space<hbm>>
      %dma_start3A_219 = tpu.memref_squeeze %dma_start3A_218 : memref<1x4x128xi32, #tpu.memory_space<hbm>> -> memref<4x128xi32, #tpu.memory_space<hbm>>
      tpu.enqueue_dma source(%dma_start3A_219 : memref<4x128xi32, #tpu.memory_space<hbm>>) target(%arg5 : memref<4x128xi32, #tpu.memory_space<vmem>>) target_semaphore(%arg14 : memref<!tpu.dma_semaphore, #tpu.memory_space<semaphore_mem>>)
      %dma_start3A_220 = arith.constant 1 : i32
      %dma_start3A_221 = arith.constant 0 : i32
      %dma_start3A_222 = tpu.memref_slice %arg3[%dma_start3A_220, %min3A_130, %dma_start3A_221] : memref<2x2500x128xi32, #tpu.memory_space<hbm>> -> memref<1x4x128xi32, #tpu.memory_space<hbm>>
      %dma_start3A_223 = tpu.memref_squeeze %dma_start3A_222 : memref<1x4x128xi32, #tpu.memory_space<hbm>> -> memref<4x128xi32, #tpu.memory_space<hbm>>
      %dma_start3A_224 = arith.constant 0 : i32
      %dma_start3A_225 = tpu.memref_slice %arg3[%dma_start3A_220, %min3A_130, %dma_start3A_224] : memref<2x2500x128xi32, #tpu.memory_space<hbm>> -> memref<1x4x128xi32, #tpu.memory_space<hbm>>
      %dma_start3A_226 = tpu.memref_squeeze %dma_start3A_225 : memref<1x4x128xi32, #tpu.memory_space<hbm>> -> memref<4x128xi32, #tpu.memory_space<hbm>>
      tpu.enqueue_dma source(%dma_start3A_226 : memref<4x128xi32, #tpu.memory_space<hbm>>) target(%arg6 : memref<4x128xi32, #tpu.memory_space<vmem>>) target_semaphore(%arg14 : memref<!tpu.dma_semaphore, #tpu.memory_space<semaphore_mem>>)
      %dma_start3A_227 = arith.constant 1 : i32
      %dma_start3A_228 = arith.constant 0 : i32
      %dma_start3A_229 = tpu.memref_slice %arg7[%dma_start3A_227, %dma_start3A_228] : memref<4x128xi32, #tpu.memory_space<vmem>> -> memref<1x128xi32, #tpu.memory_space<vmem>>
      %dma_start3A_230 = tpu.memref_squeeze %dma_start3A_229 : memref<1x128xi32, #tpu.memory_space<vmem>> -> memref<128xi32, #tpu.memory_space<vmem>>
      %dma_start3A_231 = arith.constant 0 : i32
      %dma_start3A_232 = arith.constant 0 : i32
      %dma_start3A_233 = tpu.memref_slice %arg2[%dma_start3A_231, %dma_start3A_232] : memref<10000x128xf32, #tpu.memory_space<hbm>> -> memref<10000x128xf32, #tpu.memory_space<hbm>>
      tpu.enqueue_indirect_dma source(%dma_start3A_233 : memref<10000x128xf32, #tpu.memory_space<hbm>>) target(%arg10 : memref<128x128xf32, #tpu.memory_space<vmem>>) offsets(%dma_start3A_230 : memref<128xi32, #tpu.memory_space<vmem>>) semaphore(%arg13 : memref<!tpu.dma_semaphore, #tpu.memory_space<semaphore_mem>>)
      %dma_wait3A_234 = arith.constant 0 : i32
      %dma_wait3A_235 = arith.constant 0 : i32
      %dma_wait3A_236 = tpu.memref_slice %arg5[%dma_wait3A_234, %dma_wait3A_235] : memref<4x128xi32, #tpu.memory_space<vmem>> -> memref<1x128xi32, #tpu.memory_space<vmem>>
      %dma_wait3A_237 = tpu.memref_squeeze %dma_wait3A_236 : memref<1x128xi32, #tpu.memory_space<vmem>> -> memref<128xi32, #tpu.memory_space<vmem>>
      %dma_wait3A_238 = arith.constant 0 : i32
      %dma_wait3A_239 = arith.constant 0 : i32
      %dma_wait3A_240 = tpu.memref_slice %arg2[%dma_wait3A_238, %dma_wait3A_239] : memref<10000x128xf32, #tpu.memory_space<hbm>> -> memref<10000x128xf32, #tpu.memory_space<hbm>>
      tpu.wait_indirect_dma semaphore(%arg12 : memref<!tpu.dma_semaphore, #tpu.memory_space<semaphore_mem>>) src(%dma_wait3A_240 : memref<10000x128xf32, #tpu.memory_space<hbm>>) dst(%arg9 : memref<128x128xf32, #tpu.memory_space<vmem>>)
      %run_scoped3A_241 = arith.constant 0 : i32
      "tpu.region"() ({
        %run_scoped3A_319 = tpu.sem_alloc : memref<!tpu.dma_semaphore, #tpu.memory_space<semaphore_mem>>
        %dma_start3A_320 = arith.constant 0 : i32
        %dma_start3A_321 = tpu.memref_slice %arg8[%run_scoped3A_241, %dma_start3A_320] : memref<4x128xi32, #tpu.memory_space<vmem>> -> memref<1x128xi32, #tpu.memory_space<vmem>>
        %dma_start3A_322 = tpu.memref_squeeze %dma_start3A_321 : memref<1x128xi32, #tpu.memory_space<vmem>> -> memref<128xi32, #tpu.memory_space<vmem>>
        %dma_start3A_323 = arith.constant 0 : i32
        %dma_start3A_324 = arith.constant 0 : i32
        %dma_start3A_325 = tpu.memref_slice %arg11[%dma_start3A_323, %dma_start3A_324] : memref<10112x128xf32, #tpu.memory_space<vmem_shared>> -> memref<10112x128xf32, #tpu.memory_space<vmem_shared>>
        tpu.enqueue_indirect_dma source(%arg9 : memref<128x128xf32, #tpu.memory_space<vmem>>) target(%dma_start3A_325 : memref<10112x128xf32, #tpu.memory_space<vmem_shared>>) offsets(%dma_start3A_322 : memref<128xi32, #tpu.memory_space<vmem>>) semaphore(%run_scoped3A_319 : memref<!tpu.dma_semaphore, #tpu.memory_space<semaphore_mem>>) {add = true}
        %dma_wait3A_326 = arith.constant 0 : i32
        %dma_wait3A_327 = tpu.memref_slice %arg8[%run_scoped3A_241, %dma_wait3A_326] : memref<4x128xi32, #tpu.memory_space<vmem>> -> memref<1x128xi32, #tpu.memory_space<vmem>>
        %dma_wait3A_328 = tpu.memref_squeeze %dma_wait3A_327 : memref<1x128xi32, #tpu.memory_space<vmem>> -> memref<128xi32, #tpu.memory_space<vmem>>
        %dma_wait3A_329 = arith.constant 0 : i32
        %dma_wait3A_330 = arith.constant 0 : i32
        %dma_wait3A_331 = tpu.memref_slice %arg11[%dma_wait3A_329, %dma_wait3A_330] : memref<10112x128xf32, #tpu.memory_space<vmem_shared>> -> memref<10112x128xf32, #tpu.memory_space<vmem_shared>>
        tpu.wait_indirect_dma semaphore(%run_scoped3A_319 : memref<!tpu.dma_semaphore, #tpu.memory_space<semaphore_mem>>) src(%arg9 : memref<128x128xf32, #tpu.memory_space<vmem>>) dst(%dma_wait3A_331 : memref<10112x128xf32, #tpu.memory_space<vmem_shared>>)
        tpu.yield
      }) : () -> ()
      %dma_start3A_242 = arith.constant 2 : i32
      %dma_start3A_243 = arith.constant 0 : i32
      %dma_start3A_244 = tpu.memref_slice %arg7[%dma_start3A_242, %dma_start3A_243] : memref<4x128xi32, #tpu.memory_space<vmem>> -> memref<1x128xi32, #tpu.memory_space<vmem>>
      %dma_start3A_245 = tpu.memref_squeeze %dma_start3A_244 : memref<1x128xi32, #tpu.memory_space<vmem>> -> memref<128xi32, #tpu.memory_space<vmem>>
      %dma_start3A_246 = arith.constant 0 : i32
      %dma_start3A_247 = arith.constant 0 : i32
      %dma_start3A_248 = tpu.memref_slice %arg2[%dma_start3A_246, %dma_start3A_247] : memref<10000x128xf32, #tpu.memory_space<hbm>> -> memref<10000x128xf32, #tpu.memory_space<hbm>>
      tpu.enqueue_indirect_dma source(%dma_start3A_248 : memref<10000x128xf32, #tpu.memory_space<hbm>>) target(%arg9 : memref<128x128xf32, #tpu.memory_space<vmem>>) offsets(%dma_start3A_245 : memref<128xi32, #tpu.memory_space<vmem>>) semaphore(%arg12 : memref<!tpu.dma_semaphore, #tpu.memory_space<semaphore_mem>>)
      %dma_wait3A_249 = arith.constant 0 : i32
      %dma_wait3A_250 = arith.constant 0 : i32
      %dma_wait3A_251 = tpu.memref_slice %arg5[%dma_wait3A_249, %dma_wait3A_250] : memref<4x128xi32, #tpu.memory_space<vmem>> -> memref<1x128xi32, #tpu.memory_space<vmem>>
      %dma_wait3A_252 = tpu.memref_squeeze %dma_wait3A_251 : memref<1x128xi32, #tpu.memory_space<vmem>> -> memref<128xi32, #tpu.memory_space<vmem>>
      %dma_wait3A_253 = arith.constant 0 : i32
      %dma_wait3A_254 = arith.constant 0 : i32
      %dma_wait3A_255 = tpu.memref_slice %arg2[%dma_wait3A_253, %dma_wait3A_254] : memref<10000x128xf32, #tpu.memory_space<hbm>> -> memref<10000x128xf32, #tpu.memory_space<hbm>>
      tpu.wait_indirect_dma semaphore(%arg13 : memref<!tpu.dma_semaphore, #tpu.memory_space<semaphore_mem>>) src(%dma_wait3A_255 : memref<10000x128xf32, #tpu.memory_space<hbm>>) dst(%arg10 : memref<128x128xf32, #tpu.memory_space<vmem>>)
      %run_scoped3A_256 = arith.constant 1 : i32
      "tpu.region"() ({
        %run_scoped3A_319 = tpu.sem_alloc : memref<!tpu.dma_semaphore, #tpu.memory_space<semaphore_mem>>
        %dma_start3A_320 = arith.constant 0 : i32
        %dma_start3A_321 = tpu.memref_slice %arg8[%run_scoped3A_256, %dma_start3A_320] : memref<4x128xi32, #tpu.memory_space<vmem>> -> memref<1x128xi32, #tpu.memory_space<vmem>>
        %dma_start3A_322 = tpu.memref_squeeze %dma_start3A_321 : memref<1x128xi32, #tpu.memory_space<vmem>> -> memref<128xi32, #tpu.memory_space<vmem>>
        %dma_start3A_323 = arith.constant 0 : i32
        %dma_start3A_324 = arith.constant 0 : i32
        %dma_start3A_325 = tpu.memref_slice %arg11[%dma_start3A_323, %dma_start3A_324] : memref<10112x128xf32, #tpu.memory_space<vmem_shared>> -> memref<10112x128xf32, #tpu.memory_space<vmem_shared>>
        tpu.enqueue_indirect_dma source(%arg10 : memref<128x128xf32, #tpu.memory_space<vmem>>) target(%dma_start3A_325 : memref<10112x128xf32, #tpu.memory_space<vmem_shared>>) offsets(%dma_start3A_322 : memref<128xi32, #tpu.memory_space<vmem>>) semaphore(%run_scoped3A_319 : memref<!tpu.dma_semaphore, #tpu.memory_space<semaphore_mem>>) {add = true}
        %dma_wait3A_326 = arith.constant 0 : i32
        %dma_wait3A_327 = tpu.memref_slice %arg8[%run_scoped3A_256, %dma_wait3A_326] : memref<4x128xi32, #tpu.memory_space<vmem>> -> memref<1x128xi32, #tpu.memory_space<vmem>>
        %dma_wait3A_328 = tpu.memref_squeeze %dma_wait3A_327 : memref<1x128xi32, #tpu.memory_space<vmem>> -> memref<128xi32, #tpu.memory_space<vmem>>
        %dma_wait3A_329 = arith.constant 0 : i32
        %dma_wait3A_330 = arith.constant 0 : i32
        %dma_wait3A_331 = tpu.memref_slice %arg11[%dma_wait3A_329, %dma_wait3A_330] : memref<10112x128xf32, #tpu.memory_space<vmem_shared>> -> memref<10112x128xf32, #tpu.memory_space<vmem_shared>>
        tpu.wait_indirect_dma semaphore(%run_scoped3A_319 : memref<!tpu.dma_semaphore, #tpu.memory_space<semaphore_mem>>) src(%arg10 : memref<128x128xf32, #tpu.memory_space<vmem>>) dst(%dma_wait3A_331 : memref<10112x128xf32, #tpu.memory_space<vmem_shared>>)
        tpu.yield
      }) : () -> ()
      %dma_start3A_257 = arith.constant 3 : i32
      %dma_start3A_258 = arith.constant 0 : i32
      %dma_start3A_259 = tpu.memref_slice %arg7[%dma_start3A_257, %dma_start3A_258] : memref<4x128xi32, #tpu.memory_space<vmem>> -> memref<1x128xi32, #tpu.memory_space<vmem>>
      %dma_start3A_260 = tpu.memref_squeeze %dma_start3A_259 : memref<1x128xi32, #tpu.memory_space<vmem>> -> memref<128xi32, #tpu.memory_space<vmem>>
      %dma_start3A_261 = arith.constant 0 : i32
      %dma_start3A_262 = arith.constant 0 : i32
      %dma_start3A_263 = tpu.memref_slice %arg2[%dma_start3A_261, %dma_start3A_262] : memref<10000x128xf32, #tpu.memory_space<hbm>> -> memref<10000x128xf32, #tpu.memory_space<hbm>>
      tpu.enqueue_indirect_dma source(%dma_start3A_263 : memref<10000x128xf32, #tpu.memory_space<hbm>>) target(%arg10 : memref<128x128xf32, #tpu.memory_space<vmem>>) offsets(%dma_start3A_260 : memref<128xi32, #tpu.memory_space<vmem>>) semaphore(%arg13 : memref<!tpu.dma_semaphore, #tpu.memory_space<semaphore_mem>>)
      %dma_wait3A_264 = arith.constant 0 : i32
      %dma_wait3A_265 = arith.constant 0 : i32
      %dma_wait3A_266 = tpu.memref_slice %arg5[%dma_wait3A_264, %dma_wait3A_265] : memref<4x128xi32, #tpu.memory_space<vmem>> -> memref<1x128xi32, #tpu.memory_space<vmem>>
      %dma_wait3A_267 = tpu.memref_squeeze %dma_wait3A_266 : memref<1x128xi32, #tpu.memory_space<vmem>> -> memref<128xi32, #tpu.memory_space<vmem>>
      %dma_wait3A_268 = arith.constant 0 : i32
      %dma_wait3A_269 = arith.constant 0 : i32
      %dma_wait3A_270 = tpu.memref_slice %arg2[%dma_wait3A_268, %dma_wait3A_269] : memref<10000x128xf32, #tpu.memory_space<hbm>> -> memref<10000x128xf32, #tpu.memory_space<hbm>>
      tpu.wait_indirect_dma semaphore(%arg12 : memref<!tpu.dma_semaphore, #tpu.memory_space<semaphore_mem>>) src(%dma_wait3A_270 : memref<10000x128xf32, #tpu.memory_space<hbm>>) dst(%arg9 : memref<128x128xf32, #tpu.memory_space<vmem>>)
      %run_scoped3A_271 = arith.constant 2 : i32
      "tpu.region"() ({
        %run_scoped3A_319 = tpu.sem_alloc : memref<!tpu.dma_semaphore, #tpu.memory_space<semaphore_mem>>
        %dma_start3A_320 = arith.constant 0 : i32
        %dma_start3A_321 = tpu.memref_slice %arg8[%run_scoped3A_271, %dma_start3A_320] : memref<4x128xi32, #tpu.memory_space<vmem>> -> memref<1x128xi32, #tpu.memory_space<vmem>>
        %dma_start3A_322 = tpu.memref_squeeze %dma_start3A_321 : memref<1x128xi32, #tpu.memory_space<vmem>> -> memref<128xi32, #tpu.memory_space<vmem>>
        %dma_start3A_323 = arith.constant 0 : i32
        %dma_start3A_324 = arith.constant 0 : i32
        %dma_start3A_325 = tpu.memref_slice %arg11[%dma_start3A_323, %dma_start3A_324] : memref<10112x128xf32, #tpu.memory_space<vmem_shared>> -> memref<10112x128xf32, #tpu.memory_space<vmem_shared>>
        tpu.enqueue_indirect_dma source(%arg9 : memref<128x128xf32, #tpu.memory_space<vmem>>) target(%dma_start3A_325 : memref<10112x128xf32, #tpu.memory_space<vmem_shared>>) offsets(%dma_start3A_322 : memref<128xi32, #tpu.memory_space<vmem>>) semaphore(%run_scoped3A_319 : memref<!tpu.dma_semaphore, #tpu.memory_space<semaphore_mem>>) {add = true}
        %dma_wait3A_326 = arith.constant 0 : i32
        %dma_wait3A_327 = tpu.memref_slice %arg8[%run_scoped3A_271, %dma_wait3A_326] : memref<4x128xi32, #tpu.memory_space<vmem>> -> memref<1x128xi32, #tpu.memory_space<vmem>>
        %dma_wait3A_328 = tpu.memref_squeeze %dma_wait3A_327 : memref<1x128xi32, #tpu.memory_space<vmem>> -> memref<128xi32, #tpu.memory_space<vmem>>
        %dma_wait3A_329 = arith.constant 0 : i32
        %dma_wait3A_330 = arith.constant 0 : i32
        %dma_wait3A_331 = tpu.memref_slice %arg11[%dma_wait3A_329, %dma_wait3A_330] : memref<10112x128xf32, #tpu.memory_space<vmem_shared>> -> memref<10112x128xf32, #tpu.memory_space<vmem_shared>>
        tpu.wait_indirect_dma semaphore(%run_scoped3A_319 : memref<!tpu.dma_semaphore, #tpu.memory_space<semaphore_mem>>) src(%arg9 : memref<128x128xf32, #tpu.memory_space<vmem>>) dst(%dma_wait3A_331 : memref<10112x128xf32, #tpu.memory_space<vmem_shared>>)
        tpu.yield
      }) : () -> ()
      %dma_wait3A_272 = arith.constant 0 : i32
      %dma_wait3A_273 = arith.constant 0 : i32
      %dma_wait3A_274 = arith.constant 0 : i32
      %dma_wait3A_275 = tpu.memref_slice %arg3[%dma_wait3A_272, %dma_wait3A_273, %dma_wait3A_274] : memref<2x2500x128xi32, #tpu.memory_space<hbm>> -> memref<1x4x128xi32, #tpu.memory_space<hbm>>
      %dma_wait3A_276 = tpu.memref_squeeze %dma_wait3A_275 : memref<1x4x128xi32, #tpu.memory_space<hbm>> -> memref<4x128xi32, #tpu.memory_space<hbm>>
      %dma_wait3A_277 = arith.constant 0 : i32
      %dma_wait3A_278 = arith.constant 0 : i32
      %dma_wait3A_279 = tpu.memref_slice %arg3[%dma_wait3A_272, %dma_wait3A_277, %dma_wait3A_278] : memref<2x2500x128xi32, #tpu.memory_space<hbm>> -> memref<1x4x128xi32, #tpu.memory_space<hbm>>
      %dma_wait3A_280 = tpu.memref_squeeze %dma_wait3A_279 : memref<1x4x128xi32, #tpu.memory_space<hbm>> -> memref<4x128xi32, #tpu.memory_space<hbm>>
      tpu.wait_dma2 semaphore(%arg14 : memref<!tpu.dma_semaphore, #tpu.memory_space<semaphore_mem>>) src(%dma_wait3A_280 : memref<4x128xi32, #tpu.memory_space<hbm>>) dst(%arg5 : memref<4x128xi32, #tpu.memory_space<vmem>>)
      %dma_wait3A_281 = arith.constant 1 : i32
      %dma_wait3A_282 = arith.constant 0 : i32
      %dma_wait3A_283 = arith.constant 0 : i32
      %dma_wait3A_284 = tpu.memref_slice %arg3[%dma_wait3A_281, %dma_wait3A_282, %dma_wait3A_283] : memref<2x2500x128xi32, #tpu.memory_space<hbm>> -> memref<1x4x128xi32, #tpu.memory_space<hbm>>
      %dma_wait3A_285 = tpu.memref_squeeze %dma_wait3A_284 : memref<1x4x128xi32, #tpu.memory_space<hbm>> -> memref<4x128xi32, #tpu.memory_space<hbm>>
      %dma_wait3A_286 = arith.constant 0 : i32
      %dma_wait3A_287 = arith.constant 0 : i32
      %dma_wait3A_288 = tpu.memref_slice %arg3[%dma_wait3A_281, %dma_wait3A_286, %dma_wait3A_287] : memref<2x2500x128xi32, #tpu.memory_space<hbm>> -> memref<1x4x128xi32, #tpu.memory_space<hbm>>
      %dma_wait3A_289 = tpu.memref_squeeze %dma_wait3A_288 : memref<1x4x128xi32, #tpu.memory_space<hbm>> -> memref<4x128xi32, #tpu.memory_space<hbm>>
      tpu.wait_dma2 semaphore(%arg14 : memref<!tpu.dma_semaphore, #tpu.memory_space<semaphore_mem>>) src(%dma_wait3A_289 : memref<4x128xi32, #tpu.memory_space<hbm>>) dst(%arg6 : memref<4x128xi32, #tpu.memory_space<vmem>>)
      %dma_start3A_290 = arith.constant 0 : i32
      %dma_start3A_291 = arith.constant 0 : i32
      %dma_start3A_292 = tpu.memref_slice %arg5[%dma_start3A_290, %dma_start3A_291] : memref<4x128xi32, #tpu.memory_space<vmem>> -> memref<1x128xi32, #tpu.memory_space<vmem>>
      %dma_start3A_293 = tpu.memref_squeeze %dma_start3A_292 : memref<1x128xi32, #tpu.memory_space<vmem>> -> memref<128xi32, #tpu.memory_space<vmem>>
      %dma_start3A_294 = arith.constant 0 : i32
      %dma_start3A_295 = arith.constant 0 : i32
      %dma_start3A_296 = tpu.memref_slice %arg2[%dma_start3A_294, %dma_start3A_295] : memref<10000x128xf32, #tpu.memory_space<hbm>> -> memref<10000x128xf32, #tpu.memory_space<hbm>>
      tpu.enqueue_indirect_dma source(%dma_start3A_296 : memref<10000x128xf32, #tpu.memory_space<hbm>>) target(%arg9 : memref<128x128xf32, #tpu.memory_space<vmem>>) offsets(%dma_start3A_293 : memref<128xi32, #tpu.memory_space<vmem>>) semaphore(%arg12 : memref<!tpu.dma_semaphore, #tpu.memory_space<semaphore_mem>>)
      %dma_wait3A_297 = arith.constant 0 : i32
      %dma_wait3A_298 = arith.constant 0 : i32
      %dma_wait3A_299 = tpu.memref_slice %arg5[%dma_wait3A_297, %dma_wait3A_298] : memref<4x128xi32, #tpu.memory_space<vmem>> -> memref<1x128xi32, #tpu.memory_space<vmem>>
      %dma_wait3A_300 = tpu.memref_squeeze %dma_wait3A_299 : memref<1x128xi32, #tpu.memory_space<vmem>> -> memref<128xi32, #tpu.memory_space<vmem>>
      %dma_wait3A_301 = arith.constant 0 : i32
      %dma_wait3A_302 = arith.constant 0 : i32
      %dma_wait3A_303 = tpu.memref_slice %arg2[%dma_wait3A_301, %dma_wait3A_302] : memref<10000x128xf32, #tpu.memory_space<hbm>> -> memref<10000x128xf32, #tpu.memory_space<hbm>>
      tpu.wait_indirect_dma semaphore(%arg13 : memref<!tpu.dma_semaphore, #tpu.memory_space<semaphore_mem>>) src(%dma_wait3A_303 : memref<10000x128xf32, #tpu.memory_space<hbm>>) dst(%arg10 : memref<128x128xf32, #tpu.memory_space<vmem>>)
      %run_scoped3A_304 = arith.constant 3 : i32
      "tpu.region"() ({
        %run_scoped3A_319 = tpu.sem_alloc : memref<!tpu.dma_semaphore, #tpu.memory_space<semaphore_mem>>
        %dma_start3A_320 = arith.constant 0 : i32
        %dma_start3A_321 = tpu.memref_slice %arg8[%run_scoped3A_304, %dma_start3A_320] : memref<4x128xi32, #tpu.memory_space<vmem>> -> memref<1x128xi32, #tpu.memory_space<vmem>>
        %dma_start3A_322 = tpu.memref_squeeze %dma_start3A_321 : memref<1x128xi32, #tpu.memory_space<vmem>> -> memref<128xi32, #tpu.memory_space<vmem>>
        %dma_start3A_323 = arith.constant 0 : i32
        %dma_start3A_324 = arith.constant 0 : i32
        %dma_start3A_325 = tpu.memref_slice %arg11[%dma_start3A_323, %dma_start3A_324] : memref<10112x128xf32, #tpu.memory_space<vmem_shared>> -> memref<10112x128xf32, #tpu.memory_space<vmem_shared>>
        tpu.enqueue_indirect_dma source(%arg10 : memref<128x128xf32, #tpu.memory_space<vmem>>) target(%dma_start3A_325 : memref<10112x128xf32, #tpu.memory_space<vmem_shared>>) offsets(%dma_start3A_322 : memref<128xi32, #tpu.memory_space<vmem>>) semaphore(%run_scoped3A_319 : memref<!tpu.dma_semaphore, #tpu.memory_space<semaphore_mem>>) {add = true}
        %dma_wait3A_326 = arith.constant 0 : i32
        %dma_wait3A_327 = tpu.memref_slice %arg8[%run_scoped3A_304, %dma_wait3A_326] : memref<4x128xi32, #tpu.memory_space<vmem>> -> memref<1x128xi32, #tpu.memory_space<vmem>>
        %dma_wait3A_328 = tpu.memref_squeeze %dma_wait3A_327 : memref<1x128xi32, #tpu.memory_space<vmem>> -> memref<128xi32, #tpu.memory_space<vmem>>
        %dma_wait3A_329 = arith.constant 0 : i32
        %dma_wait3A_330 = arith.constant 0 : i32
        %dma_wait3A_331 = tpu.memref_slice %arg11[%dma_wait3A_329, %dma_wait3A_330] : memref<10112x128xf32, #tpu.memory_space<vmem_shared>> -> memref<10112x128xf32, #tpu.memory_space<vmem_shared>>
        tpu.wait_indirect_dma semaphore(%run_scoped3A_319 : memref<!tpu.dma_semaphore, #tpu.memory_space<semaphore_mem>>) src(%arg10 : memref<128x128xf32, #tpu.memory_space<vmem>>) dst(%dma_wait3A_331 : memref<10112x128xf32, #tpu.memory_space<vmem_shared>>)
        tpu.yield
      }) : () -> ()
      %dma_start3A_305 = arith.constant 0 : i32
      %dma_start3A_306 = arith.constant 0 : i32
      %dma_start3A_307 = tpu.memref_slice %arg3[%dma_start3A_305, %min3A_134, %dma_start3A_306] : memref<2x2500x128xi32, #tpu.memory_space<hbm>> -> memref<1x4x128xi32, #tpu.memory_space<hbm>>
      %dma_start3A_308 = tpu.memref_squeeze %dma_start3A_307 : memref<1x4x128xi32, #tpu.memory_space<hbm>> -> memref<4x128xi32, #tpu.memory_space<hbm>>
      %dma_start3A_309 = arith.constant 0 : i32
      %dma_start3A_310 = tpu.memref_slice %arg3[%dma_start3A_305, %min3A_134, %dma_start3A_309] : memref<2x2500x128xi32, #tpu.memory_space<hbm>> -> memref<1x4x128xi32, #tpu.memory_space<hbm>>
      %dma_start3A_311 = tpu.memref_squeeze %dma_start3A_310 : memref<1x4x128xi32, #tpu.memory_space<hbm>> -> memref<4x128xi32, #tpu.memory_space<hbm>>
      tpu.enqueue_dma source(%dma_start3A_311 : memref<4x128xi32, #tpu.memory_space<hbm>>) target(%arg7 : memref<4x128xi32, #tpu.memory_space<vmem>>) target_semaphore(%arg15 : memref<!tpu.dma_semaphore, #tpu.memory_space<semaphore_mem>>)
      %dma_start3A_312 = arith.constant 1 : i32
      %dma_start3A_313 = arith.constant 0 : i32
      %dma_start3A_314 = tpu.memref_slice %arg3[%dma_start3A_312, %min3A_134, %dma_start3A_313] : memref<2x2500x128xi32, #tpu.memory_space<hbm>> -> memref<1x4x128xi32, #tpu.memory_space<hbm>>
      %dma_start3A_315 = tpu.memref_squeeze %dma_start3A_314 : memref<1x4x128xi32, #tpu.memory_space<hbm>> -> memref<4x128xi32, #tpu.memory_space<hbm>>
      %dma_start3A_316 = arith.constant 0 : i32
      %dma_start3A_317 = tpu.memref_slice %arg3[%dma_start3A_312, %min3A_134, %dma_start3A_316] : memref<2x2500x128xi32, #tpu.memory_space<hbm>> -> memref<1x4x128xi32, #tpu.memory_space<hbm>>
      %dma_start3A_318 = tpu.memref_squeeze %dma_start3A_317 : memref<1x4x128xi32, #tpu.memory_space<hbm>> -> memref<4x128xi32, #tpu.memory_space<hbm>>
      tpu.enqueue_dma source(%dma_start3A_318 : memref<4x128xi32, #tpu.memory_space<hbm>>) target(%arg8 : memref<4x128xi32, #tpu.memory_space<vmem>>) target_semaphore(%arg15 : memref<!tpu.dma_semaphore, #tpu.memory_space<semaphore_mem>>)
    }
    %dma_wait3A = arith.constant 0 : i32
    %dma_wait3A_86 = arith.constant 0 : i32
    %dma_wait3A_87 = tpu.memref_slice %arg5[%dma_wait3A, %dma_wait3A_86] : memref<4x128xi32, #tpu.memory_space<vmem>> -> memref<1x128xi32, #tpu.memory_space<vmem>>
    %dma_wait3A_88 = tpu.memref_squeeze %dma_wait3A_87 : memref<1x128xi32, #tpu.memory_space<vmem>> -> memref<128xi32, #tpu.memory_space<vmem>>
    %dma_wait3A_89 = arith.constant 0 : i32
    %dma_wait3A_90 = arith.constant 0 : i32
    %dma_wait3A_91 = tpu.memref_slice %arg2[%dma_wait3A_89, %dma_wait3A_90] : memref<10000x128xf32, #tpu.memory_space<hbm>> -> memref<10000x128xf32, #tpu.memory_space<hbm>>
    tpu.wait_indirect_dma semaphore(%arg12 : memref<!tpu.dma_semaphore, #tpu.memory_space<semaphore_mem>>) src(%dma_wait3A_91 : memref<10000x128xf32, #tpu.memory_space<hbm>>) dst(%arg9 : memref<128x128xf32, #tpu.memory_space<vmem>>)
    %dma_wait3A_92 = arith.constant 0 : i32
    %dma_wait3A_93 = arith.constant 0 : i32
    %dma_wait3A_94 = arith.constant 0 : i32
    %dma_wait3A_95 = tpu.memref_slice %arg3[%dma_wait3A_92, %dma_wait3A_93, %dma_wait3A_94] : memref<2x2500x128xi32, #tpu.memory_space<hbm>> -> memref<1x4x128xi32, #tpu.memory_space<hbm>>
    %dma_wait3A_96 = tpu.memref_squeeze %dma_wait3A_95 : memref<1x4x128xi32, #tpu.memory_space<hbm>> -> memref<4x128xi32, #tpu.memory_space<hbm>>
    %dma_wait3A_97 = arith.constant 0 : i32
    %dma_wait3A_98 = arith.constant 0 : i32
    %dma_wait3A_99 = tpu.memref_slice %arg3[%dma_wait3A_92, %dma_wait3A_97, %dma_wait3A_98] : memref<2x2500x128xi32, #tpu.memory_space<hbm>> -> memref<1x4x128xi32, #tpu.memory_space<hbm>>
    %dma_wait3A_100 = tpu.memref_squeeze %dma_wait3A_99 : memref<1x4x128xi32, #tpu.memory_space<hbm>> -> memref<4x128xi32, #tpu.memory_space<hbm>>
    tpu.wait_dma2 semaphore(%arg15 : memref<!tpu.dma_semaphore, #tpu.memory_space<semaphore_mem>>) src(%dma_wait3A_100 : memref<4x128xi32, #tpu.memory_space<hbm>>) dst(%arg7 : memref<4x128xi32, #tpu.memory_space<vmem>>)
    %dma_wait3A_101 = arith.constant 1 : i32
    %dma_wait3A_102 = arith.constant 0 : i32
    %dma_wait3A_103 = arith.constant 0 : i32
    %dma_wait3A_104 = tpu.memref_slice %arg3[%dma_wait3A_101, %dma_wait3A_102, %dma_wait3A_103] : memref<2x2500x128xi32, #tpu.memory_space<hbm>> -> memref<1x4x128xi32, #tpu.memory_space<hbm>>
    %dma_wait3A_105 = tpu.memref_squeeze %dma_wait3A_104 : memref<1x4x128xi32, #tpu.memory_space<hbm>> -> memref<4x128xi32, #tpu.memory_space<hbm>>
    %dma_wait3A_106 = arith.constant 0 : i32
    %dma_wait3A_107 = arith.constant 0 : i32
    %dma_wait3A_108 = tpu.memref_slice %arg3[%dma_wait3A_101, %dma_wait3A_106, %dma_wait3A_107] : memref<2x2500x128xi32, #tpu.memory_space<hbm>> -> memref<1x4x128xi32, #tpu.memory_space<hbm>>
    %dma_wait3A_109 = tpu.memref_squeeze %dma_wait3A_108 : memref<1x4x128xi32, #tpu.memory_space<hbm>> -> memref<4x128xi32, #tpu.memory_space<hbm>>
    tpu.wait_dma2 semaphore(%arg15 : memref<!tpu.dma_semaphore, #tpu.memory_space<semaphore_mem>>) src(%dma_wait3A_109 : memref<4x128xi32, #tpu.memory_space<hbm>>) dst(%arg8 : memref<4x128xi32, #tpu.memory_space<vmem>>)
    %sub3A_110 = arith.constant 24 : i32
    %sub3A_111 = arith.subi %add3A, %sub3A_110 : i32
    %ge3A = arith.constant 24 : i32
    %ge3A_112 = arith.cmpi sge, %add3A, %ge3A : i32
    %lt3A_113 = arith.constant 28 : i32
    %lt3A_114 = arith.cmpi slt, %add3A, %lt3A_113 : i32
    %and3A_115 = arith.andi %ge3A_112, %lt3A_114 : i1
    %convert_element_type3A = arith.extui %and3A_115 : i1 to i32
    %cond3A = arith.constant 0 : i32
    %cond3A_116 = arith.cmpi ne, %convert_element_type3A, %cond3A : i32
    scf.if %cond3A_116 {
      %add3A_122 = arith.constant 2496 : i32
      %add3A_123 = arith.addi %add3A_122, %sub3A_111 : i32
      %run_scoped3A_124 = arith.constant 0 : i32
      "tpu.region"() ({
        %run_scoped3A_141 = tpu.sem_alloc : memref<!tpu.dma_semaphore, #tpu.memory_space<semaphore_mem>>
        %dma_start3A_142 = arith.constant 0 : i32
        %dma_start3A_143 = arith.constant 0 : i32
        %dma_start3A_144 = tpu.memref_slice %arg5[%dma_start3A_142, %dma_start3A_143] : memref<4x128xi32, #tpu.memory_space<vmem>> -> memref<1x128xi32, #tpu.memory_space<vmem>>
        %dma_start3A_145 = arith.constant 0 : i32
        %dma_start3A_146 = tpu.memref_slice %arg3[%run_scoped3A_124, %add3A_123, %dma_start3A_145] : memref<2x2500x128xi32, #tpu.memory_space<hbm>> -> memref<1x1x128xi32, #tpu.memory_space<hbm>>
        %dma_start3A_147 = tpu.memref_squeeze %dma_start3A_146 : memref<1x1x128xi32, #tpu.memory_space<hbm>> -> memref<1x128xi32, #tpu.memory_space<hbm>>
        %dma_start3A_148 = arith.constant 0 : i32
        %dma_start3A_149 = arith.constant 0 : i32
        %dma_start3A_150 = tpu.memref_slice %arg5[%dma_start3A_148, %dma_start3A_149] : memref<4x128xi32, #tpu.memory_space<vmem>> -> memref<1x128xi32, #tpu.memory_space<vmem>>
        %dma_start3A_151 = arith.constant 0 : i32
        %dma_start3A_152 = tpu.memref_slice %arg3[%run_scoped3A_124, %add3A_123, %dma_start3A_151] : memref<2x2500x128xi32, #tpu.memory_space<hbm>> -> memref<1x1x128xi32, #tpu.memory_space<hbm>>
        %dma_start3A_153 = tpu.memref_squeeze %dma_start3A_152 : memref<1x1x128xi32, #tpu.memory_space<hbm>> -> memref<1x128xi32, #tpu.memory_space<hbm>>
        tpu.enqueue_dma source(%dma_start3A_153 : memref<1x128xi32, #tpu.memory_space<hbm>>) target(%dma_start3A_150 : memref<1x128xi32, #tpu.memory_space<vmem>>) target_semaphore(%run_scoped3A_141 : memref<!tpu.dma_semaphore, #tpu.memory_space<semaphore_mem>>)
        %dma_wait3A_154 = arith.constant 0 : i32
        %dma_wait3A_155 = arith.constant 0 : i32
        %dma_wait3A_156 = tpu.memref_slice %arg5[%dma_wait3A_154, %dma_wait3A_155] : memref<4x128xi32, #tpu.memory_space<vmem>> -> memref<1x128xi32, #tpu.memory_space<vmem>>
        %dma_wait3A_157 = arith.constant 0 : i32
        %dma_wait3A_158 = tpu.memref_slice %arg3[%run_scoped3A_124, %add3A_123, %dma_wait3A_157] : memref<2x2500x128xi32, #tpu.memory_space<hbm>> -> memref<1x1x128xi32, #tpu.memory_space<hbm>>
        %dma_wait3A_159 = tpu.memref_squeeze %dma_wait3A_158 : memref<1x1x128xi32, #tpu.memory_space<hbm>> -> memref<1x128xi32, #tpu.memory_space<hbm>>
        %dma_wait3A_160 = arith.constant 0 : i32
        %dma_wait3A_161 = arith.constant 0 : i32
        %dma_wait3A_162 = tpu.memref_slice %arg5[%dma_wait3A_160, %dma_wait3A_161] : memref<4x128xi32, #tpu.memory_space<vmem>> -> memref<1x128xi32, #tpu.memory_space<vmem>>
        %dma_wait3A_163 = arith.constant 0 : i32
        %dma_wait3A_164 = tpu.memref_slice %arg3[%run_scoped3A_124, %add3A_123, %dma_wait3A_163] : memref<2x2500x128xi32, #tpu.memory_space<hbm>> -> memref<1x1x128xi32, #tpu.memory_space<hbm>>
        %dma_wait3A_165 = tpu.memref_squeeze %dma_wait3A_164 : memref<1x1x128xi32, #tpu.memory_space<hbm>> -> memref<1x128xi32, #tpu.memory_space<hbm>>
        tpu.wait_dma2 semaphore(%run_scoped3A_141 : memref<!tpu.dma_semaphore, #tpu.memory_space<semaphore_mem>>) src(%dma_wait3A_165 : memref<1x128xi32, #tpu.memory_space<hbm>>) dst(%dma_wait3A_162 : memref<1x128xi32, #tpu.memory_space<vmem>>)
        tpu.yield
      }) : () -> ()
      %run_scoped3A_125 = arith.constant 1 : i32
      "tpu.region"() ({
        %run_scoped3A_141 = tpu.sem_alloc : memref<!tpu.dma_semaphore, #tpu.memory_space<semaphore_mem>>
        %dma_start3A_142 = arith.constant 0 : i32
        %dma_start3A_143 = arith.constant 0 : i32
        %dma_start3A_144 = tpu.memref_slice %arg6[%dma_start3A_142, %dma_start3A_143] : memref<4x128xi32, #tpu.memory_space<vmem>> -> memref<1x128xi32, #tpu.memory_space<vmem>>
        %dma_start3A_145 = arith.constant 0 : i32
        %dma_start3A_146 = tpu.memref_slice %arg3[%run_scoped3A_125, %add3A_123, %dma_start3A_145] : memref<2x2500x128xi32, #tpu.memory_space<hbm>> -> memref<1x1x128xi32, #tpu.memory_space<hbm>>
        %dma_start3A_147 = tpu.memref_squeeze %dma_start3A_146 : memref<1x1x128xi32, #tpu.memory_space<hbm>> -> memref<1x128xi32, #tpu.memory_space<hbm>>
        %dma_start3A_148 = arith.constant 0 : i32
        %dma_start3A_149 = arith.constant 0 : i32
        %dma_start3A_150 = tpu.memref_slice %arg6[%dma_start3A_148, %dma_start3A_149] : memref<4x128xi32, #tpu.memory_space<vmem>> -> memref<1x128xi32, #tpu.memory_space<vmem>>
        %dma_start3A_151 = arith.constant 0 : i32
        %dma_start3A_152 = tpu.memref_slice %arg3[%run_scoped3A_125, %add3A_123, %dma_start3A_151] : memref<2x2500x128xi32, #tpu.memory_space<hbm>> -> memref<1x1x128xi32, #tpu.memory_space<hbm>>
        %dma_start3A_153 = tpu.memref_squeeze %dma_start3A_152 : memref<1x1x128xi32, #tpu.memory_space<hbm>> -> memref<1x128xi32, #tpu.memory_space<hbm>>
        tpu.enqueue_dma source(%dma_start3A_153 : memref<1x128xi32, #tpu.memory_space<hbm>>) target(%dma_start3A_150 : memref<1x128xi32, #tpu.memory_space<vmem>>) target_semaphore(%run_scoped3A_141 : memref<!tpu.dma_semaphore, #tpu.memory_space<semaphore_mem>>)
        %dma_wait3A_154 = arith.constant 0 : i32
        %dma_wait3A_155 = arith.constant 0 : i32
        %dma_wait3A_156 = tpu.memref_slice %arg6[%dma_wait3A_154, %dma_wait3A_155] : memref<4x128xi32, #tpu.memory_space<vmem>> -> memref<1x128xi32, #tpu.memory_space<vmem>>
        %dma_wait3A_157 = arith.constant 0 : i32
        %dma_wait3A_158 = tpu.memref_slice %arg3[%run_scoped3A_125, %add3A_123, %dma_wait3A_157] : memref<2x2500x128xi32, #tpu.memory_space<hbm>> -> memref<1x1x128xi32, #tpu.memory_space<hbm>>
        %dma_wait3A_159 = tpu.memref_squeeze %dma_wait3A_158 : memref<1x1x128xi32, #tpu.memory_space<hbm>> -> memref<1x128xi32, #tpu.memory_space<hbm>>
        %dma_wait3A_160 = arith.constant 0 : i32
        %dma_wait3A_161 = arith.constant 0 : i32
        %dma_wait3A_162 = tpu.memref_slice %arg6[%dma_wait3A_160, %dma_wait3A_161] : memref<4x128xi32, #tpu.memory_space<vmem>> -> memref<1x128xi32, #tpu.memory_space<vmem>>
        %dma_wait3A_163 = arith.constant 0 : i32
        %dma_wait3A_164 = tpu.memref_slice %arg3[%run_scoped3A_125, %add3A_123, %dma_wait3A_163] : memref<2x2500x128xi32, #tpu.memory_space<hbm>> -> memref<1x1x128xi32, #tpu.memory_space<hbm>>
        %dma_wait3A_165 = tpu.memref_squeeze %dma_wait3A_164 : memref<1x1x128xi32, #tpu.memory_space<hbm>> -> memref<1x128xi32, #tpu.memory_space<hbm>>
        tpu.wait_dma2 semaphore(%run_scoped3A_141 : memref<!tpu.dma_semaphore, #tpu.memory_space<semaphore_mem>>) src(%dma_wait3A_165 : memref<1x128xi32, #tpu.memory_space<hbm>>) dst(%dma_wait3A_162 : memref<1x128xi32, #tpu.memory_space<vmem>>)
        tpu.yield
      }) : () -> ()
      %dma_start3A_126 = arith.constant 0 : i32
      %dma_start3A_127 = arith.constant 0 : i32
      %dma_start3A_128 = tpu.memref_slice %arg5[%dma_start3A_126, %dma_start3A_127] : memref<4x128xi32, #tpu.memory_space<vmem>> -> memref<1x128xi32, #tpu.memory_space<vmem>>
      %dma_start3A_129 = tpu.memref_squeeze %dma_start3A_128 : memref<1x128xi32, #tpu.memory_space<vmem>> -> memref<128xi32, #tpu.memory_space<vmem>>
      %dma_start3A_130 = arith.constant 0 : i32
      %dma_start3A_131 = arith.constant 0 : i32
      %dma_start3A_132 = tpu.memref_slice %arg2[%dma_start3A_130, %dma_start3A_131] : memref<10000x128xf32, #tpu.memory_space<hbm>> -> memref<10000x128xf32, #tpu.memory_space<hbm>>
      tpu.enqueue_indirect_dma source(%dma_start3A_132 : memref<10000x128xf32, #tpu.memory_space<hbm>>) target(%arg9 : memref<128x128xf32, #tpu.memory_space<vmem>>) offsets(%dma_start3A_129 : memref<128xi32, #tpu.memory_space<vmem>>) semaphore(%arg12 : memref<!tpu.dma_semaphore, #tpu.memory_space<semaphore_mem>>)
      %dma_wait3A_133 = arith.constant 0 : i32
      %dma_wait3A_134 = arith.constant 0 : i32
      %dma_wait3A_135 = tpu.memref_slice %arg5[%dma_wait3A_133, %dma_wait3A_134] : memref<4x128xi32, #tpu.memory_space<vmem>> -> memref<1x128xi32, #tpu.memory_space<vmem>>
      %dma_wait3A_136 = tpu.memref_squeeze %dma_wait3A_135 : memref<1x128xi32, #tpu.memory_space<vmem>> -> memref<128xi32, #tpu.memory_space<vmem>>
      %dma_wait3A_137 = arith.constant 0 : i32
      %dma_wait3A_138 = arith.constant 0 : i32
      %dma_wait3A_139 = tpu.memref_slice %arg2[%dma_wait3A_137, %dma_wait3A_138] : memref<10000x128xf32, #tpu.memory_space<hbm>> -> memref<10000x128xf32, #tpu.memory_space<hbm>>
      tpu.wait_indirect_dma semaphore(%arg12 : memref<!tpu.dma_semaphore, #tpu.memory_space<semaphore_mem>>) src(%dma_wait3A_139 : memref<10000x128xf32, #tpu.memory_space<hbm>>) dst(%arg9 : memref<128x128xf32, #tpu.memory_space<vmem>>)
      %run_scoped3A_140 = arith.constant 0 : i32
      "tpu.region"() ({
        %run_scoped3A_141 = tpu.sem_alloc : memref<!tpu.dma_semaphore, #tpu.memory_space<semaphore_mem>>
        %dma_start3A_142 = arith.constant 0 : i32
        %dma_start3A_143 = tpu.memref_slice %arg6[%run_scoped3A_140, %dma_start3A_142] : memref<4x128xi32, #tpu.memory_space<vmem>> -> memref<1x128xi32, #tpu.memory_space<vmem>>
        %dma_start3A_144 = tpu.memref_squeeze %dma_start3A_143 : memref<1x128xi32, #tpu.memory_space<vmem>> -> memref<128xi32, #tpu.memory_space<vmem>>
        %dma_start3A_145 = arith.constant 0 : i32
        %dma_start3A_146 = arith.constant 0 : i32
        %dma_start3A_147 = tpu.memref_slice %arg11[%dma_start3A_145, %dma_start3A_146] : memref<10112x128xf32, #tpu.memory_space<vmem_shared>> -> memref<10112x128xf32, #tpu.memory_space<vmem_shared>>
        tpu.enqueue_indirect_dma source(%arg9 : memref<128x128xf32, #tpu.memory_space<vmem>>) target(%dma_start3A_147 : memref<10112x128xf32, #tpu.memory_space<vmem_shared>>) offsets(%dma_start3A_144 : memref<128xi32, #tpu.memory_space<vmem>>) semaphore(%run_scoped3A_141 : memref<!tpu.dma_semaphore, #tpu.memory_space<semaphore_mem>>) {add = true}
        %dma_wait3A_148 = arith.constant 0 : i32
        %dma_wait3A_149 = tpu.memref_slice %arg6[%run_scoped3A_140, %dma_wait3A_148] : memref<4x128xi32, #tpu.memory_space<vmem>> -> memref<1x128xi32, #tpu.memory_space<vmem>>
        %dma_wait3A_150 = tpu.memref_squeeze %dma_wait3A_149 : memref<1x128xi32, #tpu.memory_space<vmem>> -> memref<128xi32, #tpu.memory_space<vmem>>
        %dma_wait3A_151 = arith.constant 0 : i32
        %dma_wait3A_152 = arith.constant 0 : i32
        %dma_wait3A_153 = tpu.memref_slice %arg11[%dma_wait3A_151, %dma_wait3A_152] : memref<10112x128xf32, #tpu.memory_space<vmem_shared>> -> memref<10112x128xf32, #tpu.memory_space<vmem_shared>>
        tpu.wait_indirect_dma semaphore(%run_scoped3A_141 : memref<!tpu.dma_semaphore, #tpu.memory_space<semaphore_mem>>) src(%arg9 : memref<128x128xf32, #tpu.memory_space<vmem>>) dst(%dma_wait3A_153 : memref<10112x128xf32, #tpu.memory_space<vmem_shared>>)
        tpu.yield
      }) : () -> ()
    } else {
    }
    %barrier3A_117 = arith.constant 0 : index
    tpu.barrier barrier_id(%barrier3A_117)
    %mul3A_118 = arith.constant 632 : i32
    %mul3A_119 = arith.muli %arg1, %mul3A_118 : i32
    %mul3A_120 = arith.constant 632 : i32
    %mul3A_121 = arith.muli %arg1, %mul3A_120 : i32
    "tpu.region"() ({
      %run_scoped3A_122 = tpu.sem_alloc : memref<!tpu.dma_semaphore, #tpu.memory_space<semaphore_mem>>
      %dma_start3A_123 = arith.constant 0 : i32
      %dma_start3A_124 = tpu.memref_slice %arg4[%arg0, %mul3A_121, %dma_start3A_123] : memref<2x10112x128xf32, #tpu.memory_space<hbm>> -> memref<1x632x128xf32, #tpu.memory_space<hbm>>
      %dma_start3A_125 = tpu.memref_squeeze %dma_start3A_124 : memref<1x632x128xf32, #tpu.memory_space<hbm>> -> memref<632x128xf32, #tpu.memory_space<hbm>>
      %dma_start3A_126 = arith.constant 0 : i32
      %dma_start3A_127 = tpu.memref_slice %arg11[%mul3A_119, %dma_start3A_126] : memref<10112x128xf32, #tpu.memory_space<vmem_shared>> -> memref<632x128xf32, #tpu.memory_space<vmem_shared>>
      tpu.enqueue_dma source(%dma_start3A_127 : memref<632x128xf32, #tpu.memory_space<vmem_shared>>) target(%dma_start3A_125 : memref<632x128xf32, #tpu.memory_space<hbm>>) target_semaphore(%run_scoped3A_122 : memref<!tpu.dma_semaphore, #tpu.memory_space<semaphore_mem>>)
      %dma_wait3A_128 = arith.constant 0 : i32
      %dma_wait3A_129 = tpu.memref_slice %arg4[%arg0, %mul3A_121, %dma_wait3A_128] : memref<2x10112x128xf32, #tpu.memory_space<hbm>> -> memref<1x632x128xf32, #tpu.memory_space<hbm>>
      %dma_wait3A_130 = tpu.memref_squeeze %dma_wait3A_129 : memref<1x632x128xf32, #tpu.memory_space<hbm>> -> memref<632x128xf32, #tpu.memory_space<hbm>>
      %dma_wait3A_131 = arith.constant 0 : i32
      %dma_wait3A_132 = tpu.memref_slice %arg11[%mul3A_119, %dma_wait3A_131] : memref<10112x128xf32, #tpu.memory_space<vmem_shared>> -> memref<632x128xf32, #tpu.memory_space<vmem_shared>>
      tpu.wait_dma2 semaphore(%run_scoped3A_122 : memref<!tpu.dma_semaphore, #tpu.memory_space<semaphore_mem>>) src(%dma_wait3A_132 : memref<632x128xf32, #tpu.memory_space<vmem_shared>>) dst(%dma_wait3A_130 : memref<632x128xf32, #tpu.memory_space<hbm>>)
      tpu.yield
    }) : () -> ()
    return
  }
}

#map = affine_map<(d0, d1) -> (0, 0)>
#map1 = affine_map<(d0, d1) -> (0, 0, 0)>
module attributes {stable_mosaic.version = 14 : i64} {
  func.func @scatter_kernel(%arg0: i32, %arg1: i32, %arg2: memref<10000x128xf32, #tpu.memory_space<hbm>>, %arg3: memref<2x2500x128xi32, #tpu.memory_space<hbm>>, %arg4: memref<2x10112x128xf32, #tpu.memory_space<hbm>>, %arg5: memref<4x128xi32, #tpu.memory_space<vmem>>, %arg6: memref<4x128xi32, #tpu.memory_space<vmem>>, %arg7: memref<4x128xi32, #tpu.memory_space<vmem>>, %arg8: memref<4x128xi32, #tpu.memory_space<vmem>>, %arg9: memref<128x128xf32, #tpu.memory_space<vmem>>, %arg10: memref<128x128xf32, #tpu.memory_space<vmem>>, %arg11: memref<10112x128xf32, #tpu.memory_space<vmem_shared>>, %arg12: memref<!tpu.dma_semaphore, #tpu.memory_space<semaphore_mem>>, %arg13: memref<!tpu.dma_semaphore, #tpu.memory_space<semaphore_mem>>, %arg14: memref<!tpu.dma_semaphore, #tpu.memory_space<semaphore_mem>>, %arg15: memref<!tpu.dma_semaphore, #tpu.memory_space<semaphore_mem>>) attributes {dimension_semantics = [#tpu.dimension_semantics<core_parallel>, #tpu.dimension_semantics<subcore_parallel>], iteration_bounds = array<i64: 2, 16>, scalar_prefetch = 0 : i64, scratch_operands = 11 : i64, tpu.core_type = #tpu.core_type<sc_vector_subcore>, window_params = [{transform_indices = #map}, {transform_indices = #map1}, {transform_indices = #map1}]} {
    %mul3A = arith.constant 2 : i32
    %mul3A_0 = arith.muli %arg1, %mul3A : i32
    %add3A = arith.addi %mul3A_0, %arg0 : i32
    %broadcast_in_dim3A = arith.constant 0.000000e+00 : f32
    %broadcast_in_dim3A_1 = vector.broadcast %broadcast_in_dim3A : f32 to vector<16xf32>
    %scan3A = arith.constant 0 : i32
    %scan3A_2 = arith.constant 0 : i32
    %scan3A_3 = arith.constant 128 : i32
    %scan3A_4 = arith.addi %scan3A_2, %scan3A_3 : i32
    %scan3A_5 = arith.constant 1 : i32
    scf.for %scan3A_122 = %scan3A_2 to %scan3A_4 step %scan3A_5  : i32 {
      %swap3A = arith.index_cast %scan3A_122 : i32 to index
      %swap3A_123 = arith.constant 0 : index
      %swap3A_124 = tpu.vector_load %arg9[%swap3A, %swap3A_123] {strides = array<i32>} : memref<128x128xf32, #tpu.memory_space<vmem>>, vector<1x16xf32>,
      %swap3A_125 = vector.shape_cast %swap3A_124 : vector<1x16xf32> to vector<16xf32>
      %swap3A_126 = vector.shape_cast %broadcast_in_dim3A_1 : vector<16xf32> to vector<1x16xf32>
      tpu.vector_store %arg9[%swap3A, %swap3A_123], %swap3A_126 {strides = array<i32>} : memref<128x128xf32, #tpu.memory_space<vmem>>, vector<1x16xf32>,
      %swap3A_127 = arith.index_cast %scan3A_122 : i32 to index
      %swap3A_128 = arith.constant 16 : index
      %swap3A_129 = tpu.vector_load %arg9[%swap3A_127, %swap3A_128] {strides = array<i32>} : memref<128x128xf32, #tpu.memory_space<vmem>>, vector<1x16xf32>,
      %swap3A_130 = vector.shape_cast %swap3A_129 : vector<1x16xf32> to vector<16xf32>
      %swap3A_131 = vector.shape_cast %broadcast_in_dim3A_1 : vector<16xf32> to vector<1x16xf32>
      tpu.vector_store %arg9[%swap3A_127, %swap3A_128], %swap3A_131 {strides = array<i32>} : memref<128x128xf32, #tpu.memory_space<vmem>>, vector<1x16xf32>,
      %swap3A_132 = arith.index_cast %scan3A_122 : i32 to index
      %swap3A_133 = arith.constant 32 : index
      %swap3A_134 = tpu.vector_load %arg9[%swap3A_132, %swap3A_133] {strides = array<i32>} : memref<128x128xf32, #tpu.memory_space<vmem>>, vector<1x16xf32>,
      %swap3A_135 = vector.shape_cast %swap3A_134 : vector<1x16xf32> to vector<16xf32>
      %swap3A_136 = vector.shape_cast %broadcast_in_dim3A_1 : vector<16xf32> to vector<1x16xf32>
      tpu.vector_store %arg9[%swap3A_132, %swap3A_133], %swap3A_136 {strides = array<i32>} : memref<128x128xf32, #tpu.memory_space<vmem>>, vector<1x16xf32>,
      %swap3A_137 = arith.index_cast %scan3A_122 : i32 to index
      %swap3A_138 = arith.constant 48 : index
      %swap3A_139 = tpu.vector_load %arg9[%swap3A_137, %swap3A_138] {strides = array<i32>} : memref<128x128xf32, #tpu.memory_space<vmem>>, vector<1x16xf32>,
      %swap3A_140 = vector.shape_cast %swap3A_139 : vector<1x16xf32> to vector<16xf32>
      %swap3A_141 = vector.shape_cast %broadcast_in_dim3A_1 : vector<16xf32> to vector<1x16xf32>
      tpu.vector_store %arg9[%swap3A_137, %swap3A_138], %swap3A_141 {strides = array<i32>} : memref<128x128xf32, #tpu.memory_space<vmem>>, vector<1x16xf32>,
      %swap3A_142 = arith.index_cast %scan3A_122 : i32 to index
      %swap3A_143 = arith.constant 64 : index
      %swap3A_144 = tpu.vector_load %arg9[%swap3A_142, %swap3A_143] {strides = array<i32>} : memref<128x128xf32, #tpu.memory_space<vmem>>, vector<1x16xf32>,
      %swap3A_145 = vector.shape_cast %swap3A_144 : vector<1x16xf32> to vector<16xf32>
      %swap3A_146 = vector.shape_cast %broadcast_in_dim3A_1 : vector<16xf32> to vector<1x16xf32>
      tpu.vector_store %arg9[%swap3A_142, %swap3A_143], %swap3A_146 {strides = array<i32>} : memref<128x128xf32, #tpu.memory_space<vmem>>, vector<1x16xf32>,
      %swap3A_147 = arith.index_cast %scan3A_122 : i32 to index
      %swap3A_148 = arith.constant 80 : index
      %swap3A_149 = tpu.vector_load %arg9[%swap3A_147, %swap3A_148] {strides = array<i32>} : memref<128x128xf32, #tpu.memory_space<vmem>>, vector<1x16xf32>,
      %swap3A_150 = vector.shape_cast %swap3A_149 : vector<1x16xf32> to vector<16xf32>
      %swap3A_151 = vector.shape_cast %broadcast_in_dim3A_1 : vector<16xf32> to vector<1x16xf32>
      tpu.vector_store %arg9[%swap3A_147, %swap3A_148], %swap3A_151 {strides = array<i32>} : memref<128x128xf32, #tpu.memory_space<vmem>>, vector<1x16xf32>,
      %swap3A_152 = arith.index_cast %scan3A_122 : i32 to index
      %swap3A_153 = arith.constant 96 : index
      %swap3A_154 = tpu.vector_load %arg9[%swap3A_152, %swap3A_153] {strides = array<i32>} : memref<128x128xf32, #tpu.memory_space<vmem>>, vector<1x16xf32>,
      %swap3A_155 = vector.shape_cast %swap3A_154 : vector<1x16xf32> to vector<16xf32>
      %swap3A_156 = vector.shape_cast %broadcast_in_dim3A_1 : vector<16xf32> to vector<1x16xf32>
      tpu.vector_store %arg9[%swap3A_152, %swap3A_153], %swap3A_156 {strides = array<i32>} : memref<128x128xf32, #tpu.memory_space<vmem>>, vector<1x16xf32>,
      %swap3A_157 = arith.index_cast %scan3A_122 : i32 to index
      %swap3A_158 = arith.constant 112 : index
      %swap3A_159 = tpu.vector_load %arg9[%swap3A_157, %swap3A_158] {strides = array<i32>} : memref<128x128xf32, #tpu.memory_space<vmem>>, vector<1x16xf32>,
      %swap3A_160 = vector.shape_cast %swap3A_159 : vector<1x16xf32> to vector<16xf32>
      %swap3A_161 = vector.shape_cast %broadcast_in_dim3A_1 : vector<16xf32> to vector<1x16xf32>
      tpu.vector_store %arg9[%swap3A_157, %swap3A_158], %swap3A_161 {strides = array<i32>} : memref<128x128xf32, #tpu.memory_space<vmem>>, vector<1x16xf32>,
    }
    %scan3A_6 = arith.constant 128 : i32
    %mul3A_7 = arith.constant 632 : i32
    %mul3A_8 = arith.muli %arg1, %mul3A_7 : i32
    %add3A_9 = arith.constant 0 : i32
    %add3A_10 = arith.addi %mul3A_8, %add3A_9 : i32
    "tpu.region"() ({
      %run_scoped3A_122 = tpu.sem_alloc : memref<!tpu.dma_semaphore, #tpu.memory_space<semaphore_mem>>
      %dma_start3A_123 = arith.constant 0 : i32
      %dma_start3A_124 = tpu.memref_slice %arg11[%add3A_10, %dma_start3A_123] : memref<10112x128xf32, #tpu.memory_space<vmem_shared>> -> memref<128x128xf32, #tpu.memory_space<vmem_shared>>
      %dma_start3A_125 = arith.constant 0 : i32
      %dma_start3A_126 = tpu.memref_slice %arg11[%add3A_10, %dma_start3A_125] : memref<10112x128xf32, #tpu.memory_space<vmem_shared>> -> memref<128x128xf32, #tpu.memory_space<vmem_shared>>
      tpu.enqueue_dma source(%arg9 : memref<128x128xf32, #tpu.memory_space<vmem>>) target(%dma_start3A_126 : memref<128x128xf32, #tpu.memory_space<vmem_shared>>) target_semaphore(%run_scoped3A_122 : memref<!tpu.dma_semaphore, #tpu.memory_space<semaphore_mem>>)
      %dma_wait3A_127 = arith.constant 0 : i32
      %dma_wait3A_128 = tpu.memref_slice %arg11[%add3A_10, %dma_wait3A_127] : memref<10112x128xf32, #tpu.memory_space<vmem_shared>> -> memref<128x128xf32, #tpu.memory_space<vmem_shared>>
      %dma_wait3A_129 = arith.constant 0 : i32
      %dma_wait3A_130 = tpu.memref_slice %arg11[%add3A_10, %dma_wait3A_129] : memref<10112x128xf32, #tpu.memory_space<vmem_shared>> -> memref<128x128xf32, #tpu.memory_space<vmem_shared>>
      tpu.wait_dma2 semaphore(%run_scoped3A_122 : memref<!tpu.dma_semaphore, #tpu.memory_space<semaphore_mem>>) src(%arg9 : memref<128x128xf32, #tpu.memory_space<vmem>>) dst(%dma_wait3A_130 : memref<128x128xf32, #tpu.memory_space<vmem_shared>>)
      tpu.yield
    }) : () -> ()
    %mul3A_11 = arith.constant 632 : i32
    %mul3A_12 = arith.muli %arg1, %mul3A_11 : i32
    %add3A_13 = arith.constant 128 : i32
    %add3A_14 = arith.addi %mul3A_12, %add3A_13 : i32
    "tpu.region"() ({
      %run_scoped3A_122 = tpu.sem_alloc : memref<!tpu.dma_semaphore, #tpu.memory_space<semaphore_mem>>
      %dma_start3A_123 = arith.constant 0 : i32
      %dma_start3A_124 = tpu.memref_slice %arg11[%add3A_14, %dma_start3A_123] : memref<10112x128xf32, #tpu.memory_space<vmem_shared>> -> memref<128x128xf32, #tpu.memory_space<vmem_shared>>
      %dma_start3A_125 = arith.constant 0 : i32
      %dma_start3A_126 = tpu.memref_slice %arg11[%add3A_14, %dma_start3A_125] : memref<10112x128xf32, #tpu.memory_space<vmem_shared>> -> memref<128x128xf32, #tpu.memory_space<vmem_shared>>
      tpu.enqueue_dma source(%arg9 : memref<128x128xf32, #tpu.memory_space<vmem>>) target(%dma_start3A_126 : memref<128x128xf32, #tpu.memory_space<vmem_shared>>) target_semaphore(%run_scoped3A_122 : memref<!tpu.dma_semaphore, #tpu.memory_space<semaphore_mem>>)
      %dma_wait3A_127 = arith.constant 0 : i32
      %dma_wait3A_128 = tpu.memref_slice %arg11[%add3A_14, %dma_wait3A_127] : memref<10112x128xf32, #tpu.memory_space<vmem_shared>> -> memref<128x128xf32, #tpu.memory_space<vmem_shared>>
      %dma_wait3A_129 = arith.constant 0 : i32
      %dma_wait3A_130 = tpu.memref_slice %arg11[%add3A_14, %dma_wait3A_129] : memref<10112x128xf32, #tpu.memory_space<vmem_shared>> -> memref<128x128xf32, #tpu.memory_space<vmem_shared>>
      tpu.wait_dma2 semaphore(%run_scoped3A_122 : memref<!tpu.dma_semaphore, #tpu.memory_space<semaphore_mem>>) src(%arg9 : memref<128x128xf32, #tpu.memory_space<vmem>>) dst(%dma_wait3A_130 : memref<128x128xf32, #tpu.memory_space<vmem_shared>>)
      tpu.yield
    }) : () -> ()
    %mul3A_15 = arith.constant 632 : i32
    %mul3A_16 = arith.muli %arg1, %mul3A_15 : i32
    %add3A_17 = arith.constant 256 : i32
    %add3A_18 = arith.addi %mul3A_16, %add3A_17 : i32
    "tpu.region"() ({
      %run_scoped3A_122 = tpu.sem_alloc : memref<!tpu.dma_semaphore, #tpu.memory_space<semaphore_mem>>
      %dma_start3A_123 = arith.constant 0 : i32
      %dma_start3A_124 = tpu.memref_slice %arg11[%add3A_18, %dma_start3A_123] : memref<10112x128xf32, #tpu.memory_space<vmem_shared>> -> memref<128x128xf32, #tpu.memory_space<vmem_shared>>
      %dma_start3A_125 = arith.constant 0 : i32
      %dma_start3A_126 = tpu.memref_slice %arg11[%add3A_18, %dma_start3A_125] : memref<10112x128xf32, #tpu.memory_space<vmem_shared>> -> memref<128x128xf32, #tpu.memory_space<vmem_shared>>
      tpu.enqueue_dma source(%arg9 : memref<128x128xf32, #tpu.memory_space<vmem>>) target(%dma_start3A_126 : memref<128x128xf32, #tpu.memory_space<vmem_shared>>) target_semaphore(%run_scoped3A_122 : memref<!tpu.dma_semaphore, #tpu.memory_space<semaphore_mem>>)
      %dma_wait3A_127 = arith.constant 0 : i32
      %dma_wait3A_128 = tpu.memref_slice %arg11[%add3A_18, %dma_wait3A_127] : memref<10112x128xf32, #tpu.memory_space<vmem_shared>> -> memref<128x128xf32, #tpu.memory_space<vmem_shared>>
      %dma_wait3A_129 = arith.constant 0 : i32
      %dma_wait3A_130 = tpu.memref_slice %arg11[%add3A_18, %dma_wait3A_129] : memref<10112x128xf32, #tpu.memory_space<vmem_shared>> -> memref<128x128xf32, #tpu.memory_space<vmem_shared>>
      tpu.wait_dma2 semaphore(%run_scoped3A_122 : memref<!tpu.dma_semaphore, #tpu.memory_space<semaphore_mem>>) src(%arg9 : memref<128x128xf32, #tpu.memory_space<vmem>>) dst(%dma_wait3A_130 : memref<128x128xf32, #tpu.memory_space<vmem_shared>>)
      tpu.yield
    }) : () -> ()
    %mul3A_19 = arith.constant 632 : i32
    %mul3A_20 = arith.muli %arg1, %mul3A_19 : i32
    %add3A_21 = arith.constant 384 : i32
    %add3A_22 = arith.addi %mul3A_20, %add3A_21 : i32
    "tpu.region"() ({
      %run_scoped3A_122 = tpu.sem_alloc : memref<!tpu.dma_semaphore, #tpu.memory_space<semaphore_mem>>
      %dma_start3A_123 = arith.constant 0 : i32
      %dma_start3A_124 = tpu.memref_slice %arg11[%add3A_22, %dma_start3A_123] : memref<10112x128xf32, #tpu.memory_space<vmem_shared>> -> memref<128x128xf32, #tpu.memory_space<vmem_shared>>
      %dma_start3A_125 = arith.constant 0 : i32
      %dma_start3A_126 = tpu.memref_slice %arg11[%add3A_22, %dma_start3A_125] : memref<10112x128xf32, #tpu.memory_space<vmem_shared>> -> memref<128x128xf32, #tpu.memory_space<vmem_shared>>
      tpu.enqueue_dma source(%arg9 : memref<128x128xf32, #tpu.memory_space<vmem>>) target(%dma_start3A_126 : memref<128x128xf32, #tpu.memory_space<vmem_shared>>) target_semaphore(%run_scoped3A_122 : memref<!tpu.dma_semaphore, #tpu.memory_space<semaphore_mem>>)
      %dma_wait3A_127 = arith.constant 0 : i32
      %dma_wait3A_128 = tpu.memref_slice %arg11[%add3A_22, %dma_wait3A_127] : memref<10112x128xf32, #tpu.memory_space<vmem_shared>> -> memref<128x128xf32, #tpu.memory_space<vmem_shared>>
      %dma_wait3A_129 = arith.constant 0 : i32
      %dma_wait3A_130 = tpu.memref_slice %arg11[%add3A_22, %dma_wait3A_129] : memref<10112x128xf32, #tpu.memory_space<vmem_shared>> -> memref<128x128xf32, #tpu.memory_space<vmem_shared>>
      tpu.wait_dma2 semaphore(%run_scoped3A_122 : memref<!tpu.dma_semaphore, #tpu.memory_space<semaphore_mem>>) src(%arg9 : memref<128x128xf32, #tpu.memory_space<vmem>>) dst(%dma_wait3A_130 : memref<128x128xf32, #tpu.memory_space<vmem_shared>>)
      tpu.yield
    }) : () -> ()
    %mul3A_23 = arith.constant 632 : i32
    %mul3A_24 = arith.muli %arg1, %mul3A_23 : i32
    %add3A_25 = arith.constant 512 : i32
    %add3A_26 = arith.addi %mul3A_24, %add3A_25 : i32
    "tpu.region"() ({
      %run_scoped3A_122 = tpu.sem_alloc : memref<!tpu.dma_semaphore, #tpu.memory_space<semaphore_mem>>
      %dma_start3A_123 = arith.constant 0 : i32
      %dma_start3A_124 = arith.constant 0 : i32
      %dma_start3A_125 = tpu.memref_slice %arg9[%dma_start3A_123, %dma_start3A_124] : memref<128x128xf32, #tpu.memory_space<vmem>> -> memref<120x128xf32, #tpu.memory_space<vmem>>
      %dma_start3A_126 = arith.constant 0 : i32
      %dma_start3A_127 = tpu.memref_slice %arg11[%add3A_26, %dma_start3A_126] : memref<10112x128xf32, #tpu.memory_space<vmem_shared>> -> memref<120x128xf32, #tpu.memory_space<vmem_shared>>
      %dma_start3A_128 = arith.constant 0 : i32
      %dma_start3A_129 = tpu.memref_slice %arg11[%add3A_26, %dma_start3A_128] : memref<10112x128xf32, #tpu.memory_space<vmem_shared>> -> memref<120x128xf32, #tpu.memory_space<vmem_shared>>
      %dma_start3A_130 = arith.constant 0 : i32
      %dma_start3A_131 = arith.constant 0 : i32
      %dma_start3A_132 = tpu.memref_slice %arg9[%dma_start3A_130, %dma_start3A_131] : memref<128x128xf32, #tpu.memory_space<vmem>> -> memref<120x128xf32, #tpu.memory_space<vmem>>
      tpu.enqueue_dma source(%dma_start3A_132 : memref<120x128xf32, #tpu.memory_space<vmem>>) target(%dma_start3A_129 : memref<120x128xf32, #tpu.memory_space<vmem_shared>>) target_semaphore(%run_scoped3A_122 : memref<!tpu.dma_semaphore, #tpu.memory_space<semaphore_mem>>)
      %dma_wait3A_133 = arith.constant 0 : i32
      %dma_wait3A_134 = arith.constant 0 : i32
      %dma_wait3A_135 = tpu.memref_slice %arg9[%dma_wait3A_133, %dma_wait3A_134] : memref<128x128xf32, #tpu.memory_space<vmem>> -> memref<120x128xf32, #tpu.memory_space<vmem>>
      %dma_wait3A_136 = arith.constant 0 : i32
      %dma_wait3A_137 = tpu.memref_slice %arg11[%add3A_26, %dma_wait3A_136] : memref<10112x128xf32, #tpu.memory_space<vmem_shared>> -> memref<120x128xf32, #tpu.memory_space<vmem_shared>>
      %dma_wait3A_138 = arith.constant 0 : i32
      %dma_wait3A_139 = tpu.memref_slice %arg11[%add3A_26, %dma_wait3A_138] : memref<10112x128xf32, #tpu.memory_space<vmem_shared>> -> memref<120x128xf32, #tpu.memory_space<vmem_shared>>
      %dma_wait3A_140 = arith.constant 0 : i32
      %dma_wait3A_141 = arith.constant 0 : i32
      %dma_wait3A_142 = tpu.memref_slice %arg9[%dma_wait3A_140, %dma_wait3A_141] : memref<128x128xf32, #tpu.memory_space<vmem>> -> memref<120x128xf32, #tpu.memory_space<vmem>>
      tpu.wait_dma2 semaphore(%run_scoped3A_122 : memref<!tpu.dma_semaphore, #tpu.memory_space<semaphore_mem>>) src(%dma_wait3A_142 : memref<120x128xf32, #tpu.memory_space<vmem>>) dst(%dma_wait3A_139 : memref<120x128xf32, #tpu.memory_space<vmem_shared>>)
      tpu.yield
    }) : () -> ()
    %barrier3A = arith.constant 0 : index
    tpu.barrier barrier_id(%barrier3A)
    %lt3A = arith.constant 24 : i32
    %lt3A_27 = arith.cmpi slt, %add3A, %lt3A : i32
    %mul3A_28 = arith.constant 80 : i32
    %mul3A_29 = arith.muli %add3A, %mul3A_28 : i32
    %mul3A_30 = arith.constant 72 : i32
    %mul3A_31 = arith.muli %add3A, %mul3A_30 : i32
    %add3A_32 = arith.constant 192 : i32
    %add3A_33 = arith.addi %add3A_32, %mul3A_31 : i32
    %select_n3A = arith.select %lt3A_27, %mul3A_29, %add3A_33 : i32
    %jit3A = arith.constant 80 : i32
    %jit3A_34 = arith.constant 72 : i32
    %select_n3A_35 = arith.select %lt3A_27, %jit3A, %jit3A_34 : i32
    %run_scoped3A = arith.constant 0 : i32
    "tpu.region"() ({
      %run_scoped3A_122 = tpu.sem_alloc : memref<!tpu.dma_semaphore, #tpu.memory_space<semaphore_mem>>
      %dma_start3A_123 = arith.constant 0 : i32
      %dma_start3A_124 = tpu.memref_slice %arg3[%run_scoped3A, %select_n3A, %dma_start3A_123] : memref<2x2500x128xi32, #tpu.memory_space<hbm>> -> memref<1x4x128xi32, #tpu.memory_space<hbm>>
      %dma_start3A_125 = tpu.memref_squeeze %dma_start3A_124 : memref<1x4x128xi32, #tpu.memory_space<hbm>> -> memref<4x128xi32, #tpu.memory_space<hbm>>
      %dma_start3A_126 = arith.constant 0 : i32
      %dma_start3A_127 = tpu.memref_slice %arg3[%run_scoped3A, %select_n3A, %dma_start3A_126] : memref<2x2500x128xi32, #tpu.memory_space<hbm>> -> memref<1x4x128xi32, #tpu.memory_space<hbm>>
      %dma_start3A_128 = tpu.memref_squeeze %dma_start3A_127 : memref<1x4x128xi32, #tpu.memory_space<hbm>> -> memref<4x128xi32, #tpu.memory_space<hbm>>
      tpu.enqueue_dma source(%dma_start3A_128 : memref<4x128xi32, #tpu.memory_space<hbm>>) target(%arg5 : memref<4x128xi32, #tpu.memory_space<vmem>>) target_semaphore(%run_scoped3A_122 : memref<!tpu.dma_semaphore, #tpu.memory_space<semaphore_mem>>)
      %dma_wait3A_129 = arith.constant 0 : i32
      %dma_wait3A_130 = tpu.memref_slice %arg3[%run_scoped3A, %select_n3A, %dma_wait3A_129] : memref<2x2500x128xi32, #tpu.memory_space<hbm>> -> memref<1x4x128xi32, #tpu.memory_space<hbm>>
      %dma_wait3A_131 = tpu.memref_squeeze %dma_wait3A_130 : memref<1x4x128xi32, #tpu.memory_space<hbm>> -> memref<4x128xi32, #tpu.memory_space<hbm>>
      %dma_wait3A_132 = arith.constant 0 : i32
      %dma_wait3A_133 = tpu.memref_slice %arg3[%run_scoped3A, %select_n3A, %dma_wait3A_132] : memref<2x2500x128xi32, #tpu.memory_space<hbm>> -> memref<1x4x128xi32, #tpu.memory_space<hbm>>
      %dma_wait3A_134 = tpu.memref_squeeze %dma_wait3A_133 : memref<1x4x128xi32, #tpu.memory_space<hbm>> -> memref<4x128xi32, #tpu.memory_space<hbm>>
      tpu.wait_dma2 semaphore(%run_scoped3A_122 : memref<!tpu.dma_semaphore, #tpu.memory_space<semaphore_mem>>) src(%dma_wait3A_134 : memref<4x128xi32, #tpu.memory_space<hbm>>) dst(%arg5 : memref<4x128xi32, #tpu.memory_space<vmem>>)
      tpu.yield
    }) : () -> ()
    %run_scoped3A_36 = arith.constant 1 : i32
    "tpu.region"() ({
      %run_scoped3A_122 = tpu.sem_alloc : memref<!tpu.dma_semaphore, #tpu.memory_space<semaphore_mem>>
      %dma_start3A_123 = arith.constant 0 : i32
      %dma_start3A_124 = tpu.memref_slice %arg3[%run_scoped3A_36, %select_n3A, %dma_start3A_123] : memref<2x2500x128xi32, #tpu.memory_space<hbm>> -> memref<1x4x128xi32, #tpu.memory_space<hbm>>
      %dma_start3A_125 = tpu.memref_squeeze %dma_start3A_124 : memref<1x4x128xi32, #tpu.memory_space<hbm>> -> memref<4x128xi32, #tpu.memory_space<hbm>>
      %dma_start3A_126 = arith.constant 0 : i32
      %dma_start3A_127 = tpu.memref_slice %arg3[%run_scoped3A_36, %select_n3A, %dma_start3A_126] : memref<2x2500x128xi32, #tpu.memory_space<hbm>> -> memref<1x4x128xi32, #tpu.memory_space<hbm>>
      %dma_start3A_128 = tpu.memref_squeeze %dma_start3A_127 : memref<1x4x128xi32, #tpu.memory_space<hbm>> -> memref<4x128xi32, #tpu.memory_space<hbm>>
      tpu.enqueue_dma source(%dma_start3A_128 : memref<4x128xi32, #tpu.memory_space<hbm>>) target(%arg6 : memref<4x128xi32, #tpu.memory_space<vmem>>) target_semaphore(%run_scoped3A_122 : memref<!tpu.dma_semaphore, #tpu.memory_space<semaphore_mem>>)
      %dma_wait3A_129 = arith.constant 0 : i32
      %dma_wait3A_130 = tpu.memref_slice %arg3[%run_scoped3A_36, %select_n3A, %dma_wait3A_129] : memref<2x2500x128xi32, #tpu.memory_space<hbm>> -> memref<1x4x128xi32, #tpu.memory_space<hbm>>
      %dma_wait3A_131 = tpu.memref_squeeze %dma_wait3A_130 : memref<1x4x128xi32, #tpu.memory_space<hbm>> -> memref<4x128xi32, #tpu.memory_space<hbm>>
      %dma_wait3A_132 = arith.constant 0 : i32
      %dma_wait3A_133 = tpu.memref_slice %arg3[%run_scoped3A_36, %select_n3A, %dma_wait3A_132] : memref<2x2500x128xi32, #tpu.memory_space<hbm>> -> memref<1x4x128xi32, #tpu.memory_space<hbm>>
      %dma_wait3A_134 = tpu.memref_squeeze %dma_wait3A_133 : memref<1x4x128xi32, #tpu.memory_space<hbm>> -> memref<4x128xi32, #tpu.memory_space<hbm>>
      tpu.wait_dma2 semaphore(%run_scoped3A_122 : memref<!tpu.dma_semaphore, #tpu.memory_space<semaphore_mem>>) src(%dma_wait3A_134 : memref<4x128xi32, #tpu.memory_space<hbm>>) dst(%arg6 : memref<4x128xi32, #tpu.memory_space<vmem>>)
      tpu.yield
    }) : () -> ()
    %add3A_37 = arith.constant 4 : i32
    %add3A_38 = arith.addi %select_n3A, %add3A_37 : i32
    %dma_start3A = arith.constant 0 : i32
    %dma_start3A_39 = arith.constant 0 : i32
    %dma_start3A_40 = tpu.memref_slice %arg3[%dma_start3A, %add3A_38, %dma_start3A_39] : memref<2x2500x128xi32, #tpu.memory_space<hbm>> -> memref<1x4x128xi32, #tpu.memory_space<hbm>>
    %dma_start3A_41 = tpu.memref_squeeze %dma_start3A_40 : memref<1x4x128xi32, #tpu.memory_space<hbm>> -> memref<4x128xi32, #tpu.memory_space<hbm>>
    %dma_start3A_42 = arith.constant 0 : i32
    %dma_start3A_43 = tpu.memref_slice %arg3[%dma_start3A, %add3A_38, %dma_start3A_42] : memref<2x2500x128xi32, #tpu.memory_space<hbm>> -> memref<1x4x128xi32, #tpu.memory_space<hbm>>
    %dma_start3A_44 = tpu.memref_squeeze %dma_start3A_43 : memref<1x4x128xi32, #tpu.memory_space<hbm>> -> memref<4x128xi32, #tpu.memory_space<hbm>>
    tpu.enqueue_dma source(%dma_start3A_44 : memref<4x128xi32, #tpu.memory_space<hbm>>) target(%arg7 : memref<4x128xi32, #tpu.memory_space<vmem>>) target_semaphore(%arg15 : memref<!tpu.dma_semaphore, #tpu.memory_space<semaphore_mem>>)
    %dma_start3A_45 = arith.constant 1 : i32
    %dma_start3A_46 = arith.constant 0 : i32
    %dma_start3A_47 = tpu.memref_slice %arg3[%dma_start3A_45, %add3A_38, %dma_start3A_46] : memref<2x2500x128xi32, #tpu.memory_space<hbm>> -> memref<1x4x128xi32, #tpu.memory_space<hbm>>
    %dma_start3A_48 = tpu.memref_squeeze %dma_start3A_47 : memref<1x4x128xi32, #tpu.memory_space<hbm>> -> memref<4x128xi32, #tpu.memory_space<hbm>>
    %dma_start3A_49 = arith.constant 0 : i32
    %dma_start3A_50 = tpu.memref_slice %arg3[%dma_start3A_45, %add3A_38, %dma_start3A_49] : memref<2x2500x128xi32, #tpu.memory_space<hbm>> -> memref<1x4x128xi32, #tpu.memory_space<hbm>>
    %dma_start3A_51 = tpu.memref_squeeze %dma_start3A_50 : memref<1x4x128xi32, #tpu.memory_space<hbm>> -> memref<4x128xi32, #tpu.memory_space<hbm>>
    tpu.enqueue_dma source(%dma_start3A_51 : memref<4x128xi32, #tpu.memory_space<hbm>>) target(%arg8 : memref<4x128xi32, #tpu.memory_space<vmem>>) target_semaphore(%arg15 : memref<!tpu.dma_semaphore, #tpu.memory_space<semaphore_mem>>)
    %dma_start3A_52 = arith.constant 0 : i32
    %dma_start3A_53 = arith.constant 0 : i32
    %dma_start3A_54 = tpu.memref_slice %arg5[%dma_start3A_52, %dma_start3A_53] : memref<4x128xi32, #tpu.memory_space<vmem>> -> memref<1x128xi32, #tpu.memory_space<vmem>>
    %dma_start3A_55 = tpu.memref_squeeze %dma_start3A_54 : memref<1x128xi32, #tpu.memory_space<vmem>> -> memref<128xi32, #tpu.memory_space<vmem>>
    %dma_start3A_56 = arith.constant 0 : i32
    %dma_start3A_57 = arith.constant 0 : i32
    %dma_start3A_58 = tpu.memref_slice %arg2[%dma_start3A_56, %dma_start3A_57] : memref<10000x128xf32, #tpu.memory_space<hbm>> -> memref<10000x128xf32, #tpu.memory_space<hbm>>
    tpu.enqueue_indirect_dma source(%dma_start3A_58 : memref<10000x128xf32, #tpu.memory_space<hbm>>) target(%arg9 : memref<128x128xf32, #tpu.memory_space<vmem>>) offsets(%dma_start3A_55 : memref<128xi32, #tpu.memory_space<vmem>>) semaphore(%arg12 : memref<!tpu.dma_semaphore, #tpu.memory_space<semaphore_mem>>)
    %jit3A_59 = arith.constant 8 : i32
    %div3A = arith.divsi %select_n3A_35, %jit3A_59 : i32
    %sign3A = arith.constant 0 : i32
    %sign3A_60 = arith.cmpi sgt, %select_n3A_35, %sign3A : i32
    %sign3A_61 = arith.extui %sign3A_60 : i1 to i32
    %sign3A_62 = arith.constant 0 : i32
    %sign3A_63 = arith.cmpi slt, %select_n3A_35, %sign3A_62 : i32
    %sign3A_64 = arith.extui %sign3A_63 : i1 to i32
    %sign3A_65 = arith.subi %sign3A_61, %sign3A_64 : i32
    %sign3A_66 = arith.constant 0 : i32
    %sign3A_67 = arith.cmpi sgt, %jit3A_59, %sign3A_66 : i32
    %sign3A_68 = arith.extui %sign3A_67 : i1 to i32
    %sign3A_69 = arith.constant 0 : i32
    %sign3A_70 = arith.cmpi slt, %jit3A_59, %sign3A_69 : i32
    %sign3A_71 = arith.extui %sign3A_70 : i1 to i32
    %sign3A_72 = arith.subi %sign3A_68, %sign3A_71 : i32
    %ne3A = arith.cmpi ne, %sign3A_65, %sign3A_72 : i32
    %rem3A = arith.remsi %select_n3A_35, %jit3A_59 : i32
    %ne3A_73 = arith.constant 0 : i32
    %ne3A_74 = arith.cmpi ne, %rem3A, %ne3A_73 : i32
    %and3A = arith.andi %ne3A, %ne3A_74 : i1
    %sub3A = arith.constant 1 : i32
    %sub3A_75 = arith.subi %div3A, %sub3A : i32
    %select_n3A_76 = arith.select %and3A, %sub3A_75, %div3A : i32
    %while3A = arith.constant 0 : i32
    %while3A_77 = arith.constant 0 : i32
    %while3A_78 = arith.subi %select_n3A_76, %while3A_77 : i32
    %while3A_79 = arith.addi %while3A_77, %while3A_78 : i32
    %while3A_80 = arith.constant 1 : i32
    %while3A_81 = arith.divsi %while3A_78, %while3A_80 : i32
    %while3A_82 = arith.muli %while3A_81, %while3A_80 : i32
    %while3A_83 = arith.addi %while3A_77, %while3A_82 : i32
    %while3A_84 = arith.constant 1 : i32
    scf.for %while3A_122 = %while3A_77 to %while3A_83 step %while3A_84  : i32 {
      %mul3A_123 = arith.constant 2 : i32
      %mul3A_124 = arith.muli %mul3A_123, %while3A_122 : i32
      %mul3A_125 = arith.constant 4 : i32
      %mul3A_126 = arith.muli %mul3A_124, %mul3A_125 : i32
      %add3A_127 = arith.addi %select_n3A, %mul3A_126 : i32
      %add3A_128 = arith.constant 8 : i32
      %add3A_129 = arith.addi %add3A_127, %add3A_128 : i32
      %min3A = arith.constant 2496 : i32
      %min3A_130 = arith.minsi %add3A_129, %min3A : i32
      %add3A_131 = arith.constant 12 : i32
      %add3A_132 = arith.addi %add3A_127, %add3A_131 : i32
      %min3A_133 = arith.constant 2496 : i32
      %min3A_134 = arith.minsi %add3A_132, %min3A_133 : i32
      %dma_start3A_135 = arith.constant 1 : i32
      %dma_start3A_136 = arith.constant 0 : i32
      %dma_start3A_137 = tpu.memref_slice %arg5[%dma_start3A_135, %dma_start3A_136] : memref<4x128xi32, #tpu.memory_space<vmem>> -> memref<1x128xi32, #tpu.memory_space<vmem>>
      %dma_start3A_138 = tpu.memref_squeeze %dma_start3A_137 : memref<1x128xi32, #tpu.memory_space<vmem>> -> memref<128xi32, #tpu.memory_space<vmem>>
      %dma_start3A_139 = arith.constant 0 : i32
      %dma_start3A_140 = arith.constant 0 : i32
      %dma_start3A_141 = tpu.memref_slice %arg2[%dma_start3A_139, %dma_start3A_140] : memref<10000x128xf32, #tpu.memory_space<hbm>> -> memref<10000x128xf32, #tpu.memory_space<hbm>>
      tpu.enqueue_indirect_dma source(%dma_start3A_141 : memref<10000x128xf32, #tpu.memory_space<hbm>>) target(%arg10 : memref<128x128xf32, #tpu.memory_space<vmem>>) offsets(%dma_start3A_138 : memref<128xi32, #tpu.memory_space<vmem>>) semaphore(%arg13 : memref<!tpu.dma_semaphore, #tpu.memory_space<semaphore_mem>>)
      %dma_wait3A_142 = arith.constant 0 : i32
      %dma_wait3A_143 = arith.constant 0 : i32
      %dma_wait3A_144 = tpu.memref_slice %arg5[%dma_wait3A_142, %dma_wait3A_143] : memref<4x128xi32, #tpu.memory_space<vmem>> -> memref<1x128xi32, #tpu.memory_space<vmem>>
      %dma_wait3A_145 = tpu.memref_squeeze %dma_wait3A_144 : memref<1x128xi32, #tpu.memory_space<vmem>> -> memref<128xi32, #tpu.memory_space<vmem>>
      %dma_wait3A_146 = arith.constant 0 : i32
      %dma_wait3A_147 = arith.constant 0 : i32
      %dma_wait3A_148 = tpu.memref_slice %arg2[%dma_wait3A_146, %dma_wait3A_147] : memref<10000x128xf32, #tpu.memory_space<hbm>> -> memref<10000x128xf32, #tpu.memory_space<hbm>>
      tpu.wait_indirect_dma semaphore(%arg12 : memref<!tpu.dma_semaphore, #tpu.memory_space<semaphore_mem>>) src(%dma_wait3A_148 : memref<10000x128xf32, #tpu.memory_space<hbm>>) dst(%arg9 : memref<128x128xf32, #tpu.memory_space<vmem>>)
      %run_scoped3A_149 = arith.constant 0 : i32
      "tpu.region"() ({
        %run_scoped3A_319 = tpu.sem_alloc : memref<!tpu.dma_semaphore, #tpu.memory_space<semaphore_mem>>
        %dma_start3A_320 = arith.constant 0 : i32
        %dma_start3A_321 = tpu.memref_slice %arg6[%run_scoped3A_149, %dma_start3A_320] : memref<4x128xi32, #tpu.memory_space<vmem>> -> memref<1x128xi32, #tpu.memory_space<vmem>>
        %dma_start3A_322 = tpu.memref_squeeze %dma_start3A_321 : memref<1x128xi32, #tpu.memory_space<vmem>> -> memref<128xi32, #tpu.memory_space<vmem>>
        %dma_start3A_323 = arith.constant 0 : i32
        %dma_start3A_324 = arith.constant 0 : i32
        %dma_start3A_325 = tpu.memref_slice %arg11[%dma_start3A_323, %dma_start3A_324] : memref<10112x128xf32, #tpu.memory_space<vmem_shared>> -> memref<10112x128xf32, #tpu.memory_space<vmem_shared>>
        tpu.enqueue_indirect_dma source(%arg9 : memref<128x128xf32, #tpu.memory_space<vmem>>) target(%dma_start3A_325 : memref<10112x128xf32, #tpu.memory_space<vmem_shared>>) offsets(%dma_start3A_322 : memref<128xi32, #tpu.memory_space<vmem>>) semaphore(%run_scoped3A_319 : memref<!tpu.dma_semaphore, #tpu.memory_space<semaphore_mem>>) {add = true}
        %dma_wait3A_326 = arith.constant 0 : i32
        %dma_wait3A_327 = tpu.memref_slice %arg6[%run_scoped3A_149, %dma_wait3A_326] : memref<4x128xi32, #tpu.memory_space<vmem>> -> memref<1x128xi32, #tpu.memory_space<vmem>>
        %dma_wait3A_328 = tpu.memref_squeeze %dma_wait3A_327 : memref<1x128xi32, #tpu.memory_space<vmem>> -> memref<128xi32, #tpu.memory_space<vmem>>
        %dma_wait3A_329 = arith.constant 0 : i32
        %dma_wait3A_330 = arith.constant 0 : i32
        %dma_wait3A_331 = tpu.memref_slice %arg11[%dma_wait3A_329, %dma_wait3A_330] : memref<10112x128xf32, #tpu.memory_space<vmem_shared>> -> memref<10112x128xf32, #tpu.memory_space<vmem_shared>>
        tpu.wait_indirect_dma semaphore(%run_scoped3A_319 : memref<!tpu.dma_semaphore, #tpu.memory_space<semaphore_mem>>) src(%arg9 : memref<128x128xf32, #tpu.memory_space<vmem>>) dst(%dma_wait3A_331 : memref<10112x128xf32, #tpu.memory_space<vmem_shared>>)
        tpu.yield
      }) : () -> ()
      %dma_start3A_150 = arith.constant 2 : i32
      %dma_start3A_151 = arith.constant 0 : i32
      %dma_start3A_152 = tpu.memref_slice %arg5[%dma_start3A_150, %dma_start3A_151] : memref<4x128xi32, #tpu.memory_space<vmem>> -> memref<1x128xi32, #tpu.memory_space<vmem>>
      %dma_start3A_153 = tpu.memref_squeeze %dma_start3A_152 : memref<1x128xi32, #tpu.memory_space<vmem>> -> memref<128xi32, #tpu.memory_space<vmem>>
      %dma_start3A_154 = arith.constant 0 : i32
      %dma_start3A_155 = arith.constant 0 : i32
      %dma_start3A_156 = tpu.memref_slice %arg2[%dma_start3A_154, %dma_start3A_155] : memref<10000x128xf32, #tpu.memory_space<hbm>> -> memref<10000x128xf32, #tpu.memory_space<hbm>>
      tpu.enqueue_indirect_dma source(%dma_start3A_156 : memref<10000x128xf32, #tpu.memory_space<hbm>>) target(%arg9 : memref<128x128xf32, #tpu.memory_space<vmem>>) offsets(%dma_start3A_153 : memref<128xi32, #tpu.memory_space<vmem>>) semaphore(%arg12 : memref<!tpu.dma_semaphore, #tpu.memory_space<semaphore_mem>>)
      %dma_wait3A_157 = arith.constant 0 : i32
      %dma_wait3A_158 = arith.constant 0 : i32
      %dma_wait3A_159 = tpu.memref_slice %arg5[%dma_wait3A_157, %dma_wait3A_158] : memref<4x128xi32, #tpu.memory_space<vmem>> -> memref<1x128xi32, #tpu.memory_space<vmem>>
      %dma_wait3A_160 = tpu.memref_squeeze %dma_wait3A_159 : memref<1x128xi32, #tpu.memory_space<vmem>> -> memref<128xi32, #tpu.memory_space<vmem>>
      %dma_wait3A_161 = arith.constant 0 : i32
      %dma_wait3A_162 = arith.constant 0 : i32
      %dma_wait3A_163 = tpu.memref_slice %arg2[%dma_wait3A_161, %dma_wait3A_162] : memref<10000x128xf32, #tpu.memory_space<hbm>> -> memref<10000x128xf32, #tpu.memory_space<hbm>>
      tpu.wait_indirect_dma semaphore(%arg13 : memref<!tpu.dma_semaphore, #tpu.memory_space<semaphore_mem>>) src(%dma_wait3A_163 : memref<10000x128xf32, #tpu.memory_space<hbm>>) dst(%arg10 : memref<128x128xf32, #tpu.memory_space<vmem>>)
      %run_scoped3A_164 = arith.constant 1 : i32
      "tpu.region"() ({
        %run_scoped3A_319 = tpu.sem_alloc : memref<!tpu.dma_semaphore, #tpu.memory_space<semaphore_mem>>
        %dma_start3A_320 = arith.constant 0 : i32
        %dma_start3A_321 = tpu.memref_slice %arg6[%run_scoped3A_164, %dma_start3A_320] : memref<4x128xi32, #tpu.memory_space<vmem>> -> memref<1x128xi32, #tpu.memory_space<vmem>>
        %dma_start3A_322 = tpu.memref_squeeze %dma_start3A_321 : memref<1x128xi32, #tpu.memory_space<vmem>> -> memref<128xi32, #tpu.memory_space<vmem>>
        %dma_start3A_323 = arith.constant 0 : i32
        %dma_start3A_324 = arith.constant 0 : i32
        %dma_start3A_325 = tpu.memref_slice %arg11[%dma_start3A_323, %dma_start3A_324] : memref<10112x128xf32, #tpu.memory_space<vmem_shared>> -> memref<10112x128xf32, #tpu.memory_space<vmem_shared>>
        tpu.enqueue_indirect_dma source(%arg10 : memref<128x128xf32, #tpu.memory_space<vmem>>) target(%dma_start3A_325 : memref<10112x128xf32, #tpu.memory_space<vmem_shared>>) offsets(%dma_start3A_322 : memref<128xi32, #tpu.memory_space<vmem>>) semaphore(%run_scoped3A_319 : memref<!tpu.dma_semaphore, #tpu.memory_space<semaphore_mem>>) {add = true}
        %dma_wait3A_326 = arith.constant 0 : i32
        %dma_wait3A_327 = tpu.memref_slice %arg6[%run_scoped3A_164, %dma_wait3A_326] : memref<4x128xi32, #tpu.memory_space<vmem>> -> memref<1x128xi32, #tpu.memory_space<vmem>>
        %dma_wait3A_328 = tpu.memref_squeeze %dma_wait3A_327 : memref<1x128xi32, #tpu.memory_space<vmem>> -> memref<128xi32, #tpu.memory_space<vmem>>
        %dma_wait3A_329 = arith.constant 0 : i32
        %dma_wait3A_330 = arith.constant 0 : i32
        %dma_wait3A_331 = tpu.memref_slice %arg11[%dma_wait3A_329, %dma_wait3A_330] : memref<10112x128xf32, #tpu.memory_space<vmem_shared>> -> memref<10112x128xf32, #tpu.memory_space<vmem_shared>>
        tpu.wait_indirect_dma semaphore(%run_scoped3A_319 : memref<!tpu.dma_semaphore, #tpu.memory_space<semaphore_mem>>) src(%arg10 : memref<128x128xf32, #tpu.memory_space<vmem>>) dst(%dma_wait3A_331 : memref<10112x128xf32, #tpu.memory_space<vmem_shared>>)
        tpu.yield
      }) : () -> ()
      %dma_start3A_165 = arith.constant 3 : i32
      %dma_start3A_166 = arith.constant 0 : i32
      %dma_start3A_167 = tpu.memref_slice %arg5[%dma_start3A_165, %dma_start3A_166] : memref<4x128xi32, #tpu.memory_space<vmem>> -> memref<1x128xi32, #tpu.memory_space<vmem>>
      %dma_start3A_168 = tpu.memref_squeeze %dma_start3A_167 : memref<1x128xi32, #tpu.memory_space<vmem>> -> memref<128xi32, #tpu.memory_space<vmem>>
      %dma_start3A_169 = arith.constant 0 : i32
      %dma_start3A_170 = arith.constant 0 : i32
      %dma_start3A_171 = tpu.memref_slice %arg2[%dma_start3A_169, %dma_start3A_170] : memref<10000x128xf32, #tpu.memory_space<hbm>> -> memref<10000x128xf32, #tpu.memory_space<hbm>>
      tpu.enqueue_indirect_dma source(%dma_start3A_171 : memref<10000x128xf32, #tpu.memory_space<hbm>>) target(%arg10 : memref<128x128xf32, #tpu.memory_space<vmem>>) offsets(%dma_start3A_168 : memref<128xi32, #tpu.memory_space<vmem>>) semaphore(%arg13 : memref<!tpu.dma_semaphore, #tpu.memory_space<semaphore_mem>>)
      %dma_wait3A_172 = arith.constant 0 : i32
      %dma_wait3A_173 = arith.constant 0 : i32
      %dma_wait3A_174 = tpu.memref_slice %arg5[%dma_wait3A_172, %dma_wait3A_173] : memref<4x128xi32, #tpu.memory_space<vmem>> -> memref<1x128xi32, #tpu.memory_space<vmem>>
      %dma_wait3A_175 = tpu.memref_squeeze %dma_wait3A_174 : memref<1x128xi32, #tpu.memory_space<vmem>> -> memref<128xi32, #tpu.memory_space<vmem>>
      %dma_wait3A_176 = arith.constant 0 : i32
      %dma_wait3A_177 = arith.constant 0 : i32
      %dma_wait3A_178 = tpu.memref_slice %arg2[%dma_wait3A_176, %dma_wait3A_177] : memref<10000x128xf32, #tpu.memory_space<hbm>> -> memref<10000x128xf32, #tpu.memory_space<hbm>>
      tpu.wait_indirect_dma semaphore(%arg12 : memref<!tpu.dma_semaphore, #tpu.memory_space<semaphore_mem>>) src(%dma_wait3A_178 : memref<10000x128xf32, #tpu.memory_space<hbm>>) dst(%arg9 : memref<128x128xf32, #tpu.memory_space<vmem>>)
      %run_scoped3A_179 = arith.constant 2 : i32
      "tpu.region"() ({
        %run_scoped3A_319 = tpu.sem_alloc : memref<!tpu.dma_semaphore, #tpu.memory_space<semaphore_mem>>
        %dma_start3A_320 = arith.constant 0 : i32
        %dma_start3A_321 = tpu.memref_slice %arg6[%run_scoped3A_179, %dma_start3A_320] : memref<4x128xi32, #tpu.memory_space<vmem>> -> memref<1x128xi32, #tpu.memory_space<vmem>>
        %dma_start3A_322 = tpu.memref_squeeze %dma_start3A_321 : memref<1x128xi32, #tpu.memory_space<vmem>> -> memref<128xi32, #tpu.memory_space<vmem>>
        %dma_start3A_323 = arith.constant 0 : i32
        %dma_start3A_324 = arith.constant 0 : i32
        %dma_start3A_325 = tpu.memref_slice %arg11[%dma_start3A_323, %dma_start3A_324] : memref<10112x128xf32, #tpu.memory_space<vmem_shared>> -> memref<10112x128xf32, #tpu.memory_space<vmem_shared>>
        tpu.enqueue_indirect_dma source(%arg9 : memref<128x128xf32, #tpu.memory_space<vmem>>) target(%dma_start3A_325 : memref<10112x128xf32, #tpu.memory_space<vmem_shared>>) offsets(%dma_start3A_322 : memref<128xi32, #tpu.memory_space<vmem>>) semaphore(%run_scoped3A_319 : memref<!tpu.dma_semaphore, #tpu.memory_space<semaphore_mem>>) {add = true}
        %dma_wait3A_326 = arith.constant 0 : i32
        %dma_wait3A_327 = tpu.memref_slice %arg6[%run_scoped3A_179, %dma_wait3A_326] : memref<4x128xi32, #tpu.memory_space<vmem>> -> memref<1x128xi32, #tpu.memory_space<vmem>>
        %dma_wait3A_328 = tpu.memref_squeeze %dma_wait3A_327 : memref<1x128xi32, #tpu.memory_space<vmem>> -> memref<128xi32, #tpu.memory_space<vmem>>
        %dma_wait3A_329 = arith.constant 0 : i32
        %dma_wait3A_330 = arith.constant 0 : i32
        %dma_wait3A_331 = tpu.memref_slice %arg11[%dma_wait3A_329, %dma_wait3A_330] : memref<10112x128xf32, #tpu.memory_space<vmem_shared>> -> memref<10112x128xf32, #tpu.memory_space<vmem_shared>>
        tpu.wait_indirect_dma semaphore(%run_scoped3A_319 : memref<!tpu.dma_semaphore, #tpu.memory_space<semaphore_mem>>) src(%arg9 : memref<128x128xf32, #tpu.memory_space<vmem>>) dst(%dma_wait3A_331 : memref<10112x128xf32, #tpu.memory_space<vmem_shared>>)
        tpu.yield
      }) : () -> ()
      %dma_wait3A_180 = arith.constant 0 : i32
      %dma_wait3A_181 = arith.constant 0 : i32
      %dma_wait3A_182 = arith.constant 0 : i32
      %dma_wait3A_183 = tpu.memref_slice %arg3[%dma_wait3A_180, %dma_wait3A_181, %dma_wait3A_182] : memref<2x2500x128xi32, #tpu.memory_space<hbm>> -> memref<1x4x128xi32, #tpu.memory_space<hbm>>
      %dma_wait3A_184 = tpu.memref_squeeze %dma_wait3A_183 : memref<1x4x128xi32, #tpu.memory_space<hbm>> -> memref<4x128xi32, #tpu.memory_space<hbm>>
      %dma_wait3A_185 = arith.constant 0 : i32
      %dma_wait3A_186 = arith.constant 0 : i32
      %dma_wait3A_187 = tpu.memref_slice %arg3[%dma_wait3A_180, %dma_wait3A_185, %dma_wait3A_186] : memref<2x2500x128xi32, #tpu.memory_space<hbm>> -> memref<1x4x128xi32, #tpu.memory_space<hbm>>
      %dma_wait3A_188 = tpu.memref_squeeze %dma_wait3A_187 : memref<1x4x128xi32, #tpu.memory_space<hbm>> -> memref<4x128xi32, #tpu.memory_space<hbm>>
      tpu.wait_dma2 semaphore(%arg15 : memref<!tpu.dma_semaphore, #tpu.memory_space<semaphore_mem>>) src(%dma_wait3A_188 : memref<4x128xi32, #tpu.memory_space<hbm>>) dst(%arg7 : memref<4x128xi32, #tpu.memory_space<vmem>>)
      %dma_wait3A_189 = arith.constant 1 : i32
      %dma_wait3A_190 = arith.constant 0 : i32
      %dma_wait3A_191 = arith.constant 0 : i32
      %dma_wait3A_192 = tpu.memref_slice %arg3[%dma_wait3A_189, %dma_wait3A_190, %dma_wait3A_191] : memref<2x2500x128xi32, #tpu.memory_space<hbm>> -> memref<1x4x128xi32, #tpu.memory_space<hbm>>
      %dma_wait3A_193 = tpu.memref_squeeze %dma_wait3A_192 : memref<1x4x128xi32, #tpu.memory_space<hbm>> -> memref<4x128xi32, #tpu.memory_space<hbm>>
      %dma_wait3A_194 = arith.constant 0 : i32
      %dma_wait3A_195 = arith.constant 0 : i32
      %dma_wait3A_196 = tpu.memref_slice %arg3[%dma_wait3A_189, %dma_wait3A_194, %dma_wait3A_195] : memref<2x2500x128xi32, #tpu.memory_space<hbm>> -> memref<1x4x128xi32, #tpu.memory_space<hbm>>
      %dma_wait3A_197 = tpu.memref_squeeze %dma_wait3A_196 : memref<1x4x128xi32, #tpu.memory_space<hbm>> -> memref<4x128xi32, #tpu.memory_space<hbm>>
      tpu.wait_dma2 semaphore(%arg15 : memref<!tpu.dma_semaphore, #tpu.memory_space<semaphore_mem>>) src(%dma_wait3A_197 : memref<4x128xi32, #tpu.memory_space<hbm>>) dst(%arg8 : memref<4x128xi32, #tpu.memory_space<vmem>>)
      %dma_start3A_198 = arith.constant 0 : i32
      %dma_start3A_199 = arith.constant 0 : i32
      %dma_start3A_200 = tpu.memref_slice %arg7[%dma_start3A_198, %dma_start3A_199] : memref<4x128xi32, #tpu.memory_space<vmem>> -> memref<1x128xi32, #tpu.memory_space<vmem>>
      %dma_start3A_201 = tpu.memref_squeeze %dma_start3A_200 : memref<1x128xi32, #tpu.memory_space<vmem>> -> memref<128xi32, #tpu.memory_space<vmem>>
      %dma_start3A_202 = arith.constant 0 : i32
      %dma_start3A_203 = arith.constant 0 : i32
      %dma_start3A_204 = tpu.memref_slice %arg2[%dma_start3A_202, %dma_start3A_203] : memref<10000x128xf32, #tpu.memory_space<hbm>> -> memref<10000x128xf32, #tpu.memory_space<hbm>>
      tpu.enqueue_indirect_dma source(%dma_start3A_204 : memref<10000x128xf32, #tpu.memory_space<hbm>>) target(%arg9 : memref<128x128xf32, #tpu.memory_space<vmem>>) offsets(%dma_start3A_201 : memref<128xi32, #tpu.memory_space<vmem>>) semaphore(%arg12 : memref<!tpu.dma_semaphore, #tpu.memory_space<semaphore_mem>>)
      %dma_wait3A_205 = arith.constant 0 : i32
      %dma_wait3A_206 = arith.constant 0 : i32
      %dma_wait3A_207 = tpu.memref_slice %arg5[%dma_wait3A_205, %dma_wait3A_206] : memref<4x128xi32, #tpu.memory_space<vmem>> -> memref<1x128xi32, #tpu.memory_space<vmem>>
      %dma_wait3A_208 = tpu.memref_squeeze %dma_wait3A_207 : memref<1x128xi32, #tpu.memory_space<vmem>> -> memref<128xi32, #tpu.memory_space<vmem>>
      %dma_wait3A_209 = arith.constant 0 : i32
      %dma_wait3A_210 = arith.constant 0 : i32
      %dma_wait3A_211 = tpu.memref_slice %arg2[%dma_wait3A_209, %dma_wait3A_210] : memref<10000x128xf32, #tpu.memory_space<hbm>> -> memref<10000x128xf32, #tpu.memory_space<hbm>>
      tpu.wait_indirect_dma semaphore(%arg13 : memref<!tpu.dma_semaphore, #tpu.memory_space<semaphore_mem>>) src(%dma_wait3A_211 : memref<10000x128xf32, #tpu.memory_space<hbm>>) dst(%arg10 : memref<128x128xf32, #tpu.memory_space<vmem>>)
      %run_scoped3A_212 = arith.constant 3 : i32
      "tpu.region"() ({
        %run_scoped3A_319 = tpu.sem_alloc : memref<!tpu.dma_semaphore, #tpu.memory_space<semaphore_mem>>
        %dma_start3A_320 = arith.constant 0 : i32
        %dma_start3A_321 = tpu.memref_slice %arg6[%run_scoped3A_212, %dma_start3A_320] : memref<4x128xi32, #tpu.memory_space<vmem>> -> memref<1x128xi32, #tpu.memory_space<vmem>>
        %dma_start3A_322 = tpu.memref_squeeze %dma_start3A_321 : memref<1x128xi32, #tpu.memory_space<vmem>> -> memref<128xi32, #tpu.memory_space<vmem>>
        %dma_start3A_323 = arith.constant 0 : i32
        %dma_start3A_324 = arith.constant 0 : i32
        %dma_start3A_325 = tpu.memref_slice %arg11[%dma_start3A_323, %dma_start3A_324] : memref<10112x128xf32, #tpu.memory_space<vmem_shared>> -> memref<10112x128xf32, #tpu.memory_space<vmem_shared>>
        tpu.enqueue_indirect_dma source(%arg10 : memref<128x128xf32, #tpu.memory_space<vmem>>) target(%dma_start3A_325 : memref<10112x128xf32, #tpu.memory_space<vmem_shared>>) offsets(%dma_start3A_322 : memref<128xi32, #tpu.memory_space<vmem>>) semaphore(%run_scoped3A_319 : memref<!tpu.dma_semaphore, #tpu.memory_space<semaphore_mem>>) {add = true}
        %dma_wait3A_326 = arith.constant 0 : i32
        %dma_wait3A_327 = tpu.memref_slice %arg6[%run_scoped3A_212, %dma_wait3A_326] : memref<4x128xi32, #tpu.memory_space<vmem>> -> memref<1x128xi32, #tpu.memory_space<vmem>>
        %dma_wait3A_328 = tpu.memref_squeeze %dma_wait3A_327 : memref<1x128xi32, #tpu.memory_space<vmem>> -> memref<128xi32, #tpu.memory_space<vmem>>
        %dma_wait3A_329 = arith.constant 0 : i32
        %dma_wait3A_330 = arith.constant 0 : i32
        %dma_wait3A_331 = tpu.memref_slice %arg11[%dma_wait3A_329, %dma_wait3A_330] : memref<10112x128xf32, #tpu.memory_space<vmem_shared>> -> memref<10112x128xf32, #tpu.memory_space<vmem_shared>>
        tpu.wait_indirect_dma semaphore(%run_scoped3A_319 : memref<!tpu.dma_semaphore, #tpu.memory_space<semaphore_mem>>) src(%arg10 : memref<128x128xf32, #tpu.memory_space<vmem>>) dst(%dma_wait3A_331 : memref<10112x128xf32, #tpu.memory_space<vmem_shared>>)
        tpu.yield
      }) : () -> ()
      %dma_start3A_213 = arith.constant 0 : i32
      %dma_start3A_214 = arith.constant 0 : i32
      %dma_start3A_215 = tpu.memref_slice %arg3[%dma_start3A_213, %min3A_130, %dma_start3A_214] : memref<2x2500x128xi32, #tpu.memory_space<hbm>> -> memref<1x4x128xi32, #tpu.memory_space<hbm>>
      %dma_start3A_216 = tpu.memref_squeeze %dma_start3A_215 : memref<1x4x128xi32, #tpu.memory_space<hbm>> -> memref<4x128xi32, #tpu.memory_space<hbm>>
      %dma_start3A_217 = arith.constant 0 : i32
      %dma_start3A_218 = tpu.memref_slice %arg3[%dma_start3A_213, %min3A_130, %dma_start3A_217] : memref<2x2500x128xi32, #tpu.memory_space<hbm>> -> memref<1x4x128xi32, #tpu.memory_space<hbm>>
      %dma_start3A_219 = tpu.memref_squeeze %dma_start3A_218 : memref<1x4x128xi32, #tpu.memory_space<hbm>> -> memref<4x128xi32, #tpu.memory_space<hbm>>
      tpu.enqueue_dma source(%dma_start3A_219 : memref<4x128xi32, #tpu.memory_space<hbm>>) target(%arg5 : memref<4x128xi32, #tpu.memory_space<vmem>>) target_semaphore(%arg14 : memref<!tpu.dma_semaphore, #tpu.memory_space<semaphore_mem>>)
      %dma_start3A_220 = arith.constant 1 : i32
      %dma_start3A_221 = arith.constant 0 : i32
      %dma_start3A_222 = tpu.memref_slice %arg3[%dma_start3A_220, %min3A_130, %dma_start3A_221] : memref<2x2500x128xi32, #tpu.memory_space<hbm>> -> memref<1x4x128xi32, #tpu.memory_space<hbm>>
      %dma_start3A_223 = tpu.memref_squeeze %dma_start3A_222 : memref<1x4x128xi32, #tpu.memory_space<hbm>> -> memref<4x128xi32, #tpu.memory_space<hbm>>
      %dma_start3A_224 = arith.constant 0 : i32
      %dma_start3A_225 = tpu.memref_slice %arg3[%dma_start3A_220, %min3A_130, %dma_start3A_224] : memref<2x2500x128xi32, #tpu.memory_space<hbm>> -> memref<1x4x128xi32, #tpu.memory_space<hbm>>
      %dma_start3A_226 = tpu.memref_squeeze %dma_start3A_225 : memref<1x4x128xi32, #tpu.memory_space<hbm>> -> memref<4x128xi32, #tpu.memory_space<hbm>>
      tpu.enqueue_dma source(%dma_start3A_226 : memref<4x128xi32, #tpu.memory_space<hbm>>) target(%arg6 : memref<4x128xi32, #tpu.memory_space<vmem>>) target_semaphore(%arg14 : memref<!tpu.dma_semaphore, #tpu.memory_space<semaphore_mem>>)
      %dma_start3A_227 = arith.constant 1 : i32
      %dma_start3A_228 = arith.constant 0 : i32
      %dma_start3A_229 = tpu.memref_slice %arg7[%dma_start3A_227, %dma_start3A_228] : memref<4x128xi32, #tpu.memory_space<vmem>> -> memref<1x128xi32, #tpu.memory_space<vmem>>
      %dma_start3A_230 = tpu.memref_squeeze %dma_start3A_229 : memref<1x128xi32, #tpu.memory_space<vmem>> -> memref<128xi32, #tpu.memory_space<vmem>>
      %dma_start3A_231 = arith.constant 0 : i32
      %dma_start3A_232 = arith.constant 0 : i32
      %dma_start3A_233 = tpu.memref_slice %arg2[%dma_start3A_231, %dma_start3A_232] : memref<10000x128xf32, #tpu.memory_space<hbm>> -> memref<10000x128xf32, #tpu.memory_space<hbm>>
      tpu.enqueue_indirect_dma source(%dma_start3A_233 : memref<10000x128xf32, #tpu.memory_space<hbm>>) target(%arg10 : memref<128x128xf32, #tpu.memory_space<vmem>>) offsets(%dma_start3A_230 : memref<128xi32, #tpu.memory_space<vmem>>) semaphore(%arg13 : memref<!tpu.dma_semaphore, #tpu.memory_space<semaphore_mem>>)
      %dma_wait3A_234 = arith.constant 0 : i32
      %dma_wait3A_235 = arith.constant 0 : i32
      %dma_wait3A_236 = tpu.memref_slice %arg5[%dma_wait3A_234, %dma_wait3A_235] : memref<4x128xi32, #tpu.memory_space<vmem>> -> memref<1x128xi32, #tpu.memory_space<vmem>>
      %dma_wait3A_237 = tpu.memref_squeeze %dma_wait3A_236 : memref<1x128xi32, #tpu.memory_space<vmem>> -> memref<128xi32, #tpu.memory_space<vmem>>
      %dma_wait3A_238 = arith.constant 0 : i32
      %dma_wait3A_239 = arith.constant 0 : i32
      %dma_wait3A_240 = tpu.memref_slice %arg2[%dma_wait3A_238, %dma_wait3A_239] : memref<10000x128xf32, #tpu.memory_space<hbm>> -> memref<10000x128xf32, #tpu.memory_space<hbm>>
      tpu.wait_indirect_dma semaphore(%arg12 : memref<!tpu.dma_semaphore, #tpu.memory_space<semaphore_mem>>) src(%dma_wait3A_240 : memref<10000x128xf32, #tpu.memory_space<hbm>>) dst(%arg9 : memref<128x128xf32, #tpu.memory_space<vmem>>)
      %run_scoped3A_241 = arith.constant 0 : i32
      "tpu.region"() ({
        %run_scoped3A_319 = tpu.sem_alloc : memref<!tpu.dma_semaphore, #tpu.memory_space<semaphore_mem>>
        %dma_start3A_320 = arith.constant 0 : i32
        %dma_start3A_321 = tpu.memref_slice %arg8[%run_scoped3A_241, %dma_start3A_320] : memref<4x128xi32, #tpu.memory_space<vmem>> -> memref<1x128xi32, #tpu.memory_space<vmem>>
        %dma_start3A_322 = tpu.memref_squeeze %dma_start3A_321 : memref<1x128xi32, #tpu.memory_space<vmem>> -> memref<128xi32, #tpu.memory_space<vmem>>
        %dma_start3A_323 = arith.constant 0 : i32
        %dma_start3A_324 = arith.constant 0 : i32
        %dma_start3A_325 = tpu.memref_slice %arg11[%dma_start3A_323, %dma_start3A_324] : memref<10112x128xf32, #tpu.memory_space<vmem_shared>> -> memref<10112x128xf32, #tpu.memory_space<vmem_shared>>
        tpu.enqueue_indirect_dma source(%arg9 : memref<128x128xf32, #tpu.memory_space<vmem>>) target(%dma_start3A_325 : memref<10112x128xf32, #tpu.memory_space<vmem_shared>>) offsets(%dma_start3A_322 : memref<128xi32, #tpu.memory_space<vmem>>) semaphore(%run_scoped3A_319 : memref<!tpu.dma_semaphore, #tpu.memory_space<semaphore_mem>>) {add = true}
        %dma_wait3A_326 = arith.constant 0 : i32
        %dma_wait3A_327 = tpu.memref_slice %arg8[%run_scoped3A_241, %dma_wait3A_326] : memref<4x128xi32, #tpu.memory_space<vmem>> -> memref<1x128xi32, #tpu.memory_space<vmem>>
        %dma_wait3A_328 = tpu.memref_squeeze %dma_wait3A_327 : memref<1x128xi32, #tpu.memory_space<vmem>> -> memref<128xi32, #tpu.memory_space<vmem>>
        %dma_wait3A_329 = arith.constant 0 : i32
        %dma_wait3A_330 = arith.constant 0 : i32
        %dma_wait3A_331 = tpu.memref_slice %arg11[%dma_wait3A_329, %dma_wait3A_330] : memref<10112x128xf32, #tpu.memory_space<vmem_shared>> -> memref<10112x128xf32, #tpu.memory_space<vmem_shared>>
        tpu.wait_indirect_dma semaphore(%run_scoped3A_319 : memref<!tpu.dma_semaphore, #tpu.memory_space<semaphore_mem>>) src(%arg9 : memref<128x128xf32, #tpu.memory_space<vmem>>) dst(%dma_wait3A_331 : memref<10112x128xf32, #tpu.memory_space<vmem_shared>>)
        tpu.yield
      }) : () -> ()
      %dma_start3A_242 = arith.constant 2 : i32
      %dma_start3A_243 = arith.constant 0 : i32
      %dma_start3A_244 = tpu.memref_slice %arg7[%dma_start3A_242, %dma_start3A_243] : memref<4x128xi32, #tpu.memory_space<vmem>> -> memref<1x128xi32, #tpu.memory_space<vmem>>
      %dma_start3A_245 = tpu.memref_squeeze %dma_start3A_244 : memref<1x128xi32, #tpu.memory_space<vmem>> -> memref<128xi32, #tpu.memory_space<vmem>>
      %dma_start3A_246 = arith.constant 0 : i32
      %dma_start3A_247 = arith.constant 0 : i32
      %dma_start3A_248 = tpu.memref_slice %arg2[%dma_start3A_246, %dma_start3A_247] : memref<10000x128xf32, #tpu.memory_space<hbm>> -> memref<10000x128xf32, #tpu.memory_space<hbm>>
      tpu.enqueue_indirect_dma source(%dma_start3A_248 : memref<10000x128xf32, #tpu.memory_space<hbm>>) target(%arg9 : memref<128x128xf32, #tpu.memory_space<vmem>>) offsets(%dma_start3A_245 : memref<128xi32, #tpu.memory_space<vmem>>) semaphore(%arg12 : memref<!tpu.dma_semaphore, #tpu.memory_space<semaphore_mem>>)
      %dma_wait3A_249 = arith.constant 0 : i32
      %dma_wait3A_250 = arith.constant 0 : i32
      %dma_wait3A_251 = tpu.memref_slice %arg5[%dma_wait3A_249, %dma_wait3A_250] : memref<4x128xi32, #tpu.memory_space<vmem>> -> memref<1x128xi32, #tpu.memory_space<vmem>>
      %dma_wait3A_252 = tpu.memref_squeeze %dma_wait3A_251 : memref<1x128xi32, #tpu.memory_space<vmem>> -> memref<128xi32, #tpu.memory_space<vmem>>
      %dma_wait3A_253 = arith.constant 0 : i32
      %dma_wait3A_254 = arith.constant 0 : i32
      %dma_wait3A_255 = tpu.memref_slice %arg2[%dma_wait3A_253, %dma_wait3A_254] : memref<10000x128xf32, #tpu.memory_space<hbm>> -> memref<10000x128xf32, #tpu.memory_space<hbm>>
      tpu.wait_indirect_dma semaphore(%arg13 : memref<!tpu.dma_semaphore, #tpu.memory_space<semaphore_mem>>) src(%dma_wait3A_255 : memref<10000x128xf32, #tpu.memory_space<hbm>>) dst(%arg10 : memref<128x128xf32, #tpu.memory_space<vmem>>)
      %run_scoped3A_256 = arith.constant 1 : i32
      "tpu.region"() ({
        %run_scoped3A_319 = tpu.sem_alloc : memref<!tpu.dma_semaphore, #tpu.memory_space<semaphore_mem>>
        %dma_start3A_320 = arith.constant 0 : i32
        %dma_start3A_321 = tpu.memref_slice %arg8[%run_scoped3A_256, %dma_start3A_320] : memref<4x128xi32, #tpu.memory_space<vmem>> -> memref<1x128xi32, #tpu.memory_space<vmem>>
        %dma_start3A_322 = tpu.memref_squeeze %dma_start3A_321 : memref<1x128xi32, #tpu.memory_space<vmem>> -> memref<128xi32, #tpu.memory_space<vmem>>
        %dma_start3A_323 = arith.constant 0 : i32
        %dma_start3A_324 = arith.constant 0 : i32
        %dma_start3A_325 = tpu.memref_slice %arg11[%dma_start3A_323, %dma_start3A_324] : memref<10112x128xf32, #tpu.memory_space<vmem_shared>> -> memref<10112x128xf32, #tpu.memory_space<vmem_shared>>
        tpu.enqueue_indirect_dma source(%arg10 : memref<128x128xf32, #tpu.memory_space<vmem>>) target(%dma_start3A_325 : memref<10112x128xf32, #tpu.memory_space<vmem_shared>>) offsets(%dma_start3A_322 : memref<128xi32, #tpu.memory_space<vmem>>) semaphore(%run_scoped3A_319 : memref<!tpu.dma_semaphore, #tpu.memory_space<semaphore_mem>>) {add = true}
        %dma_wait3A_326 = arith.constant 0 : i32
        %dma_wait3A_327 = tpu.memref_slice %arg8[%run_scoped3A_256, %dma_wait3A_326] : memref<4x128xi32, #tpu.memory_space<vmem>> -> memref<1x128xi32, #tpu.memory_space<vmem>>
        %dma_wait3A_328 = tpu.memref_squeeze %dma_wait3A_327 : memref<1x128xi32, #tpu.memory_space<vmem>> -> memref<128xi32, #tpu.memory_space<vmem>>
        %dma_wait3A_329 = arith.constant 0 : i32
        %dma_wait3A_330 = arith.constant 0 : i32
        %dma_wait3A_331 = tpu.memref_slice %arg11[%dma_wait3A_329, %dma_wait3A_330] : memref<10112x128xf32, #tpu.memory_space<vmem_shared>> -> memref<10112x128xf32, #tpu.memory_space<vmem_shared>>
        tpu.wait_indirect_dma semaphore(%run_scoped3A_319 : memref<!tpu.dma_semaphore, #tpu.memory_space<semaphore_mem>>) src(%arg10 : memref<128x128xf32, #tpu.memory_space<vmem>>) dst(%dma_wait3A_331 : memref<10112x128xf32, #tpu.memory_space<vmem_shared>>)
        tpu.yield
      }) : () -> ()
      %dma_start3A_257 = arith.constant 3 : i32
      %dma_start3A_258 = arith.constant 0 : i32
      %dma_start3A_259 = tpu.memref_slice %arg7[%dma_start3A_257, %dma_start3A_258] : memref<4x128xi32, #tpu.memory_space<vmem>> -> memref<1x128xi32, #tpu.memory_space<vmem>>
      %dma_start3A_260 = tpu.memref_squeeze %dma_start3A_259 : memref<1x128xi32, #tpu.memory_space<vmem>> -> memref<128xi32, #tpu.memory_space<vmem>>
      %dma_start3A_261 = arith.constant 0 : i32
      %dma_start3A_262 = arith.constant 0 : i32
      %dma_start3A_263 = tpu.memref_slice %arg2[%dma_start3A_261, %dma_start3A_262] : memref<10000x128xf32, #tpu.memory_space<hbm>> -> memref<10000x128xf32, #tpu.memory_space<hbm>>
      tpu.enqueue_indirect_dma source(%dma_start3A_263 : memref<10000x128xf32, #tpu.memory_space<hbm>>) target(%arg10 : memref<128x128xf32, #tpu.memory_space<vmem>>) offsets(%dma_start3A_260 : memref<128xi32, #tpu.memory_space<vmem>>) semaphore(%arg13 : memref<!tpu.dma_semaphore, #tpu.memory_space<semaphore_mem>>)
      %dma_wait3A_264 = arith.constant 0 : i32
      %dma_wait3A_265 = arith.constant 0 : i32
      %dma_wait3A_266 = tpu.memref_slice %arg5[%dma_wait3A_264, %dma_wait3A_265] : memref<4x128xi32, #tpu.memory_space<vmem>> -> memref<1x128xi32, #tpu.memory_space<vmem>>
      %dma_wait3A_267 = tpu.memref_squeeze %dma_wait3A_266 : memref<1x128xi32, #tpu.memory_space<vmem>> -> memref<128xi32, #tpu.memory_space<vmem>>
      %dma_wait3A_268 = arith.constant 0 : i32
      %dma_wait3A_269 = arith.constant 0 : i32
      %dma_wait3A_270 = tpu.memref_slice %arg2[%dma_wait3A_268, %dma_wait3A_269] : memref<10000x128xf32, #tpu.memory_space<hbm>> -> memref<10000x128xf32, #tpu.memory_space<hbm>>
      tpu.wait_indirect_dma semaphore(%arg12 : memref<!tpu.dma_semaphore, #tpu.memory_space<semaphore_mem>>) src(%dma_wait3A_270 : memref<10000x128xf32, #tpu.memory_space<hbm>>) dst(%arg9 : memref<128x128xf32, #tpu.memory_space<vmem>>)
      %run_scoped3A_271 = arith.constant 2 : i32
      "tpu.region"() ({
        %run_scoped3A_319 = tpu.sem_alloc : memref<!tpu.dma_semaphore, #tpu.memory_space<semaphore_mem>>
        %dma_start3A_320 = arith.constant 0 : i32
        %dma_start3A_321 = tpu.memref_slice %arg8[%run_scoped3A_271, %dma_start3A_320] : memref<4x128xi32, #tpu.memory_space<vmem>> -> memref<1x128xi32, #tpu.memory_space<vmem>>
        %dma_start3A_322 = tpu.memref_squeeze %dma_start3A_321 : memref<1x128xi32, #tpu.memory_space<vmem>> -> memref<128xi32, #tpu.memory_space<vmem>>
        %dma_start3A_323 = arith.constant 0 : i32
        %dma_start3A_324 = arith.constant 0 : i32
        %dma_start3A_325 = tpu.memref_slice %arg11[%dma_start3A_323, %dma_start3A_324] : memref<10112x128xf32, #tpu.memory_space<vmem_shared>> -> memref<10112x128xf32, #tpu.memory_space<vmem_shared>>
        tpu.enqueue_indirect_dma source(%arg9 : memref<128x128xf32, #tpu.memory_space<vmem>>) target(%dma_start3A_325 : memref<10112x128xf32, #tpu.memory_space<vmem_shared>>) offsets(%dma_start3A_322 : memref<128xi32, #tpu.memory_space<vmem>>) semaphore(%run_scoped3A_319 : memref<!tpu.dma_semaphore, #tpu.memory_space<semaphore_mem>>) {add = true}
        %dma_wait3A_326 = arith.constant 0 : i32
        %dma_wait3A_327 = tpu.memref_slice %arg8[%run_scoped3A_271, %dma_wait3A_326] : memref<4x128xi32, #tpu.memory_space<vmem>> -> memref<1x128xi32, #tpu.memory_space<vmem>>
        %dma_wait3A_328 = tpu.memref_squeeze %dma_wait3A_327 : memref<1x128xi32, #tpu.memory_space<vmem>> -> memref<128xi32, #tpu.memory_space<vmem>>
        %dma_wait3A_329 = arith.constant 0 : i32
        %dma_wait3A_330 = arith.constant 0 : i32
        %dma_wait3A_331 = tpu.memref_slice %arg11[%dma_wait3A_329, %dma_wait3A_330] : memref<10112x128xf32, #tpu.memory_space<vmem_shared>> -> memref<10112x128xf32, #tpu.memory_space<vmem_shared>>
        tpu.wait_indirect_dma semaphore(%run_scoped3A_319 : memref<!tpu.dma_semaphore, #tpu.memory_space<semaphore_mem>>) src(%arg9 : memref<128x128xf32, #tpu.memory_space<vmem>>) dst(%dma_wait3A_331 : memref<10112x128xf32, #tpu.memory_space<vmem_shared>>)
        tpu.yield
      }) : () -> ()
      %dma_wait3A_272 = arith.constant 0 : i32
      %dma_wait3A_273 = arith.constant 0 : i32
      %dma_wait3A_274 = arith.constant 0 : i32
      %dma_wait3A_275 = tpu.memref_slice %arg3[%dma_wait3A_272, %dma_wait3A_273, %dma_wait3A_274] : memref<2x2500x128xi32, #tpu.memory_space<hbm>> -> memref<1x4x128xi32, #tpu.memory_space<hbm>>
      %dma_wait3A_276 = tpu.memref_squeeze %dma_wait3A_275 : memref<1x4x128xi32, #tpu.memory_space<hbm>> -> memref<4x128xi32, #tpu.memory_space<hbm>>
      %dma_wait3A_277 = arith.constant 0 : i32
      %dma_wait3A_278 = arith.constant 0 : i32
      %dma_wait3A_279 = tpu.memref_slice %arg3[%dma_wait3A_272, %dma_wait3A_277, %dma_wait3A_278] : memref<2x2500x128xi32, #tpu.memory_space<hbm>> -> memref<1x4x128xi32, #tpu.memory_space<hbm>>
      %dma_wait3A_280 = tpu.memref_squeeze %dma_wait3A_279 : memref<1x4x128xi32, #tpu.memory_space<hbm>> -> memref<4x128xi32, #tpu.memory_space<hbm>>
      tpu.wait_dma2 semaphore(%arg14 : memref<!tpu.dma_semaphore, #tpu.memory_space<semaphore_mem>>) src(%dma_wait3A_280 : memref<4x128xi32, #tpu.memory_space<hbm>>) dst(%arg5 : memref<4x128xi32, #tpu.memory_space<vmem>>)
      %dma_wait3A_281 = arith.constant 1 : i32
      %dma_wait3A_282 = arith.constant 0 : i32
      %dma_wait3A_283 = arith.constant 0 : i32
      %dma_wait3A_284 = tpu.memref_slice %arg3[%dma_wait3A_281, %dma_wait3A_282, %dma_wait3A_283] : memref<2x2500x128xi32, #tpu.memory_space<hbm>> -> memref<1x4x128xi32, #tpu.memory_space<hbm>>
      %dma_wait3A_285 = tpu.memref_squeeze %dma_wait3A_284 : memref<1x4x128xi32, #tpu.memory_space<hbm>> -> memref<4x128xi32, #tpu.memory_space<hbm>>
      %dma_wait3A_286 = arith.constant 0 : i32
      %dma_wait3A_287 = arith.constant 0 : i32
      %dma_wait3A_288 = tpu.memref_slice %arg3[%dma_wait3A_281, %dma_wait3A_286, %dma_wait3A_287] : memref<2x2500x128xi32, #tpu.memory_space<hbm>> -> memref<1x4x128xi32, #tpu.memory_space<hbm>>
      %dma_wait3A_289 = tpu.memref_squeeze %dma_wait3A_288 : memref<1x4x128xi32, #tpu.memory_space<hbm>> -> memref<4x128xi32, #tpu.memory_space<hbm>>
      tpu.wait_dma2 semaphore(%arg14 : memref<!tpu.dma_semaphore, #tpu.memory_space<semaphore_mem>>) src(%dma_wait3A_289 : memref<4x128xi32, #tpu.memory_space<hbm>>) dst(%arg6 : memref<4x128xi32, #tpu.memory_space<vmem>>)
      %dma_start3A_290 = arith.constant 0 : i32
      %dma_start3A_291 = arith.constant 0 : i32
      %dma_start3A_292 = tpu.memref_slice %arg5[%dma_start3A_290, %dma_start3A_291] : memref<4x128xi32, #tpu.memory_space<vmem>> -> memref<1x128xi32, #tpu.memory_space<vmem>>
      %dma_start3A_293 = tpu.memref_squeeze %dma_start3A_292 : memref<1x128xi32, #tpu.memory_space<vmem>> -> memref<128xi32, #tpu.memory_space<vmem>>
      %dma_start3A_294 = arith.constant 0 : i32
      %dma_start3A_295 = arith.constant 0 : i32
      %dma_start3A_296 = tpu.memref_slice %arg2[%dma_start3A_294, %dma_start3A_295] : memref<10000x128xf32, #tpu.memory_space<hbm>> -> memref<10000x128xf32, #tpu.memory_space<hbm>>
      tpu.enqueue_indirect_dma source(%dma_start3A_296 : memref<10000x128xf32, #tpu.memory_space<hbm>>) target(%arg9 : memref<128x128xf32, #tpu.memory_space<vmem>>) offsets(%dma_start3A_293 : memref<128xi32, #tpu.memory_space<vmem>>) semaphore(%arg12 : memref<!tpu.dma_semaphore, #tpu.memory_space<semaphore_mem>>)
      %dma_wait3A_297 = arith.constant 0 : i32
      %dma_wait3A_298 = arith.constant 0 : i32
      %dma_wait3A_299 = tpu.memref_slice %arg5[%dma_wait3A_297, %dma_wait3A_298] : memref<4x128xi32, #tpu.memory_space<vmem>> -> memref<1x128xi32, #tpu.memory_space<vmem>>
      %dma_wait3A_300 = tpu.memref_squeeze %dma_wait3A_299 : memref<1x128xi32, #tpu.memory_space<vmem>> -> memref<128xi32, #tpu.memory_space<vmem>>
      %dma_wait3A_301 = arith.constant 0 : i32
      %dma_wait3A_302 = arith.constant 0 : i32
      %dma_wait3A_303 = tpu.memref_slice %arg2[%dma_wait3A_301, %dma_wait3A_302] : memref<10000x128xf32, #tpu.memory_space<hbm>> -> memref<10000x128xf32, #tpu.memory_space<hbm>>
      tpu.wait_indirect_dma semaphore(%arg13 : memref<!tpu.dma_semaphore, #tpu.memory_space<semaphore_mem>>) src(%dma_wait3A_303 : memref<10000x128xf32, #tpu.memory_space<hbm>>) dst(%arg10 : memref<128x128xf32, #tpu.memory_space<vmem>>)
      %run_scoped3A_304 = arith.constant 3 : i32
      "tpu.region"() ({
        %run_scoped3A_319 = tpu.sem_alloc : memref<!tpu.dma_semaphore, #tpu.memory_space<semaphore_mem>>
        %dma_start3A_320 = arith.constant 0 : i32
        %dma_start3A_321 = tpu.memref_slice %arg8[%run_scoped3A_304, %dma_start3A_320] : memref<4x128xi32, #tpu.memory_space<vmem>> -> memref<1x128xi32, #tpu.memory_space<vmem>>
        %dma_start3A_322 = tpu.memref_squeeze %dma_start3A_321 : memref<1x128xi32, #tpu.memory_space<vmem>> -> memref<128xi32, #tpu.memory_space<vmem>>
        %dma_start3A_323 = arith.constant 0 : i32
        %dma_start3A_324 = arith.constant 0 : i32
        %dma_start3A_325 = tpu.memref_slice %arg11[%dma_start3A_323, %dma_start3A_324] : memref<10112x128xf32, #tpu.memory_space<vmem_shared>> -> memref<10112x128xf32, #tpu.memory_space<vmem_shared>>
        tpu.enqueue_indirect_dma source(%arg10 : memref<128x128xf32, #tpu.memory_space<vmem>>) target(%dma_start3A_325 : memref<10112x128xf32, #tpu.memory_space<vmem_shared>>) offsets(%dma_start3A_322 : memref<128xi32, #tpu.memory_space<vmem>>) semaphore(%run_scoped3A_319 : memref<!tpu.dma_semaphore, #tpu.memory_space<semaphore_mem>>) {add = true}
        %dma_wait3A_326 = arith.constant 0 : i32
        %dma_wait3A_327 = tpu.memref_slice %arg8[%run_scoped3A_304, %dma_wait3A_326] : memref<4x128xi32, #tpu.memory_space<vmem>> -> memref<1x128xi32, #tpu.memory_space<vmem>>
        %dma_wait3A_328 = tpu.memref_squeeze %dma_wait3A_327 : memref<1x128xi32, #tpu.memory_space<vmem>> -> memref<128xi32, #tpu.memory_space<vmem>>
        %dma_wait3A_329 = arith.constant 0 : i32
        %dma_wait3A_330 = arith.constant 0 : i32
        %dma_wait3A_331 = tpu.memref_slice %arg11[%dma_wait3A_329, %dma_wait3A_330] : memref<10112x128xf32, #tpu.memory_space<vmem_shared>> -> memref<10112x128xf32, #tpu.memory_space<vmem_shared>>
        tpu.wait_indirect_dma semaphore(%run_scoped3A_319 : memref<!tpu.dma_semaphore, #tpu.memory_space<semaphore_mem>>) src(%arg10 : memref<128x128xf32, #tpu.memory_space<vmem>>) dst(%dma_wait3A_331 : memref<10112x128xf32, #tpu.memory_space<vmem_shared>>)
        tpu.yield
      }) : () -> ()
      %dma_start3A_305 = arith.constant 0 : i32
      %dma_start3A_306 = arith.constant 0 : i32
      %dma_start3A_307 = tpu.memref_slice %arg3[%dma_start3A_305, %min3A_134, %dma_start3A_306] : memref<2x2500x128xi32, #tpu.memory_space<hbm>> -> memref<1x4x128xi32, #tpu.memory_space<hbm>>
      %dma_start3A_308 = tpu.memref_squeeze %dma_start3A_307 : memref<1x4x128xi32, #tpu.memory_space<hbm>> -> memref<4x128xi32, #tpu.memory_space<hbm>>
      %dma_start3A_309 = arith.constant 0 : i32
      %dma_start3A_310 = tpu.memref_slice %arg3[%dma_start3A_305, %min3A_134, %dma_start3A_309] : memref<2x2500x128xi32, #tpu.memory_space<hbm>> -> memref<1x4x128xi32, #tpu.memory_space<hbm>>
      %dma_start3A_311 = tpu.memref_squeeze %dma_start3A_310 : memref<1x4x128xi32, #tpu.memory_space<hbm>> -> memref<4x128xi32, #tpu.memory_space<hbm>>
      tpu.enqueue_dma source(%dma_start3A_311 : memref<4x128xi32, #tpu.memory_space<hbm>>) target(%arg7 : memref<4x128xi32, #tpu.memory_space<vmem>>) target_semaphore(%arg15 : memref<!tpu.dma_semaphore, #tpu.memory_space<semaphore_mem>>)
      %dma_start3A_312 = arith.constant 1 : i32
      %dma_start3A_313 = arith.constant 0 : i32
      %dma_start3A_314 = tpu.memref_slice %arg3[%dma_start3A_312, %min3A_134, %dma_start3A_313] : memref<2x2500x128xi32, #tpu.memory_space<hbm>> -> memref<1x4x128xi32, #tpu.memory_space<hbm>>
      %dma_start3A_315 = tpu.memref_squeeze %dma_start3A_314 : memref<1x4x128xi32, #tpu.memory_space<hbm>> -> memref<4x128xi32, #tpu.memory_space<hbm>>
      %dma_start3A_316 = arith.constant 0 : i32
      %dma_start3A_317 = tpu.memref_slice %arg3[%dma_start3A_312, %min3A_134, %dma_start3A_316] : memref<2x2500x128xi32, #tpu.memory_space<hbm>> -> memref<1x4x128xi32, #tpu.memory_space<hbm>>
      %dma_start3A_318 = tpu.memref_squeeze %dma_start3A_317 : memref<1x4x128xi32, #tpu.memory_space<hbm>> -> memref<4x128xi32, #tpu.memory_space<hbm>>
      tpu.enqueue_dma source(%dma_start3A_318 : memref<4x128xi32, #tpu.memory_space<hbm>>) target(%arg8 : memref<4x128xi32, #tpu.memory_space<vmem>>) target_semaphore(%arg15 : memref<!tpu.dma_semaphore, #tpu.memory_space<semaphore_mem>>)
    }
    %while3A_85 = arith.constant 1 : i32
    scf.for %while3A_122 = %while3A_83 to %while3A_79 step %while3A_85  : i32 {
      %mul3A_123 = arith.constant 2 : i32
      %mul3A_124 = arith.muli %mul3A_123, %while3A_122 : i32
      %mul3A_125 = arith.constant 4 : i32
      %mul3A_126 = arith.muli %mul3A_124, %mul3A_125 : i32
      %add3A_127 = arith.addi %select_n3A, %mul3A_126 : i32
      %add3A_128 = arith.constant 8 : i32
      %add3A_129 = arith.addi %add3A_127, %add3A_128 : i32
      %min3A = arith.constant 2496 : i32
      %min3A_130 = arith.minsi %add3A_129, %min3A : i32
      %add3A_131 = arith.constant 12 : i32
      %add3A_132 = arith.addi %add3A_127, %add3A_131 : i32
      %min3A_133 = arith.constant 2496 : i32
      %min3A_134 = arith.minsi %add3A_132, %min3A_133 : i32
      %dma_start3A_135 = arith.constant 1 : i32
      %dma_start3A_136 = arith.constant 0 : i32
      %dma_start3A_137 = tpu.memref_slice %arg5[%dma_start3A_135, %dma_start3A_136] : memref<4x128xi32, #tpu.memory_space<vmem>> -> memref<1x128xi32, #tpu.memory_space<vmem>>
      %dma_start3A_138 = tpu.memref_squeeze %dma_start3A_137 : memref<1x128xi32, #tpu.memory_space<vmem>> -> memref<128xi32, #tpu.memory_space<vmem>>
      %dma_start3A_139 = arith.constant 0 : i32
      %dma_start3A_140 = arith.constant 0 : i32
      %dma_start3A_141 = tpu.memref_slice %arg2[%dma_start3A_139, %dma_start3A_140] : memref<10000x128xf32, #tpu.memory_space<hbm>> -> memref<10000x128xf32, #tpu.memory_space<hbm>>
      tpu.enqueue_indirect_dma source(%dma_start3A_141 : memref<10000x128xf32, #tpu.memory_space<hbm>>) target(%arg10 : memref<128x128xf32, #tpu.memory_space<vmem>>) offsets(%dma_start3A_138 : memref<128xi32, #tpu.memory_space<vmem>>) semaphore(%arg13 : memref<!tpu.dma_semaphore, #tpu.memory_space<semaphore_mem>>)
      %dma_wait3A_142 = arith.constant 0 : i32
      %dma_wait3A_143 = arith.constant 0 : i32
      %dma_wait3A_144 = tpu.memref_slice %arg5[%dma_wait3A_142, %dma_wait3A_143] : memref<4x128xi32, #tpu.memory_space<vmem>> -> memref<1x128xi32, #tpu.memory_space<vmem>>
      %dma_wait3A_145 = tpu.memref_squeeze %dma_wait3A_144 : memref<1x128xi32, #tpu.memory_space<vmem>> -> memref<128xi32, #tpu.memory_space<vmem>>
      %dma_wait3A_146 = arith.constant 0 : i32
      %dma_wait3A_147 = arith.constant 0 : i32
      %dma_wait3A_148 = tpu.memref_slice %arg2[%dma_wait3A_146, %dma_wait3A_147] : memref<10000x128xf32, #tpu.memory_space<hbm>> -> memref<10000x128xf32, #tpu.memory_space<hbm>>
      tpu.wait_indirect_dma semaphore(%arg12 : memref<!tpu.dma_semaphore, #tpu.memory_space<semaphore_mem>>) src(%dma_wait3A_148 : memref<10000x128xf32, #tpu.memory_space<hbm>>) dst(%arg9 : memref<128x128xf32, #tpu.memory_space<vmem>>)
      %run_scoped3A_149 = arith.constant 0 : i32
      "tpu.region"() ({
        %run_scoped3A_319 = tpu.sem_alloc : memref<!tpu.dma_semaphore, #tpu.memory_space<semaphore_mem>>
        %dma_start3A_320 = arith.constant 0 : i32
        %dma_start3A_321 = tpu.memref_slice %arg6[%run_scoped3A_149, %dma_start3A_320] : memref<4x128xi32, #tpu.memory_space<vmem>> -> memref<1x128xi32, #tpu.memory_space<vmem>>
        %dma_start3A_322 = tpu.memref_squeeze %dma_start3A_321 : memref<1x128xi32, #tpu.memory_space<vmem>> -> memref<128xi32, #tpu.memory_space<vmem>>
        %dma_start3A_323 = arith.constant 0 : i32
        %dma_start3A_324 = arith.constant 0 : i32
        %dma_start3A_325 = tpu.memref_slice %arg11[%dma_start3A_323, %dma_start3A_324] : memref<10112x128xf32, #tpu.memory_space<vmem_shared>> -> memref<10112x128xf32, #tpu.memory_space<vmem_shared>>
        tpu.enqueue_indirect_dma source(%arg9 : memref<128x128xf32, #tpu.memory_space<vmem>>) target(%dma_start3A_325 : memref<10112x128xf32, #tpu.memory_space<vmem_shared>>) offsets(%dma_start3A_322 : memref<128xi32, #tpu.memory_space<vmem>>) semaphore(%run_scoped3A_319 : memref<!tpu.dma_semaphore, #tpu.memory_space<semaphore_mem>>) {add = true}
        %dma_wait3A_326 = arith.constant 0 : i32
        %dma_wait3A_327 = tpu.memref_slice %arg6[%run_scoped3A_149, %dma_wait3A_326] : memref<4x128xi32, #tpu.memory_space<vmem>> -> memref<1x128xi32, #tpu.memory_space<vmem>>
        %dma_wait3A_328 = tpu.memref_squeeze %dma_wait3A_327 : memref<1x128xi32, #tpu.memory_space<vmem>> -> memref<128xi32, #tpu.memory_space<vmem>>
        %dma_wait3A_329 = arith.constant 0 : i32
        %dma_wait3A_330 = arith.constant 0 : i32
        %dma_wait3A_331 = tpu.memref_slice %arg11[%dma_wait3A_329, %dma_wait3A_330] : memref<10112x128xf32, #tpu.memory_space<vmem_shared>> -> memref<10112x128xf32, #tpu.memory_space<vmem_shared>>
        tpu.wait_indirect_dma semaphore(%run_scoped3A_319 : memref<!tpu.dma_semaphore, #tpu.memory_space<semaphore_mem>>) src(%arg9 : memref<128x128xf32, #tpu.memory_space<vmem>>) dst(%dma_wait3A_331 : memref<10112x128xf32, #tpu.memory_space<vmem_shared>>)
        tpu.yield
      }) : () -> ()
      %dma_start3A_150 = arith.constant 2 : i32
      %dma_start3A_151 = arith.constant 0 : i32
      %dma_start3A_152 = tpu.memref_slice %arg5[%dma_start3A_150, %dma_start3A_151] : memref<4x128xi32, #tpu.memory_space<vmem>> -> memref<1x128xi32, #tpu.memory_space<vmem>>
      %dma_start3A_153 = tpu.memref_squeeze %dma_start3A_152 : memref<1x128xi32, #tpu.memory_space<vmem>> -> memref<128xi32, #tpu.memory_space<vmem>>
      %dma_start3A_154 = arith.constant 0 : i32
      %dma_start3A_155 = arith.constant 0 : i32
      %dma_start3A_156 = tpu.memref_slice %arg2[%dma_start3A_154, %dma_start3A_155] : memref<10000x128xf32, #tpu.memory_space<hbm>> -> memref<10000x128xf32, #tpu.memory_space<hbm>>
      tpu.enqueue_indirect_dma source(%dma_start3A_156 : memref<10000x128xf32, #tpu.memory_space<hbm>>) target(%arg9 : memref<128x128xf32, #tpu.memory_space<vmem>>) offsets(%dma_start3A_153 : memref<128xi32, #tpu.memory_space<vmem>>) semaphore(%arg12 : memref<!tpu.dma_semaphore, #tpu.memory_space<semaphore_mem>>)
      %dma_wait3A_157 = arith.constant 0 : i32
      %dma_wait3A_158 = arith.constant 0 : i32
      %dma_wait3A_159 = tpu.memref_slice %arg5[%dma_wait3A_157, %dma_wait3A_158] : memref<4x128xi32, #tpu.memory_space<vmem>> -> memref<1x128xi32, #tpu.memory_space<vmem>>
      %dma_wait3A_160 = tpu.memref_squeeze %dma_wait3A_159 : memref<1x128xi32, #tpu.memory_space<vmem>> -> memref<128xi32, #tpu.memory_space<vmem>>
      %dma_wait3A_161 = arith.constant 0 : i32
      %dma_wait3A_162 = arith.constant 0 : i32
      %dma_wait3A_163 = tpu.memref_slice %arg2[%dma_wait3A_161, %dma_wait3A_162] : memref<10000x128xf32, #tpu.memory_space<hbm>> -> memref<10000x128xf32, #tpu.memory_space<hbm>>
      tpu.wait_indirect_dma semaphore(%arg13 : memref<!tpu.dma_semaphore, #tpu.memory_space<semaphore_mem>>) src(%dma_wait3A_163 : memref<10000x128xf32, #tpu.memory_space<hbm>>) dst(%arg10 : memref<128x128xf32, #tpu.memory_space<vmem>>)
      %run_scoped3A_164 = arith.constant 1 : i32
      "tpu.region"() ({
        %run_scoped3A_319 = tpu.sem_alloc : memref<!tpu.dma_semaphore, #tpu.memory_space<semaphore_mem>>
        %dma_start3A_320 = arith.constant 0 : i32
        %dma_start3A_321 = tpu.memref_slice %arg6[%run_scoped3A_164, %dma_start3A_320] : memref<4x128xi32, #tpu.memory_space<vmem>> -> memref<1x128xi32, #tpu.memory_space<vmem>>
        %dma_start3A_322 = tpu.memref_squeeze %dma_start3A_321 : memref<1x128xi32, #tpu.memory_space<vmem>> -> memref<128xi32, #tpu.memory_space<vmem>>
        %dma_start3A_323 = arith.constant 0 : i32
        %dma_start3A_324 = arith.constant 0 : i32
        %dma_start3A_325 = tpu.memref_slice %arg11[%dma_start3A_323, %dma_start3A_324] : memref<10112x128xf32, #tpu.memory_space<vmem_shared>> -> memref<10112x128xf32, #tpu.memory_space<vmem_shared>>
        tpu.enqueue_indirect_dma source(%arg10 : memref<128x128xf32, #tpu.memory_space<vmem>>) target(%dma_start3A_325 : memref<10112x128xf32, #tpu.memory_space<vmem_shared>>) offsets(%dma_start3A_322 : memref<128xi32, #tpu.memory_space<vmem>>) semaphore(%run_scoped3A_319 : memref<!tpu.dma_semaphore, #tpu.memory_space<semaphore_mem>>) {add = true}
        %dma_wait3A_326 = arith.constant 0 : i32
        %dma_wait3A_327 = tpu.memref_slice %arg6[%run_scoped3A_164, %dma_wait3A_326] : memref<4x128xi32, #tpu.memory_space<vmem>> -> memref<1x128xi32, #tpu.memory_space<vmem>>
        %dma_wait3A_328 = tpu.memref_squeeze %dma_wait3A_327 : memref<1x128xi32, #tpu.memory_space<vmem>> -> memref<128xi32, #tpu.memory_space<vmem>>
        %dma_wait3A_329 = arith.constant 0 : i32
        %dma_wait3A_330 = arith.constant 0 : i32
        %dma_wait3A_331 = tpu.memref_slice %arg11[%dma_wait3A_329, %dma_wait3A_330] : memref<10112x128xf32, #tpu.memory_space<vmem_shared>> -> memref<10112x128xf32, #tpu.memory_space<vmem_shared>>
        tpu.wait_indirect_dma semaphore(%run_scoped3A_319 : memref<!tpu.dma_semaphore, #tpu.memory_space<semaphore_mem>>) src(%arg10 : memref<128x128xf32, #tpu.memory_space<vmem>>) dst(%dma_wait3A_331 : memref<10112x128xf32, #tpu.memory_space<vmem_shared>>)
        tpu.yield
      }) : () -> ()
      %dma_start3A_165 = arith.constant 3 : i32
      %dma_start3A_166 = arith.constant 0 : i32
      %dma_start3A_167 = tpu.memref_slice %arg5[%dma_start3A_165, %dma_start3A_166] : memref<4x128xi32, #tpu.memory_space<vmem>> -> memref<1x128xi32, #tpu.memory_space<vmem>>
      %dma_start3A_168 = tpu.memref_squeeze %dma_start3A_167 : memref<1x128xi32, #tpu.memory_space<vmem>> -> memref<128xi32, #tpu.memory_space<vmem>>
      %dma_start3A_169 = arith.constant 0 : i32
      %dma_start3A_170 = arith.constant 0 : i32
      %dma_start3A_171 = tpu.memref_slice %arg2[%dma_start3A_169, %dma_start3A_170] : memref<10000x128xf32, #tpu.memory_space<hbm>> -> memref<10000x128xf32, #tpu.memory_space<hbm>>
      tpu.enqueue_indirect_dma source(%dma_start3A_171 : memref<10000x128xf32, #tpu.memory_space<hbm>>) target(%arg10 : memref<128x128xf32, #tpu.memory_space<vmem>>) offsets(%dma_start3A_168 : memref<128xi32, #tpu.memory_space<vmem>>) semaphore(%arg13 : memref<!tpu.dma_semaphore, #tpu.memory_space<semaphore_mem>>)
      %dma_wait3A_172 = arith.constant 0 : i32
      %dma_wait3A_173 = arith.constant 0 : i32
      %dma_wait3A_174 = tpu.memref_slice %arg5[%dma_wait3A_172, %dma_wait3A_173] : memref<4x128xi32, #tpu.memory_space<vmem>> -> memref<1x128xi32, #tpu.memory_space<vmem>>
      %dma_wait3A_175 = tpu.memref_squeeze %dma_wait3A_174 : memref<1x128xi32, #tpu.memory_space<vmem>> -> memref<128xi32, #tpu.memory_space<vmem>>
      %dma_wait3A_176 = arith.constant 0 : i32
      %dma_wait3A_177 = arith.constant 0 : i32
      %dma_wait3A_178 = tpu.memref_slice %arg2[%dma_wait3A_176, %dma_wait3A_177] : memref<10000x128xf32, #tpu.memory_space<hbm>> -> memref<10000x128xf32, #tpu.memory_space<hbm>>
      tpu.wait_indirect_dma semaphore(%arg12 : memref<!tpu.dma_semaphore, #tpu.memory_space<semaphore_mem>>) src(%dma_wait3A_178 : memref<10000x128xf32, #tpu.memory_space<hbm>>) dst(%arg9 : memref<128x128xf32, #tpu.memory_space<vmem>>)
      %run_scoped3A_179 = arith.constant 2 : i32
      "tpu.region"() ({
        %run_scoped3A_319 = tpu.sem_alloc : memref<!tpu.dma_semaphore, #tpu.memory_space<semaphore_mem>>
        %dma_start3A_320 = arith.constant 0 : i32
        %dma_start3A_321 = tpu.memref_slice %arg6[%run_scoped3A_179, %dma_start3A_320] : memref<4x128xi32, #tpu.memory_space<vmem>> -> memref<1x128xi32, #tpu.memory_space<vmem>>
        %dma_start3A_322 = tpu.memref_squeeze %dma_start3A_321 : memref<1x128xi32, #tpu.memory_space<vmem>> -> memref<128xi32, #tpu.memory_space<vmem>>
        %dma_start3A_323 = arith.constant 0 : i32
        %dma_start3A_324 = arith.constant 0 : i32
        %dma_start3A_325 = tpu.memref_slice %arg11[%dma_start3A_323, %dma_start3A_324] : memref<10112x128xf32, #tpu.memory_space<vmem_shared>> -> memref<10112x128xf32, #tpu.memory_space<vmem_shared>>
        tpu.enqueue_indirect_dma source(%arg9 : memref<128x128xf32, #tpu.memory_space<vmem>>) target(%dma_start3A_325 : memref<10112x128xf32, #tpu.memory_space<vmem_shared>>) offsets(%dma_start3A_322 : memref<128xi32, #tpu.memory_space<vmem>>) semaphore(%run_scoped3A_319 : memref<!tpu.dma_semaphore, #tpu.memory_space<semaphore_mem>>) {add = true}
        %dma_wait3A_326 = arith.constant 0 : i32
        %dma_wait3A_327 = tpu.memref_slice %arg6[%run_scoped3A_179, %dma_wait3A_326] : memref<4x128xi32, #tpu.memory_space<vmem>> -> memref<1x128xi32, #tpu.memory_space<vmem>>
        %dma_wait3A_328 = tpu.memref_squeeze %dma_wait3A_327 : memref<1x128xi32, #tpu.memory_space<vmem>> -> memref<128xi32, #tpu.memory_space<vmem>>
        %dma_wait3A_329 = arith.constant 0 : i32
        %dma_wait3A_330 = arith.constant 0 : i32
        %dma_wait3A_331 = tpu.memref_slice %arg11[%dma_wait3A_329, %dma_wait3A_330] : memref<10112x128xf32, #tpu.memory_space<vmem_shared>> -> memref<10112x128xf32, #tpu.memory_space<vmem_shared>>
        tpu.wait_indirect_dma semaphore(%run_scoped3A_319 : memref<!tpu.dma_semaphore, #tpu.memory_space<semaphore_mem>>) src(%arg9 : memref<128x128xf32, #tpu.memory_space<vmem>>) dst(%dma_wait3A_331 : memref<10112x128xf32, #tpu.memory_space<vmem_shared>>)
        tpu.yield
      }) : () -> ()
      %dma_wait3A_180 = arith.constant 0 : i32
      %dma_wait3A_181 = arith.constant 0 : i32
      %dma_wait3A_182 = arith.constant 0 : i32
      %dma_wait3A_183 = tpu.memref_slice %arg3[%dma_wait3A_180, %dma_wait3A_181, %dma_wait3A_182] : memref<2x2500x128xi32, #tpu.memory_space<hbm>> -> memref<1x4x128xi32, #tpu.memory_space<hbm>>
      %dma_wait3A_184 = tpu.memref_squeeze %dma_wait3A_183 : memref<1x4x128xi32, #tpu.memory_space<hbm>> -> memref<4x128xi32, #tpu.memory_space<hbm>>
      %dma_wait3A_185 = arith.constant 0 : i32
      %dma_wait3A_186 = arith.constant 0 : i32
      %dma_wait3A_187 = tpu.memref_slice %arg3[%dma_wait3A_180, %dma_wait3A_185, %dma_wait3A_186] : memref<2x2500x128xi32, #tpu.memory_space<hbm>> -> memref<1x4x128xi32, #tpu.memory_space<hbm>>
      %dma_wait3A_188 = tpu.memref_squeeze %dma_wait3A_187 : memref<1x4x128xi32, #tpu.memory_space<hbm>> -> memref<4x128xi32, #tpu.memory_space<hbm>>
      tpu.wait_dma2 semaphore(%arg15 : memref<!tpu.dma_semaphore, #tpu.memory_space<semaphore_mem>>) src(%dma_wait3A_188 : memref<4x128xi32, #tpu.memory_space<hbm>>) dst(%arg7 : memref<4x128xi32, #tpu.memory_space<vmem>>)
      %dma_wait3A_189 = arith.constant 1 : i32
      %dma_wait3A_190 = arith.constant 0 : i32
      %dma_wait3A_191 = arith.constant 0 : i32
      %dma_wait3A_192 = tpu.memref_slice %arg3[%dma_wait3A_189, %dma_wait3A_190, %dma_wait3A_191] : memref<2x2500x128xi32, #tpu.memory_space<hbm>> -> memref<1x4x128xi32, #tpu.memory_space<hbm>>
      %dma_wait3A_193 = tpu.memref_squeeze %dma_wait3A_192 : memref<1x4x128xi32, #tpu.memory_space<hbm>> -> memref<4x128xi32, #tpu.memory_space<hbm>>
      %dma_wait3A_194 = arith.constant 0 : i32
      %dma_wait3A_195 = arith.constant 0 : i32
      %dma_wait3A_196 = tpu.memref_slice %arg3[%dma_wait3A_189, %dma_wait3A_194, %dma_wait3A_195] : memref<2x2500x128xi32, #tpu.memory_space<hbm>> -> memref<1x4x128xi32, #tpu.memory_space<hbm>>
      %dma_wait3A_197 = tpu.memref_squeeze %dma_wait3A_196 : memref<1x4x128xi32, #tpu.memory_space<hbm>> -> memref<4x128xi32, #tpu.memory_space<hbm>>
      tpu.wait_dma2 semaphore(%arg15 : memref<!tpu.dma_semaphore, #tpu.memory_space<semaphore_mem>>) src(%dma_wait3A_197 : memref<4x128xi32, #tpu.memory_space<hbm>>) dst(%arg8 : memref<4x128xi32, #tpu.memory_space<vmem>>)
      %dma_start3A_198 = arith.constant 0 : i32
      %dma_start3A_199 = arith.constant 0 : i32
      %dma_start3A_200 = tpu.memref_slice %arg7[%dma_start3A_198, %dma_start3A_199] : memref<4x128xi32, #tpu.memory_space<vmem>> -> memref<1x128xi32, #tpu.memory_space<vmem>>
      %dma_start3A_201 = tpu.memref_squeeze %dma_start3A_200 : memref<1x128xi32, #tpu.memory_space<vmem>> -> memref<128xi32, #tpu.memory_space<vmem>>
      %dma_start3A_202 = arith.constant 0 : i32
      %dma_start3A_203 = arith.constant 0 : i32
      %dma_start3A_204 = tpu.memref_slice %arg2[%dma_start3A_202, %dma_start3A_203] : memref<10000x128xf32, #tpu.memory_space<hbm>> -> memref<10000x128xf32, #tpu.memory_space<hbm>>
      tpu.enqueue_indirect_dma source(%dma_start3A_204 : memref<10000x128xf32, #tpu.memory_space<hbm>>) target(%arg9 : memref<128x128xf32, #tpu.memory_space<vmem>>) offsets(%dma_start3A_201 : memref<128xi32, #tpu.memory_space<vmem>>) semaphore(%arg12 : memref<!tpu.dma_semaphore, #tpu.memory_space<semaphore_mem>>)
      %dma_wait3A_205 = arith.constant 0 : i32
      %dma_wait3A_206 = arith.constant 0 : i32
      %dma_wait3A_207 = tpu.memref_slice %arg5[%dma_wait3A_205, %dma_wait3A_206] : memref<4x128xi32, #tpu.memory_space<vmem>> -> memref<1x128xi32, #tpu.memory_space<vmem>>
      %dma_wait3A_208 = tpu.memref_squeeze %dma_wait3A_207 : memref<1x128xi32, #tpu.memory_space<vmem>> -> memref<128xi32, #tpu.memory_space<vmem>>
      %dma_wait3A_209 = arith.constant 0 : i32
      %dma_wait3A_210 = arith.constant 0 : i32
      %dma_wait3A_211 = tpu.memref_slice %arg2[%dma_wait3A_209, %dma_wait3A_210] : memref<10000x128xf32, #tpu.memory_space<hbm>> -> memref<10000x128xf32, #tpu.memory_space<hbm>>
      tpu.wait_indirect_dma semaphore(%arg13 : memref<!tpu.dma_semaphore, #tpu.memory_space<semaphore_mem>>) src(%dma_wait3A_211 : memref<10000x128xf32, #tpu.memory_space<hbm>>) dst(%arg10 : memref<128x128xf32, #tpu.memory_space<vmem>>)
      %run_scoped3A_212 = arith.constant 3 : i32
      "tpu.region"() ({
        %run_scoped3A_319 = tpu.sem_alloc : memref<!tpu.dma_semaphore, #tpu.memory_space<semaphore_mem>>
        %dma_start3A_320 = arith.constant 0 : i32
        %dma_start3A_321 = tpu.memref_slice %arg6[%run_scoped3A_212, %dma_start3A_320] : memref<4x128xi32, #tpu.memory_space<vmem>> -> memref<1x128xi32, #tpu.memory_space<vmem>>
        %dma_start3A_322 = tpu.memref_squeeze %dma_start3A_321 : memref<1x128xi32, #tpu.memory_space<vmem>> -> memref<128xi32, #tpu.memory_space<vmem>>
        %dma_start3A_323 = arith.constant 0 : i32
        %dma_start3A_324 = arith.constant 0 : i32
        %dma_start3A_325 = tpu.memref_slice %arg11[%dma_start3A_323, %dma_start3A_324] : memref<10112x128xf32, #tpu.memory_space<vmem_shared>> -> memref<10112x128xf32, #tpu.memory_space<vmem_shared>>
        tpu.enqueue_indirect_dma source(%arg10 : memref<128x128xf32, #tpu.memory_space<vmem>>) target(%dma_start3A_325 : memref<10112x128xf32, #tpu.memory_space<vmem_shared>>) offsets(%dma_start3A_322 : memref<128xi32, #tpu.memory_space<vmem>>) semaphore(%run_scoped3A_319 : memref<!tpu.dma_semaphore, #tpu.memory_space<semaphore_mem>>) {add = true}
        %dma_wait3A_326 = arith.constant 0 : i32
        %dma_wait3A_327 = tpu.memref_slice %arg6[%run_scoped3A_212, %dma_wait3A_326] : memref<4x128xi32, #tpu.memory_space<vmem>> -> memref<1x128xi32, #tpu.memory_space<vmem>>
        %dma_wait3A_328 = tpu.memref_squeeze %dma_wait3A_327 : memref<1x128xi32, #tpu.memory_space<vmem>> -> memref<128xi32, #tpu.memory_space<vmem>>
        %dma_wait3A_329 = arith.constant 0 : i32
        %dma_wait3A_330 = arith.constant 0 : i32
        %dma_wait3A_331 = tpu.memref_slice %arg11[%dma_wait3A_329, %dma_wait3A_330] : memref<10112x128xf32, #tpu.memory_space<vmem_shared>> -> memref<10112x128xf32, #tpu.memory_space<vmem_shared>>
        tpu.wait_indirect_dma semaphore(%run_scoped3A_319 : memref<!tpu.dma_semaphore, #tpu.memory_space<semaphore_mem>>) src(%arg10 : memref<128x128xf32, #tpu.memory_space<vmem>>) dst(%dma_wait3A_331 : memref<10112x128xf32, #tpu.memory_space<vmem_shared>>)
        tpu.yield
      }) : () -> ()
      %dma_start3A_213 = arith.constant 0 : i32
      %dma_start3A_214 = arith.constant 0 : i32
      %dma_start3A_215 = tpu.memref_slice %arg3[%dma_start3A_213, %min3A_130, %dma_start3A_214] : memref<2x2500x128xi32, #tpu.memory_space<hbm>> -> memref<1x4x128xi32, #tpu.memory_space<hbm>>
      %dma_start3A_216 = tpu.memref_squeeze %dma_start3A_215 : memref<1x4x128xi32, #tpu.memory_space<hbm>> -> memref<4x128xi32, #tpu.memory_space<hbm>>
      %dma_start3A_217 = arith.constant 0 : i32
      %dma_start3A_218 = tpu.memref_slice %arg3[%dma_start3A_213, %min3A_130, %dma_start3A_217] : memref<2x2500x128xi32, #tpu.memory_space<hbm>> -> memref<1x4x128xi32, #tpu.memory_space<hbm>>
      %dma_start3A_219 = tpu.memref_squeeze %dma_start3A_218 : memref<1x4x128xi32, #tpu.memory_space<hbm>> -> memref<4x128xi32, #tpu.memory_space<hbm>>
      tpu.enqueue_dma source(%dma_start3A_219 : memref<4x128xi32, #tpu.memory_space<hbm>>) target(%arg5 : memref<4x128xi32, #tpu.memory_space<vmem>>) target_semaphore(%arg14 : memref<!tpu.dma_semaphore, #tpu.memory_space<semaphore_mem>>)
      %dma_start3A_220 = arith.constant 1 : i32
      %dma_start3A_221 = arith.constant 0 : i32
      %dma_start3A_222 = tpu.memref_slice %arg3[%dma_start3A_220, %min3A_130, %dma_start3A_221] : memref<2x2500x128xi32, #tpu.memory_space<hbm>> -> memref<1x4x128xi32, #tpu.memory_space<hbm>>
      %dma_start3A_223 = tpu.memref_squeeze %dma_start3A_222 : memref<1x4x128xi32, #tpu.memory_space<hbm>> -> memref<4x128xi32, #tpu.memory_space<hbm>>
      %dma_start3A_224 = arith.constant 0 : i32
      %dma_start3A_225 = tpu.memref_slice %arg3[%dma_start3A_220, %min3A_130, %dma_start3A_224] : memref<2x2500x128xi32, #tpu.memory_space<hbm>> -> memref<1x4x128xi32, #tpu.memory_space<hbm>>
      %dma_start3A_226 = tpu.memref_squeeze %dma_start3A_225 : memref<1x4x128xi32, #tpu.memory_space<hbm>> -> memref<4x128xi32, #tpu.memory_space<hbm>>
      tpu.enqueue_dma source(%dma_start3A_226 : memref<4x128xi32, #tpu.memory_space<hbm>>) target(%arg6 : memref<4x128xi32, #tpu.memory_space<vmem>>) target_semaphore(%arg14 : memref<!tpu.dma_semaphore, #tpu.memory_space<semaphore_mem>>)
      %dma_start3A_227 = arith.constant 1 : i32
      %dma_start3A_228 = arith.constant 0 : i32
      %dma_start3A_229 = tpu.memref_slice %arg7[%dma_start3A_227, %dma_start3A_228] : memref<4x128xi32, #tpu.memory_space<vmem>> -> memref<1x128xi32, #tpu.memory_space<vmem>>
      %dma_start3A_230 = tpu.memref_squeeze %dma_start3A_229 : memref<1x128xi32, #tpu.memory_space<vmem>> -> memref<128xi32, #tpu.memory_space<vmem>>
      %dma_start3A_231 = arith.constant 0 : i32
      %dma_start3A_232 = arith.constant 0 : i32
      %dma_start3A_233 = tpu.memref_slice %arg2[%dma_start3A_231, %dma_start3A_232] : memref<10000x128xf32, #tpu.memory_space<hbm>> -> memref<10000x128xf32, #tpu.memory_space<hbm>>
      tpu.enqueue_indirect_dma source(%dma_start3A_233 : memref<10000x128xf32, #tpu.memory_space<hbm>>) target(%arg10 : memref<128x128xf32, #tpu.memory_space<vmem>>) offsets(%dma_start3A_230 : memref<128xi32, #tpu.memory_space<vmem>>) semaphore(%arg13 : memref<!tpu.dma_semaphore, #tpu.memory_space<semaphore_mem>>)
      %dma_wait3A_234 = arith.constant 0 : i32
      %dma_wait3A_235 = arith.constant 0 : i32
      %dma_wait3A_236 = tpu.memref_slice %arg5[%dma_wait3A_234, %dma_wait3A_235] : memref<4x128xi32, #tpu.memory_space<vmem>> -> memref<1x128xi32, #tpu.memory_space<vmem>>
      %dma_wait3A_237 = tpu.memref_squeeze %dma_wait3A_236 : memref<1x128xi32, #tpu.memory_space<vmem>> -> memref<128xi32, #tpu.memory_space<vmem>>
      %dma_wait3A_238 = arith.constant 0 : i32
      %dma_wait3A_239 = arith.constant 0 : i32
      %dma_wait3A_240 = tpu.memref_slice %arg2[%dma_wait3A_238, %dma_wait3A_239] : memref<10000x128xf32, #tpu.memory_space<hbm>> -> memref<10000x128xf32, #tpu.memory_space<hbm>>
      tpu.wait_indirect_dma semaphore(%arg12 : memref<!tpu.dma_semaphore, #tpu.memory_space<semaphore_mem>>) src(%dma_wait3A_240 : memref<10000x128xf32, #tpu.memory_space<hbm>>) dst(%arg9 : memref<128x128xf32, #tpu.memory_space<vmem>>)
      %run_scoped3A_241 = arith.constant 0 : i32
      "tpu.region"() ({
        %run_scoped3A_319 = tpu.sem_alloc : memref<!tpu.dma_semaphore, #tpu.memory_space<semaphore_mem>>
        %dma_start3A_320 = arith.constant 0 : i32
        %dma_start3A_321 = tpu.memref_slice %arg8[%run_scoped3A_241, %dma_start3A_320] : memref<4x128xi32, #tpu.memory_space<vmem>> -> memref<1x128xi32, #tpu.memory_space<vmem>>
        %dma_start3A_322 = tpu.memref_squeeze %dma_start3A_321 : memref<1x128xi32, #tpu.memory_space<vmem>> -> memref<128xi32, #tpu.memory_space<vmem>>
        %dma_start3A_323 = arith.constant 0 : i32
        %dma_start3A_324 = arith.constant 0 : i32
        %dma_start3A_325 = tpu.memref_slice %arg11[%dma_start3A_323, %dma_start3A_324] : memref<10112x128xf32, #tpu.memory_space<vmem_shared>> -> memref<10112x128xf32, #tpu.memory_space<vmem_shared>>
        tpu.enqueue_indirect_dma source(%arg9 : memref<128x128xf32, #tpu.memory_space<vmem>>) target(%dma_start3A_325 : memref<10112x128xf32, #tpu.memory_space<vmem_shared>>) offsets(%dma_start3A_322 : memref<128xi32, #tpu.memory_space<vmem>>) semaphore(%run_scoped3A_319 : memref<!tpu.dma_semaphore, #tpu.memory_space<semaphore_mem>>) {add = true}
        %dma_wait3A_326 = arith.constant 0 : i32
        %dma_wait3A_327 = tpu.memref_slice %arg8[%run_scoped3A_241, %dma_wait3A_326] : memref<4x128xi32, #tpu.memory_space<vmem>> -> memref<1x128xi32, #tpu.memory_space<vmem>>
        %dma_wait3A_328 = tpu.memref_squeeze %dma_wait3A_327 : memref<1x128xi32, #tpu.memory_space<vmem>> -> memref<128xi32, #tpu.memory_space<vmem>>
        %dma_wait3A_329 = arith.constant 0 : i32
        %dma_wait3A_330 = arith.constant 0 : i32
        %dma_wait3A_331 = tpu.memref_slice %arg11[%dma_wait3A_329, %dma_wait3A_330] : memref<10112x128xf32, #tpu.memory_space<vmem_shared>> -> memref<10112x128xf32, #tpu.memory_space<vmem_shared>>
        tpu.wait_indirect_dma semaphore(%run_scoped3A_319 : memref<!tpu.dma_semaphore, #tpu.memory_space<semaphore_mem>>) src(%arg9 : memref<128x128xf32, #tpu.memory_space<vmem>>) dst(%dma_wait3A_331 : memref<10112x128xf32, #tpu.memory_space<vmem_shared>>)
        tpu.yield
      }) : () -> ()
      %dma_start3A_242 = arith.constant 2 : i32
      %dma_start3A_243 = arith.constant 0 : i32
      %dma_start3A_244 = tpu.memref_slice %arg7[%dma_start3A_242, %dma_start3A_243] : memref<4x128xi32, #tpu.memory_space<vmem>> -> memref<1x128xi32, #tpu.memory_space<vmem>>
      %dma_start3A_245 = tpu.memref_squeeze %dma_start3A_244 : memref<1x128xi32, #tpu.memory_space<vmem>> -> memref<128xi32, #tpu.memory_space<vmem>>
      %dma_start3A_246 = arith.constant 0 : i32
      %dma_start3A_247 = arith.constant 0 : i32
      %dma_start3A_248 = tpu.memref_slice %arg2[%dma_start3A_246, %dma_start3A_247] : memref<10000x128xf32, #tpu.memory_space<hbm>> -> memref<10000x128xf32, #tpu.memory_space<hbm>>
      tpu.enqueue_indirect_dma source(%dma_start3A_248 : memref<10000x128xf32, #tpu.memory_space<hbm>>) target(%arg9 : memref<128x128xf32, #tpu.memory_space<vmem>>) offsets(%dma_start3A_245 : memref<128xi32, #tpu.memory_space<vmem>>) semaphore(%arg12 : memref<!tpu.dma_semaphore, #tpu.memory_space<semaphore_mem>>)
      %dma_wait3A_249 = arith.constant 0 : i32
      %dma_wait3A_250 = arith.constant 0 : i32
      %dma_wait3A_251 = tpu.memref_slice %arg5[%dma_wait3A_249, %dma_wait3A_250] : memref<4x128xi32, #tpu.memory_space<vmem>> -> memref<1x128xi32, #tpu.memory_space<vmem>>
      %dma_wait3A_252 = tpu.memref_squeeze %dma_wait3A_251 : memref<1x128xi32, #tpu.memory_space<vmem>> -> memref<128xi32, #tpu.memory_space<vmem>>
      %dma_wait3A_253 = arith.constant 0 : i32
      %dma_wait3A_254 = arith.constant 0 : i32
      %dma_wait3A_255 = tpu.memref_slice %arg2[%dma_wait3A_253, %dma_wait3A_254] : memref<10000x128xf32, #tpu.memory_space<hbm>> -> memref<10000x128xf32, #tpu.memory_space<hbm>>
      tpu.wait_indirect_dma semaphore(%arg13 : memref<!tpu.dma_semaphore, #tpu.memory_space<semaphore_mem>>) src(%dma_wait3A_255 : memref<10000x128xf32, #tpu.memory_space<hbm>>) dst(%arg10 : memref<128x128xf32, #tpu.memory_space<vmem>>)
      %run_scoped3A_256 = arith.constant 1 : i32
      "tpu.region"() ({
        %run_scoped3A_319 = tpu.sem_alloc : memref<!tpu.dma_semaphore, #tpu.memory_space<semaphore_mem>>
        %dma_start3A_320 = arith.constant 0 : i32
        %dma_start3A_321 = tpu.memref_slice %arg8[%run_scoped3A_256, %dma_start3A_320] : memref<4x128xi32, #tpu.memory_space<vmem>> -> memref<1x128xi32, #tpu.memory_space<vmem>>
        %dma_start3A_322 = tpu.memref_squeeze %dma_start3A_321 : memref<1x128xi32, #tpu.memory_space<vmem>> -> memref<128xi32, #tpu.memory_space<vmem>>
        %dma_start3A_323 = arith.constant 0 : i32
        %dma_start3A_324 = arith.constant 0 : i32
        %dma_start3A_325 = tpu.memref_slice %arg11[%dma_start3A_323, %dma_start3A_324] : memref<10112x128xf32, #tpu.memory_space<vmem_shared>> -> memref<10112x128xf32, #tpu.memory_space<vmem_shared>>
        tpu.enqueue_indirect_dma source(%arg10 : memref<128x128xf32, #tpu.memory_space<vmem>>) target(%dma_start3A_325 : memref<10112x128xf32, #tpu.memory_space<vmem_shared>>) offsets(%dma_start3A_322 : memref<128xi32, #tpu.memory_space<vmem>>) semaphore(%run_scoped3A_319 : memref<!tpu.dma_semaphore, #tpu.memory_space<semaphore_mem>>) {add = true}
        %dma_wait3A_326 = arith.constant 0 : i32
        %dma_wait3A_327 = tpu.memref_slice %arg8[%run_scoped3A_256, %dma_wait3A_326] : memref<4x128xi32, #tpu.memory_space<vmem>> -> memref<1x128xi32, #tpu.memory_space<vmem>>
        %dma_wait3A_328 = tpu.memref_squeeze %dma_wait3A_327 : memref<1x128xi32, #tpu.memory_space<vmem>> -> memref<128xi32, #tpu.memory_space<vmem>>
        %dma_wait3A_329 = arith.constant 0 : i32
        %dma_wait3A_330 = arith.constant 0 : i32
        %dma_wait3A_331 = tpu.memref_slice %arg11[%dma_wait3A_329, %dma_wait3A_330] : memref<10112x128xf32, #tpu.memory_space<vmem_shared>> -> memref<10112x128xf32, #tpu.memory_space<vmem_shared>>
        tpu.wait_indirect_dma semaphore(%run_scoped3A_319 : memref<!tpu.dma_semaphore, #tpu.memory_space<semaphore_mem>>) src(%arg10 : memref<128x128xf32, #tpu.memory_space<vmem>>) dst(%dma_wait3A_331 : memref<10112x128xf32, #tpu.memory_space<vmem_shared>>)
        tpu.yield
      }) : () -> ()
      %dma_start3A_257 = arith.constant 3 : i32
      %dma_start3A_258 = arith.constant 0 : i32
      %dma_start3A_259 = tpu.memref_slice %arg7[%dma_start3A_257, %dma_start3A_258] : memref<4x128xi32, #tpu.memory_space<vmem>> -> memref<1x128xi32, #tpu.memory_space<vmem>>
      %dma_start3A_260 = tpu.memref_squeeze %dma_start3A_259 : memref<1x128xi32, #tpu.memory_space<vmem>> -> memref<128xi32, #tpu.memory_space<vmem>>
      %dma_start3A_261 = arith.constant 0 : i32
      %dma_start3A_262 = arith.constant 0 : i32
      %dma_start3A_263 = tpu.memref_slice %arg2[%dma_start3A_261, %dma_start3A_262] : memref<10000x128xf32, #tpu.memory_space<hbm>> -> memref<10000x128xf32, #tpu.memory_space<hbm>>
      tpu.enqueue_indirect_dma source(%dma_start3A_263 : memref<10000x128xf32, #tpu.memory_space<hbm>>) target(%arg10 : memref<128x128xf32, #tpu.memory_space<vmem>>) offsets(%dma_start3A_260 : memref<128xi32, #tpu.memory_space<vmem>>) semaphore(%arg13 : memref<!tpu.dma_semaphore, #tpu.memory_space<semaphore_mem>>)
      %dma_wait3A_264 = arith.constant 0 : i32
      %dma_wait3A_265 = arith.constant 0 : i32
      %dma_wait3A_266 = tpu.memref_slice %arg5[%dma_wait3A_264, %dma_wait3A_265] : memref<4x128xi32, #tpu.memory_space<vmem>> -> memref<1x128xi32, #tpu.memory_space<vmem>>
      %dma_wait3A_267 = tpu.memref_squeeze %dma_wait3A_266 : memref<1x128xi32, #tpu.memory_space<vmem>> -> memref<128xi32, #tpu.memory_space<vmem>>
      %dma_wait3A_268 = arith.constant 0 : i32
      %dma_wait3A_269 = arith.constant 0 : i32
      %dma_wait3A_270 = tpu.memref_slice %arg2[%dma_wait3A_268, %dma_wait3A_269] : memref<10000x128xf32, #tpu.memory_space<hbm>> -> memref<10000x128xf32, #tpu.memory_space<hbm>>
      tpu.wait_indirect_dma semaphore(%arg12 : memref<!tpu.dma_semaphore, #tpu.memory_space<semaphore_mem>>) src(%dma_wait3A_270 : memref<10000x128xf32, #tpu.memory_space<hbm>>) dst(%arg9 : memref<128x128xf32, #tpu.memory_space<vmem>>)
      %run_scoped3A_271 = arith.constant 2 : i32
      "tpu.region"() ({
        %run_scoped3A_319 = tpu.sem_alloc : memref<!tpu.dma_semaphore, #tpu.memory_space<semaphore_mem>>
        %dma_start3A_320 = arith.constant 0 : i32
        %dma_start3A_321 = tpu.memref_slice %arg8[%run_scoped3A_271, %dma_start3A_320] : memref<4x128xi32, #tpu.memory_space<vmem>> -> memref<1x128xi32, #tpu.memory_space<vmem>>
        %dma_start3A_322 = tpu.memref_squeeze %dma_start3A_321 : memref<1x128xi32, #tpu.memory_space<vmem>> -> memref<128xi32, #tpu.memory_space<vmem>>
        %dma_start3A_323 = arith.constant 0 : i32
        %dma_start3A_324 = arith.constant 0 : i32
        %dma_start3A_325 = tpu.memref_slice %arg11[%dma_start3A_323, %dma_start3A_324] : memref<10112x128xf32, #tpu.memory_space<vmem_shared>> -> memref<10112x128xf32, #tpu.memory_space<vmem_shared>>
        tpu.enqueue_indirect_dma source(%arg9 : memref<128x128xf32, #tpu.memory_space<vmem>>) target(%dma_start3A_325 : memref<10112x128xf32, #tpu.memory_space<vmem_shared>>) offsets(%dma_start3A_322 : memref<128xi32, #tpu.memory_space<vmem>>) semaphore(%run_scoped3A_319 : memref<!tpu.dma_semaphore, #tpu.memory_space<semaphore_mem>>) {add = true}
        %dma_wait3A_326 = arith.constant 0 : i32
        %dma_wait3A_327 = tpu.memref_slice %arg8[%run_scoped3A_271, %dma_wait3A_326] : memref<4x128xi32, #tpu.memory_space<vmem>> -> memref<1x128xi32, #tpu.memory_space<vmem>>
        %dma_wait3A_328 = tpu.memref_squeeze %dma_wait3A_327 : memref<1x128xi32, #tpu.memory_space<vmem>> -> memref<128xi32, #tpu.memory_space<vmem>>
        %dma_wait3A_329 = arith.constant 0 : i32
        %dma_wait3A_330 = arith.constant 0 : i32
        %dma_wait3A_331 = tpu.memref_slice %arg11[%dma_wait3A_329, %dma_wait3A_330] : memref<10112x128xf32, #tpu.memory_space<vmem_shared>> -> memref<10112x128xf32, #tpu.memory_space<vmem_shared>>
        tpu.wait_indirect_dma semaphore(%run_scoped3A_319 : memref<!tpu.dma_semaphore, #tpu.memory_space<semaphore_mem>>) src(%arg9 : memref<128x128xf32, #tpu.memory_space<vmem>>) dst(%dma_wait3A_331 : memref<10112x128xf32, #tpu.memory_space<vmem_shared>>)
        tpu.yield
      }) : () -> ()
      %dma_wait3A_272 = arith.constant 0 : i32
      %dma_wait3A_273 = arith.constant 0 : i32
      %dma_wait3A_274 = arith.constant 0 : i32
      %dma_wait3A_275 = tpu.memref_slice %arg3[%dma_wait3A_272, %dma_wait3A_273, %dma_wait3A_274] : memref<2x2500x128xi32, #tpu.memory_space<hbm>> -> memref<1x4x128xi32, #tpu.memory_space<hbm>>
      %dma_wait3A_276 = tpu.memref_squeeze %dma_wait3A_275 : memref<1x4x128xi32, #tpu.memory_space<hbm>> -> memref<4x128xi32, #tpu.memory_space<hbm>>
      %dma_wait3A_277 = arith.constant 0 : i32
      %dma_wait3A_278 = arith.constant 0 : i32
      %dma_wait3A_279 = tpu.memref_slice %arg3[%dma_wait3A_272, %dma_wait3A_277, %dma_wait3A_278] : memref<2x2500x128xi32, #tpu.memory_space<hbm>> -> memref<1x4x128xi32, #tpu.memory_space<hbm>>
      %dma_wait3A_280 = tpu.memref_squeeze %dma_wait3A_279 : memref<1x4x128xi32, #tpu.memory_space<hbm>> -> memref<4x128xi32, #tpu.memory_space<hbm>>
      tpu.wait_dma2 semaphore(%arg14 : memref<!tpu.dma_semaphore, #tpu.memory_space<semaphore_mem>>) src(%dma_wait3A_280 : memref<4x128xi32, #tpu.memory_space<hbm>>) dst(%arg5 : memref<4x128xi32, #tpu.memory_space<vmem>>)
      %dma_wait3A_281 = arith.constant 1 : i32
      %dma_wait3A_282 = arith.constant 0 : i32
      %dma_wait3A_283 = arith.constant 0 : i32
      %dma_wait3A_284 = tpu.memref_slice %arg3[%dma_wait3A_281, %dma_wait3A_282, %dma_wait3A_283] : memref<2x2500x128xi32, #tpu.memory_space<hbm>> -> memref<1x4x128xi32, #tpu.memory_space<hbm>>
      %dma_wait3A_285 = tpu.memref_squeeze %dma_wait3A_284 : memref<1x4x128xi32, #tpu.memory_space<hbm>> -> memref<4x128xi32, #tpu.memory_space<hbm>>
      %dma_wait3A_286 = arith.constant 0 : i32
      %dma_wait3A_287 = arith.constant 0 : i32
      %dma_wait3A_288 = tpu.memref_slice %arg3[%dma_wait3A_281, %dma_wait3A_286, %dma_wait3A_287] : memref<2x2500x128xi32, #tpu.memory_space<hbm>> -> memref<1x4x128xi32, #tpu.memory_space<hbm>>
      %dma_wait3A_289 = tpu.memref_squeeze %dma_wait3A_288 : memref<1x4x128xi32, #tpu.memory_space<hbm>> -> memref<4x128xi32, #tpu.memory_space<hbm>>
      tpu.wait_dma2 semaphore(%arg14 : memref<!tpu.dma_semaphore, #tpu.memory_space<semaphore_mem>>) src(%dma_wait3A_289 : memref<4x128xi32, #tpu.memory_space<hbm>>) dst(%arg6 : memref<4x128xi32, #tpu.memory_space<vmem>>)
      %dma_start3A_290 = arith.constant 0 : i32
      %dma_start3A_291 = arith.constant 0 : i32
      %dma_start3A_292 = tpu.memref_slice %arg5[%dma_start3A_290, %dma_start3A_291] : memref<4x128xi32, #tpu.memory_space<vmem>> -> memref<1x128xi32, #tpu.memory_space<vmem>>
      %dma_start3A_293 = tpu.memref_squeeze %dma_start3A_292 : memref<1x128xi32, #tpu.memory_space<vmem>> -> memref<128xi32, #tpu.memory_space<vmem>>
      %dma_start3A_294 = arith.constant 0 : i32
      %dma_start3A_295 = arith.constant 0 : i32
      %dma_start3A_296 = tpu.memref_slice %arg2[%dma_start3A_294, %dma_start3A_295] : memref<10000x128xf32, #tpu.memory_space<hbm>> -> memref<10000x128xf32, #tpu.memory_space<hbm>>
      tpu.enqueue_indirect_dma source(%dma_start3A_296 : memref<10000x128xf32, #tpu.memory_space<hbm>>) target(%arg9 : memref<128x128xf32, #tpu.memory_space<vmem>>) offsets(%dma_start3A_293 : memref<128xi32, #tpu.memory_space<vmem>>) semaphore(%arg12 : memref<!tpu.dma_semaphore, #tpu.memory_space<semaphore_mem>>)
      %dma_wait3A_297 = arith.constant 0 : i32
      %dma_wait3A_298 = arith.constant 0 : i32
      %dma_wait3A_299 = tpu.memref_slice %arg5[%dma_wait3A_297, %dma_wait3A_298] : memref<4x128xi32, #tpu.memory_space<vmem>> -> memref<1x128xi32, #tpu.memory_space<vmem>>
      %dma_wait3A_300 = tpu.memref_squeeze %dma_wait3A_299 : memref<1x128xi32, #tpu.memory_space<vmem>> -> memref<128xi32, #tpu.memory_space<vmem>>
      %dma_wait3A_301 = arith.constant 0 : i32
      %dma_wait3A_302 = arith.constant 0 : i32
      %dma_wait3A_303 = tpu.memref_slice %arg2[%dma_wait3A_301, %dma_wait3A_302] : memref<10000x128xf32, #tpu.memory_space<hbm>> -> memref<10000x128xf32, #tpu.memory_space<hbm>>
      tpu.wait_indirect_dma semaphore(%arg13 : memref<!tpu.dma_semaphore, #tpu.memory_space<semaphore_mem>>) src(%dma_wait3A_303 : memref<10000x128xf32, #tpu.memory_space<hbm>>) dst(%arg10 : memref<128x128xf32, #tpu.memory_space<vmem>>)
      %run_scoped3A_304 = arith.constant 3 : i32
      "tpu.region"() ({
        %run_scoped3A_319 = tpu.sem_alloc : memref<!tpu.dma_semaphore, #tpu.memory_space<semaphore_mem>>
        %dma_start3A_320 = arith.constant 0 : i32
        %dma_start3A_321 = tpu.memref_slice %arg8[%run_scoped3A_304, %dma_start3A_320] : memref<4x128xi32, #tpu.memory_space<vmem>> -> memref<1x128xi32, #tpu.memory_space<vmem>>
        %dma_start3A_322 = tpu.memref_squeeze %dma_start3A_321 : memref<1x128xi32, #tpu.memory_space<vmem>> -> memref<128xi32, #tpu.memory_space<vmem>>
        %dma_start3A_323 = arith.constant 0 : i32
        %dma_start3A_324 = arith.constant 0 : i32
        %dma_start3A_325 = tpu.memref_slice %arg11[%dma_start3A_323, %dma_start3A_324] : memref<10112x128xf32, #tpu.memory_space<vmem_shared>> -> memref<10112x128xf32, #tpu.memory_space<vmem_shared>>
        tpu.enqueue_indirect_dma source(%arg10 : memref<128x128xf32, #tpu.memory_space<vmem>>) target(%dma_start3A_325 : memref<10112x128xf32, #tpu.memory_space<vmem_shared>>) offsets(%dma_start3A_322 : memref<128xi32, #tpu.memory_space<vmem>>) semaphore(%run_scoped3A_319 : memref<!tpu.dma_semaphore, #tpu.memory_space<semaphore_mem>>) {add = true}
        %dma_wait3A_326 = arith.constant 0 : i32
        %dma_wait3A_327 = tpu.memref_slice %arg8[%run_scoped3A_304, %dma_wait3A_326] : memref<4x128xi32, #tpu.memory_space<vmem>> -> memref<1x128xi32, #tpu.memory_space<vmem>>
        %dma_wait3A_328 = tpu.memref_squeeze %dma_wait3A_327 : memref<1x128xi32, #tpu.memory_space<vmem>> -> memref<128xi32, #tpu.memory_space<vmem>>
        %dma_wait3A_329 = arith.constant 0 : i32
        %dma_wait3A_330 = arith.constant 0 : i32
        %dma_wait3A_331 = tpu.memref_slice %arg11[%dma_wait3A_329, %dma_wait3A_330] : memref<10112x128xf32, #tpu.memory_space<vmem_shared>> -> memref<10112x128xf32, #tpu.memory_space<vmem_shared>>
        tpu.wait_indirect_dma semaphore(%run_scoped3A_319 : memref<!tpu.dma_semaphore, #tpu.memory_space<semaphore_mem>>) src(%arg10 : memref<128x128xf32, #tpu.memory_space<vmem>>) dst(%dma_wait3A_331 : memref<10112x128xf32, #tpu.memory_space<vmem_shared>>)
        tpu.yield
      }) : () -> ()
      %dma_start3A_305 = arith.constant 0 : i32
      %dma_start3A_306 = arith.constant 0 : i32
      %dma_start3A_307 = tpu.memref_slice %arg3[%dma_start3A_305, %min3A_134, %dma_start3A_306] : memref<2x2500x128xi32, #tpu.memory_space<hbm>> -> memref<1x4x128xi32, #tpu.memory_space<hbm>>
      %dma_start3A_308 = tpu.memref_squeeze %dma_start3A_307 : memref<1x4x128xi32, #tpu.memory_space<hbm>> -> memref<4x128xi32, #tpu.memory_space<hbm>>
      %dma_start3A_309 = arith.constant 0 : i32
      %dma_start3A_310 = tpu.memref_slice %arg3[%dma_start3A_305, %min3A_134, %dma_start3A_309] : memref<2x2500x128xi32, #tpu.memory_space<hbm>> -> memref<1x4x128xi32, #tpu.memory_space<hbm>>
      %dma_start3A_311 = tpu.memref_squeeze %dma_start3A_310 : memref<1x4x128xi32, #tpu.memory_space<hbm>> -> memref<4x128xi32, #tpu.memory_space<hbm>>
      tpu.enqueue_dma source(%dma_start3A_311 : memref<4x128xi32, #tpu.memory_space<hbm>>) target(%arg7 : memref<4x128xi32, #tpu.memory_space<vmem>>) target_semaphore(%arg15 : memref<!tpu.dma_semaphore, #tpu.memory_space<semaphore_mem>>)
      %dma_start3A_312 = arith.constant 1 : i32
      %dma_start3A_313 = arith.constant 0 : i32
      %dma_start3A_314 = tpu.memref_slice %arg3[%dma_start3A_312, %min3A_134, %dma_start3A_313] : memref<2x2500x128xi32, #tpu.memory_space<hbm>> -> memref<1x4x128xi32, #tpu.memory_space<hbm>>
      %dma_start3A_315 = tpu.memref_squeeze %dma_start3A_314 : memref<1x4x128xi32, #tpu.memory_space<hbm>> -> memref<4x128xi32, #tpu.memory_space<hbm>>
      %dma_start3A_316 = arith.constant 0 : i32
      %dma_start3A_317 = tpu.memref_slice %arg3[%dma_start3A_312, %min3A_134, %dma_start3A_316] : memref<2x2500x128xi32, #tpu.memory_space<hbm>> -> memref<1x4x128xi32, #tpu.memory_space<hbm>>
      %dma_start3A_318 = tpu.memref_squeeze %dma_start3A_317 : memref<1x4x128xi32, #tpu.memory_space<hbm>> -> memref<4x128xi32, #tpu.memory_space<hbm>>
      tpu.enqueue_dma source(%dma_start3A_318 : memref<4x128xi32, #tpu.memory_space<hbm>>) target(%arg8 : memref<4x128xi32, #tpu.memory_space<vmem>>) target_semaphore(%arg15 : memref<!tpu.dma_semaphore, #tpu.memory_space<semaphore_mem>>)
    }
    %dma_wait3A = arith.constant 0 : i32
    %dma_wait3A_86 = arith.constant 0 : i32
    %dma_wait3A_87 = tpu.memref_slice %arg5[%dma_wait3A, %dma_wait3A_86] : memref<4x128xi32, #tpu.memory_space<vmem>> -> memref<1x128xi32, #tpu.memory_space<vmem>>
    %dma_wait3A_88 = tpu.memref_squeeze %dma_wait3A_87 : memref<1x128xi32, #tpu.memory_space<vmem>> -> memref<128xi32, #tpu.memory_space<vmem>>
    %dma_wait3A_89 = arith.constant 0 : i32
    %dma_wait3A_90 = arith.constant 0 : i32
    %dma_wait3A_91 = tpu.memref_slice %arg2[%dma_wait3A_89, %dma_wait3A_90] : memref<10000x128xf32, #tpu.memory_space<hbm>> -> memref<10000x128xf32, #tpu.memory_space<hbm>>
    tpu.wait_indirect_dma semaphore(%arg12 : memref<!tpu.dma_semaphore, #tpu.memory_space<semaphore_mem>>) src(%dma_wait3A_91 : memref<10000x128xf32, #tpu.memory_space<hbm>>) dst(%arg9 : memref<128x128xf32, #tpu.memory_space<vmem>>)
    %dma_wait3A_92 = arith.constant 0 : i32
    %dma_wait3A_93 = arith.constant 0 : i32
    %dma_wait3A_94 = arith.constant 0 : i32
    %dma_wait3A_95 = tpu.memref_slice %arg3[%dma_wait3A_92, %dma_wait3A_93, %dma_wait3A_94] : memref<2x2500x128xi32, #tpu.memory_space<hbm>> -> memref<1x4x128xi32, #tpu.memory_space<hbm>>
    %dma_wait3A_96 = tpu.memref_squeeze %dma_wait3A_95 : memref<1x4x128xi32, #tpu.memory_space<hbm>> -> memref<4x128xi32, #tpu.memory_space<hbm>>
    %dma_wait3A_97 = arith.constant 0 : i32
    %dma_wait3A_98 = arith.constant 0 : i32
    %dma_wait3A_99 = tpu.memref_slice %arg3[%dma_wait3A_92, %dma_wait3A_97, %dma_wait3A_98] : memref<2x2500x128xi32, #tpu.memory_space<hbm>> -> memref<1x4x128xi32, #tpu.memory_space<hbm>>
    %dma_wait3A_100 = tpu.memref_squeeze %dma_wait3A_99 : memref<1x4x128xi32, #tpu.memory_space<hbm>> -> memref<4x128xi32, #tpu.memory_space<hbm>>
    tpu.wait_dma2 semaphore(%arg15 : memref<!tpu.dma_semaphore, #tpu.memory_space<semaphore_mem>>) src(%dma_wait3A_100 : memref<4x128xi32, #tpu.memory_space<hbm>>) dst(%arg7 : memref<4x128xi32, #tpu.memory_space<vmem>>)
    %dma_wait3A_101 = arith.constant 1 : i32
    %dma_wait3A_102 = arith.constant 0 : i32
    %dma_wait3A_103 = arith.constant 0 : i32
    %dma_wait3A_104 = tpu.memref_slice %arg3[%dma_wait3A_101, %dma_wait3A_102, %dma_wait3A_103] : memref<2x2500x128xi32, #tpu.memory_space<hbm>> -> memref<1x4x128xi32, #tpu.memory_space<hbm>>
    %dma_wait3A_105 = tpu.memref_squeeze %dma_wait3A_104 : memref<1x4x128xi32, #tpu.memory_space<hbm>> -> memref<4x128xi32, #tpu.memory_space<hbm>>
    %dma_wait3A_106 = arith.constant 0 : i32
    %dma_wait3A_107 = arith.constant 0 : i32
    %dma_wait3A_108 = tpu.memref_slice %arg3[%dma_wait3A_101, %dma_wait3A_106, %dma_wait3A_107] : memref<2x2500x128xi32, #tpu.memory_space<hbm>> -> memref<1x4x128xi32, #tpu.memory_space<hbm>>
    %dma_wait3A_109 = tpu.memref_squeeze %dma_wait3A_108 : memref<1x4x128xi32, #tpu.memory_space<hbm>> -> memref<4x128xi32, #tpu.memory_space<hbm>>
    tpu.wait_dma2 semaphore(%arg15 : memref<!tpu.dma_semaphore, #tpu.memory_space<semaphore_mem>>) src(%dma_wait3A_109 : memref<4x128xi32, #tpu.memory_space<hbm>>) dst(%arg8 : memref<4x128xi32, #tpu.memory_space<vmem>>)
    %sub3A_110 = arith.constant 24 : i32
    %sub3A_111 = arith.subi %add3A, %sub3A_110 : i32
    %ge3A = arith.constant 24 : i32
    %ge3A_112 = arith.cmpi sge, %add3A, %ge3A : i32
    %lt3A_113 = arith.constant 28 : i32
    %lt3A_114 = arith.cmpi slt, %add3A, %lt3A_113 : i32
    %and3A_115 = arith.andi %ge3A_112, %lt3A_114 : i1
    %convert_element_type3A = arith.extui %and3A_115 : i1 to i32
    %cond3A = arith.constant 0 : i32
    %cond3A_116 = arith.cmpi ne, %convert_element_type3A, %cond3A : i32
    scf.if %cond3A_116 {
      %add3A_122 = arith.constant 2496 : i32
      %add3A_123 = arith.addi %add3A_122, %sub3A_111 : i32
      %run_scoped3A_124 = arith.constant 0 : i32
      "tpu.region"() ({
        %run_scoped3A_141 = tpu.sem_alloc : memref<!tpu.dma_semaphore, #tpu.memory_space<semaphore_mem>>
        %dma_start3A_142 = arith.constant 0 : i32
        %dma_start3A_143 = arith.constant 0 : i32
        %dma_start3A_144 = tpu.memref_slice %arg5[%dma_start3A_142, %dma_start3A_143] : memref<4x128xi32, #tpu.memory_space<vmem>> -> memref<1x128xi32, #tpu.memory_space<vmem>>
        %dma_start3A_145 = arith.constant 0 : i32
        %dma_start3A_146 = tpu.memref_slice %arg3[%run_scoped3A_124, %add3A_123, %dma_start3A_145] : memref<2x2500x128xi32, #tpu.memory_space<hbm>> -> memref<1x1x128xi32, #tpu.memory_space<hbm>>
        %dma_start3A_147 = tpu.memref_squeeze %dma_start3A_146 : memref<1x1x128xi32, #tpu.memory_space<hbm>> -> memref<1x128xi32, #tpu.memory_space<hbm>>
        %dma_start3A_148 = arith.constant 0 : i32
        %dma_start3A_149 = arith.constant 0 : i32
        %dma_start3A_150 = tpu.memref_slice %arg5[%dma_start3A_148, %dma_start3A_149] : memref<4x128xi32, #tpu.memory_space<vmem>> -> memref<1x128xi32, #tpu.memory_space<vmem>>
        %dma_start3A_151 = arith.constant 0 : i32
        %dma_start3A_152 = tpu.memref_slice %arg3[%run_scoped3A_124, %add3A_123, %dma_start3A_151] : memref<2x2500x128xi32, #tpu.memory_space<hbm>> -> memref<1x1x128xi32, #tpu.memory_space<hbm>>
        %dma_start3A_153 = tpu.memref_squeeze %dma_start3A_152 : memref<1x1x128xi32, #tpu.memory_space<hbm>> -> memref<1x128xi32, #tpu.memory_space<hbm>>
        tpu.enqueue_dma source(%dma_start3A_153 : memref<1x128xi32, #tpu.memory_space<hbm>>) target(%dma_start3A_150 : memref<1x128xi32, #tpu.memory_space<vmem>>) target_semaphore(%run_scoped3A_141 : memref<!tpu.dma_semaphore, #tpu.memory_space<semaphore_mem>>)
        %dma_wait3A_154 = arith.constant 0 : i32
        %dma_wait3A_155 = arith.constant 0 : i32
        %dma_wait3A_156 = tpu.memref_slice %arg5[%dma_wait3A_154, %dma_wait3A_155] : memref<4x128xi32, #tpu.memory_space<vmem>> -> memref<1x128xi32, #tpu.memory_space<vmem>>
        %dma_wait3A_157 = arith.constant 0 : i32
        %dma_wait3A_158 = tpu.memref_slice %arg3[%run_scoped3A_124, %add3A_123, %dma_wait3A_157] : memref<2x2500x128xi32, #tpu.memory_space<hbm>> -> memref<1x1x128xi32, #tpu.memory_space<hbm>>
        %dma_wait3A_159 = tpu.memref_squeeze %dma_wait3A_158 : memref<1x1x128xi32, #tpu.memory_space<hbm>> -> memref<1x128xi32, #tpu.memory_space<hbm>>
        %dma_wait3A_160 = arith.constant 0 : i32
        %dma_wait3A_161 = arith.constant 0 : i32
        %dma_wait3A_162 = tpu.memref_slice %arg5[%dma_wait3A_160, %dma_wait3A_161] : memref<4x128xi32, #tpu.memory_space<vmem>> -> memref<1x128xi32, #tpu.memory_space<vmem>>
        %dma_wait3A_163 = arith.constant 0 : i32
        %dma_wait3A_164 = tpu.memref_slice %arg3[%run_scoped3A_124, %add3A_123, %dma_wait3A_163] : memref<2x2500x128xi32, #tpu.memory_space<hbm>> -> memref<1x1x128xi32, #tpu.memory_space<hbm>>
        %dma_wait3A_165 = tpu.memref_squeeze %dma_wait3A_164 : memref<1x1x128xi32, #tpu.memory_space<hbm>> -> memref<1x128xi32, #tpu.memory_space<hbm>>
        tpu.wait_dma2 semaphore(%run_scoped3A_141 : memref<!tpu.dma_semaphore, #tpu.memory_space<semaphore_mem>>) src(%dma_wait3A_165 : memref<1x128xi32, #tpu.memory_space<hbm>>) dst(%dma_wait3A_162 : memref<1x128xi32, #tpu.memory_space<vmem>>)
        tpu.yield
      }) : () -> ()
      %run_scoped3A_125 = arith.constant 1 : i32
      "tpu.region"() ({
        %run_scoped3A_141 = tpu.sem_alloc : memref<!tpu.dma_semaphore, #tpu.memory_space<semaphore_mem>>
        %dma_start3A_142 = arith.constant 0 : i32
        %dma_start3A_143 = arith.constant 0 : i32
        %dma_start3A_144 = tpu.memref_slice %arg6[%dma_start3A_142, %dma_start3A_143] : memref<4x128xi32, #tpu.memory_space<vmem>> -> memref<1x128xi32, #tpu.memory_space<vmem>>
        %dma_start3A_145 = arith.constant 0 : i32
        %dma_start3A_146 = tpu.memref_slice %arg3[%run_scoped3A_125, %add3A_123, %dma_start3A_145] : memref<2x2500x128xi32, #tpu.memory_space<hbm>> -> memref<1x1x128xi32, #tpu.memory_space<hbm>>
        %dma_start3A_147 = tpu.memref_squeeze %dma_start3A_146 : memref<1x1x128xi32, #tpu.memory_space<hbm>> -> memref<1x128xi32, #tpu.memory_space<hbm>>
        %dma_start3A_148 = arith.constant 0 : i32
        %dma_start3A_149 = arith.constant 0 : i32
        %dma_start3A_150 = tpu.memref_slice %arg6[%dma_start3A_148, %dma_start3A_149] : memref<4x128xi32, #tpu.memory_space<vmem>> -> memref<1x128xi32, #tpu.memory_space<vmem>>
        %dma_start3A_151 = arith.constant 0 : i32
        %dma_start3A_152 = tpu.memref_slice %arg3[%run_scoped3A_125, %add3A_123, %dma_start3A_151] : memref<2x2500x128xi32, #tpu.memory_space<hbm>> -> memref<1x1x128xi32, #tpu.memory_space<hbm>>
        %dma_start3A_153 = tpu.memref_squeeze %dma_start3A_152 : memref<1x1x128xi32, #tpu.memory_space<hbm>> -> memref<1x128xi32, #tpu.memory_space<hbm>>
        tpu.enqueue_dma source(%dma_start3A_153 : memref<1x128xi32, #tpu.memory_space<hbm>>) target(%dma_start3A_150 : memref<1x128xi32, #tpu.memory_space<vmem>>) target_semaphore(%run_scoped3A_141 : memref<!tpu.dma_semaphore, #tpu.memory_space<semaphore_mem>>)
        %dma_wait3A_154 = arith.constant 0 : i32
        %dma_wait3A_155 = arith.constant 0 : i32
        %dma_wait3A_156 = tpu.memref_slice %arg6[%dma_wait3A_154, %dma_wait3A_155] : memref<4x128xi32, #tpu.memory_space<vmem>> -> memref<1x128xi32, #tpu.memory_space<vmem>>
        %dma_wait3A_157 = arith.constant 0 : i32
        %dma_wait3A_158 = tpu.memref_slice %arg3[%run_scoped3A_125, %add3A_123, %dma_wait3A_157] : memref<2x2500x128xi32, #tpu.memory_space<hbm>> -> memref<1x1x128xi32, #tpu.memory_space<hbm>>
        %dma_wait3A_159 = tpu.memref_squeeze %dma_wait3A_158 : memref<1x1x128xi32, #tpu.memory_space<hbm>> -> memref<1x128xi32, #tpu.memory_space<hbm>>
        %dma_wait3A_160 = arith.constant 0 : i32
        %dma_wait3A_161 = arith.constant 0 : i32
        %dma_wait3A_162 = tpu.memref_slice %arg6[%dma_wait3A_160, %dma_wait3A_161] : memref<4x128xi32, #tpu.memory_space<vmem>> -> memref<1x128xi32, #tpu.memory_space<vmem>>
        %dma_wait3A_163 = arith.constant 0 : i32
        %dma_wait3A_164 = tpu.memref_slice %arg3[%run_scoped3A_125, %add3A_123, %dma_wait3A_163] : memref<2x2500x128xi32, #tpu.memory_space<hbm>> -> memref<1x1x128xi32, #tpu.memory_space<hbm>>
        %dma_wait3A_165 = tpu.memref_squeeze %dma_wait3A_164 : memref<1x1x128xi32, #tpu.memory_space<hbm>> -> memref<1x128xi32, #tpu.memory_space<hbm>>
        tpu.wait_dma2 semaphore(%run_scoped3A_141 : memref<!tpu.dma_semaphore, #tpu.memory_space<semaphore_mem>>) src(%dma_wait3A_165 : memref<1x128xi32, #tpu.memory_space<hbm>>) dst(%dma_wait3A_162 : memref<1x128xi32, #tpu.memory_space<vmem>>)
        tpu.yield
      }) : () -> ()
      %dma_start3A_126 = arith.constant 0 : i32
      %dma_start3A_127 = arith.constant 0 : i32
      %dma_start3A_128 = tpu.memref_slice %arg5[%dma_start3A_126, %dma_start3A_127] : memref<4x128xi32, #tpu.memory_space<vmem>> -> memref<1x128xi32, #tpu.memory_space<vmem>>
      %dma_start3A_129 = tpu.memref_squeeze %dma_start3A_128 : memref<1x128xi32, #tpu.memory_space<vmem>> -> memref<128xi32, #tpu.memory_space<vmem>>
      %dma_start3A_130 = arith.constant 0 : i32
      %dma_start3A_131 = arith.constant 0 : i32
      %dma_start3A_132 = tpu.memref_slice %arg2[%dma_start3A_130, %dma_start3A_131] : memref<10000x128xf32, #tpu.memory_space<hbm>> -> memref<10000x128xf32, #tpu.memory_space<hbm>>
      tpu.enqueue_indirect_dma source(%dma_start3A_132 : memref<10000x128xf32, #tpu.memory_space<hbm>>) target(%arg9 : memref<128x128xf32, #tpu.memory_space<vmem>>) offsets(%dma_start3A_129 : memref<128xi32, #tpu.memory_space<vmem>>) semaphore(%arg12 : memref<!tpu.dma_semaphore, #tpu.memory_space<semaphore_mem>>)
      %dma_wait3A_133 = arith.constant 0 : i32
      %dma_wait3A_134 = arith.constant 0 : i32
      %dma_wait3A_135 = tpu.memref_slice %arg5[%dma_wait3A_133, %dma_wait3A_134] : memref<4x128xi32, #tpu.memory_space<vmem>> -> memref<1x128xi32, #tpu.memory_space<vmem>>
      %dma_wait3A_136 = tpu.memref_squeeze %dma_wait3A_135 : memref<1x128xi32, #tpu.memory_space<vmem>> -> memref<128xi32, #tpu.memory_space<vmem>>
      %dma_wait3A_137 = arith.constant 0 : i32
      %dma_wait3A_138 = arith.constant 0 : i32
      %dma_wait3A_139 = tpu.memref_slice %arg2[%dma_wait3A_137, %dma_wait3A_138] : memref<10000x128xf32, #tpu.memory_space<hbm>> -> memref<10000x128xf32, #tpu.memory_space<hbm>>
      tpu.wait_indirect_dma semaphore(%arg12 : memref<!tpu.dma_semaphore, #tpu.memory_space<semaphore_mem>>) src(%dma_wait3A_139 : memref<10000x128xf32, #tpu.memory_space<hbm>>) dst(%arg9 : memref<128x128xf32, #tpu.memory_space<vmem>>)
      %run_scoped3A_140 = arith.constant 0 : i32
      "tpu.region"() ({
        %run_scoped3A_141 = tpu.sem_alloc : memref<!tpu.dma_semaphore, #tpu.memory_space<semaphore_mem>>
        %dma_start3A_142 = arith.constant 0 : i32
        %dma_start3A_143 = tpu.memref_slice %arg6[%run_scoped3A_140, %dma_start3A_142] : memref<4x128xi32, #tpu.memory_space<vmem>> -> memref<1x128xi32, #tpu.memory_space<vmem>>
        %dma_start3A_144 = tpu.memref_squeeze %dma_start3A_143 : memref<1x128xi32, #tpu.memory_space<vmem>> -> memref<128xi32, #tpu.memory_space<vmem>>
        %dma_start3A_145 = arith.constant 0 : i32
        %dma_start3A_146 = arith.constant 0 : i32
        %dma_start3A_147 = tpu.memref_slice %arg11[%dma_start3A_145, %dma_start3A_146] : memref<10112x128xf32, #tpu.memory_space<vmem_shared>> -> memref<10112x128xf32, #tpu.memory_space<vmem_shared>>
        tpu.enqueue_indirect_dma source(%arg9 : memref<128x128xf32, #tpu.memory_space<vmem>>) target(%dma_start3A_147 : memref<10112x128xf32, #tpu.memory_space<vmem_shared>>) offsets(%dma_start3A_144 : memref<128xi32, #tpu.memory_space<vmem>>) semaphore(%run_scoped3A_141 : memref<!tpu.dma_semaphore, #tpu.memory_space<semaphore_mem>>) {add = true}
        %dma_wait3A_148 = arith.constant 0 : i32
        %dma_wait3A_149 = tpu.memref_slice %arg6[%run_scoped3A_140, %dma_wait3A_148] : memref<4x128xi32, #tpu.memory_space<vmem>> -> memref<1x128xi32, #tpu.memory_space<vmem>>
        %dma_wait3A_150 = tpu.memref_squeeze %dma_wait3A_149 : memref<1x128xi32, #tpu.memory_space<vmem>> -> memref<128xi32, #tpu.memory_space<vmem>>
        %dma_wait3A_151 = arith.constant 0 : i32
        %dma_wait3A_152 = arith.constant 0 : i32
        %dma_wait3A_153 = tpu.memref_slice %arg11[%dma_wait3A_151, %dma_wait3A_152] : memref<10112x128xf32, #tpu.memory_space<vmem_shared>> -> memref<10112x128xf32, #tpu.memory_space<vmem_shared>>
        tpu.wait_indirect_dma semaphore(%run_scoped3A_141 : memref<!tpu.dma_semaphore, #tpu.memory_space<semaphore_mem>>) src(%arg9 : memref<128x128xf32, #tpu.memory_space<vmem>>) dst(%dma_wait3A_153 : memref<10112x128xf32, #tpu.memory_space<vmem_shared>>)
        tpu.yield
      }) : () -> ()
    } else {
    }
    %barrier3A_117 = arith.constant 0 : index
    tpu.barrier barrier_id(%barrier3A_117)
    %mul3A_118 = arith.constant 632 : i32
    %mul3A_119 = arith.muli %arg1, %mul3A_118 : i32
    %mul3A_120 = arith.constant 632 : i32
    %mul3A_121 = arith.muli %arg1, %mul3A_120 : i32
    "tpu.region"() ({
      %run_scoped3A_122 = tpu.sem_alloc : memref<!tpu.dma_semaphore, #tpu.memory_space<semaphore_mem>>
      %dma_start3A_123 = arith.constant 0 : i32
      %dma_start3A_124 = tpu.memref_slice %arg4[%arg0, %mul3A_121, %dma_start3A_123] : memref<2x10112x128xf32, #tpu.memory_space<hbm>> -> memref<1x632x128xf32, #tpu.memory_space<hbm>>
      %dma_start3A_125 = tpu.memref_squeeze %dma_start3A_124 : memref<1x632x128xf32, #tpu.memory_space<hbm>> -> memref<632x128xf32, #tpu.memory_space<hbm>>
      %dma_start3A_126 = arith.constant 0 : i32
      %dma_start3A_127 = tpu.memref_slice %arg11[%mul3A_119, %dma_start3A_126] : memref<10112x128xf32, #tpu.memory_space<vmem_shared>> -> memref<632x128xf32, #tpu.memory_space<vmem_shared>>
      tpu.enqueue_dma source(%dma_start3A_127 : memref<632x128xf32, #tpu.memory_space<vmem_shared>>) target(%dma_start3A_125 : memref<632x128xf32, #tpu.memory_space<hbm>>) target_semaphore(%run_scoped3A_122 : memref<!tpu.dma_semaphore, #tpu.memory_space<semaphore_mem>>)
      %dma_wait3A_128 = arith.constant 0 : i32
      %dma_wait3A_129 = tpu.memref_slice %arg4[%arg0, %mul3A_121, %dma_wait3A_128] : memref<2x10112x128xf32, #tpu.memory_space<hbm>> -> memref<1x632x128xf32, #tpu.memory_space<hbm>>
      %dma_wait3A_130 = tpu.memref_squeeze %dma_wait3A_129 : memref<1x632x128xf32, #tpu.memory_space<hbm>> -> memref<632x128xf32, #tpu.memory_space<hbm>>
      %dma_wait3A_131 = arith.constant 0 : i32
      %dma_wait3A_132 = tpu.memref_slice %arg11[%mul3A_119, %dma_wait3A_131] : memref<10112x128xf32, #tpu.memory_space<vmem_shared>> -> memref<632x128xf32, #tpu.memory_space<vmem_shared>>
      tpu.wait_dma2 semaphore(%run_scoped3A_122 : memref<!tpu.dma_semaphore, #tpu.memory_space<semaphore_mem>>) src(%dma_wait3A_132 : memref<632x128xf32, #tpu.memory_space<vmem_shared>>) dst(%dma_wait3A_130 : memref<632x128xf32, #tpu.memory_space<hbm>>)
      tpu.yield
    }) : () -> ()
    return
  }
}

module attributes {stable_mosaic.version = 14 : i64} {
  func.func @body(%arg0: i32, %arg1: memref<2x5000x128xf32, #tpu.memory_space<vmem>>, %arg2: memref<128x128xf32, #tpu.memory_space<vmem>>, %arg3: memref<5000x128xf32, #tpu.memory_space<vmem>>) attributes {dimension_semantics = [#tpu.dimension_semantics<arbitrary>], iteration_bounds = array<i64: 2>, scalar_prefetch = 0 : i64, scratch_operands = 0 : i64, tpu.core_type = #tpu.core_type<tc>, window_params = [{transform_indices = @transform_0, window_bounds = array<i64: 2, 5000, 128>}, {pipeline_mode = #tpu.pipeline_mode<synchronous>, transform_indices = @transform_1, window_bounds = array<i64: 128, 128>}, {transform_indices = @transform_2, window_bounds = array<i64: 5000, 128>}]} {
    %get3A = arith.constant 0 : index
    %get3A_0 = arith.constant 0 : index
    %get3A_1 = arith.constant 0 : index
    %get3A_2 = vector.load %arg1[%get3A, %get3A_0, %get3A_1] : memref<2x5000x128xf32, #tpu.memory_space<vmem>>, vector<1x5000x128xf32>
    %get3A_3 = vector.shape_cast %get3A_2 : vector<1x5000x128xf32> to vector<5000x128xf32>
    %get3A_4 = arith.constant 1 : index
    %get3A_5 = arith.constant 0 : index
    %get3A_6 = arith.constant 0 : index
    %get3A_7 = vector.load %arg1[%get3A_4, %get3A_5, %get3A_6] : memref<2x5000x128xf32, #tpu.memory_space<vmem>>, vector<1x5000x128xf32>
    %get3A_8 = vector.shape_cast %get3A_7 : vector<1x5000x128xf32> to vector<5000x128xf32>
    %add3A = arith.addf %get3A_3, %get3A_8 : vector<5000x128xf32>
    %get3A_9 = arith.constant 0 : index
    %get3A_10 = arith.constant 0 : index
    %get3A_11 = vector.load %arg2[%get3A_9, %get3A_10] : memref<128x128xf32, #tpu.memory_space<vmem>>, vector<128x128xf32>
    %dot_general3A = arith.constant dense<0.000000e+00> : vector<5000x128xf32>
    %dot_general3A_12 = tpu.matmul %add3A, %get3A_11, %dot_general3A {dimension_numbers = #tpu.dot_dimension_numbers<[1], [0], [0], [1], [0, 0, 1, 1], [], []>, transpose_lhs_hint = false} : vector<5000x128xf32>, vector<128x128xf32>, vector<5000x128xf32> -> vector<5000x128xf32>
    %max3A = arith.constant 0.000000e+00 : f32
    %max3A_13 = vector.broadcast %max3A : f32 to vector<5000x128xf32>
    %max3A_14 = arith.maximumf %dot_general3A_12, %max3A_13 : vector<5000x128xf32>
    %swap3A = arith.constant 0 : index
    %swap3A_15 = arith.constant 0 : index
    %swap3A_16 = vector.load %arg3[%swap3A, %swap3A_15] : memref<5000x128xf32, #tpu.memory_space<vmem>>, vector<5000x128xf32>
    tpu.vector_store %arg3[%swap3A, %swap3A_15], %max3A_14 {strides = array<i32>} : memref<5000x128xf32, #tpu.memory_space<vmem>>, vector<5000x128xf32>,
    return
  }
  func.func @transform_0(%arg0: i32) -> (i32, i32, i32) {
    %c0_i32 = arith.constant 0 : i32
    %c0_i32_0 = arith.constant 0 : i32
    %c0_i32_1 = arith.constant 0 : i32
    return %c0_i32, %arg0, %c0_i32_0 : i32, i32, i32
  }
  func.func @transform_1(%arg0: i32) -> (i32, i32) {
    %c0_i32 = arith.constant 0 : i32
    %c0_i32_0 = arith.constant 0 : i32
    %c0_i32_1 = arith.constant 0 : i32
    return %c0_i32, %c0_i32_0 : i32, i32
  }
  func.func @transform_2(%arg0: i32) -> (i32, i32) {
    %c0_i32 = arith.constant 0 : i32
    %c0_i32_0 = arith.constant 0 : i32
    return %arg0, %c0_i32 : i32, i32
  }
}

module attributes {stable_mosaic.version = 14 : i64} {
  func.func @body(%arg0: i32, %arg1: memref<2x5000x128xf32, #tpu.memory_space<vmem>>, %arg2: memref<128x128xf32, #tpu.memory_space<vmem>>, %arg3: memref<5000x128xf32, #tpu.memory_space<vmem>>) attributes {dimension_semantics = [#tpu.dimension_semantics<arbitrary>], iteration_bounds = array<i64: 2>, scalar_prefetch = 0 : i64, scratch_operands = 0 : i64, tpu.core_type = #tpu.core_type<tc>, window_params = [{transform_indices = @transform_0, window_bounds = array<i64: 2, 5000, 128>}, {pipeline_mode = #tpu.pipeline_mode<synchronous>, transform_indices = @transform_1, window_bounds = array<i64: 128, 128>}, {transform_indices = @transform_2, window_bounds = array<i64: 5000, 128>}]} {
    %get3A = arith.constant 0 : index
    %get3A_0 = arith.constant 0 : index
    %get3A_1 = arith.constant 0 : index
    %get3A_2 = vector.load %arg1[%get3A, %get3A_0, %get3A_1] : memref<2x5000x128xf32, #tpu.memory_space<vmem>>, vector<1x5000x128xf32>
    %get3A_3 = vector.shape_cast %get3A_2 : vector<1x5000x128xf32> to vector<5000x128xf32>
    %get3A_4 = arith.constant 1 : index
    %get3A_5 = arith.constant 0 : index
    %get3A_6 = arith.constant 0 : index
    %get3A_7 = vector.load %arg1[%get3A_4, %get3A_5, %get3A_6] : memref<2x5000x128xf32, #tpu.memory_space<vmem>>, vector<1x5000x128xf32>
    %get3A_8 = vector.shape_cast %get3A_7 : vector<1x5000x128xf32> to vector<5000x128xf32>
    %add3A = arith.addf %get3A_3, %get3A_8 : vector<5000x128xf32>
    %get3A_9 = arith.constant 0 : index
    %get3A_10 = arith.constant 0 : index
    %get3A_11 = vector.load %arg2[%get3A_9, %get3A_10] : memref<128x128xf32, #tpu.memory_space<vmem>>, vector<128x128xf32>
    %dot_general3A = arith.constant dense<0.000000e+00> : vector<5000x128xf32>
    %dot_general3A_12 = tpu.matmul %add3A, %get3A_11, %dot_general3A {dimension_numbers = #tpu.dot_dimension_numbers<[1], [0], [0], [1], [0, 0, 1, 1], [], []>, transpose_lhs_hint = false} : vector<5000x128xf32>, vector<128x128xf32>, vector<5000x128xf32> -> vector<5000x128xf32>
    %max3A = arith.constant 0.000000e+00 : f32
    %max3A_13 = vector.broadcast %max3A : f32 to vector<5000x128xf32>
    %max3A_14 = arith.maximumf %dot_general3A_12, %max3A_13 : vector<5000x128xf32>
    %swap3A = arith.constant 0 : index
    %swap3A_15 = arith.constant 0 : index
    %swap3A_16 = vector.load %arg3[%swap3A, %swap3A_15] : memref<5000x128xf32, #tpu.memory_space<vmem>>, vector<5000x128xf32>
    tpu.vector_store %arg3[%swap3A, %swap3A_15], %max3A_14 {strides = array<i32>} : memref<5000x128xf32, #tpu.memory_space<vmem>>, vector<5000x128xf32>,
    return
  }
  func.func @transform_0(%arg0: i32) -> (i32, i32, i32) {
    %c0_i32 = arith.constant 0 : i32
    %c0_i32_0 = arith.constant 0 : i32
    %c0_i32_1 = arith.constant 0 : i32
    return %c0_i32, %arg0, %c0_i32_0 : i32, i32, i32
  }
  func.func @transform_1(%arg0: i32) -> (i32, i32) {
    %c0_i32 = arith.constant 0 : i32
    %c0_i32_0 = arith.constant 0 : i32
    %c0_i32_1 = arith.constant 0 : i32
    return %c0_i32, %c0_i32_0 : i32, i32
  }
  func.func @transform_2(%arg0: i32) -> (i32, i32) {
    %c0_i32 = arith.constant 0 : i32
    %c0_i32_0 = arith.constant 0 : i32
    return %arg0, %c0_i32 : i32, i32
  }
}

</mosaic_0001>

<sc_bundles>
// kernel: kernel.6.cloned.1.call-start
scs
__scs_entry_jumppad:
0x0: {  	(pc) =	sbr.rel $0x88, $3  }
0x1: {  	(tag) =	ssettag $0x0;
	lr =	simm.s32 $0x1  }
0x2: {  	[smem:$0x3F9D] =	sst lr;
	_ =	strace $0xD0000000  }
0x3: {  	_ = 	snop  }
0x4: {  	_ = 	snop  }
0x5: {  	_ = 	snop  }
0x6: {  	_ = 	snop  }
0x7: {  	_ = 	snop  }
__scs_overlays_trampoline_lowered:
0x8: {  	[smem:$0x3FAC] =	sst s0  }
0x9: {  	[smem:$0x3FAD] =	sst s1  }
0xa: {  	[smem:$0x3FAE] =	sst s2  }
0xb: {  	[smem:$0x3FAF] =	sst s3  }
0xc: {  	[smem:$0x3FB0] =	sst s4  }
0xd: {  	[smem:$0x3FB1] =	sst s5  }
0xe: {  	[smem:$0x3FB2] =	sst s6  }
0xf: {  	[smem:$0x3FB3] =	sst s7  }
0x10: {  	[smem:$0x3FB4] =	sst s8  }
0x11: {  	[smem:$0x3FB5] =	sst s9;
	s0 =	simm.s32 @!p0 $0x0  }
0x12: {  	s1 =	sld [smem:$0x3F9B];
	s0 =	simm.s32 @p0 $0x1  }
0x13: {  	[smem:$0x3FB6] =	sst s0;
	s0 =	simm.s32 @!p1 $0x0  }
0x14: {  	s2 =	sld [smem:$0x3F9A];
	s0 =	simm.s32 @p1 $0x1  }
0x15: {  	[smem:$0x3FB7] =	sst s0;
	s0 =	simm.s32 @!p2 $0x0  }
0x16: {  	s3 =	sld [smem:$0x3FDB];
	s0 =	simm.s32 @p2 $0x1  }
0x17: {  	s4 =	simm.s32 $0x1BF5;
	[smem:$0x3FB9] =	sst s0  }
0x18: {  	s0 =	sld [smem:$0x3F9C];
	_ =	swait.ge [sflag:s4], $0x0  }
0x19: {  	s7 =	sld [smem:$0x3F9D]  }
0x1a: {  	s8 =	sadd.s32 $0xFFFFE003, lr  }
0x1b: {  	s9 =	sadd.s32 $0xFFFFFEF7, lr;
	s5 =	simm.s32 $0xFFFFFFFF;
	p2 =	slt.u32 s8, $0xFFFFF086  }
0x1c: {  	p1 =	slt.u32 s9, $0xF7A;
	s5 =	simm.s32 @!p2 $0x0  }
0x1d: {  	s5 =	simm.s32 @p1 $0x1;
	p0 =	seq.s32 s7, s2  }
0x1e: {  	s7 =	smul.u32 @!p0 $0xF7A, s2;
	p2 =	seq.s32 @!p0 s5, $0x0  }
0x1f: {  	s9 =	smul.u32 $0xF7A, s1;
	s8 =	simm.s32 @!p0 $0x1BF5;
	p2 =	por !p2, p0  }
0x20: {  	[sflag:s8] =	ssyncset.s32 @!p0 $0xFFFFF086;
	s6 =	sadd.s32 @!p0 s3, s7;
	s7 =	simm.s32 @!p0 $0x108  }
0x21: {  	s3 =	sadd.s32 s3, s9;
	s6 =	sadd.s32 @!p0 $0x88, s6;
	s7 =	simm.s32 @p2 $0x1082  }
0x22: {  	[simem:s7], [sflag:s8] =	dma.local @!p0 [hbm:s6], $0xF7A  }
0x23: {  	s9 =	sor.u32 $0xD0000000, s2;
	s6 =	simm.s32 $0x108;
	_ =	swait.ge @!p0 [sflag:s8], $0x0  }
0x24: {  	s3 =	sadd.s32 $0x88, s3;
	s6 =	simm.s32 @!p1 $0x1082;
	[sflag:s4] =	ssyncset.s32 $0xFFFFF086  }
0x25: {  	[simem:s6], [sflag:s4] =	dma.local [hbm:s3], $0xF7A  }
0x26: {  	[smem:$0x3F9D] =	sst s1;
	(tag) =	ssettag s2;
	_ =	strace s9  }
0x27: {  	s1 =	sld [smem:$0x3FAD]  }
0x28: {  	s2 =	sld [smem:$0x3FAE]  }
0x29: {  	s4 =	sld [smem:$0x3FB0]  }
0x2a: {  	p0 =	seq.s32 s5, $0x0;
	s5 =	sld [smem:$0x3FB1]  }
0x2b: {  	s6 =	sld [smem:$0x3FB2]  }
0x2c: {  	s7 =	sld [smem:$0x3FB3]  }
0x2d: {  	s3 =	simm.s32 $0x108;
	s8 =	sld [smem:$0x3FB4]  }
0x2e: {  	s3 =	simm.s32 @!p0 $0x1082;
	s9 =	sld [smem:$0x3FB5]  }
0x2f: {  	lr =	sadd.s32 s0, s3;
	s0 =	sld [smem:$0x3FAC]  }
0x30: {  	s3 =	sld [smem:$0x3FAF]  }
0x31: {  	[smem:$0x3FB8] =	sst s10  }
0x32: {  	s10 =	sld [smem:$0x3FB6];
	_ =	sdelay $0x3  }
0x33: {  	p0 =	seq.s32 s10, $0x1;
	s10 =	sld [smem:$0x3FB8];
	_ =	sdelay $0x3  }
0x34: {  	[smem:$0x3FB8] =	sst s10  }
0x35: {  	s10 =	sld [smem:$0x3FB7];
	_ =	sdelay $0x3  }
0x36: {  	p1 =	seq.s32 s10, $0x1;
	s10 =	sld [smem:$0x3FB8];
	_ =	sdelay $0x3  }
0x37: {  	[smem:$0x3FB8] =	sst s10  }
0x38: {  	s10 =	sld [smem:$0x3FB9]  }
0x39: {  	_ = 	snop;
	(pc) =	sbr.ind lr, $3  }
0x3a: {  	_ = 	snop  }
0x3b: {  	_ = 	snop  }
0x3c: {  	p2 =	seq.s32 s10, $0x1;
	s10 =	sld [smem:$0x3FB8]  }
0x3d: {  	_ =	shalt  }
0x3e: {  	_ =	shalt  }
0x3f: {  	_ =	shalt  }
0x40: {  	_ =	shalt  }
0x41: {  	_ =	shalt  }
0x42: {  	_ =	shalt  }
0x43: {  	_ =	shalt  }
0x44: {  	_ =	shalt  }
0x45: {  	_ =	shalt  }
0x46: {  	_ =	shalt  }
0x47: {  	_ =	shalt  }
0x48: {  	_ =	shalt  }
0x49: {  	_ =	shalt  }
0x4a: {  	_ =	shalt  }
0x4b: {  	_ =	shalt  }
0x4c: {  	_ =	shalt  }
0x4d: {  	_ =	shalt  }
0x4e: {  	_ =	shalt  }
0x4f: {  	_ =	shalt  }
0x50: {  	_ =	shalt  }
0x51: {  	_ =	shalt  }
0x52: {  	_ =	shalt  }
0x53: {  	_ =	shalt  }
0x54: {  	_ =	shalt  }
0x55: {  	_ =	shalt  }
0x56: {  	_ =	shalt  }
0x57: {  	_ =	shalt  }
0x58: {  	_ =	shalt  }
0x59: {  	_ =	shalt  }
0x5a: {  	_ =	shalt  }
0x5b: {  	_ =	shalt  }
0x5c: {  	_ =	shalt  }
0x5d: {  	_ =	shalt  }
0x5e: {  	_ =	shalt  }
0x5f: {  	_ =	shalt  }
0x60: {  	_ =	shalt  }
0x61: {  	_ =	shalt  }
0x62: {  	_ =	shalt  }
0x63: {  	_ =	shalt  }
0x64: {  	_ =	shalt  }
0x65: {  	_ =	shalt  }
0x66: {  	_ =	shalt  }
0x67: {  	_ =	shalt  }
0x68: {  	_ =	shalt  }
0x69: {  	_ =	shalt  }
0x6a: {  	_ =	shalt  }
0x6b: {  	_ =	shalt  }
0x6c: {  	_ =	shalt  }
0x6d: {  	_ =	shalt  }
0x6e: {  	_ =	shalt  }
0x6f: {  	_ =	shalt  }
0x70: {  	_ =	shalt  }
0x71: {  	_ =	shalt  }
0x72: {  	_ =	shalt  }
0x73: {  	_ =	shalt  }
0x74: {  	_ =	shalt  }
0x75: {  	_ =	shalt  }
0x76: {  	_ =	shalt  }
0x77: {  	_ =	shalt  }
0x78: {  	_ =	shalt  }
0x79: {  	_ =	shalt  }
0x7a: {  	_ =	shalt  }
0x7b: {  	_ =	shalt  }
0x7c: {  	_ =	shalt  }
0x7d: {  	_ =	shalt  }
0x7e: {  	_ =	shalt  }
0x7f: {  	_ =	shalt  }
0x80: {  	_ =	shalt  }
0x81: {  	_ =	shalt  }
0x82: {  	_ =	shalt  }
0x83: {  	_ =	shalt  }
0x84: {  	_ =	shalt  }
0x85: {  	_ =	shalt  }
0x86: {  	_ =	shalt  }
0x87: {  	_ =	shalt  }
.Lfunc_end0:
.L_simem_size_0:
called_computation_lowered:
.L_overlay_start_0:
0x88: {  	s2 =	sld [smem:$0x3FD9]  }
0x89: {  	s3 =	sld [smem:$0x3FFE];
	_ =	sdelay $0x1  }
0x8a: {  	s1 =	srdreg.scid  }
0x8b: {  	s0 =	sand.u32 $0x1, s1  }
0x8c: {  	s17 =	sshll.u32 s0, $0xA;
	s2 =	sadd.s32 s3, s2  }
0x8d: {  	s2 =	sadd.s32 s2, s17  }
0x8e: {  	[smem:$0x3FC4] =	sst s2  }
0x8f: {  	_ = 	snop  }
0x90: {  	s2 =	sld [smem:$0x3FC8];
	(tm) =	ssettm $0x1  }
0x91: {  	s18 =	sld [smem:$0x3FFB];
	_ =	sdelay $0x3  }
0x92: {  	_ =	strace s18  }
0x93: {  	s3 =	sld [smem:$0x3FFC];
	_ =	sdelay $0x3  }
0x94: {  	_ =	strace s3  }
0x95: {  	s3 =	sld [smem:$0x3FFD];
	_ =	sdelay $0x3  }
0x96: {  	_ =	strace s3  }
0x97: {  	_ =	strace $0x8FFFFFFF  }
0x98: {  	s19 =	sld [smem:$0x3FDB];
	_ =	sdelay $0x1  }
0x99: {  	s4 =	simm.s32 $_scs_section_size  }
0x9a: {  	s5 =	simm.s32 $_size__tile_overlayer_lowered;
	s6 =	simm.s32 $_tile_overlayer_lowered  }
0x9b: {  	s22 =	simm.s32 $0x1BFF;
	s21 =	sshll.u32 s6, $0x1;
	s3 =	sadd.s32 s4, s19  }
0x9c: {  	s7 =	simm.s32 $0x0;
	s20 =	sshll.u32 s5, $0x1;
	s5 =	sadd.s32 s21, s3  }
0x9d: {  	[timem:s7], [sflag:s22] =	dma.local [hbm:s5], s20  }
0x9e: {  	_ =	swait.ge [sflag:s22], s20  }
0x9f: {  	s4 =	ssub.s32 $0x0, s20;
	[sflag:s22] =	ssyncset.done $0x0  }
0xa0: {  	[sflag:s22] =	ssyncadd.s32 s4;
	_ =	sdelay $0x1  }
0xa1: {  	s23 =	simm.s32 $0x1B8B  }
0xa2: {  	_ =	swait.ge [sflag:s23], $0x1  }
0xa3: {  	[sflag:s23] =	ssyncset.done $0x0  }
0xa4: {  	s25 =	simm.s32 $0x1B8E;
	s24 =	sld [smem:$0x3FFE];
	[sflag:s23] =	ssyncadd.s32 $0xFFFFFFFF  }
0xa5: {  	s26 =	simm.s32 $execute0_lowered;
	[smem:$0x3FD2] =	sst s25  }
0xa6: {  	s5 =	sshll.u32 s26, $0x1;
	_ =	strace $0x80000046;
	[dreg:$0x1] =	wrdreg $0xFFFFFFFF  }
0xa7: {  	s28 =	simm.s32 $_size_execute0_lowered;
	s3 =	sadd.s32 s3, s5;
	[dreg:$0x0] =	wrdreg $0x0  }
0xa8: {  	s5 =	sshll.u32 s28, $0x1;
	[dreg:$0x2] =	wrdreg s3  }
0xa9: {  	[dreg:$0x3] =	wrdreg s5  }
0xaa: {  	[dreg:$0x4] =	wrdreg $0xC0  }
0xab: {  	_ =	task [dreg:s7], $0x5FFFF  }
0xac: {  	[dreg:$0x1] =	wrdreg $0xFFFFFFFF  }
0xad: {  	[dreg:$0x0] =	wrdreg $0x60  }
0xae: {  	[dreg:$0x2] =	wrdreg s2  }
0xaf: {  	[dreg:$0x3] =	wrdreg s24  }
0xb0: {  	[dreg:$0x4] =	wrdreg $0x88000  }
0xb1: {  	[dreg:$0x5] =	wrdreg $0x9  }
0xb2: {  	_ =	task.clear_ibuf [dreg:s7], $0x6FFFF;
	_ =	strace $0x90000046  }
0xb3: {  	s29 =	simm.s32 $0x9;
	_ =	strace $0x80000048  }
0xb4: {  	_ =	swait.ge [sflag:s29], $0x1  }
0xb5: {  	[sflag:s29] =	ssyncadd.s32 $0xFFFFFFFF  }
0xb6: {  	_ =	strace $0x90000048  }
0xb7: {  	_ =	sfence  }
0xb8: {  	s30 =	sld [smem:$0x0];
	_ =	sdelay $0x2  }
0xb9: {  	s31 =	sshll.u32 s1, $0xD;
	s1 =	sshrl.u32 s1, $0x2  }
0xba: {  	s3 =	sand.u32 $0x4000, s31;
	s1 =	sadd.s32 s1, s30  }
0xbb: {  	s0 =	sor.u32 s3, s0;
	s1 =	sshll.u32 s1, $0x11  }
0xbc: {  	s0 =	sor.u32 s1, s0  }
0xbd: {  	s0 =	sadd.s32 $0x8F2B, s0  }
0xbe: {  	[sflag:s0] =	ssyncadd.remote.s32 $0x1  }
0xbf: {  	_ =	sfence.sel $0xFFFF  }
0xc0: {  	[dreg:$0x0] =	wrdreg $0xFFFFFFFF;
	(pc) =	sbr.abs _section_cstart, $3  }
0xc1: {  	[dreg:$0x1] =	wrdreg $0xFFFFFFFF  }
0xc2: {  	_ =	task.clear_ibuf [dreg:s7], $0x2FFFF;
	_ =	strace $0x9FFFFFFF  }
0xc3: {  	(tm) =	ssettm $0x7FFFFFFF  }
tec
execute0_lowered:
.L_overlay_start_1:
0x0: {  	(tag) =	ssettag $0x1  }
0x1: {  	s1 =	rddreg [dreg:$0x0]  }
0x2: {  	s0 =	rddreg [dreg:$0x1]  }
0x3: {  	s2 =	rddreg [dreg:$0x2];
	s3 =	srdreg.scid;
	s4 =	simm.s32 $0x0  }
0x4: {  	s11 =	stileid.u32;
	s15 =	simm.s32 $0xA;
	s17 =	simm.s32 $0x280  }
0x5: {  	s18 =	simm.s32 $0x180;
	s19 =	simm.s32 $0x300;
	s28 =	simm.s32 $0x4800  }
0x6: {  	s29 =	simm.s32 $0x1;
	s30 =	simm.s32 $0x2;
	s31 =	simm.s32 $0x4  }
0x7: {  	s3 =	sand.u32 $0x1, s3;
	[smem:$0x7FF] =	sst s4;
	s6 =	smul.u32 $0x13C00, s11  }
0x8: {  	s7 =	sshll.u32 s11, $0x1;
	s20 =	smul.u32 $0x4F000, s11;
	p0 =	slt.u32 s11, $0xC  }
0x9: {  	s13 =	sand.u32 $0xE, s11;
	_ =	strace $0x80000047;
	[dreg:$0x5] =	wrdreg s17  }
0xa: {  	s5 =	smul.u32 $0x13C000, s3;
	s8 =	sor.u32 s3, s7;
	[dreg:$0x6] =	wrdreg s18  }
0xb: {  	s3 =	ssub.s32 $0x2, s3;
	s15 =	simm.s32 @!p0 $0x9;
	[dreg:$0x7] =	wrdreg s19  }
0xc: {  	s9 =	smul.u32 $0x48, s8;
	s7 =	sshrl.u32 s20, $0x2;
	s10 =	sshrl.u32 s3, $0x1  }
0xd: {  	s20 =	simm.s32 $0x380;
	s6 =	sadd.s32 s6, s5;
	s5 =	sadd.s32 $0x1200, s0  }
0xe: {  	s7 =	sadd.s32 s7, s2;
	s3 =	ssub.s32 s3, s10;
	[dreg:$0x8] =	wrdreg s20  }
0xf: {  	s6 =	sshrl.u32 s6, $0x3;
	s9 =	sadd.s32 $0xC0, s9;
	s21 =	sadd.s32 $0x4000, s7  }
0x10: {  	s23 =	sadd.s32 $0x8000, s7;
	s24 =	sadd.s32 $0xC000, s7;
	[dreg:$0xf] =	wrdreg s21  }
0x11: {  	s12 =	sadd.s32 $0x10000, s7;
	s20 =	smax.u32 s3, $0x1;
	[dreg:$0x10] =	wrdreg s23  }
0x12: {  	s3 =	simm.s32 $0x0;
	s0 =	sadd.s32 s6, s0;
	[dreg:$0x11] =	wrdreg s24  }
0x13: {  	s6 =	smul.u32 $0x50, s8;
	[dreg:$0x12] =	wrdreg s12;
	s21 =	simm.s32 $0x480  }
0x14: {  	s8 =	sshll.u32 s8, $0x4;
	s23 =	simm.s32 $0x680;
	[dreg:$0x9] =	wrdreg s21  }
0x15: {  	s24 =	simm.s32 $0x580;
	s8 =	sand.u32 $0x30, s8;
	[dreg:$0xb] =	wrdreg s23  }
0x16: {  	s19 =	sadd.s32 $0x14C00, s0;
	s21 =	simm.s32 $0x800;
	[dreg:$0xc] =	wrdreg s24  }
0x17: {  	s23 =	simm.s32 $0x200;
	s24 =	simm.s32 $0x400;
	s0 =	simm.s32 $0x3  }
0x18: {  	s9 =	smov.u32 @p0 s6;
	s8 =	sadd.s32 s8, s5;
	p0 =	sne.s32 s13, $0xC  }
0x19: {  	s22 =	sshll.u32 s9, $0x4;
	s17 =	sadd.s32 $0x9C00, s8;
	s18 =	sadd.s32 $0x13880, s8  }
0x1a: {  	s25 =	sand.u32 $0x1FFFFF80, s22;
	s12 =	sadd.s32 s5, s22;
	s22 =	simm.s32 $0x500  }
0x1b: {  	s26 =	sadd.s32 s5, s25;
	[dreg:$0xa] =	wrdreg s22;
	s25 =	simm.s32 $0x700  }
0x1c: {  	s14 =	sadd.s32 $0x40, s12;
	s10 =	sadd.s32 $0x9C80, s26;
	[dreg:$0xd] =	wrdreg s25  }
0x1d: {  	s16 =	sadd.s32 $0x9CC0, s26;
	s26 =	simm.s32 $0x780;
	[dreg:$0x13] =	wrdreg s10  }
0x1e: {  	s22 =	simm.s32 $0x5;
	s10 =	simm.s32 $0x100;
	[dreg:$0xe] =	wrdreg s26  }
0x1f: {  	v0 =	vimm.f32 $0.0e+00;
	s25 =	simm.s32 $0x600;
	s26 =	simm.s32 $0x80;
	[dreg:$0x4] =	wrdreg s10  }
.LBB2_1:
0x20: {  	s6 =	simm.s32 $0x0;
	s8 =	simm.s32 $0x200  }
.LBB2_2:
0x21: {  	p1 =	sne.s32 s8, $0xFE00;
	[tilespmem:s6+$0x870] =	vst v0  }
0x22: {  	[tilespmem:s6+$0x800] =	vst v0  }
0x23: {  	[tilespmem:s6+$0x810] =	vst v0  }
.Ltmp0:
0x24: {  	[tilespmem:s6+$0x820] =	vst v0;
	(pc) =	sbr.rel @p1 .LBB2_2-.Ltmp0, $4  }
0x25: {  	[tilespmem:s6+$0x830] =	vst v0  }
0x26: {  	[tilespmem:s6+$0x840] =	vst v0  }
0x27: {  	[tilespmem:s6+$0x850] =	vst v0  }
0x28: {  	[tilespmem:s6+$0x860] =	vst v0;
	s6 =	sshra.s32 s8, $0x2;
	s8 =	sadd.s32 $0x200, s8  }
0x29: {  	[tilespmem:s6+$0x870] =	vst v0  }
0x2a: {  	[tilespmem:s6+$0x800] =	vst v0  }
0x2b: {  	[tilespmem:s6+$0x810] =	vst v0  }
0x2c: {  	[tilespmem:s6+$0x820] =	vst v0  }
0x2d: {  	[tilespmem:s6+$0x830] =	vst v0  }
0x2e: {  	[tilespmem:s6+$0x840] =	vst v0  }
0x2f: {  	[tilespmem:s6+$0x850] =	vst v0  }
0x30: {  	[tilespmem:s6+$0x860] =	vst v0  }
0x31: {  	[spmem:s7] =	stream.linear.scatter [tilespmem:s21], [sflag:$0x5], $0x4000, $0x38;
	[tilespmem:$0x1C400] =	vst v63  }
0x32: {  	_ =	swait.ge [sflag:s22], $0x4000  }
0x33: {  	[sflag:s22] =	ssyncset.done $0x0  }
0x34: {  	s11 =	rddreg [dreg:$0xf];
	[sflag:s22] =	ssyncadd.s32 $0xFFFFC000  }
0x35: {  	[spmem:s11] =	stream.linear.scatter [tilespmem:s21], [sflag:$0x5], $0x4000, $0x38;
	[tilespmem:$0x1C400] =	vst v63  }
0x36: {  	_ =	swait.ge [sflag:s22], $0x4000  }
0x37: {  	[sflag:s22] =	ssyncset.done $0x0  }
0x38: {  	s13 =	rddreg [dreg:$0x10];
	[sflag:s22] =	ssyncadd.s32 $0xFFFFC000  }
0x39: {  	[spmem:s13] =	stream.linear.scatter [tilespmem:s21], [sflag:$0x5], $0x4000, $0x38;
	[tilespmem:$0x1C400] =	vst v63  }
0x3a: {  	_ =	swait.ge [sflag:s22], $0x4000  }
0x3b: {  	[sflag:s22] =	ssyncset.done $0x0  }
0x3c: {  	s8 =	rddreg [dreg:$0x11];
	[sflag:s22] =	ssyncadd.s32 $0xFFFFC000  }
0x3d: {  	[spmem:s8] =	stream.linear.scatter [tilespmem:s21], [sflag:$0x5], $0x4000, $0x38;
	[tilespmem:$0x1C400] =	vst v63  }
0x3e: {  	_ =	swait.ge [sflag:s22], $0x4000  }
0x3f: {  	[sflag:s22] =	ssyncset.done $0x0  }
0x40: {  	s10 =	rddreg [dreg:$0x12];
	[sflag:s22] =	ssyncadd.s32 $0xFFFFC000  }
0x41: {  	[spmem:s10] =	stream.linear.scatter [tilespmem:s21], [sflag:$0x5], $0x3C00, $0x38;
	[tilespmem:$0x1C400] =	vst v63  }
0x42: {  	_ =	swait.ge [sflag:s22], $0x3C00  }
0x43: {  	[sflag:s22] =	ssyncset.done $0x0  }
0x44: {  	[sflag:s22] =	ssyncadd.s32 $0xFFFFC400  }
0x45: {  	[bflag:$0x0] =	sbarrier.arrive $0xFFFF  }
0x46: {  	[tilespmem:s4], [sflag:$0x5] =	stream.linear.gather [hbm4b:s12+s4], $0x200, $0x38;
	[tilespmem:$0x1C400] =	vst v63  }
0x47: {  	_ =	swait.ge [sflag:s22], $0x200  }
0x48: {  	[sflag:s22] =	ssyncset.done $0x0  }
0x49: {  	s11 =	rddreg [dreg:$0x13];
	[sflag:s22] =	ssyncadd.s32 $0xFFFFFE00  }
0x4a: {  	[tilespmem:s23], [sflag:$0x5] =	stream.linear.gather [hbm4b:s11+s4], $0x200, $0x38;
	[tilespmem:$0x1C400] =	vst v63  }
0x4b: {  	_ =	swait.ge [sflag:s22], $0x200  }
0x4c: {  	[sflag:s22] =	ssyncset.done $0x0  }
0x4d: {  	[sflag:s22] =	ssyncadd.s32 $0xFFFFFE00  }
0x4e: {  	[tilespmem:s24], [sflag:$0x4] =	stream.linear.gather [hbm4b:s14+s4], $0x200, $0x38;
	[tilespmem:$0x1C400] =	vst v63  }
0x4f: {  	_ = 	snop  }
0x50: {  	[tilespmem:s25], [sflag:$0x4] =	stream.linear.gather [hbm4b:s16+s4], $0x200, $0x38;
	[tilespmem:$0x1C400] =	vst v63  }
0x51: {  	_ = 	snop  }
0x52: {  	[tilespmem:s21], [sflag:$0x1] =	stream.indirect.gather [hbm4b:s1+s26], $0x80, s4, s26, $0xb8;
	[tilespmem:$0x1C400] =	vst v63  }
0x53: {  	_ = 	snop  }
0x54: {  	[tilespmem:s28], [sflag:$0x2] =	stream.indirect.gather [hbm4b:s1+s26], $0x80, s26, s26, $0xb8;
	[tilespmem:$0x1C400] =	vst v63  }
0x55: {  	_ =	swait.ge [sflag:s29], $0x4000  }
0x56: {  	[sflag:s29] =	ssyncset.done $0x0  }
0x57: {  	[sflag:s29] =	ssyncadd.s32 $0xFFFFC000  }
0x58: {  	[spmem:s2] =	stream.indirect.scatter.add.f32 [tilespmem:s21], [sflag:$0x5], $0x80, s23, s26, $0xb8;
	[tilespmem:$0x1C400] =	vst v63  }
0x59: {  	_ =	swait.ge [sflag:s22], $0x4000  }
0x5a: {  	[sflag:s22] =	ssyncset.done $0x0  }
0x5b: {  	s13 =	rddreg [dreg:$0x4];
	[sflag:s22] =	ssyncadd.s32 $0xFFFFC000  }
0x5c: {  	[tilespmem:s21], [sflag:$0x1] =	stream.indirect.gather [hbm4b:s1+s26], $0x80, s13, s26, $0xb8;
	[tilespmem:$0x1C400] =	vst v63  }
0x5d: {  	_ =	swait.ge [sflag:s30], $0x4000  }
0x5e: {  	[sflag:s30] =	ssyncset.done $0x0  }
0x5f: {  	s8 =	rddreg [dreg:$0x5];
	[sflag:s30] =	ssyncadd.s32 $0xFFFFC000  }
0x60: {  	[spmem:s2] =	stream.indirect.scatter.add.f32 [tilespmem:s28], [sflag:$0x5], $0x80, s8, s26, $0xb8;
	[tilespmem:$0x1C400] =	vst v63  }
0x61: {  	_ =	swait.ge [sflag:s22], $0x4000  }
0x62: {  	[sflag:s22] =	ssyncset.done $0x0  }
0x63: {  	s10 =	rddreg [dreg:$0x6];
	[sflag:s22] =	ssyncadd.s32 $0xFFFFC000  }
0x64: {  	[tilespmem:s28], [sflag:$0x2] =	stream.indirect.gather [hbm4b:s1+s26], $0x80, s10, s26, $0xb8;
	[tilespmem:$0x1C400] =	vst v63  }
0x65: {  	_ =	swait.ge [sflag:s29], $0x4000  }
0x66: {  	[sflag:s29] =	ssyncset.done $0x0  }
0x67: {  	s11 =	rddreg [dreg:$0x7];
	[sflag:s29] =	ssyncadd.s32 $0xFFFFC000  }
0x68: {  	[spmem:s2] =	stream.indirect.scatter.add.f32 [tilespmem:s21], [sflag:$0x5], $0x80, s11, s26, $0xb8;
	[tilespmem:$0x1C400] =	vst v63  }
0x69: {  	_ =	swait.ge [sflag:s22], $0x4000  }
0x6a: {  	[sflag:s22] =	ssyncset.done $0x0  }
0x6b: {  	[sflag:s22] =	ssyncadd.s32 $0xFFFFC000  }
0x6c: {  	_ =	swait.ge [sflag:s31], $0x200  }
0x6d: {  	[sflag:s31] =	ssyncset.done $0x0  }
0x6e: {  	[sflag:s31] =	ssyncadd.s32 $0xFFFFFE00  }
0x6f: {  	_ =	swait.ge [sflag:s31], $0x200  }
0x70: {  	p1 =	slt.s32 s9, $0x9B8;
	s6 =	smov.u32 s9;
	[sflag:s31] =	ssyncset.done $0x0  }
0x71: {  	s6 =	simm.s32 @!p1 $0x9B8;
	[sflag:s31] =	ssyncadd.s32 $0xFFFFFE00  }
0x72: {  	[tilespmem:s21], [sflag:$0x1] =	stream.indirect.gather [hbm4b:s1+s26], $0x80, s24, s26, $0xb8;
	[tilespmem:$0x1C400] =	vst v63  }
0x73: {  	s6 =	sshll.u32 s6, $0x7;
	_ =	swait.ge [sflag:s30], $0x4000  }
0x74: {  	s10 =	sand.u32 $0x380, s6;
	[sflag:s30] =	ssyncset.done $0x0  }
0x75: {  	s6 =	sadd.s32 s10, s6;
	s8 =	rddreg [dreg:$0x8];
	[sflag:s30] =	ssyncadd.s32 $0xFFFFC000  }
0x76: {  	[spmem:s2] =	stream.indirect.scatter.add.f32 [tilespmem:s28], [sflag:$0x5], $0x80, s8, s26, $0xb8;
	[tilespmem:$0x1C400] =	vst v63  }
0x77: {  	s13 =	sadd.s32 $0x400, s6;
	_ =	swait.ge [sflag:s22], $0x4000  }
0x78: {  	s6 =	sadd.s32 $0x4E800, s6;
	s8 =	sshrl.u32 s13, $0x3;
	[sflag:s22] =	ssyncset.done $0x0  }
0x79: {  	s6 =	sshrl.u32 s6, $0x3;
	s8 =	sadd.s32 s5, s8;
	[sflag:s22] =	ssyncadd.s32 $0xFFFFC000  }
0x7a: {  	[tilespmem:s4], [sflag:$0x3] =	stream.linear.gather [hbm4b:s8+s4], $0x200, $0x38;
	[tilespmem:$0x1C400] =	vst v63  }
0x7b: {  	s6 =	sadd.s32 s5, s6  }
0x7c: {  	[tilespmem:s23], [sflag:$0x3] =	stream.linear.gather [hbm4b:s6+s4], $0x200, $0x38;
	[tilespmem:$0x1C400] =	vst v63  }
0x7d: {  	s10 =	rddreg [dreg:$0x9]  }
0x7e: {  	[tilespmem:s28], [sflag:$0x2] =	stream.indirect.gather [hbm4b:s1+s26], $0x80, s10, s26, $0xb8;
	[tilespmem:$0x1C400] =	vst v63  }
0x7f: {  	_ =	swait.ge [sflag:s29], $0x4000  }
0x80: {  	[sflag:s29] =	ssyncset.done $0x0  }
0x81: {  	[sflag:s29] =	ssyncadd.s32 $0xFFFFC000  }
0x82: {  	[spmem:s2] =	stream.indirect.scatter.add.f32 [tilespmem:s21], [sflag:$0x5], $0x80, s25, s26, $0xb8;
	[tilespmem:$0x1C400] =	vst v63  }
0x83: {  	_ =	swait.ge [sflag:s22], $0x4000  }
0x84: {  	[sflag:s22] =	ssyncset.done $0x0  }
0x85: {  	s11 =	rddreg [dreg:$0xa];
	[sflag:s22] =	ssyncadd.s32 $0xFFFFC000  }
0x86: {  	[tilespmem:s21], [sflag:$0x1] =	stream.indirect.gather [hbm4b:s1+s26], $0x80, s11, s26, $0xb8;
	[tilespmem:$0x1C400] =	vst v63  }
0x87: {  	_ =	swait.ge [sflag:s30], $0x4000  }
0x88: {  	[sflag:s30] =	ssyncset.done $0x0  }
0x89: {  	s13 =	rddreg [dreg:$0xb];
	[sflag:s30] =	ssyncadd.s32 $0xFFFFC000  }
0x8a: {  	[spmem:s2] =	stream.indirect.scatter.add.f32 [tilespmem:s28], [sflag:$0x5], $0x80, s13, s26, $0xb8;
	[tilespmem:$0x1C400] =	vst v63  }
0x8b: {  	_ =	swait.ge [sflag:s22], $0x4000  }
0x8c: {  	[sflag:s22] =	ssyncset.done $0x0  }
0x8d: {  	s8 =	rddreg [dreg:$0xc];
	[sflag:s22] =	ssyncadd.s32 $0xFFFFC000  }
0x8e: {  	[tilespmem:s28], [sflag:$0x2] =	stream.indirect.gather [hbm4b:s1+s26], $0x80, s8, s26, $0xb8;
	[tilespmem:$0x1C400] =	vst v63  }
0x8f: {  	_ =	swait.ge [sflag:s29], $0x4000  }
0x90: {  	[sflag:s29] =	ssyncset.done $0x0  }
0x91: {  	s10 =	rddreg [dreg:$0xd];
	[sflag:s29] =	ssyncadd.s32 $0xFFFFC000  }
0x92: {  	[spmem:s2] =	stream.indirect.scatter.add.f32 [tilespmem:s21], [sflag:$0x5], $0x80, s10, s26, $0xb8;
	[tilespmem:$0x1C400] =	vst v63  }
0x93: {  	_ =	swait.ge [sflag:s22], $0x4000  }
0x94: {  	[sflag:s22] =	ssyncset.done $0x0  }
0x95: {  	[sflag:s22] =	ssyncadd.s32 $0xFFFFC000  }
0x96: {  	_ =	swait.ge [sflag:s0], $0x200  }
0x97: {  	[sflag:s0] =	ssyncset.done $0x0  }
0x98: {  	[sflag:s0] =	ssyncadd.s32 $0xFFFFFE00  }
0x99: {  	_ =	swait.ge [sflag:s0], $0x200  }
0x9a: {  	[sflag:s0] =	ssyncset.done $0x0  }
0x9b: {  	[sflag:s0] =	ssyncadd.s32 $0xFFFFFE00  }
0x9c: {  	[tilespmem:s21], [sflag:$0x1] =	stream.indirect.gather [hbm4b:s1+s26], $0x80, s4, s26, $0xb8;
	[tilespmem:$0x1C400] =	vst v63  }
0x9d: {  	p1 =	slt.s32 s9, $0x9B4;
	s8 =	smov.u32 s9;
	_ =	swait.ge [sflag:s30], $0x4000  }
0x9e: {  	s8 =	simm.s32 @!p1 $0x9B4;
	p1 =	sne.s32 s15, $0x1;
	[sflag:s30] =	ssyncset.done $0x0  }
0x9f: {  	s8 =	sshll.u32 s8, $0x7;
	s11 =	rddreg [dreg:$0xe];
	[sflag:s30] =	ssyncadd.s32 $0xFFFFC000  }
0xa0: {  	[spmem:s2] =	stream.indirect.scatter.add.f32 [tilespmem:s28], [sflag:$0x5], $0x80, s11, s26, $0xb8;
	[tilespmem:$0x1C400] =	vst v63  }
.Ltmp1:
0xa1: {  	s13 =	sadd.s32 $0x600, s8;
	_ =	swait.ge [sflag:s22], $0x4000;
	(pc) =	sbr.rel @!p1 .LBB2_5-.Ltmp1, $4  }
0xa2: {  	s8 =	sshrl.u32 s13, $0x3;
	[sflag:s22] =	ssyncset.done $0x0  }
0xa3: {  	s6 =	sand.u32 $0xFFFFFE00, s13;
	s8 =	sadd.s32 s5, s8;
	[sflag:s22] =	ssyncadd.s32 $0xFFFFC000  }
0xa4: {  	[tilespmem:s24], [sflag:$0x4] =	stream.linear.gather [hbm4b:s8+s4], $0x200, $0x38;
	[tilespmem:$0x1C400] =	vst v63  }
0xa5: {  	s10 =	sadd.s32 $0x4E400, s6;
	s6 =	smov.u32 s9;
	s8 =	sadd.s32 $0xFFFFFFFF, s15  }
.LBB2_4:
0xa6: {  	s10 =	sshrl.u32 s10, $0x3  }
0xa7: {  	s10 =	sadd.s32 s5, s10  }
0xa8: {  	[tilespmem:s25], [sflag:$0x4] =	stream.linear.gather [hbm4b:s10+s4], $0x200, $0x38;
	[tilespmem:$0x1C400] =	vst v63  }
0xa9: {  	_ = 	snop  }
0xaa: {  	[tilespmem:s28], [sflag:$0x2] =	stream.indirect.gather [hbm4b:s1+s26], $0x80, s26, s26, $0xb8;
	[tilespmem:$0x1C400] =	vst v63  }
0xab: {  	_ =	swait.ge [sflag:s29], $0x4000  }
0xac: {  	[sflag:s29] =	ssyncset.done $0x0  }
0xad: {  	[sflag:s29] =	ssyncadd.s32 $0xFFFFC000  }
0xae: {  	[spmem:s2] =	stream.indirect.scatter.add.f32 [tilespmem:s21], [sflag:$0x5], $0x80, s23, s26, $0xb8;
	[tilespmem:$0x1C400] =	vst v63  }
0xaf: {  	_ =	swait.ge [sflag:s22], $0x4000  }
0xb0: {  	[sflag:s22] =	ssyncset.done $0x0  }
0xb1: {  	s13 =	rddreg [dreg:$0x4];
	[sflag:s22] =	ssyncadd.s32 $0xFFFFC000  }
0xb2: {  	[tilespmem:s21], [sflag:$0x1] =	stream.indirect.gather [hbm4b:s1+s26], $0x80, s13, s26, $0xb8;
	[tilespmem:$0x1C400] =	vst v63  }
0xb3: {  	_ =	swait.ge [sflag:s30], $0x4000  }
0xb4: {  	[sflag:s30] =	ssyncset.done $0x0  }
0xb5: {  	s11 =	rddreg [dreg:$0x5];
	[sflag:s30] =	ssyncadd.s32 $0xFFFFC000  }
0xb6: {  	[spmem:s2] =	stream.indirect.scatter.add.f32 [tilespmem:s28], [sflag:$0x5], $0x80, s11, s26, $0xb8;
	[tilespmem:$0x1C400] =	vst v63  }
0xb7: {  	_ =	swait.ge [sflag:s22], $0x4000  }
0xb8: {  	[sflag:s22] =	ssyncset.done $0x0  }
0xb9: {  	s13 =	rddreg [dreg:$0x6];
	[sflag:s22] =	ssyncadd.s32 $0xFFFFC000  }
0xba: {  	[tilespmem:s28], [sflag:$0x2] =	stream.indirect.gather [hbm4b:s1+s26], $0x80, s13, s26, $0xb8;
	[tilespmem:$0x1C400] =	vst v63  }
0xbb: {  	_ =	swait.ge [sflag:s29], $0x4000  }
0xbc: {  	[sflag:s29] =	ssyncset.done $0x0  }
0xbd: {  	s11 =	rddreg [dreg:$0x7];
	[sflag:s29] =	ssyncadd.s32 $0xFFFFC000  }
0xbe: {  	[spmem:s2] =	stream.indirect.scatter.add.f32 [tilespmem:s21], [sflag:$0x5], $0x80, s11, s26, $0xb8;
	[tilespmem:$0x1C400] =	vst v63  }
0xbf: {  	_ =	swait.ge [sflag:s22], $0x4000  }
0xc0: {  	[sflag:s22] =	ssyncset.done $0x0  }
0xc1: {  	[sflag:s22] =	ssyncadd.s32 $0xFFFFC000  }
0xc2: {  	_ =	swait.ge [sflag:s31], $0x200  }
0xc3: {  	[sflag:s31] =	ssyncset.done $0x0  }
0xc4: {  	[sflag:s31] =	ssyncadd.s32 $0xFFFFFE00  }
0xc5: {  	s6 =	sadd.s32 $0x8, s6;
	_ =	swait.ge [sflag:s31], $0x200  }
0xc6: {  	p2 =	slt.s32 s6, $0x9B8;
	s10 =	smov.u32 s6;
	[sflag:s31] =	ssyncset.done $0x0  }
0xc7: {  	s10 =	simm.s32 @!p2 $0x9B8;
	[sflag:s31] =	ssyncadd.s32 $0xFFFFFE00  }
0xc8: {  	[tilespmem:s21], [sflag:$0x1] =	stream.indirect.gather [hbm4b:s1+s26], $0x80, s24, s26, $0xb8;
	[tilespmem:$0x1C400] =	vst v63  }
0xc9: {  	s10 =	sshll.u32 s10, $0x7;
	_ =	swait.ge [sflag:s30], $0x4000  }
0xca: {  	s13 =	sand.u32 $0x380, s10;
	[sflag:s30] =	ssyncset.done $0x0  }
0xcb: {  	s10 =	sadd.s32 s13, s10;
	s11 =	rddreg [dreg:$0x8];
	[sflag:s30] =	ssyncadd.s32 $0xFFFFC000  }
0xcc: {  	[spmem:s2] =	stream.indirect.scatter.add.f32 [tilespmem:s28], [sflag:$0x5], $0x80, s11, s26, $0xb8;
	[tilespmem:$0x1C400] =	vst v63  }
0xcd: {  	s13 =	sadd.s32 $0x400, s10;
	_ =	swait.ge [sflag:s22], $0x4000  }
0xce: {  	s10 =	sadd.s32 $0x4E800, s10;
	s11 =	sshrl.u32 s13, $0x3;
	[sflag:s22] =	ssyncset.done $0x0  }
0xcf: {  	s10 =	sshrl.u32 s10, $0x3;
	s11 =	sadd.s32 s5, s11;
	[sflag:s22] =	ssyncadd.s32 $0xFFFFC000  }
0xd0: {  	[tilespmem:s4], [sflag:$0x3] =	stream.linear.gather [hbm4b:s11+s4], $0x200, $0x38;
	[tilespmem:$0x1C400] =	vst v63  }
0xd1: {  	s10 =	sadd.s32 s5, s10  }
0xd2: {  	[tilespmem:s23], [sflag:$0x3] =	stream.linear.gather [hbm4b:s10+s4], $0x200, $0x38;
	[tilespmem:$0x1C400] =	vst v63  }
0xd3: {  	s13 =	rddreg [dreg:$0x9]  }
0xd4: {  	[tilespmem:s28], [sflag:$0x2] =	stream.indirect.gather [hbm4b:s1+s26], $0x80, s13, s26, $0xb8;
	[tilespmem:$0x1C400] =	vst v63  }
0xd5: {  	_ =	swait.ge [sflag:s29], $0x4000  }
0xd6: {  	[sflag:s29] =	ssyncset.done $0x0  }
0xd7: {  	[sflag:s29] =	ssyncadd.s32 $0xFFFFC000  }
0xd8: {  	[spmem:s2] =	stream.indirect.scatter.add.f32 [tilespmem:s21], [sflag:$0x5], $0x80, s25, s26, $0xb8;
	[tilespmem:$0x1C400] =	vst v63  }
0xd9: {  	_ =	swait.ge [sflag:s22], $0x4000  }
0xda: {  	[sflag:s22] =	ssyncset.done $0x0  }
0xdb: {  	s13 =	rddreg [dreg:$0xa];
	[sflag:s22] =	ssyncadd.s32 $0xFFFFC000  }
0xdc: {  	[tilespmem:s21], [sflag:$0x1] =	stream.indirect.gather [hbm4b:s1+s26], $0x80, s13, s26, $0xb8;
	[tilespmem:$0x1C400] =	vst v63  }
0xdd: {  	_ =	swait.ge [sflag:s30], $0x4000  }
0xde: {  	[sflag:s30] =	ssyncset.done $0x0  }
0xdf: {  	s11 =	rddreg [dreg:$0xb];
	[sflag:s30] =	ssyncadd.s32 $0xFFFFC000  }
0xe0: {  	[spmem:s2] =	stream.indirect.scatter.add.f32 [tilespmem:s28], [sflag:$0x5], $0x80, s11, s26, $0xb8;
	[tilespmem:$0x1C400] =	vst v63  }
0xe1: {  	_ =	swait.ge [sflag:s22], $0x4000  }
0xe2: {  	[sflag:s22] =	ssyncset.done $0x0  }
0xe3: {  	s13 =	rddreg [dreg:$0xc];
	[sflag:s22] =	ssyncadd.s32 $0xFFFFC000  }
0xe4: {  	[tilespmem:s28], [sflag:$0x2] =	stream.indirect.gather [hbm4b:s1+s26], $0x80, s13, s26, $0xb8;
	[tilespmem:$0x1C400] =	vst v63  }
0xe5: {  	_ =	swait.ge [sflag:s29], $0x4000  }
0xe6: {  	[sflag:s29] =	ssyncset.done $0x0  }
0xe7: {  	s11 =	rddreg [dreg:$0xd];
	[sflag:s29] =	ssyncadd.s32 $0xFFFFC000  }
0xe8: {  	[spmem:s2] =	stream.indirect.scatter.add.f32 [tilespmem:s21], [sflag:$0x5], $0x80, s11, s26, $0xb8;
	[tilespmem:$0x1C400] =	vst v63  }
0xe9: {  	_ =	swait.ge [sflag:s22], $0x4000  }
0xea: {  	[sflag:s22] =	ssyncset.done $0x0  }
0xeb: {  	[sflag:s22] =	ssyncadd.s32 $0xFFFFC000  }
0xec: {  	_ =	swait.ge [sflag:s0], $0x200  }
0xed: {  	[sflag:s0] =	ssyncset.done $0x0  }
0xee: {  	[sflag:s0] =	ssyncadd.s32 $0xFFFFFE00  }
0xef: {  	_ =	swait.ge [sflag:s0], $0x200  }
0xf0: {  	[sflag:s0] =	ssyncset.done $0x0  }
0xf1: {  	[sflag:s0] =	ssyncadd.s32 $0xFFFFFE00  }
0xf2: {  	[tilespmem:s21], [sflag:$0x1] =	stream.indirect.gather [hbm4b:s1+s26], $0x80, s4, s26, $0xb8;
	[tilespmem:$0x1C400] =	vst v63  }
0xf3: {  	p1 =	sne.s32 s8, $0x1;
	_ =	swait.ge [sflag:s30], $0x4000  }
0xf4: {  	p2 =	slt.s32 s6, $0x9B4;
	s11 =	smov.u32 s6;
	[sflag:s30] =	ssyncset.done $0x0  }
0xf5: {  	s11 =	simm.s32 @!p2 $0x9B4;
	s13 =	rddreg [dreg:$0xe];
	[sflag:s30] =	ssyncadd.s32 $0xFFFFC000  }
0xf6: {  	[spmem:s2] =	stream.indirect.scatter.add.f32 [tilespmem:s28], [sflag:$0x5], $0x80, s13, s26, $0xb8;
	[tilespmem:$0x1C400] =	vst v63  }
.Ltmp2:
0xf7: {  	s11 =	sshll.u32 s11, $0x7;
	(pc) =	sbr.rel @p1 .LBB2_4-.Ltmp2, $4  }
0xf8: {  	s8 =	sadd.s32 $0xFFFFFFFF, s8;
	s13 =	sadd.s32 $0x600, s11;
	_ =	swait.ge [sflag:s22], $0x4000  }
0xf9: {  	s11 =	sshrl.u32 s13, $0x3;
	s10 =	sand.u32 $0xFFFFFE00, s13;
	[sflag:s22] =	ssyncset.done $0x0  }
0xfa: {  	s11 =	sadd.s32 s5, s11;
	s10 =	sadd.s32 $0x4E400, s10;
	[sflag:s22] =	ssyncadd.s32 $0xFFFFC000  }
0xfb: {  	[tilespmem:s24], [sflag:$0x4] =	stream.linear.gather [hbm4b:s11+s4], $0x200, $0x38;
	[tilespmem:$0x1C400] =	vst v63  }
.LBB2_5:
0xfc: {  	s6 =	sshrl.u32 s10, $0x3  }
0xfd: {  	s6 =	sadd.s32 s5, s6  }
0xfe: {  	[tilespmem:s25], [sflag:$0x4] =	stream.linear.gather [hbm4b:s6+s4], $0x200, $0x38;
	[tilespmem:$0x1C400] =	vst v63  }
0xff: {  	_ =	swait.ge [sflag:s29], $0x4000  }
0x100: {  	[sflag:s29] =	ssyncset.done $0x0  }
0x101: {  	[sflag:s29] =	ssyncadd.s32 $0xFFFFC000  }
0x102: {  	_ =	swait.ge [sflag:s31], $0x200  }
0x103: {  	[sflag:s31] =	ssyncset.done $0x0  }
0x104: {  	[sflag:s31] =	ssyncadd.s32 $0xFFFFFE00  }
0x105: {  	_ =	swait.ge [sflag:s31], $0x200  }
0x106: {  	[sflag:s31] =	ssyncset.done $0x0  }
0x107: {  	s8 =	simm.s32 @!p0 $0x5;
	s6 =	simm.s32 @!p0 $0x0;
	[sflag:s31] =	ssyncadd.s32 $0xFFFFFE00  }
0x108: {  	[tilespmem:s6], [sflag:$0x5] =	stream.linear.gather @!p0 [hbm4b:s17+s6], $0x80, $0x38;
	[tilespmem:$0x1C400] =	vst v63  }
0x109: {  	_ =	swait.ge @!p0 [sflag:s8], $0x80  }
0x10a: {  	[sflag:s8] =	ssyncset.done @!p0 $0x0  }
0x10b: {  	s10 =	simm.s32 @!p0 $0x200;
	[sflag:s8] =	ssyncadd.s32 @!p0 $0xFFFFFF80  }
0x10c: {  	[tilespmem:s10], [sflag:$0x5] =	stream.linear.gather @!p0 [hbm4b:s18+s6], $0x80, $0x38;
	[tilespmem:$0x1C400] =	vst v63  }
0x10d: {  	_ =	swait.ge @!p0 [sflag:s8], $0x80  }
0x10e: {  	[sflag:s8] =	ssyncset.done @!p0 $0x0  }
0x10f: {  	s11 =	simm.s32 @!p0 $0x80;
	s13 =	simm.s32 @!p0 $0x800;
	[sflag:s8] =	ssyncadd.s32 @!p0 $0xFFFFFF80  }
0x110: {  	[tilespmem:s13], [sflag:$0x1] =	stream.indirect.gather @!p0 [hbm4b:s1+s11], $0x80, s6, s11, $0xb8;
	[tilespmem:$0x1C400] =	vst v63  }
0x111: {  	s6 =	simm.s32 @!p0 $0x1  }
0x112: {  	_ =	swait.ge @!p0 [sflag:s6], $0x4000  }
0x113: {  	[sflag:s6] =	ssyncset.done @!p0 $0x0  }
0x114: {  	[sflag:s6] =	ssyncadd.s32 @!p0 $0xFFFFC000  }
0x115: {  	[spmem:s2] =	stream.indirect.scatter.add.f32 @!p0 [tilespmem:s13], [sflag:$0x5], $0x80, s10, s11, $0xb8;
	[tilespmem:$0x1C400] =	vst v63  }
0x116: {  	s3 =	sadd.s32 $0x1, s3;
	_ =	swait.ge @!p0 [sflag:s8], $0x4000  }
0x117: {  	p1 =	sne.s32 s3, s20;
	s11 =	stileid.u32;
	[sflag:s8] =	ssyncset.done @!p0 $0x0  }
0x118: {  	s13 =	sshrl.u32 s7, $0x3;
	s6 =	sshll.u32 s11, $0x6;
	[sflag:s8] =	ssyncadd.s32 @!p0 $0xFFFFC000  }
.Ltmp3:
0x119: {  	s6 =	sor.u32 $0x1C05, s6;
	[bflag:$0x0] =	sbarrier.arrive $0xFFFF;
	(pc) =	sbr.rel @p1 .LBB2_1-.Ltmp3, $4  }
0x11a: {  	[hbm:s19], [sflag:s6] =	dma.local [spmem:s13], $0x2780  }
0x11b: {  	_ =	swait.ge [sflag:s22], $0x2780  }
0x11c: {  	[sflag:s22] =	ssyncset.done $0x0  }
0x11d: {  	[sflag:s22] =	ssyncadd.s32 $0xFFFFD880  }
0x11e: {  	_ =	sfence.sel $0x180000  }
0x11f: {  	[bflag:$0x0] =	sbarrier.arrive $0xFFFF  }
0x120: {  	_ =	strace $0x90000047  }
0x121: {  	s0 =	stileid.u32;
	[bflag:$0x2] =	sbarrier.arrive $0xFFFF  }
0x122: {  	p0 =	sne.s32 s0, $0x0;
	s0 =	rddreg [dreg:$0x3]  }
0x123: {  	s0 =	sadd.s32 @!p0 $0x100000, s0  }
0x124: {  	[sflag:s0] =	ssyncadd.tile.s32 @!p0 $0x1;
	_ =	shalt  }
.Lfunc_end2:
_tile_overlayer_lowered:
.L_overlay_start_2:
0x125: {  	(tag) =	ssettag $0x2  }
0x126: {  	s0 =	rddreg [dreg:$0x0];
	s2 =	stileid.u32  }
0x127: {  	s1 =	rddreg [dreg:$0x1];
	p0 =	sne.s32 s2, $0x0  }
0x128: {  	s3 =	rddreg [dreg:$0x2];
	[bflag:$0x3] =	sbarrier.arrive $0xFFFF;
	s2 =	simm.s32 @!p0 $0x1C05  }
0x129: {  	[timem:s3], [sflag:s2] =	dma.local @!p0 [hbm:s0], s1  }
0x12a: {  	s0 =	simm.s32 @!p0 $0x5  }
0x12b: {  	_ =	swait.ge @!p0 [sflag:s0], s1  }
0x12c: {  	s1 =	ssub.s32 @!p0 $0x0, s1;
	[sflag:s0] =	ssyncset.done @!p0 $0x0  }
0x12d: {  	[sflag:s0] =	ssyncadd.s32 @!p0 s1  }
0x12e: {  	[bflag:$0x3] =	sbarrier.arrive $0xFFFF  }
0x12f: {  	_ =	shalt  }

// kernel: kernel.9.cloned.1.call-start
scs
__scs_entry_jumppad:
0x0: {  	(pc) =	sbr.rel $0x88, $3  }
0x1: {  	(tag) =	ssettag $0x0;
	lr =	simm.s32 $0x1  }
0x2: {  	[smem:$0x3F9D] =	sst lr;
	_ =	strace $0xD0000000  }
0x3: {  	_ = 	snop  }
0x4: {  	_ = 	snop  }
0x5: {  	_ = 	snop  }
0x6: {  	_ = 	snop  }
0x7: {  	_ = 	snop  }
__scs_overlays_trampoline_lowered:
0x8: {  	[smem:$0x3FAC] =	sst s0  }
0x9: {  	[smem:$0x3FAD] =	sst s1  }
0xa: {  	[smem:$0x3FAE] =	sst s2  }
0xb: {  	[smem:$0x3FAF] =	sst s3  }
0xc: {  	[smem:$0x3FB0] =	sst s4  }
0xd: {  	[smem:$0x3FB1] =	sst s5  }
0xe: {  	[smem:$0x3FB2] =	sst s6  }
0xf: {  	[smem:$0x3FB3] =	sst s7  }
0x10: {  	[smem:$0x3FB4] =	sst s8  }
0x11: {  	[smem:$0x3FB5] =	sst s9;
	s0 =	simm.s32 @!p0 $0x0  }
0x12: {  	s1 =	sld [smem:$0x3F9B];
	s0 =	simm.s32 @p0 $0x1  }
0x13: {  	[smem:$0x3FB6] =	sst s0;
	s0 =	simm.s32 @!p1 $0x0  }
0x14: {  	s2 =	sld [smem:$0x3F9A];
	s0 =	simm.s32 @p1 $0x1  }
0x15: {  	[smem:$0x3FB7] =	sst s0;
	s0 =	simm.s32 @!p2 $0x0  }
0x16: {  	s3 =	sld [smem:$0x3FDB];
	s0 =	simm.s32 @p2 $0x1  }
0x17: {  	s4 =	simm.s32 $0x1BF5;
	[smem:$0x3FB9] =	sst s0  }
0x18: {  	s0 =	sld [smem:$0x3F9C];
	_ =	swait.ge [sflag:s4], $0x0  }
0x19: {  	s7 =	sld [smem:$0x3F9D]  }
0x1a: {  	s8 =	sadd.s32 $0xFFFFE003, lr  }
0x1b: {  	s9 =	sadd.s32 $0xFFFFFEF7, lr;
	s5 =	simm.s32 $0xFFFFFFFF;
	p2 =	slt.u32 s8, $0xFFFFF086  }
0x1c: {  	p1 =	slt.u32 s9, $0xF7A;
	s5 =	simm.s32 @!p2 $0x0  }
0x1d: {  	s5 =	simm.s32 @p1 $0x1;
	p0 =	seq.s32 s7, s2  }
0x1e: {  	s7 =	smul.u32 @!p0 $0xF7A, s2;
	p2 =	seq.s32 @!p0 s5, $0x0  }
0x1f: {  	s9 =	smul.u32 $0xF7A, s1;
	s8 =	simm.s32 @!p0 $0x1BF5;
	p2 =	por !p2, p0  }
0x20: {  	[sflag:s8] =	ssyncset.s32 @!p0 $0xFFFFF086;
	s6 =	sadd.s32 @!p0 s3, s7;
	s7 =	simm.s32 @!p0 $0x108  }
0x21: {  	s3 =	sadd.s32 s3, s9;
	s6 =	sadd.s32 @!p0 $0x88, s6;
	s7 =	simm.s32 @p2 $0x1082  }
0x22: {  	[simem:s7], [sflag:s8] =	dma.local @!p0 [hbm:s6], $0xF7A  }
0x23: {  	s9 =	sor.u32 $0xD0000000, s2;
	s6 =	simm.s32 $0x108;
	_ =	swait.ge @!p0 [sflag:s8], $0x0  }
0x24: {  	s3 =	sadd.s32 $0x88, s3;
	s6 =	simm.s32 @!p1 $0x1082;
	[sflag:s4] =	ssyncset.s32 $0xFFFFF086  }
0x25: {  	[simem:s6], [sflag:s4] =	dma.local [hbm:s3], $0xF7A  }
0x26: {  	[smem:$0x3F9D] =	sst s1;
	(tag) =	ssettag s2;
	_ =	strace s9  }
0x27: {  	s1 =	sld [smem:$0x3FAD]  }
0x28: {  	s2 =	sld [smem:$0x3FAE]  }
0x29: {  	s4 =	sld [smem:$0x3FB0]  }
0x2a: {  	p0 =	seq.s32 s5, $0x0;
	s5 =	sld [smem:$0x3FB1]  }
0x2b: {  	s6 =	sld [smem:$0x3FB2]  }
0x2c: {  	s7 =	sld [smem:$0x3FB3]  }
0x2d: {  	s3 =	simm.s32 $0x108;
	s8 =	sld [smem:$0x3FB4]  }
0x2e: {  	s3 =	simm.s32 @!p0 $0x1082;
	s9 =	sld [smem:$0x3FB5]  }
0x2f: {  	lr =	sadd.s32 s0, s3;
	s0 =	sld [smem:$0x3FAC]  }
0x30: {  	s3 =	sld [smem:$0x3FAF]  }
0x31: {  	[smem:$0x3FB8] =	sst s10  }
0x32: {  	s10 =	sld [smem:$0x3FB6];
	_ =	sdelay $0x3  }
0x33: {  	p0 =	seq.s32 s10, $0x1;
	s10 =	sld [smem:$0x3FB8];
	_ =	sdelay $0x3  }
0x34: {  	[smem:$0x3FB8] =	sst s10  }
0x35: {  	s10 =	sld [smem:$0x3FB7];
	_ =	sdelay $0x3  }
0x36: {  	p1 =	seq.s32 s10, $0x1;
	s10 =	sld [smem:$0x3FB8];
	_ =	sdelay $0x3  }
0x37: {  	[smem:$0x3FB8] =	sst s10  }
0x38: {  	s10 =	sld [smem:$0x3FB9]  }
0x39: {  	_ = 	snop;
	(pc) =	sbr.ind lr, $3  }
0x3a: {  	_ = 	snop  }
0x3b: {  	_ = 	snop  }
0x3c: {  	p2 =	seq.s32 s10, $0x1;
	s10 =	sld [smem:$0x3FB8]  }
0x3d: {  	_ =	shalt  }
0x3e: {  	_ =	shalt  }
0x3f: {  	_ =	shalt  }
0x40: {  	_ =	shalt  }
0x41: {  	_ =	shalt  }
0x42: {  	_ =	shalt  }
0x43: {  	_ =	shalt  }
0x44: {  	_ =	shalt  }
0x45: {  	_ =	shalt  }
0x46: {  	_ =	shalt  }
0x47: {  	_ =	shalt  }
0x48: {  	_ =	shalt  }
0x49: {  	_ =	shalt  }
0x4a: {  	_ =	shalt  }
0x4b: {  	_ =	shalt  }
0x4c: {  	_ =	shalt  }
0x4d: {  	_ =	shalt  }
0x4e: {  	_ =	shalt  }
0x4f: {  	_ =	shalt  }
0x50: {  	_ =	shalt  }
0x51: {  	_ =	shalt  }
0x52: {  	_ =	shalt  }
0x53: {  	_ =	shalt  }
0x54: {  	_ =	shalt  }
0x55: {  	_ =	shalt  }
0x56: {  	_ =	shalt  }
0x57: {  	_ =	shalt  }
0x58: {  	_ =	shalt  }
0x59: {  	_ =	shalt  }
0x5a: {  	_ =	shalt  }
0x5b: {  	_ =	shalt  }
0x5c: {  	_ =	shalt  }
0x5d: {  	_ =	shalt  }
0x5e: {  	_ =	shalt  }
0x5f: {  	_ =	shalt  }
0x60: {  	_ =	shalt  }
0x61: {  	_ =	shalt  }
0x62: {  	_ =	shalt  }
0x63: {  	_ =	shalt  }
0x64: {  	_ =	shalt  }
0x65: {  	_ =	shalt  }
0x66: {  	_ =	shalt  }
0x67: {  	_ =	shalt  }
0x68: {  	_ =	shalt  }
0x69: {  	_ =	shalt  }
0x6a: {  	_ =	shalt  }
0x6b: {  	_ =	shalt  }
0x6c: {  	_ =	shalt  }
0x6d: {  	_ =	shalt  }
0x6e: {  	_ =	shalt  }
0x6f: {  	_ =	shalt  }
0x70: {  	_ =	shalt  }
0x71: {  	_ =	shalt  }
0x72: {  	_ =	shalt  }
0x73: {  	_ =	shalt  }
0x74: {  	_ =	shalt  }
0x75: {  	_ =	shalt  }
0x76: {  	_ =	shalt  }
0x77: {  	_ =	shalt  }
0x78: {  	_ =	shalt  }
0x79: {  	_ =	shalt  }
0x7a: {  	_ =	shalt  }
0x7b: {  	_ =	shalt  }
0x7c: {  	_ =	shalt  }
0x7d: {  	_ =	shalt  }
0x7e: {  	_ =	shalt  }
0x7f: {  	_ =	shalt  }
0x80: {  	_ =	shalt  }
0x81: {  	_ =	shalt  }
0x82: {  	_ =	shalt  }
0x83: {  	_ =	shalt  }
0x84: {  	_ =	shalt  }
0x85: {  	_ =	shalt  }
0x86: {  	_ =	shalt  }
0x87: {  	_ =	shalt  }
.Lfunc_end0:
.L_simem_size_0:
called_computation.1_lowered:
.L_overlay_start_0:
0x88: {  	s2 =	sld [smem:$0x3FD9]  }
0x89: {  	s3 =	sld [smem:$0x3FFE];
	_ =	sdelay $0x1  }
0x8a: {  	s1 =	srdreg.scid  }
0x8b: {  	s0 =	sand.u32 $0x1, s1  }
0x8c: {  	s17 =	sshll.u32 s0, $0xA;
	s2 =	sadd.s32 s3, s2  }
0x8d: {  	s2 =	sadd.s32 s2, s17  }
0x8e: {  	[smem:$0x3FC4] =	sst s2  }
0x8f: {  	_ = 	snop  }
0x90: {  	s2 =	sld [smem:$0x3FD0];
	(tm) =	ssettm $0x1  }
0x91: {  	s18 =	sld [smem:$0x3FFB];
	_ =	sdelay $0x3  }
0x92: {  	_ =	strace s18  }
0x93: {  	s3 =	sld [smem:$0x3FFC];
	_ =	sdelay $0x3  }
0x94: {  	_ =	strace s3  }
0x95: {  	s3 =	sld [smem:$0x3FFD];
	_ =	sdelay $0x3  }
0x96: {  	_ =	strace s3  }
0x97: {  	_ =	strace $0x8FFFFFFF  }
0x98: {  	s19 =	sld [smem:$0x3FDB];
	_ =	sdelay $0x1  }
0x99: {  	s4 =	simm.s32 $_scs_section_size  }
0x9a: {  	s5 =	simm.s32 $_size__tile_overlayer_lowered;
	s6 =	simm.s32 $_tile_overlayer_lowered  }
0x9b: {  	s22 =	simm.s32 $0x1BFF;
	s21 =	sshll.u32 s6, $0x1;
	s3 =	sadd.s32 s4, s19  }
0x9c: {  	s7 =	simm.s32 $0x0;
	s20 =	sshll.u32 s5, $0x1;
	s5 =	sadd.s32 s21, s3  }
0x9d: {  	[timem:s7], [sflag:s22] =	dma.local [hbm:s5], s20  }
0x9e: {  	_ =	swait.ge [sflag:s22], s20  }
0x9f: {  	s4 =	ssub.s32 $0x0, s20;
	[sflag:s22] =	ssyncset.done $0x0  }
0xa0: {  	[sflag:s22] =	ssyncadd.s32 s4;
	_ =	sdelay $0x1  }
0xa1: {  	s23 =	simm.s32 $0x1B8B  }
0xa2: {  	_ =	swait.ge [sflag:s23], $0x1  }
0xa3: {  	[sflag:s23] =	ssyncset.done $0x0  }
0xa4: {  	s25 =	simm.s32 $0x1B8E;
	s24 =	sld [smem:$0x3FFE];
	[sflag:s23] =	ssyncadd.s32 $0xFFFFFFFF  }
0xa5: {  	s26 =	simm.s32 $execute0_lowered;
	[smem:$0x3FD2] =	sst s25  }
0xa6: {  	s5 =	sshll.u32 s26, $0x1;
	_ =	strace $0x80000049;
	[dreg:$0x1] =	wrdreg $0xFFFFFFFF  }
0xa7: {  	s28 =	simm.s32 $_size_execute0_lowered;
	s3 =	sadd.s32 s3, s5;
	[dreg:$0x0] =	wrdreg $0x0  }
0xa8: {  	s5 =	sshll.u32 s28, $0x1;
	[dreg:$0x2] =	wrdreg s3  }
0xa9: {  	[dreg:$0x3] =	wrdreg s5  }
0xaa: {  	[dreg:$0x4] =	wrdreg $0xC0  }
0xab: {  	_ =	task [dreg:s7], $0x5FFFF  }
0xac: {  	[dreg:$0x1] =	wrdreg $0xFFFFFFFF  }
0xad: {  	[dreg:$0x0] =	wrdreg $0x60  }
0xae: {  	[dreg:$0x2] =	wrdreg s2  }
0xaf: {  	[dreg:$0x3] =	wrdreg s24  }
0xb0: {  	[dreg:$0x4] =	wrdreg $0x88000  }
0xb1: {  	[dreg:$0x5] =	wrdreg $0x9  }
0xb2: {  	_ =	task.clear_ibuf [dreg:s7], $0x6FFFF;
	_ =	strace $0x90000049  }
0xb3: {  	s29 =	simm.s32 $0x9;
	_ =	strace $0x8000004B  }
0xb4: {  	_ =	swait.ge [sflag:s29], $0x1  }
0xb5: {  	[sflag:s29] =	ssyncadd.s32 $0xFFFFFFFF  }
0xb6: {  	_ =	strace $0x9000004B  }
0xb7: {  	_ =	sfence  }
0xb8: {  	s30 =	sld [smem:$0x0];
	_ =	sdelay $0x2  }
0xb9: {  	s31 =	sshll.u32 s1, $0xD;
	s1 =	sshrl.u32 s1, $0x2  }
0xba: {  	s3 =	sand.u32 $0x4000, s31;
	s1 =	sadd.s32 s1, s30  }
0xbb: {  	s0 =	sor.u32 s3, s0;
	s1 =	sshll.u32 s1, $0x11  }
0xbc: {  	s0 =	sor.u32 s1, s0  }
0xbd: {  	s0 =	sadd.s32 $0x8F2B, s0  }
0xbe: {  	[sflag:s0] =	ssyncadd.remote.s32 $0x1  }
0xbf: {  	_ =	sfence.sel $0xFFFF  }
0xc0: {  	[dreg:$0x0] =	wrdreg $0xFFFFFFFF;
	(pc) =	sbr.abs _section_cstart, $3  }
0xc1: {  	[dreg:$0x1] =	wrdreg $0xFFFFFFFF  }
0xc2: {  	_ =	task.clear_ibuf [dreg:s7], $0x2FFFF;
	_ =	strace $0x9FFFFFFF  }
0xc3: {  	(tm) =	ssettm $0x7FFFFFFF  }
tec
execute0_lowered:
.L_overlay_start_1:
0x0: {  	(tag) =	ssettag $0x1  }
0x1: {  	s1 =	rddreg [dreg:$0x0]  }
0x2: {  	s0 =	rddreg [dreg:$0x1]  }
0x3: {  	s2 =	rddreg [dreg:$0x2];
	s3 =	srdreg.scid;
	s4 =	simm.s32 $0x0  }
0x4: {  	s11 =	stileid.u32;
	s15 =	simm.s32 $0xA;
	s17 =	simm.s32 $0x280  }
0x5: {  	s18 =	simm.s32 $0x180;
	s19 =	simm.s32 $0x300;
	s28 =	simm.s32 $0x4800  }
0x6: {  	s29 =	simm.s32 $0x1;
	s30 =	simm.s32 $0x2;
	s31 =	simm.s32 $0x4  }
0x7: {  	s3 =	sand.u32 $0x1, s3;
	[smem:$0x7FF] =	sst s4;
	s6 =	smul.u32 $0x13C00, s11  }
0x8: {  	s7 =	sshll.u32 s11, $0x1;
	s20 =	smul.u32 $0x4F000, s11;
	p0 =	slt.u32 s11, $0xC  }
0x9: {  	s13 =	sand.u32 $0xE, s11;
	_ =	strace $0x8000004A;
	[dreg:$0x5] =	wrdreg s17  }
0xa: {  	s5 =	smul.u32 $0x13C000, s3;
	s8 =	sor.u32 s3, s7;
	[dreg:$0x6] =	wrdreg s18  }
0xb: {  	s3 =	ssub.s32 $0x2, s3;
	s15 =	simm.s32 @!p0 $0x9;
	[dreg:$0x7] =	wrdreg s19  }
0xc: {  	s9 =	smul.u32 $0x48, s8;
	s7 =	sshrl.u32 s20, $0x2;
	s10 =	sshrl.u32 s3, $0x1  }
0xd: {  	s20 =	simm.s32 $0x380;
	s6 =	sadd.s32 s6, s5;
	s5 =	sadd.s32 $0x1200, s0  }
0xe: {  	s7 =	sadd.s32 s7, s2;
	s3 =	ssub.s32 s3, s10;
	[dreg:$0x8] =	wrdreg s20  }
0xf: {  	s6 =	sshrl.u32 s6, $0x3;
	s9 =	sadd.s32 $0xC0, s9;
	s21 =	sadd.s32 $0x4000, s7  }
0x10: {  	s23 =	sadd.s32 $0x8000, s7;
	s24 =	sadd.s32 $0xC000, s7;
	[dreg:$0xf] =	wrdreg s21  }
0x11: {  	s12 =	sadd.s32 $0x10000, s7;
	s20 =	smax.u32 s3, $0x1;
	[dreg:$0x10] =	wrdreg s23  }
0x12: {  	s3 =	simm.s32 $0x0;
	s0 =	sadd.s32 s6, s0;
	[dreg:$0x11] =	wrdreg s24  }
0x13: {  	s6 =	smul.u32 $0x50, s8;
	[dreg:$0x12] =	wrdreg s12;
	s21 =	simm.s32 $0x480  }
0x14: {  	s8 =	sshll.u32 s8, $0x4;
	s23 =	simm.s32 $0x680;
	[dreg:$0x9] =	wrdreg s21  }
0x15: {  	s24 =	simm.s32 $0x580;
	s8 =	sand.u32 $0x30, s8;
	[dreg:$0xb] =	wrdreg s23  }
0x16: {  	s19 =	sadd.s32 $0x14C00, s0;
	s21 =	simm.s32 $0x800;
	[dreg:$0xc] =	wrdreg s24  }
0x17: {  	s23 =	simm.s32 $0x200;
	s24 =	simm.s32 $0x400;
	s0 =	simm.s32 $0x3  }
0x18: {  	s9 =	smov.u32 @p0 s6;
	s8 =	sadd.s32 s8, s5;
	p0 =	sne.s32 s13, $0xC  }
0x19: {  	s22 =	sshll.u32 s9, $0x4;
	s17 =	sadd.s32 $0x9C00, s8;
	s18 =	sadd.s32 $0x13880, s8  }
0x1a: {  	s25 =	sand.u32 $0x1FFFFF80, s22;
	s12 =	sadd.s32 s5, s22;
	s22 =	simm.s32 $0x500  }
0x1b: {  	s26 =	sadd.s32 s5, s25;
	[dreg:$0xa] =	wrdreg s22;
	s25 =	simm.s32 $0x700  }
0x1c: {  	s14 =	sadd.s32 $0x40, s12;
	s10 =	sadd.s32 $0x9C80, s26;
	[dreg:$0xd] =	wrdreg s25  }
0x1d: {  	s16 =	sadd.s32 $0x9CC0, s26;
	s26 =	simm.s32 $0x780;
	[dreg:$0x13] =	wrdreg s10  }
0x1e: {  	s22 =	simm.s32 $0x5;
	s10 =	simm.s32 $0x100;
	[dreg:$0xe] =	wrdreg s26  }
0x1f: {  	v0 =	vimm.f32 $0.0e+00;
	s25 =	simm.s32 $0x600;
	s26 =	simm.s32 $0x80;
	[dreg:$0x4] =	wrdreg s10  }
.LBB2_1:
0x20: {  	s6 =	simm.s32 $0x0;
	s8 =	simm.s32 $0x200  }
.LBB2_2:
0x21: {  	p1 =	sne.s32 s8, $0xFE00;
	[tilespmem:s6+$0x870] =	vst v0  }
0x22: {  	[tilespmem:s6+$0x800] =	vst v0  }
0x23: {  	[tilespmem:s6+$0x810] =	vst v0  }
.Ltmp0:
0x24: {  	[tilespmem:s6+$0x820] =	vst v0;
	(pc) =	sbr.rel @p1 .LBB2_2-.Ltmp0, $4  }
0x25: {  	[tilespmem:s6+$0x830] =	vst v0  }
0x26: {  	[tilespmem:s6+$0x840] =	vst v0  }
0x27: {  	[tilespmem:s6+$0x850] =	vst v0  }
0x28: {  	[tilespmem:s6+$0x860] =	vst v0;
	s6 =	sshra.s32 s8, $0x2;
	s8 =	sadd.s32 $0x200, s8  }
0x29: {  	[tilespmem:s6+$0x870] =	vst v0  }
0x2a: {  	[tilespmem:s6+$0x800] =	vst v0  }
0x2b: {  	[tilespmem:s6+$0x810] =	vst v0  }
0x2c: {  	[tilespmem:s6+$0x820] =	vst v0  }
0x2d: {  	[tilespmem:s6+$0x830] =	vst v0  }
0x2e: {  	[tilespmem:s6+$0x840] =	vst v0  }
0x2f: {  	[tilespmem:s6+$0x850] =	vst v0  }
0x30: {  	[tilespmem:s6+$0x860] =	vst v0  }
0x31: {  	[spmem:s7] =	stream.linear.scatter [tilespmem:s21], [sflag:$0x5], $0x4000, $0x38;
	[tilespmem:$0x1C400] =	vst v63  }
0x32: {  	_ =	swait.ge [sflag:s22], $0x4000  }
0x33: {  	[sflag:s22] =	ssyncset.done $0x0  }
0x34: {  	s11 =	rddreg [dreg:$0xf];
	[sflag:s22] =	ssyncadd.s32 $0xFFFFC000  }
0x35: {  	[spmem:s11] =	stream.linear.scatter [tilespmem:s21], [sflag:$0x5], $0x4000, $0x38;
	[tilespmem:$0x1C400] =	vst v63  }
0x36: {  	_ =	swait.ge [sflag:s22], $0x4000  }
0x37: {  	[sflag:s22] =	ssyncset.done $0x0  }
0x38: {  	s13 =	rddreg [dreg:$0x10];
	[sflag:s22] =	ssyncadd.s32 $0xFFFFC000  }
0x39: {  	[spmem:s13] =	stream.linear.scatter [tilespmem:s21], [sflag:$0x5], $0x4000, $0x38;
	[tilespmem:$0x1C400] =	vst v63  }
0x3a: {  	_ =	swait.ge [sflag:s22], $0x4000  }
0x3b: {  	[sflag:s22] =	ssyncset.done $0x0  }
0x3c: {  	s8 =	rddreg [dreg:$0x11];
	[sflag:s22] =	ssyncadd.s32 $0xFFFFC000  }
0x3d: {  	[spmem:s8] =	stream.linear.scatter [tilespmem:s21], [sflag:$0x5], $0x4000, $0x38;
	[tilespmem:$0x1C400] =	vst v63  }
0x3e: {  	_ =	swait.ge [sflag:s22], $0x4000  }
0x3f: {  	[sflag:s22] =	ssyncset.done $0x0  }
0x40: {  	s10 =	rddreg [dreg:$0x12];
	[sflag:s22] =	ssyncadd.s32 $0xFFFFC000  }
0x41: {  	[spmem:s10] =	stream.linear.scatter [tilespmem:s21], [sflag:$0x5], $0x3C00, $0x38;
	[tilespmem:$0x1C400] =	vst v63  }
0x42: {  	_ =	swait.ge [sflag:s22], $0x3C00  }
0x43: {  	[sflag:s22] =	ssyncset.done $0x0  }
0x44: {  	[sflag:s22] =	ssyncadd.s32 $0xFFFFC400  }
0x45: {  	[bflag:$0x0] =	sbarrier.arrive $0xFFFF  }
0x46: {  	[tilespmem:s4], [sflag:$0x5] =	stream.linear.gather [hbm4b:s12+s4], $0x200, $0x38;
	[tilespmem:$0x1C400] =	vst v63  }
0x47: {  	_ =	swait.ge [sflag:s22], $0x200  }
0x48: {  	[sflag:s22] =	ssyncset.done $0x0  }
0x49: {  	s11 =	rddreg [dreg:$0x13];
	[sflag:s22] =	ssyncadd.s32 $0xFFFFFE00  }
0x4a: {  	[tilespmem:s23], [sflag:$0x5] =	stream.linear.gather [hbm4b:s11+s4], $0x200, $0x38;
	[tilespmem:$0x1C400] =	vst v63  }
0x4b: {  	_ =	swait.ge [sflag:s22], $0x200  }
0x4c: {  	[sflag:s22] =	ssyncset.done $0x0  }
0x4d: {  	[sflag:s22] =	ssyncadd.s32 $0xFFFFFE00  }
0x4e: {  	[tilespmem:s24], [sflag:$0x4] =	stream.linear.gather [hbm4b:s14+s4], $0x200, $0x38;
	[tilespmem:$0x1C400] =	vst v63  }
0x4f: {  	_ = 	snop  }
0x50: {  	[tilespmem:s25], [sflag:$0x4] =	stream.linear.gather [hbm4b:s16+s4], $0x200, $0x38;
	[tilespmem:$0x1C400] =	vst v63  }
0x51: {  	_ = 	snop  }
0x52: {  	[tilespmem:s21], [sflag:$0x1] =	stream.indirect.gather [hbm4b:s1+s26], $0x80, s4, s26, $0xb8;
	[tilespmem:$0x1C400] =	vst v63  }
0x53: {  	_ = 	snop  }
0x54: {  	[tilespmem:s28], [sflag:$0x2] =	stream.indirect.gather [hbm4b:s1+s26], $0x80, s26, s26, $0xb8;
	[tilespmem:$0x1C400] =	vst v63  }
0x55: {  	_ =	swait.ge [sflag:s29], $0x4000  }
0x56: {  	[sflag:s29] =	ssyncset.done $0x0  }
0x57: {  	[sflag:s29] =	ssyncadd.s32 $0xFFFFC000  }
0x58: {  	[spmem:s2] =	stream.indirect.scatter.add.f32 [tilespmem:s21], [sflag:$0x5], $0x80, s23, s26, $0xb8;
	[tilespmem:$0x1C400] =	vst v63  }
0x59: {  	_ =	swait.ge [sflag:s22], $0x4000  }
0x5a: {  	[sflag:s22] =	ssyncset.done $0x0  }
0x5b: {  	s13 =	rddreg [dreg:$0x4];
	[sflag:s22] =	ssyncadd.s32 $0xFFFFC000  }
0x5c: {  	[tilespmem:s21], [sflag:$0x1] =	stream.indirect.gather [hbm4b:s1+s26], $0x80, s13, s26, $0xb8;
	[tilespmem:$0x1C400] =	vst v63  }
0x5d: {  	_ =	swait.ge [sflag:s30], $0x4000  }
0x5e: {  	[sflag:s30] =	ssyncset.done $0x0  }
0x5f: {  	s8 =	rddreg [dreg:$0x5];
	[sflag:s30] =	ssyncadd.s32 $0xFFFFC000  }
0x60: {  	[spmem:s2] =	stream.indirect.scatter.add.f32 [tilespmem:s28], [sflag:$0x5], $0x80, s8, s26, $0xb8;
	[tilespmem:$0x1C400] =	vst v63  }
0x61: {  	_ =	swait.ge [sflag:s22], $0x4000  }
0x62: {  	[sflag:s22] =	ssyncset.done $0x0  }
0x63: {  	s10 =	rddreg [dreg:$0x6];
	[sflag:s22] =	ssyncadd.s32 $0xFFFFC000  }
0x64: {  	[tilespmem:s28], [sflag:$0x2] =	stream.indirect.gather [hbm4b:s1+s26], $0x80, s10, s26, $0xb8;
	[tilespmem:$0x1C400] =	vst v63  }
0x65: {  	_ =	swait.ge [sflag:s29], $0x4000  }
0x66: {  	[sflag:s29] =	ssyncset.done $0x0  }
0x67: {  	s11 =	rddreg [dreg:$0x7];
	[sflag:s29] =	ssyncadd.s32 $0xFFFFC000  }
0x68: {  	[spmem:s2] =	stream.indirect.scatter.add.f32 [tilespmem:s21], [sflag:$0x5], $0x80, s11, s26, $0xb8;
	[tilespmem:$0x1C400] =	vst v63  }
0x69: {  	_ =	swait.ge [sflag:s22], $0x4000  }
0x6a: {  	[sflag:s22] =	ssyncset.done $0x0  }
0x6b: {  	[sflag:s22] =	ssyncadd.s32 $0xFFFFC000  }
0x6c: {  	_ =	swait.ge [sflag:s31], $0x200  }
0x6d: {  	[sflag:s31] =	ssyncset.done $0x0  }
0x6e: {  	[sflag:s31] =	ssyncadd.s32 $0xFFFFFE00  }
0x6f: {  	_ =	swait.ge [sflag:s31], $0x200  }
0x70: {  	p1 =	slt.s32 s9, $0x9B8;
	s6 =	smov.u32 s9;
	[sflag:s31] =	ssyncset.done $0x0  }
0x71: {  	s6 =	simm.s32 @!p1 $0x9B8;
	[sflag:s31] =	ssyncadd.s32 $0xFFFFFE00  }
0x72: {  	[tilespmem:s21], [sflag:$0x1] =	stream.indirect.gather [hbm4b:s1+s26], $0x80, s24, s26, $0xb8;
	[tilespmem:$0x1C400] =	vst v63  }
0x73: {  	s6 =	sshll.u32 s6, $0x7;
	_ =	swait.ge [sflag:s30], $0x4000  }
0x74: {  	s10 =	sand.u32 $0x380, s6;
	[sflag:s30] =	ssyncset.done $0x0  }
0x75: {  	s6 =	sadd.s32 s10, s6;
	s8 =	rddreg [dreg:$0x8];
	[sflag:s30] =	ssyncadd.s32 $0xFFFFC000  }
0x76: {  	[spmem:s2] =	stream.indirect.scatter.add.f32 [tilespmem:s28], [sflag:$0x5], $0x80, s8, s26, $0xb8;
	[tilespmem:$0x1C400] =	vst v63  }
0x77: {  	s13 =	sadd.s32 $0x400, s6;
	_ =	swait.ge [sflag:s22], $0x4000  }
0x78: {  	s6 =	sadd.s32 $0x4E800, s6;
	s8 =	sshrl.u32 s13, $0x3;
	[sflag:s22] =	ssyncset.done $0x0  }
0x79: {  	s6 =	sshrl.u32 s6, $0x3;
	s8 =	sadd.s32 s5, s8;
	[sflag:s22] =	ssyncadd.s32 $0xFFFFC000  }
0x7a: {  	[tilespmem:s4], [sflag:$0x3] =	stream.linear.gather [hbm4b:s8+s4], $0x200, $0x38;
	[tilespmem:$0x1C400] =	vst v63  }
0x7b: {  	s6 =	sadd.s32 s5, s6  }
0x7c: {  	[tilespmem:s23], [sflag:$0x3] =	stream.linear.gather [hbm4b:s6+s4], $0x200, $0x38;
	[tilespmem:$0x1C400] =	vst v63  }
0x7d: {  	s10 =	rddreg [dreg:$0x9]  }
0x7e: {  	[tilespmem:s28], [sflag:$0x2] =	stream.indirect.gather [hbm4b:s1+s26], $0x80, s10, s26, $0xb8;
	[tilespmem:$0x1C400] =	vst v63  }
0x7f: {  	_ =	swait.ge [sflag:s29], $0x4000  }
0x80: {  	[sflag:s29] =	ssyncset.done $0x0  }
0x81: {  	[sflag:s29] =	ssyncadd.s32 $0xFFFFC000  }
0x82: {  	[spmem:s2] =	stream.indirect.scatter.add.f32 [tilespmem:s21], [sflag:$0x5], $0x80, s25, s26, $0xb8;
	[tilespmem:$0x1C400] =	vst v63  }
0x83: {  	_ =	swait.ge [sflag:s22], $0x4000  }
0x84: {  	[sflag:s22] =	ssyncset.done $0x0  }
0x85: {  	s11 =	rddreg [dreg:$0xa];
	[sflag:s22] =	ssyncadd.s32 $0xFFFFC000  }
0x86: {  	[tilespmem:s21], [sflag:$0x1] =	stream.indirect.gather [hbm4b:s1+s26], $0x80, s11, s26, $0xb8;
	[tilespmem:$0x1C400] =	vst v63  }
0x87: {  	_ =	swait.ge [sflag:s30], $0x4000  }
0x88: {  	[sflag:s30] =	ssyncset.done $0x0  }
0x89: {  	s13 =	rddreg [dreg:$0xb];
	[sflag:s30] =	ssyncadd.s32 $0xFFFFC000  }
0x8a: {  	[spmem:s2] =	stream.indirect.scatter.add.f32 [tilespmem:s28], [sflag:$0x5], $0x80, s13, s26, $0xb8;
	[tilespmem:$0x1C400] =	vst v63  }
0x8b: {  	_ =	swait.ge [sflag:s22], $0x4000  }
0x8c: {  	[sflag:s22] =	ssyncset.done $0x0  }
0x8d: {  	s8 =	rddreg [dreg:$0xc];
	[sflag:s22] =	ssyncadd.s32 $0xFFFFC000  }
0x8e: {  	[tilespmem:s28], [sflag:$0x2] =	stream.indirect.gather [hbm4b:s1+s26], $0x80, s8, s26, $0xb8;
	[tilespmem:$0x1C400] =	vst v63  }
0x8f: {  	_ =	swait.ge [sflag:s29], $0x4000  }
0x90: {  	[sflag:s29] =	ssyncset.done $0x0  }
0x91: {  	s10 =	rddreg [dreg:$0xd];
	[sflag:s29] =	ssyncadd.s32 $0xFFFFC000  }
0x92: {  	[spmem:s2] =	stream.indirect.scatter.add.f32 [tilespmem:s21], [sflag:$0x5], $0x80, s10, s26, $0xb8;
	[tilespmem:$0x1C400] =	vst v63  }
0x93: {  	_ =	swait.ge [sflag:s22], $0x4000  }
0x94: {  	[sflag:s22] =	ssyncset.done $0x0  }
0x95: {  	[sflag:s22] =	ssyncadd.s32 $0xFFFFC000  }
0x96: {  	_ =	swait.ge [sflag:s0], $0x200  }
0x97: {  	[sflag:s0] =	ssyncset.done $0x0  }
0x98: {  	[sflag:s0] =	ssyncadd.s32 $0xFFFFFE00  }
0x99: {  	_ =	swait.ge [sflag:s0], $0x200  }
0x9a: {  	[sflag:s0] =	ssyncset.done $0x0  }
0x9b: {  	[sflag:s0] =	ssyncadd.s32 $0xFFFFFE00  }
0x9c: {  	[tilespmem:s21], [sflag:$0x1] =	stream.indirect.gather [hbm4b:s1+s26], $0x80, s4, s26, $0xb8;
	[tilespmem:$0x1C400] =	vst v63  }
0x9d: {  	p1 =	slt.s32 s9, $0x9B4;
	s8 =	smov.u32 s9;
	_ =	swait.ge [sflag:s30], $0x4000  }
0x9e: {  	s8 =	simm.s32 @!p1 $0x9B4;
	p1 =	sne.s32 s15, $0x1;
	[sflag:s30] =	ssyncset.done $0x0  }
0x9f: {  	s8 =	sshll.u32 s8, $0x7;
	s11 =	rddreg [dreg:$0xe];
	[sflag:s30] =	ssyncadd.s32 $0xFFFFC000  }
0xa0: {  	[spmem:s2] =	stream.indirect.scatter.add.f32 [tilespmem:s28], [sflag:$0x5], $0x80, s11, s26, $0xb8;
	[tilespmem:$0x1C400] =	vst v63  }
.Ltmp1:
0xa1: {  	s13 =	sadd.s32 $0x600, s8;
	_ =	swait.ge [sflag:s22], $0x4000;
	(pc) =	sbr.rel @!p1 .LBB2_5-.Ltmp1, $4  }
0xa2: {  	s8 =	sshrl.u32 s13, $0x3;
	[sflag:s22] =	ssyncset.done $0x0  }
0xa3: {  	s6 =	sand.u32 $0xFFFFFE00, s13;
	s8 =	sadd.s32 s5, s8;
	[sflag:s22] =	ssyncadd.s32 $0xFFFFC000  }
0xa4: {  	[tilespmem:s24], [sflag:$0x4] =	stream.linear.gather [hbm4b:s8+s4], $0x200, $0x38;
	[tilespmem:$0x1C400] =	vst v63  }
0xa5: {  	s10 =	sadd.s32 $0x4E400, s6;
	s6 =	smov.u32 s9;
	s8 =	sadd.s32 $0xFFFFFFFF, s15  }
.LBB2_4:
0xa6: {  	s10 =	sshrl.u32 s10, $0x3  }
0xa7: {  	s10 =	sadd.s32 s5, s10  }
0xa8: {  	[tilespmem:s25], [sflag:$0x4] =	stream.linear.gather [hbm4b:s10+s4], $0x200, $0x38;
	[tilespmem:$0x1C400] =	vst v63  }
0xa9: {  	_ = 	snop  }
0xaa: {  	[tilespmem:s28], [sflag:$0x2] =	stream.indirect.gather [hbm4b:s1+s26], $0x80, s26, s26, $0xb8;
	[tilespmem:$0x1C400] =	vst v63  }
0xab: {  	_ =	swait.ge [sflag:s29], $0x4000  }
0xac: {  	[sflag:s29] =	ssyncset.done $0x0  }
0xad: {  	[sflag:s29] =	ssyncadd.s32 $0xFFFFC000  }
0xae: {  	[spmem:s2] =	stream.indirect.scatter.add.f32 [tilespmem:s21], [sflag:$0x5], $0x80, s23, s26, $0xb8;
	[tilespmem:$0x1C400] =	vst v63  }
0xaf: {  	_ =	swait.ge [sflag:s22], $0x4000  }
0xb0: {  	[sflag:s22] =	ssyncset.done $0x0  }
0xb1: {  	s13 =	rddreg [dreg:$0x4];
	[sflag:s22] =	ssyncadd.s32 $0xFFFFC000  }
0xb2: {  	[tilespmem:s21], [sflag:$0x1] =	stream.indirect.gather [hbm4b:s1+s26], $0x80, s13, s26, $0xb8;
	[tilespmem:$0x1C400] =	vst v63  }
0xb3: {  	_ =	swait.ge [sflag:s30], $0x4000  }
0xb4: {  	[sflag:s30] =	ssyncset.done $0x0  }
0xb5: {  	s11 =	rddreg [dreg:$0x5];
	[sflag:s30] =	ssyncadd.s32 $0xFFFFC000  }
0xb6: {  	[spmem:s2] =	stream.indirect.scatter.add.f32 [tilespmem:s28], [sflag:$0x5], $0x80, s11, s26, $0xb8;
	[tilespmem:$0x1C400] =	vst v63  }
0xb7: {  	_ =	swait.ge [sflag:s22], $0x4000  }
0xb8: {  	[sflag:s22] =	ssyncset.done $0x0  }
0xb9: {  	s13 =	rddreg [dreg:$0x6];
	[sflag:s22] =	ssyncadd.s32 $0xFFFFC000  }
0xba: {  	[tilespmem:s28], [sflag:$0x2] =	stream.indirect.gather [hbm4b:s1+s26], $0x80, s13, s26, $0xb8;
	[tilespmem:$0x1C400] =	vst v63  }
0xbb: {  	_ =	swait.ge [sflag:s29], $0x4000  }
0xbc: {  	[sflag:s29] =	ssyncset.done $0x0  }
0xbd: {  	s11 =	rddreg [dreg:$0x7];
	[sflag:s29] =	ssyncadd.s32 $0xFFFFC000  }
0xbe: {  	[spmem:s2] =	stream.indirect.scatter.add.f32 [tilespmem:s21], [sflag:$0x5], $0x80, s11, s26, $0xb8;
	[tilespmem:$0x1C400] =	vst v63  }
0xbf: {  	_ =	swait.ge [sflag:s22], $0x4000  }
0xc0: {  	[sflag:s22] =	ssyncset.done $0x0  }
0xc1: {  	[sflag:s22] =	ssyncadd.s32 $0xFFFFC000  }
0xc2: {  	_ =	swait.ge [sflag:s31], $0x200  }
0xc3: {  	[sflag:s31] =	ssyncset.done $0x0  }
0xc4: {  	[sflag:s31] =	ssyncadd.s32 $0xFFFFFE00  }
0xc5: {  	s6 =	sadd.s32 $0x8, s6;
	_ =	swait.ge [sflag:s31], $0x200  }
0xc6: {  	p2 =	slt.s32 s6, $0x9B8;
	s10 =	smov.u32 s6;
	[sflag:s31] =	ssyncset.done $0x0  }
0xc7: {  	s10 =	simm.s32 @!p2 $0x9B8;
	[sflag:s31] =	ssyncadd.s32 $0xFFFFFE00  }
0xc8: {  	[tilespmem:s21], [sflag:$0x1] =	stream.indirect.gather [hbm4b:s1+s26], $0x80, s24, s26, $0xb8;
	[tilespmem:$0x1C400] =	vst v63  }
0xc9: {  	s10 =	sshll.u32 s10, $0x7;
	_ =	swait.ge [sflag:s30], $0x4000  }
0xca: {  	s13 =	sand.u32 $0x380, s10;
	[sflag:s30] =	ssyncset.done $0x0  }
0xcb: {  	s10 =	sadd.s32 s13, s10;
	s11 =	rddreg [dreg:$0x8];
	[sflag:s30] =	ssyncadd.s32 $0xFFFFC000  }
0xcc: {  	[spmem:s2] =	stream.indirect.scatter.add.f32 [tilespmem:s28], [sflag:$0x5], $0x80, s11, s26, $0xb8;
	[tilespmem:$0x1C400] =	vst v63  }
0xcd: {  	s13 =	sadd.s32 $0x400, s10;
	_ =	swait.ge [sflag:s22], $0x4000  }
0xce: {  	s10 =	sadd.s32 $0x4E800, s10;
	s11 =	sshrl.u32 s13, $0x3;
	[sflag:s22] =	ssyncset.done $0x0  }
0xcf: {  	s10 =	sshrl.u32 s10, $0x3;
	s11 =	sadd.s32 s5, s11;
	[sflag:s22] =	ssyncadd.s32 $0xFFFFC000  }
0xd0: {  	[tilespmem:s4], [sflag:$0x3] =	stream.linear.gather [hbm4b:s11+s4], $0x200, $0x38;
	[tilespmem:$0x1C400] =	vst v63  }
0xd1: {  	s10 =	sadd.s32 s5, s10  }
0xd2: {  	[tilespmem:s23], [sflag:$0x3] =	stream.linear.gather [hbm4b:s10+s4], $0x200, $0x38;
	[tilespmem:$0x1C400] =	vst v63  }
0xd3: {  	s13 =	rddreg [dreg:$0x9]  }
0xd4: {  	[tilespmem:s28], [sflag:$0x2] =	stream.indirect.gather [hbm4b:s1+s26], $0x80, s13, s26, $0xb8;
	[tilespmem:$0x1C400] =	vst v63  }
0xd5: {  	_ =	swait.ge [sflag:s29], $0x4000  }
0xd6: {  	[sflag:s29] =	ssyncset.done $0x0  }
0xd7: {  	[sflag:s29] =	ssyncadd.s32 $0xFFFFC000  }
0xd8: {  	[spmem:s2] =	stream.indirect.scatter.add.f32 [tilespmem:s21], [sflag:$0x5], $0x80, s25, s26, $0xb8;
	[tilespmem:$0x1C400] =	vst v63  }
0xd9: {  	_ =	swait.ge [sflag:s22], $0x4000  }
0xda: {  	[sflag:s22] =	ssyncset.done $0x0  }
0xdb: {  	s13 =	rddreg [dreg:$0xa];
	[sflag:s22] =	ssyncadd.s32 $0xFFFFC000  }
0xdc: {  	[tilespmem:s21], [sflag:$0x1] =	stream.indirect.gather [hbm4b:s1+s26], $0x80, s13, s26, $0xb8;
	[tilespmem:$0x1C400] =	vst v63  }
0xdd: {  	_ =	swait.ge [sflag:s30], $0x4000  }
0xde: {  	[sflag:s30] =	ssyncset.done $0x0  }
0xdf: {  	s11 =	rddreg [dreg:$0xb];
	[sflag:s30] =	ssyncadd.s32 $0xFFFFC000  }
0xe0: {  	[spmem:s2] =	stream.indirect.scatter.add.f32 [tilespmem:s28], [sflag:$0x5], $0x80, s11, s26, $0xb8;
	[tilespmem:$0x1C400] =	vst v63  }
0xe1: {  	_ =	swait.ge [sflag:s22], $0x4000  }
0xe2: {  	[sflag:s22] =	ssyncset.done $0x0  }
0xe3: {  	s13 =	rddreg [dreg:$0xc];
	[sflag:s22] =	ssyncadd.s32 $0xFFFFC000  }
0xe4: {  	[tilespmem:s28], [sflag:$0x2] =	stream.indirect.gather [hbm4b:s1+s26], $0x80, s13, s26, $0xb8;
	[tilespmem:$0x1C400] =	vst v63  }
0xe5: {  	_ =	swait.ge [sflag:s29], $0x4000  }
0xe6: {  	[sflag:s29] =	ssyncset.done $0x0  }
0xe7: {  	s11 =	rddreg [dreg:$0xd];
	[sflag:s29] =	ssyncadd.s32 $0xFFFFC000  }
0xe8: {  	[spmem:s2] =	stream.indirect.scatter.add.f32 [tilespmem:s21], [sflag:$0x5], $0x80, s11, s26, $0xb8;
	[tilespmem:$0x1C400] =	vst v63  }
0xe9: {  	_ =	swait.ge [sflag:s22], $0x4000  }
0xea: {  	[sflag:s22] =	ssyncset.done $0x0  }
0xeb: {  	[sflag:s22] =	ssyncadd.s32 $0xFFFFC000  }
0xec: {  	_ =	swait.ge [sflag:s0], $0x200  }
0xed: {  	[sflag:s0] =	ssyncset.done $0x0  }
0xee: {  	[sflag:s0] =	ssyncadd.s32 $0xFFFFFE00  }
0xef: {  	_ =	swait.ge [sflag:s0], $0x200  }
0xf0: {  	[sflag:s0] =	ssyncset.done $0x0  }
0xf1: {  	[sflag:s0] =	ssyncadd.s32 $0xFFFFFE00  }
0xf2: {  	[tilespmem:s21], [sflag:$0x1] =	stream.indirect.gather [hbm4b:s1+s26], $0x80, s4, s26, $0xb8;
	[tilespmem:$0x1C400] =	vst v63  }
0xf3: {  	p1 =	sne.s32 s8, $0x1;
	_ =	swait.ge [sflag:s30], $0x4000  }
0xf4: {  	p2 =	slt.s32 s6, $0x9B4;
	s11 =	smov.u32 s6;
	[sflag:s30] =	ssyncset.done $0x0  }
0xf5: {  	s11 =	simm.s32 @!p2 $0x9B4;
	s13 =	rddreg [dreg:$0xe];
	[sflag:s30] =	ssyncadd.s32 $0xFFFFC000  }
0xf6: {  	[spmem:s2] =	stream.indirect.scatter.add.f32 [tilespmem:s28], [sflag:$0x5], $0x80, s13, s26, $0xb8;
	[tilespmem:$0x1C400] =	vst v63  }
.Ltmp2:
0xf7: {  	s11 =	sshll.u32 s11, $0x7;
	(pc) =	sbr.rel @p1 .LBB2_4-.Ltmp2, $4  }
0xf8: {  	s8 =	sadd.s32 $0xFFFFFFFF, s8;
	s13 =	sadd.s32 $0x600, s11;
	_ =	swait.ge [sflag:s22], $0x4000  }
0xf9: {  	s11 =	sshrl.u32 s13, $0x3;
	s10 =	sand.u32 $0xFFFFFE00, s13;
	[sflag:s22] =	ssyncset.done $0x0  }
0xfa: {  	s11 =	sadd.s32 s5, s11;
	s10 =	sadd.s32 $0x4E400, s10;
	[sflag:s22] =	ssyncadd.s32 $0xFFFFC000  }
0xfb: {  	[tilespmem:s24], [sflag:$0x4] =	stream.linear.gather [hbm4b:s11+s4], $0x200, $0x38;
	[tilespmem:$0x1C400] =	vst v63  }
.LBB2_5:
0xfc: {  	s6 =	sshrl.u32 s10, $0x3  }
0xfd: {  	s6 =	sadd.s32 s5, s6  }
0xfe: {  	[tilespmem:s25], [sflag:$0x4] =	stream.linear.gather [hbm4b:s6+s4], $0x200, $0x38;
	[tilespmem:$0x1C400] =	vst v63  }
0xff: {  	_ =	swait.ge [sflag:s29], $0x4000  }
0x100: {  	[sflag:s29] =	ssyncset.done $0x0  }
0x101: {  	[sflag:s29] =	ssyncadd.s32 $0xFFFFC000  }
0x102: {  	_ =	swait.ge [sflag:s31], $0x200  }
0x103: {  	[sflag:s31] =	ssyncset.done $0x0  }
0x104: {  	[sflag:s31] =	ssyncadd.s32 $0xFFFFFE00  }
0x105: {  	_ =	swait.ge [sflag:s31], $0x200  }
0x106: {  	[sflag:s31] =	ssyncset.done $0x0  }
0x107: {  	s8 =	simm.s32 @!p0 $0x5;
	s6 =	simm.s32 @!p0 $0x0;
	[sflag:s31] =	ssyncadd.s32 $0xFFFFFE00  }
0x108: {  	[tilespmem:s6], [sflag:$0x5] =	stream.linear.gather @!p0 [hbm4b:s17+s6], $0x80, $0x38;
	[tilespmem:$0x1C400] =	vst v63  }
0x109: {  	_ =	swait.ge @!p0 [sflag:s8], $0x80  }
0x10a: {  	[sflag:s8] =	ssyncset.done @!p0 $0x0  }
0x10b: {  	s10 =	simm.s32 @!p0 $0x200;
	[sflag:s8] =	ssyncadd.s32 @!p0 $0xFFFFFF80  }
0x10c: {  	[tilespmem:s10], [sflag:$0x5] =	stream.linear.gather @!p0 [hbm4b:s18+s6], $0x80, $0x38;
	[tilespmem:$0x1C400] =	vst v63  }
0x10d: {  	_ =	swait.ge @!p0 [sflag:s8], $0x80  }
0x10e: {  	[sflag:s8] =	ssyncset.done @!p0 $0x0  }
0x10f: {  	s11 =	simm.s32 @!p0 $0x80;
	s13 =	simm.s32 @!p0 $0x800;
	[sflag:s8] =	ssyncadd.s32 @!p0 $0xFFFFFF80  }
0x110: {  	[tilespmem:s13], [sflag:$0x1] =	stream.indirect.gather @!p0 [hbm4b:s1+s11], $0x80, s6, s11, $0xb8;
	[tilespmem:$0x1C400] =	vst v63  }
0x111: {  	s6 =	simm.s32 @!p0 $0x1  }
0x112: {  	_ =	swait.ge @!p0 [sflag:s6], $0x4000  }
0x113: {  	[sflag:s6] =	ssyncset.done @!p0 $0x0  }
0x114: {  	[sflag:s6] =	ssyncadd.s32 @!p0 $0xFFFFC000  }
0x115: {  	[spmem:s2] =	stream.indirect.scatter.add.f32 @!p0 [tilespmem:s13], [sflag:$0x5], $0x80, s10, s11, $0xb8;
	[tilespmem:$0x1C400] =	vst v63  }
0x116: {  	s3 =	sadd.s32 $0x1, s3;
	_ =	swait.ge @!p0 [sflag:s8], $0x4000  }
0x117: {  	p1 =	sne.s32 s3, s20;
	s11 =	stileid.u32;
	[sflag:s8] =	ssyncset.done @!p0 $0x0  }
0x118: {  	s13 =	sshrl.u32 s7, $0x3;
	s6 =	sshll.u32 s11, $0x6;
	[sflag:s8] =	ssyncadd.s32 @!p0 $0xFFFFC000  }
.Ltmp3:
0x119: {  	s6 =	sor.u32 $0x1C05, s6;
	[bflag:$0x0] =	sbarrier.arrive $0xFFFF;
	(pc) =	sbr.rel @p1 .LBB2_1-.Ltmp3, $4  }
0x11a: {  	[hbm:s19], [sflag:s6] =	dma.local [spmem:s13], $0x2780  }
0x11b: {  	_ =	swait.ge [sflag:s22], $0x2780  }
0x11c: {  	[sflag:s22] =	ssyncset.done $0x0  }
0x11d: {  	[sflag:s22] =	ssyncadd.s32 $0xFFFFD880  }
0x11e: {  	_ =	sfence.sel $0x180000  }
0x11f: {  	[bflag:$0x0] =	sbarrier.arrive $0xFFFF  }
0x120: {  	_ =	strace $0x9000004A  }
0x121: {  	s0 =	stileid.u32;
	[bflag:$0x2] =	sbarrier.arrive $0xFFFF  }
0x122: {  	p0 =	sne.s32 s0, $0x0;
	s0 =	rddreg [dreg:$0x3]  }
0x123: {  	s0 =	sadd.s32 @!p0 $0x100000, s0  }
0x124: {  	[sflag:s0] =	ssyncadd.tile.s32 @!p0 $0x1;
	_ =	shalt  }
.Lfunc_end2:
_tile_overlayer_lowered:
.L_overlay_start_2:
0x125: {  	(tag) =	ssettag $0x2  }
0x126: {  	s0 =	rddreg [dreg:$0x0];
	s2 =	stileid.u32  }
0x127: {  	s1 =	rddreg [dreg:$0x1];
	p0 =	sne.s32 s2, $0x0  }
0x128: {  	s3 =	rddreg [dreg:$0x2];
	[bflag:$0x3] =	sbarrier.arrive $0xFFFF;
	s2 =	simm.s32 @!p0 $0x1C05  }
0x129: {  	[timem:s3], [sflag:s2] =	dma.local @!p0 [hbm:s0], s1  }
0x12a: {  	s0 =	simm.s32 @!p0 $0x5  }
0x12b: {  	_ =	swait.ge @!p0 [sflag:s0], s1  }
0x12c: {  	s1 =	ssub.s32 @!p0 $0x0, s1;
	[sflag:s0] =	ssyncset.done @!p0 $0x0  }
0x12d: {  	[sflag:s0] =	ssyncadd.s32 @!p0 s1  }
0x12e: {  	[bflag:$0x3] =	sbarrier.arrive $0xFFFF  }
0x12f: {  	_ =	shalt  }

</sc_bundles>
